<compile_context>
chip_gen: v7x
topology: tpu7x:2x2x1
jax: 0.10.2.dev20260603
libtpu: 0.0.44.dev20260713+nightly
codegen_flags: <defaults>
</compile_context>

<pallas_src>
import functools

import jax
import jax.numpy as jnp
from jax import lax
from jax.experimental import pallas as pl
from jax.experimental.pallas import tpu as pltpu
from jax.experimental.pallas import tpu_sc as plsc

N = 10000
D = 128
E = 320000
NW = 32
CH = 128
KM = 128
K0 = 116
K1 = 42
EPAD = 16 * (K0 + K1) * CH
A = 10112
ZR = A // 16

_mesh = plsc.VectorSubcoreMesh(core_axis_name="c", subcore_axis_name="s")


@functools.partial(
    pl.kernel,
    out_type=jax.ShapeDtypeStruct((2, A, D), jnp.float32),
    mesh=_mesh,
    scratch_types=[
        pltpu.VMEM((KM // 2, CH), jnp.int32),
        pltpu.VMEM((KM // 2, CH), jnp.int32),
        pltpu.VMEM((CH,), jnp.int32),
        pltpu.VMEM((CH,), jnp.int32),
        pltpu.VMEM((CH,), jnp.int32),
        pltpu.VMEM((CH,), jnp.int32),
        pltpu.VMEM((CH, D), jnp.float32),
        pltpu.VMEM((CH, D), jnp.float32),
        pltpu.VMEM_SHARED((A, D), jnp.float32),
        pltpu.SemaphoreType.DMA,
        pltpu.SemaphoreType.DMA,
        pltpu.SemaphoreType.DMA,
        pltpu.SemaphoreType.DMA,
    ],
)
def _sc_segsum(p_hbm, src_hbm, dst_hbm, zeros_hbm, out_hbm,
               src_v, dst_v, sstag0_v, sstag1_v, dstag0_v, dstag1_v,
               rows0_v, rows1_v, acc_sh, semg0, semg1, sems0, sems1):
    c = lax.axis_index("c")
    s = lax.axis_index("s")
    wid = s * 2 + c
    kc2 = jnp.where(c == 0, K0 // 2, K1 // 2)
    pltpu.sync_copy(zeros_hbm, acc_sh.at[pl.ds(s * ZR, ZR)])
    pltpu.sync_copy(src_hbm.at[pl.ds(wid * (KM // 2), KM // 2), :], src_v)
    pltpu.sync_copy(dst_hbm.at[pl.ds(wid * (KM // 2), KM // 2), :], dst_v)
    plsc.subcore_barrier()

    def unpack(ref, i, col0, stag):
        for t in range(4):
            w = ref[i, pl.ds(col0 + t * 16, 16)]
            stag[pl.ds(t * 16, 16)] = lax.bitwise_and(w, 0xFFFF)
            stag[pl.ds(64 + t * 16, 16)] = lax.shift_right_logical(w, 16)

    unpack(src_v, 0, 0, sstag0_v)
    pltpu.async_copy(p_hbm.at[sstag0_v], rows0_v, semg0)
    unpack(src_v, 0, 64, sstag1_v)
    pltpu.async_copy(p_hbm.at[sstag1_v], rows1_v, semg1)

    def body(i, carry):
        ii = lax.rem(i + 1, kc2)
        pltpu.make_async_copy(p_hbm.at[sstag0_v], rows0_v, semg0).wait()
        unpack(dst_v, i, 0, dstag0_v)
        pltpu.async_copy(rows0_v, acc_sh.at[dstag0_v], sems0, add=True)
        unpack(src_v, ii, 0, sstag0_v)
        pltpu.make_async_copy(rows0_v, acc_sh.at[dstag0_v], sems0).wait()
        pltpu.async_copy(p_hbm.at[sstag0_v], rows0_v, semg0)
        pltpu.make_async_copy(p_hbm.at[sstag1_v], rows1_v, semg1).wait()
        unpack(dst_v, i, 64, dstag1_v)
        pltpu.async_copy(rows1_v, acc_sh.at[dstag1_v], sems1, add=True)
        unpack(src_v, ii, 64, sstag1_v)
        pltpu.make_async_copy(rows1_v, acc_sh.at[dstag1_v], sems1).wait()
        pltpu.async_copy(p_hbm.at[sstag1_v], rows1_v, semg1)
        return carry

    lax.fori_loop(0, kc2, body, 0)
    pltpu.make_async_copy(p_hbm.at[sstag0_v], rows0_v, semg0).wait()
    pltpu.make_async_copy(p_hbm.at[sstag1_v], rows1_v, semg1).wait()
    plsc.subcore_barrier()
    pltpu.sync_copy(acc_sh.at[pl.ds(s * ZR, ZR)],
                    out_hbm.at[c, pl.ds(s * ZR, ZR)])


_R = 2000


def _tc_stage1_body(x_ref, ax_ref, wra_ref, wrb_ref, woa_ref, wob_ref, b_ref,
                    p_ref, root_ref):
    x = x_ref[...]
    ax = ax_ref[...]
    p_ref[...] = (jnp.dot(x, wra_ref[...], preferred_element_type=jnp.float32)
                  + jnp.dot(ax, wrb_ref[...], preferred_element_type=jnp.float32))
    root_ref[...] = (jnp.dot(x, woa_ref[...], preferred_element_type=jnp.float32)
                     + jnp.dot(ax, wob_ref[...], preferred_element_type=jnp.float32)
                     + b_ref[...])


def _tc_mid_body(a_ref, r_ref, wr_ref, wo_ref, b_ref, p_ref, root_ref):
    h = jnp.maximum(a_ref[0] + a_ref[1] + r_ref[...], 0.0)
    p_ref[...] = jnp.dot(h, wr_ref[...], preferred_element_type=jnp.float32)
    root_ref[...] = (jnp.dot(h, wo_ref[...], preferred_element_type=jnp.float32)
                     + b_ref[...])


def _tc_final_body(a_ref, r_ref, ax_ref, o_ref):
    o_ref[...] = a_ref[0] + a_ref[1] + r_ref[...] + ax_ref[...]


def _rows_spec(din):
    return pl.BlockSpec((_R, din), lambda i: (i, 0))


def _full_spec(din):
    return pl.BlockSpec((din, D), lambda i: (0, 0))


_B_SPEC = pl.BlockSpec((1, D), lambda i: (0, 0))
_ACC_SPEC = pl.BlockSpec((2, _R, D), lambda i: (0, i, 0))


def _tc_stage1(x, ax, wr, wo, b):
    return pl.pallas_call(
        _tc_stage1_body,
        grid=(N // _R,),
        in_specs=[_rows_spec(D), _rows_spec(D),
                  _full_spec(D), _full_spec(D),
                  _full_spec(D), _full_spec(D), _B_SPEC],
        out_specs=[_rows_spec(D), _rows_spec(D)],
        out_shape=[jax.ShapeDtypeStruct((N, D), jnp.float32),
                   jax.ShapeDtypeStruct((N, D), jnp.float32)],
    )(x, ax, wr[:D], wr[D:], wo[:D], wo[D:], b)


def _tc_mid(acc, r, wr, wo, b):
    return pl.pallas_call(
        _tc_mid_body,
        grid=(N // _R,),
        in_specs=[_ACC_SPEC, _rows_spec(D),
                  _full_spec(D), _full_spec(D), _B_SPEC],
        out_specs=[_rows_spec(D), _rows_spec(D)],
        out_shape=[jax.ShapeDtypeStruct((N, D), jnp.float32),
                   jax.ShapeDtypeStruct((N, D), jnp.float32)],
    )(acc, r, wr, wo, b)


def _tc_final(acc, r, ax):
    return pl.pallas_call(
        _tc_final_body,
        grid=(N // _R,),
        in_specs=[_ACC_SPEC, _rows_spec(D), _rows_spec(D)],
        out_specs=_rows_spec(D),
        out_shape=jax.ShapeDtypeStruct((N, D), jnp.float32),
    )(acc, r, ax)


def kernel(x, edge_index, additional_x, W_rel1, W_root1, b1,
           W_rel2, W_root2, b2, W_rel3, W_root3, b3):
    src = edge_index[0]
    dst = edge_index[1]
    pad = EPAD - E

    def edge_layout(idx, fill):
        flat = jnp.concatenate([idx, jnp.full((pad,), fill, jnp.int32)])
        cut = 16 * K0 * CH
        e0 = flat[:cut].reshape(16, K0, CH)
        e1 = flat[cut:].reshape(16, K1, CH)
        e0 = jnp.pad(e0, ((0, 0), (0, KM - K0), (0, 0)), constant_values=fill)
        e1 = jnp.pad(e1, ((0, 0), (0, KM - K1), (0, 0)), constant_values=fill)
        e = jnp.stack([e0, e1], axis=1).reshape(NW, KM, CH)
        return (e[:, :, :64] | (e[:, :, 64:] << 16)).reshape(NW * (KM // 2), CH)

    src_p = edge_layout(src, 0)
    dst_p = edge_layout(dst, N)
    zeros = jnp.zeros((ZR, D), jnp.float32)

    p1, root1 = _tc_stage1(x, additional_x, W_rel1, W_root1, b1.reshape(1, D))
    acc = _sc_segsum(p1, src_p, dst_p, zeros)
    p2, root2 = _tc_mid(acc, root1, W_rel2, W_root2, b2.reshape(1, D))
    acc = _sc_segsum(p2, src_p, dst_p, zeros)
    p3, root3 = _tc_mid(acc, root2, W_rel3, W_root3, b3.reshape(1, D))
    acc = _sc_segsum(p3, src_p, dst_p, zeros)
    return _tc_final(acc, root3, additional_x)

# --- scband reference (transcript-rebuilt; emitter-appended) ---
"""Pipeline reference for scband-mfgnn-14894946583444 (READ-ONLY COPY).

The authoritative reference and input builder live on the scoring server;
editing this copy changes nothing except your own understanding.
"""

import jax, jax.numpy as jnp
import numpy as np

N_NODES = 10000
N_EDGES = 320000
D_X = 128
D_ADD = 128
IN_DIM = D_X + D_ADD
HID = 128
OUT = 128

def _graph_conv(x, src, dst, W_rel, W_root, b):
    # PyG-style GraphConv: out = agg(x_j) @ W_rel + x @ W_root + b (sum aggregation)
    agg = jax.ops.segment_sum(x[src], dst, num_segments=x.shape[0])
    return agg @ W_rel + x @ W_root + b

def setup_inputs(seed: int = 0) -> dict:
    key = jax.random.key(seed)
    ks = jax.random.split(key, 16)
    x = jax.random.normal(ks[0], (N_NODES, D_X), dtype=jnp.float32)
    additional_x = jax.random.normal(ks[1], (N_NODES, D_ADD), dtype=jnp.float32)
    edge_index = jax.random.randint(ks[2], (2, N_EDGES), 0, N_NODES).astype(jnp.int32)
    def lin(k, fi, fo):
        return jax.random.normal(k, (fi, fo), dtype=jnp.float32) * (1.0 / np.sqrt(fi))
    return {
        'x': x,
        'edge_index': edge_index,
        'additional_x': additional_x,
        'W_rel1': lin(ks[3], IN_DIM, HID), 'W_root1': lin(ks[4], IN_DIM, HID), 'b1': jnp.zeros((HID,), jnp.float32),
        'W_rel2': lin(ks[5], HID, HID), 'W_root2': lin(ks[6], HID, HID), 'b2': jnp.zeros((HID,), jnp.float32),
        'W_rel3': lin(ks[7], HID, OUT), 'W_root3': lin(ks[8], HID, OUT), 'b3': jnp.zeros((OUT,), jnp.float32),
    }

def reference(x, edge_index, additional_x, W_rel1, W_root1, b1, W_rel2, W_root2, b2, W_rel3, W_root3, b3):
    src = edge_index[0]
    dst = edge_index[1]
    h = jnp.concatenate([x, additional_x], axis=1)
    h = jax.nn.relu(_graph_conv(h, src, dst, W_rel1, W_root1, b1))
    h = jax.nn.relu(_graph_conv(h, src, dst, W_rel2, W_root2, b2))
    h = _graph_conv(h, src, dst, W_rel3, W_root3, b3)
    return h + additional_x

if __name__ == "__main__":
    import jax
    _d = setup_inputs()
    print(jax.jit(kernel)(*tuple(_d.values())))

</pallas_src>

<mosaic_0001>
#map = affine_map<(d0, d1) -> (0, 0)>
#map1 = affine_map<(d0, d1) -> (0, 0, 0)>
module attributes {stable_mosaic.version = 14 : i64} {
  func.func @_sc_segsum(%arg0: i32, %arg1: i32, %arg2: memref<10000x128xf32, #tpu.memory_space<hbm>>, %arg3: memref<2048x128xi32, #tpu.memory_space<hbm>>, %arg4: memref<2048x128xi32, #tpu.memory_space<hbm>>, %arg5: memref<632x128xf32, #tpu.memory_space<hbm>>, %arg6: memref<2x10112x128xf32, #tpu.memory_space<hbm>>, %arg7: memref<64x128xi32, #tpu.memory_space<vmem>>, %arg8: memref<64x128xi32, #tpu.memory_space<vmem>>, %arg9: memref<128xi32, #tpu.memory_space<vmem>>, %arg10: memref<128xi32, #tpu.memory_space<vmem>>, %arg11: memref<128xi32, #tpu.memory_space<vmem>>, %arg12: memref<128xi32, #tpu.memory_space<vmem>>, %arg13: memref<128x128xf32, #tpu.memory_space<vmem>>, %arg14: memref<128x128xf32, #tpu.memory_space<vmem>>, %arg15: memref<10112x128xf32, #tpu.memory_space<vmem_shared>>, %arg16: memref<!tpu.dma_semaphore, #tpu.memory_space<semaphore_mem>>, %arg17: memref<!tpu.dma_semaphore, #tpu.memory_space<semaphore_mem>>, %arg18: memref<!tpu.dma_semaphore, #tpu.memory_space<semaphore_mem>>, %arg19: memref<!tpu.dma_semaphore, #tpu.memory_space<semaphore_mem>>) attributes {dimension_semantics = [#tpu.dimension_semantics<core_parallel>, #tpu.dimension_semantics<subcore_parallel>], iteration_bounds = array<i64: 2, 16>, scalar_prefetch = 0 : i64, scratch_operands = 13 : i64, tpu.core_type = #tpu.core_type<sc_vector_subcore>, window_params = [{transform_indices = #map}, {transform_indices = #map}, {transform_indices = #map}, {transform_indices = #map}, {transform_indices = #map1}]} {
    %mul3A = arith.constant 2 : i32
    %mul3A_0 = arith.muli %arg1, %mul3A : i32
    %add3A = arith.addi %mul3A_0, %arg0 : i32
    %eq3A = arith.constant 0 : i32
    %eq3A_1 = arith.cmpi eq, %arg0, %eq3A : i32
    %jit3A = arith.constant 58 : i32
    %jit3A_2 = arith.constant 21 : i32
    %select_n3A = arith.select %eq3A_1, %jit3A, %jit3A_2 : i32
    %mul3A_3 = arith.constant 632 : i32
    %mul3A_4 = arith.muli %arg1, %mul3A_3 : i32
    "tpu.region"() ({
      %run_scoped3A = tpu.sem_alloc : memref<!tpu.dma_semaphore, #tpu.memory_space<semaphore_mem>>
      %dma_start3A_181 = arith.constant 0 : i32
      %dma_start3A_182 = tpu.memref_slice %arg15[%mul3A_4, %dma_start3A_181] : memref<10112x128xf32, #tpu.memory_space<vmem_shared>> -> memref<632x128xf32, #tpu.memory_space<vmem_shared>>
      tpu.enqueue_dma source(%arg5 : memref<632x128xf32, #tpu.memory_space<hbm>>) target(%dma_start3A_182 : memref<632x128xf32, #tpu.memory_space<vmem_shared>>) target_semaphore(%run_scoped3A : memref<!tpu.dma_semaphore, #tpu.memory_space<semaphore_mem>>)
      %dma_wait3A_183 = arith.constant 0 : i32
      %dma_wait3A_184 = tpu.memref_slice %arg15[%mul3A_4, %dma_wait3A_183] : memref<10112x128xf32, #tpu.memory_space<vmem_shared>> -> memref<632x128xf32, #tpu.memory_space<vmem_shared>>
      tpu.wait_dma2 semaphore(%run_scoped3A : memref<!tpu.dma_semaphore, #tpu.memory_space<semaphore_mem>>) src(%arg5 : memref<632x128xf32, #tpu.memory_space<hbm>>) dst(%dma_wait3A_184 : memref<632x128xf32, #tpu.memory_space<vmem_shared>>)
      tpu.yield
    }) : () -> ()
    %mul3A_5 = arith.constant 64 : i32
    %mul3A_6 = arith.muli %add3A, %mul3A_5 : i32
    "tpu.region"() ({
      %run_scoped3A = tpu.sem_alloc : memref<!tpu.dma_semaphore, #tpu.memory_space<semaphore_mem>>
      %dma_start3A_181 = arith.constant 0 : i32
      %dma_start3A_182 = tpu.memref_slice %arg3[%mul3A_6, %dma_start3A_181] : memref<2048x128xi32, #tpu.memory_space<hbm>> -> memref<64x128xi32, #tpu.memory_space<hbm>>
      %dma_start3A_183 = arith.constant 0 : i32
      %dma_start3A_184 = tpu.memref_slice %arg3[%mul3A_6, %dma_start3A_183] : memref<2048x128xi32, #tpu.memory_space<hbm>> -> memref<64x128xi32, #tpu.memory_space<hbm>>
      tpu.enqueue_dma source(%dma_start3A_184 : memref<64x128xi32, #tpu.memory_space<hbm>>) target(%arg7 : memref<64x128xi32, #tpu.memory_space<vmem>>) target_semaphore(%run_scoped3A : memref<!tpu.dma_semaphore, #tpu.memory_space<semaphore_mem>>)
      %dma_wait3A_185 = arith.constant 0 : i32
      %dma_wait3A_186 = tpu.memref_slice %arg3[%mul3A_6, %dma_wait3A_185] : memref<2048x128xi32, #tpu.memory_space<hbm>> -> memref<64x128xi32, #tpu.memory_space<hbm>>
      %dma_wait3A_187 = arith.constant 0 : i32
      %dma_wait3A_188 = tpu.memref_slice %arg3[%mul3A_6, %dma_wait3A_187] : memref<2048x128xi32, #tpu.memory_space<hbm>> -> memref<64x128xi32, #tpu.memory_space<hbm>>
      tpu.wait_dma2 semaphore(%run_scoped3A : memref<!tpu.dma_semaphore, #tpu.memory_space<semaphore_mem>>) src(%dma_wait3A_188 : memref<64x128xi32, #tpu.memory_space<hbm>>) dst(%arg7 : memref<64x128xi32, #tpu.memory_space<vmem>>)
      tpu.yield
    }) : () -> ()
    %mul3A_7 = arith.constant 64 : i32
    %mul3A_8 = arith.muli %add3A, %mul3A_7 : i32
    "tpu.region"() ({
      %run_scoped3A = tpu.sem_alloc : memref<!tpu.dma_semaphore, #tpu.memory_space<semaphore_mem>>
      %dma_start3A_181 = arith.constant 0 : i32
      %dma_start3A_182 = tpu.memref_slice %arg4[%mul3A_8, %dma_start3A_181] : memref<2048x128xi32, #tpu.memory_space<hbm>> -> memref<64x128xi32, #tpu.memory_space<hbm>>
      %dma_start3A_183 = arith.constant 0 : i32
      %dma_start3A_184 = tpu.memref_slice %arg4[%mul3A_8, %dma_start3A_183] : memref<2048x128xi32, #tpu.memory_space<hbm>> -> memref<64x128xi32, #tpu.memory_space<hbm>>
      tpu.enqueue_dma source(%dma_start3A_184 : memref<64x128xi32, #tpu.memory_space<hbm>>) target(%arg8 : memref<64x128xi32, #tpu.memory_space<vmem>>) target_semaphore(%run_scoped3A : memref<!tpu.dma_semaphore, #tpu.memory_space<semaphore_mem>>)
      %dma_wait3A_185 = arith.constant 0 : i32
      %dma_wait3A_186 = tpu.memref_slice %arg4[%mul3A_8, %dma_wait3A_185] : memref<2048x128xi32, #tpu.memory_space<hbm>> -> memref<64x128xi32, #tpu.memory_space<hbm>>
      %dma_wait3A_187 = arith.constant 0 : i32
      %dma_wait3A_188 = tpu.memref_slice %arg4[%mul3A_8, %dma_wait3A_187] : memref<2048x128xi32, #tpu.memory_space<hbm>> -> memref<64x128xi32, #tpu.memory_space<hbm>>
      tpu.wait_dma2 semaphore(%run_scoped3A : memref<!tpu.dma_semaphore, #tpu.memory_space<semaphore_mem>>) src(%dma_wait3A_188 : memref<64x128xi32, #tpu.memory_space<hbm>>) dst(%arg8 : memref<64x128xi32, #tpu.memory_space<vmem>>)
      tpu.yield
    }) : () -> ()
    %barrier3A = arith.constant 0 : index
    tpu.barrier barrier_id(%barrier3A)
    %get3A = arith.constant 0 : i32
    %get3A_9 = arith.index_cast %get3A : i32 to index
    %get3A_10 = arith.constant 0 : index
    %get3A_11 = tpu.vector_load %arg7[%get3A_9, %get3A_10] {strides = array<i32>} : memref<64x128xi32, #tpu.memory_space<vmem>>, vector<1x16xi32>,
    %get3A_12 = vector.shape_cast %get3A_11 : vector<1x16xi32> to vector<16xi32>
    %and3A = arith.constant 65535 : i32
    %and3A_13 = vector.broadcast %and3A : i32 to vector<16xi32>
    %and3A_14 = arith.andi %get3A_12, %and3A_13 : vector<16xi32>
    %swap3A = arith.constant 0 : index
    %swap3A_15 = tpu.vector_load %arg9[%swap3A] {strides = array<i32>} : memref<128xi32, #tpu.memory_space<vmem>>, vector<16xi32>,
    %swap3A_16 = vector.shape_cast %swap3A_15 : vector<16xi32> to vector<16xi32>
    %swap3A_17 = vector.shape_cast %and3A_14 : vector<16xi32> to vector<16xi32>
    tpu.vector_store %arg9[%swap3A], %swap3A_17 {strides = array<i32>} : memref<128xi32, #tpu.memory_space<vmem>>, vector<16xi32>,
    %shift_right_logical3A = arith.constant 16 : i32
    %shift_right_logical3A_18 = vector.broadcast %shift_right_logical3A : i32 to vector<16xi32>
    %shift_right_logical3A_19 = arith.shrui %get3A_12, %shift_right_logical3A_18 : vector<16xi32>
    %swap3A_20 = arith.constant 64 : index
    %swap3A_21 = tpu.vector_load %arg9[%swap3A_20] {strides = array<i32>} : memref<128xi32, #tpu.memory_space<vmem>>, vector<16xi32>,
    %swap3A_22 = vector.shape_cast %swap3A_21 : vector<16xi32> to vector<16xi32>
    %swap3A_23 = vector.shape_cast %shift_right_logical3A_19 : vector<16xi32> to vector<16xi32>
    tpu.vector_store %arg9[%swap3A_20], %swap3A_23 {strides = array<i32>} : memref<128xi32, #tpu.memory_space<vmem>>, vector<16xi32>,
    %get3A_24 = arith.constant 0 : i32
    %get3A_25 = arith.index_cast %get3A_24 : i32 to index
    %get3A_26 = arith.constant 16 : index
    %get3A_27 = tpu.vector_load %arg7[%get3A_25, %get3A_26] {strides = array<i32>} : memref<64x128xi32, #tpu.memory_space<vmem>>, vector<1x16xi32>,
    %get3A_28 = vector.shape_cast %get3A_27 : vector<1x16xi32> to vector<16xi32>
    %and3A_29 = arith.constant 65535 : i32
    %and3A_30 = vector.broadcast %and3A_29 : i32 to vector<16xi32>
    %and3A_31 = arith.andi %get3A_28, %and3A_30 : vector<16xi32>
    %swap3A_32 = arith.constant 16 : index
    %swap3A_33 = tpu.vector_load %arg9[%swap3A_32] {strides = array<i32>} : memref<128xi32, #tpu.memory_space<vmem>>, vector<16xi32>,
    %swap3A_34 = vector.shape_cast %swap3A_33 : vector<16xi32> to vector<16xi32>
    %swap3A_35 = vector.shape_cast %and3A_31 : vector<16xi32> to vector<16xi32>
    tpu.vector_store %arg9[%swap3A_32], %swap3A_35 {strides = array<i32>} : memref<128xi32, #tpu.memory_space<vmem>>, vector<16xi32>,
    %shift_right_logical3A_36 = arith.constant 16 : i32
    %shift_right_logical3A_37 = vector.broadcast %shift_right_logical3A_36 : i32 to vector<16xi32>
    %shift_right_logical3A_38 = arith.shrui %get3A_28, %shift_right_logical3A_37 : vector<16xi32>
    %swap3A_39 = arith.constant 80 : index
    %swap3A_40 = tpu.vector_load %arg9[%swap3A_39] {strides = array<i32>} : memref<128xi32, #tpu.memory_space<vmem>>, vector<16xi32>,
    %swap3A_41 = vector.shape_cast %swap3A_40 : vector<16xi32> to vector<16xi32>
    %swap3A_42 = vector.shape_cast %shift_right_logical3A_38 : vector<16xi32> to vector<16xi32>
    tpu.vector_store %arg9[%swap3A_39], %swap3A_42 {strides = array<i32>} : memref<128xi32, #tpu.memory_space<vmem>>, vector<16xi32>,
    %get3A_43 = arith.constant 0 : i32
    %get3A_44 = arith.index_cast %get3A_43 : i32 to index
    %get3A_45 = arith.constant 32 : index
    %get3A_46 = tpu.vector_load %arg7[%get3A_44, %get3A_45] {strides = array<i32>} : memref<64x128xi32, #tpu.memory_space<vmem>>, vector<1x16xi32>,
    %get3A_47 = vector.shape_cast %get3A_46 : vector<1x16xi32> to vector<16xi32>
    %and3A_48 = arith.constant 65535 : i32
    %and3A_49 = vector.broadcast %and3A_48 : i32 to vector<16xi32>
    %and3A_50 = arith.andi %get3A_47, %and3A_49 : vector<16xi32>
    %swap3A_51 = arith.constant 32 : index
    %swap3A_52 = tpu.vector_load %arg9[%swap3A_51] {strides = array<i32>} : memref<128xi32, #tpu.memory_space<vmem>>, vector<16xi32>,
    %swap3A_53 = vector.shape_cast %swap3A_52 : vector<16xi32> to vector<16xi32>
    %swap3A_54 = vector.shape_cast %and3A_50 : vector<16xi32> to vector<16xi32>
    tpu.vector_store %arg9[%swap3A_51], %swap3A_54 {strides = array<i32>} : memref<128xi32, #tpu.memory_space<vmem>>, vector<16xi32>,
    %shift_right_logical3A_55 = arith.constant 16 : i32
    %shift_right_logical3A_56 = vector.broadcast %shift_right_logical3A_55 : i32 to vector<16xi32>
    %shift_right_logical3A_57 = arith.shrui %get3A_47, %shift_right_logical3A_56 : vector<16xi32>
    %swap3A_58 = arith.constant 96 : index
    %swap3A_59 = tpu.vector_load %arg9[%swap3A_58] {strides = array<i32>} : memref<128xi32, #tpu.memory_space<vmem>>, vector<16xi32>,
    %swap3A_60 = vector.shape_cast %swap3A_59 : vector<16xi32> to vector<16xi32>
    %swap3A_61 = vector.shape_cast %shift_right_logical3A_57 : vector<16xi32> to vector<16xi32>
    tpu.vector_store %arg9[%swap3A_58], %swap3A_61 {strides = array<i32>} : memref<128xi32, #tpu.memory_space<vmem>>, vector<16xi32>,
    %get3A_62 = arith.constant 0 : i32
    %get3A_63 = arith.index_cast %get3A_62 : i32 to index
    %get3A_64 = arith.constant 48 : index
    %get3A_65 = tpu.vector_load %arg7[%get3A_63, %get3A_64] {strides = array<i32>} : memref<64x128xi32, #tpu.memory_space<vmem>>, vector<1x16xi32>,
    %get3A_66 = vector.shape_cast %get3A_65 : vector<1x16xi32> to vector<16xi32>
    %and3A_67 = arith.constant 65535 : i32
    %and3A_68 = vector.broadcast %and3A_67 : i32 to vector<16xi32>
    %and3A_69 = arith.andi %get3A_66, %and3A_68 : vector<16xi32>
    %swap3A_70 = arith.constant 48 : index
    %swap3A_71 = tpu.vector_load %arg9[%swap3A_70] {strides = array<i32>} : memref<128xi32, #tpu.memory_space<vmem>>, vector<16xi32>,
    %swap3A_72 = vector.shape_cast %swap3A_71 : vector<16xi32> to vector<16xi32>
    %swap3A_73 = vector.shape_cast %and3A_69 : vector<16xi32> to vector<16xi32>
    tpu.vector_store %arg9[%swap3A_70], %swap3A_73 {strides = array<i32>} : memref<128xi32, #tpu.memory_space<vmem>>, vector<16xi32>,
    %shift_right_logical3A_74 = arith.constant 16 : i32
    %shift_right_logical3A_75 = vector.broadcast %shift_right_logical3A_74 : i32 to vector<16xi32>
    %shift_right_logical3A_76 = arith.shrui %get3A_66, %shift_right_logical3A_75 : vector<16xi32>
    %swap3A_77 = arith.constant 112 : index
    %swap3A_78 = tpu.vector_load %arg9[%swap3A_77] {strides = array<i32>} : memref<128xi32, #tpu.memory_space<vmem>>, vector<16xi32>,
    %swap3A_79 = vector.shape_cast %swap3A_78 : vector<16xi32> to vector<16xi32>
    %swap3A_80 = vector.shape_cast %shift_right_logical3A_76 : vector<16xi32> to vector<16xi32>
    tpu.vector_store %arg9[%swap3A_77], %swap3A_80 {strides = array<i32>} : memref<128xi32, #tpu.memory_space<vmem>>, vector<16xi32>,
    %dma_start3A = arith.constant 0 : i32
    %dma_start3A_81 = arith.constant 0 : i32
    %dma_start3A_82 = tpu.memref_slice %arg2[%dma_start3A, %dma_start3A_81] : memref<10000x128xf32, #tpu.memory_space<hbm>> -> memref<10000x128xf32, #tpu.memory_space<hbm>>
    tpu.enqueue_indirect_dma source(%dma_start3A_82 : memref<10000x128xf32, #tpu.memory_space<hbm>>) target(%arg13 : memref<128x128xf32, #tpu.memory_space<vmem>>) offsets(%arg9 : memref<128xi32, #tpu.memory_space<vmem>>) semaphore(%arg16 : memref<!tpu.dma_semaphore, #tpu.memory_space<semaphore_mem>>)
    %get3A_83 = arith.constant 0 : i32
    %get3A_84 = arith.index_cast %get3A_83 : i32 to index
    %get3A_85 = arith.constant 64 : index
    %get3A_86 = tpu.vector_load %arg7[%get3A_84, %get3A_85] {strides = array<i32>} : memref<64x128xi32, #tpu.memory_space<vmem>>, vector<1x16xi32>,
    %get3A_87 = vector.shape_cast %get3A_86 : vector<1x16xi32> to vector<16xi32>
    %and3A_88 = arith.constant 65535 : i32
    %and3A_89 = vector.broadcast %and3A_88 : i32 to vector<16xi32>
    %and3A_90 = arith.andi %get3A_87, %and3A_89 : vector<16xi32>
    %swap3A_91 = arith.constant 0 : index
    %swap3A_92 = tpu.vector_load %arg10[%swap3A_91] {strides = array<i32>} : memref<128xi32, #tpu.memory_space<vmem>>, vector<16xi32>,
    %swap3A_93 = vector.shape_cast %swap3A_92 : vector<16xi32> to vector<16xi32>
    %swap3A_94 = vector.shape_cast %and3A_90 : vector<16xi32> to vector<16xi32>
    tpu.vector_store %arg10[%swap3A_91], %swap3A_94 {strides = array<i32>} : memref<128xi32, #tpu.memory_space<vmem>>, vector<16xi32>,
    %shift_right_logical3A_95 = arith.constant 16 : i32
    %shift_right_logical3A_96 = vector.broadcast %shift_right_logical3A_95 : i32 to vector<16xi32>
    %shift_right_logical3A_97 = arith.shrui %get3A_87, %shift_right_logical3A_96 : vector<16xi32>
    %swap3A_98 = arith.constant 64 : index
    %swap3A_99 = tpu.vector_load %arg10[%swap3A_98] {strides = array<i32>} : memref<128xi32, #tpu.memory_space<vmem>>, vector<16xi32>,
    %swap3A_100 = vector.shape_cast %swap3A_99 : vector<16xi32> to vector<16xi32>
    %swap3A_101 = vector.shape_cast %shift_right_logical3A_97 : vector<16xi32> to vector<16xi32>
    tpu.vector_store %arg10[%swap3A_98], %swap3A_101 {strides = array<i32>} : memref<128xi32, #tpu.memory_space<vmem>>, vector<16xi32>,
    %get3A_102 = arith.constant 0 : i32
    %get3A_103 = arith.index_cast %get3A_102 : i32 to index
    %get3A_104 = arith.constant 80 : index
    %get3A_105 = tpu.vector_load %arg7[%get3A_103, %get3A_104] {strides = array<i32>} : memref<64x128xi32, #tpu.memory_space<vmem>>, vector<1x16xi32>,
    %get3A_106 = vector.shape_cast %get3A_105 : vector<1x16xi32> to vector<16xi32>
    %and3A_107 = arith.constant 65535 : i32
    %and3A_108 = vector.broadcast %and3A_107 : i32 to vector<16xi32>
    %and3A_109 = arith.andi %get3A_106, %and3A_108 : vector<16xi32>
    %swap3A_110 = arith.constant 16 : index
    %swap3A_111 = tpu.vector_load %arg10[%swap3A_110] {strides = array<i32>} : memref<128xi32, #tpu.memory_space<vmem>>, vector<16xi32>,
    %swap3A_112 = vector.shape_cast %swap3A_111 : vector<16xi32> to vector<16xi32>
    %swap3A_113 = vector.shape_cast %and3A_109 : vector<16xi32> to vector<16xi32>
    tpu.vector_store %arg10[%swap3A_110], %swap3A_113 {strides = array<i32>} : memref<128xi32, #tpu.memory_space<vmem>>, vector<16xi32>,
    %shift_right_logical3A_114 = arith.constant 16 : i32
    %shift_right_logical3A_115 = vector.broadcast %shift_right_logical3A_114 : i32 to vector<16xi32>
    %shift_right_logical3A_116 = arith.shrui %get3A_106, %shift_right_logical3A_115 : vector<16xi32>
    %swap3A_117 = arith.constant 80 : index
    %swap3A_118 = tpu.vector_load %arg10[%swap3A_117] {strides = array<i32>} : memref<128xi32, #tpu.memory_space<vmem>>, vector<16xi32>,
    %swap3A_119 = vector.shape_cast %swap3A_118 : vector<16xi32> to vector<16xi32>
    %swap3A_120 = vector.shape_cast %shift_right_logical3A_116 : vector<16xi32> to vector<16xi32>
    tpu.vector_store %arg10[%swap3A_117], %swap3A_120 {strides = array<i32>} : memref<128xi32, #tpu.memory_space<vmem>>, vector<16xi32>,
    %get3A_121 = arith.constant 0 : i32
    %get3A_122 = arith.index_cast %get3A_121 : i32 to index
    %get3A_123 = arith.constant 96 : index
    %get3A_124 = tpu.vector_load %arg7[%get3A_122, %get3A_123] {strides = array<i32>} : memref<64x128xi32, #tpu.memory_space<vmem>>, vector<1x16xi32>,
    %get3A_125 = vector.shape_cast %get3A_124 : vector<1x16xi32> to vector<16xi32>
    %and3A_126 = arith.constant 65535 : i32
    %and3A_127 = vector.broadcast %and3A_126 : i32 to vector<16xi32>
    %and3A_128 = arith.andi %get3A_125, %and3A_127 : vector<16xi32>
    %swap3A_129 = arith.constant 32 : index
    %swap3A_130 = tpu.vector_load %arg10[%swap3A_129] {strides = array<i32>} : memref<128xi32, #tpu.memory_space<vmem>>, vector<16xi32>,
    %swap3A_131 = vector.shape_cast %swap3A_130 : vector<16xi32> to vector<16xi32>
    %swap3A_132 = vector.shape_cast %and3A_128 : vector<16xi32> to vector<16xi32>
    tpu.vector_store %arg10[%swap3A_129], %swap3A_132 {strides = array<i32>} : memref<128xi32, #tpu.memory_space<vmem>>, vector<16xi32>,
    %shift_right_logical3A_133 = arith.constant 16 : i32
    %shift_right_logical3A_134 = vector.broadcast %shift_right_logical3A_133 : i32 to vector<16xi32>
    %shift_right_logical3A_135 = arith.shrui %get3A_125, %shift_right_logical3A_134 : vector<16xi32>
    %swap3A_136 = arith.constant 96 : index
    %swap3A_137 = tpu.vector_load %arg10[%swap3A_136] {strides = array<i32>} : memref<128xi32, #tpu.memory_space<vmem>>, vector<16xi32>,
    %swap3A_138 = vector.shape_cast %swap3A_137 : vector<16xi32> to vector<16xi32>
    %swap3A_139 = vector.shape_cast %shift_right_logical3A_135 : vector<16xi32> to vector<16xi32>
    tpu.vector_store %arg10[%swap3A_136], %swap3A_139 {strides = array<i32>} : memref<128xi32, #tpu.memory_space<vmem>>, vector<16xi32>,
    %get3A_140 = arith.constant 0 : i32
    %get3A_141 = arith.index_cast %get3A_140 : i32 to index
    %get3A_142 = arith.constant 112 : index
    %get3A_143 = tpu.vector_load %arg7[%get3A_141, %get3A_142] {strides = array<i32>} : memref<64x128xi32, #tpu.memory_space<vmem>>, vector<1x16xi32>,
    %get3A_144 = vector.shape_cast %get3A_143 : vector<1x16xi32> to vector<16xi32>
    %and3A_145 = arith.constant 65535 : i32
    %and3A_146 = vector.broadcast %and3A_145 : i32 to vector<16xi32>
    %and3A_147 = arith.andi %get3A_144, %and3A_146 : vector<16xi32>
    %swap3A_148 = arith.constant 48 : index
    %swap3A_149 = tpu.vector_load %arg10[%swap3A_148] {strides = array<i32>} : memref<128xi32, #tpu.memory_space<vmem>>, vector<16xi32>,
    %swap3A_150 = vector.shape_cast %swap3A_149 : vector<16xi32> to vector<16xi32>
    %swap3A_151 = vector.shape_cast %and3A_147 : vector<16xi32> to vector<16xi32>
    tpu.vector_store %arg10[%swap3A_148], %swap3A_151 {strides = array<i32>} : memref<128xi32, #tpu.memory_space<vmem>>, vector<16xi32>,
    %shift_right_logical3A_152 = arith.constant 16 : i32
    %shift_right_logical3A_153 = vector.broadcast %shift_right_logical3A_152 : i32 to vector<16xi32>
    %shift_right_logical3A_154 = arith.shrui %get3A_144, %shift_right_logical3A_153 : vector<16xi32>
    %swap3A_155 = arith.constant 112 : index
    %swap3A_156 = tpu.vector_load %arg10[%swap3A_155] {strides = array<i32>} : memref<128xi32, #tpu.memory_space<vmem>>, vector<16xi32>,
    %swap3A_157 = vector.shape_cast %swap3A_156 : vector<16xi32> to vector<16xi32>
    %swap3A_158 = vector.shape_cast %shift_right_logical3A_154 : vector<16xi32> to vector<16xi32>
    tpu.vector_store %arg10[%swap3A_155], %swap3A_158 {strides = array<i32>} : memref<128xi32, #tpu.memory_space<vmem>>, vector<16xi32>,
    %dma_start3A_159 = arith.constant 0 : i32
    %dma_start3A_160 = arith.constant 0 : i32
    %dma_start3A_161 = tpu.memref_slice %arg2[%dma_start3A_159, %dma_start3A_160] : memref<10000x128xf32, #tpu.memory_space<hbm>> -> memref<10000x128xf32, #tpu.memory_space<hbm>>
    tpu.enqueue_indirect_dma source(%dma_start3A_161 : memref<10000x128xf32, #tpu.memory_space<hbm>>) target(%arg14 : memref<128x128xf32, #tpu.memory_space<vmem>>) offsets(%arg10 : memref<128xi32, #tpu.memory_space<vmem>>) semaphore(%arg17 : memref<!tpu.dma_semaphore, #tpu.memory_space<semaphore_mem>>)
    %while3A = arith.constant 0 : i32
    %while3A_162 = arith.constant 0 : i32
    %while3A_163 = arith.subi %select_n3A, %while3A_162 : i32
    %while3A_164 = arith.addi %while3A_162, %while3A_163 : i32
    %while3A_165 = arith.constant 1 : i32
    %while3A_166 = arith.divsi %while3A_163, %while3A_165 : i32
    %while3A_167 = arith.muli %while3A_166, %while3A_165 : i32
    %while3A_168 = arith.addi %while3A_162, %while3A_167 : i32
    %while3A_169 = arith.constant 1 : i32
    scf.for %while3A_181 = %while3A_162 to %while3A_168 step %while3A_169  : i32 {
      %add3A_182 = arith.constant 1 : i32
      %add3A_183 = arith.addi %while3A_181, %add3A_182 : i32
      %rem3A = arith.remsi %add3A_183, %select_n3A : i32
      %dma_wait3A_184 = arith.constant 0 : i32
      %dma_wait3A_185 = arith.constant 0 : i32
      %dma_wait3A_186 = tpu.memref_slice %arg2[%dma_wait3A_184, %dma_wait3A_185] : memref<10000x128xf32, #tpu.memory_space<hbm>> -> memref<10000x128xf32, #tpu.memory_space<hbm>>
      tpu.wait_indirect_dma semaphore(%arg16 : memref<!tpu.dma_semaphore, #tpu.memory_space<semaphore_mem>>) src(%dma_wait3A_186 : memref<10000x128xf32, #tpu.memory_space<hbm>>) dst(%arg13 : memref<128x128xf32, #tpu.memory_space<vmem>>)
      %get3A_187 = arith.index_cast %while3A_181 : i32 to index
      %get3A_188 = arith.constant 0 : index
      %get3A_189 = tpu.vector_load %arg8[%get3A_187, %get3A_188] {strides = array<i32>} : memref<64x128xi32, #tpu.memory_space<vmem>>, vector<1x16xi32>,
      %get3A_190 = vector.shape_cast %get3A_189 : vector<1x16xi32> to vector<16xi32>
      %and3A_191 = arith.constant 65535 : i32
      %and3A_192 = vector.broadcast %and3A_191 : i32 to vector<16xi32>
      %and3A_193 = arith.andi %get3A_190, %and3A_192 : vector<16xi32>
      %swap3A_194 = arith.constant 0 : index
      %swap3A_195 = tpu.vector_load %arg11[%swap3A_194] {strides = array<i32>} : memref<128xi32, #tpu.memory_space<vmem>>, vector<16xi32>,
      %swap3A_196 = vector.shape_cast %swap3A_195 : vector<16xi32> to vector<16xi32>
      %swap3A_197 = vector.shape_cast %and3A_193 : vector<16xi32> to vector<16xi32>
      tpu.vector_store %arg11[%swap3A_194], %swap3A_197 {strides = array<i32>} : memref<128xi32, #tpu.memory_space<vmem>>, vector<16xi32>,
      %shift_right_logical3A_198 = arith.constant 16 : i32
      %shift_right_logical3A_199 = vector.broadcast %shift_right_logical3A_198 : i32 to vector<16xi32>
      %shift_right_logical3A_200 = arith.shrui %get3A_190, %shift_right_logical3A_199 : vector<16xi32>
      %swap3A_201 = arith.constant 64 : index
      %swap3A_202 = tpu.vector_load %arg11[%swap3A_201] {strides = array<i32>} : memref<128xi32, #tpu.memory_space<vmem>>, vector<16xi32>,
      %swap3A_203 = vector.shape_cast %swap3A_202 : vector<16xi32> to vector<16xi32>
      %swap3A_204 = vector.shape_cast %shift_right_logical3A_200 : vector<16xi32> to vector<16xi32>
      tpu.vector_store %arg11[%swap3A_201], %swap3A_204 {strides = array<i32>} : memref<128xi32, #tpu.memory_space<vmem>>, vector<16xi32>,
      %get3A_205 = arith.index_cast %while3A_181 : i32 to index
      %get3A_206 = arith.constant 16 : index
      %get3A_207 = tpu.vector_load %arg8[%get3A_205, %get3A_206] {strides = array<i32>} : memref<64x128xi32, #tpu.memory_space<vmem>>, vector<1x16xi32>,
      %get3A_208 = vector.shape_cast %get3A_207 : vector<1x16xi32> to vector<16xi32>
      %and3A_209 = arith.constant 65535 : i32
      %and3A_210 = vector.broadcast %and3A_209 : i32 to vector<16xi32>
      %and3A_211 = arith.andi %get3A_208, %and3A_210 : vector<16xi32>
      %swap3A_212 = arith.constant 16 : index
      %swap3A_213 = tpu.vector_load %arg11[%swap3A_212] {strides = array<i32>} : memref<128xi32, #tpu.memory_space<vmem>>, vector<16xi32>,
      %swap3A_214 = vector.shape_cast %swap3A_213 : vector<16xi32> to vector<16xi32>
      %swap3A_215 = vector.shape_cast %and3A_211 : vector<16xi32> to vector<16xi32>
      tpu.vector_store %arg11[%swap3A_212], %swap3A_215 {strides = array<i32>} : memref<128xi32, #tpu.memory_space<vmem>>, vector<16xi32>,
      %shift_right_logical3A_216 = arith.constant 16 : i32
      %shift_right_logical3A_217 = vector.broadcast %shift_right_logical3A_216 : i32 to vector<16xi32>
      %shift_right_logical3A_218 = arith.shrui %get3A_208, %shift_right_logical3A_217 : vector<16xi32>
      %swap3A_219 = arith.constant 80 : index
      %swap3A_220 = tpu.vector_load %arg11[%swap3A_219] {strides = array<i32>} : memref<128xi32, #tpu.memory_space<vmem>>, vector<16xi32>,
      %swap3A_221 = vector.shape_cast %swap3A_220 : vector<16xi32> to vector<16xi32>
      %swap3A_222 = vector.shape_cast %shift_right_logical3A_218 : vector<16xi32> to vector<16xi32>
      tpu.vector_store %arg11[%swap3A_219], %swap3A_222 {strides = array<i32>} : memref<128xi32, #tpu.memory_space<vmem>>, vector<16xi32>,
      %get3A_223 = arith.index_cast %while3A_181 : i32 to index
      %get3A_224 = arith.constant 32 : index
      %get3A_225 = tpu.vector_load %arg8[%get3A_223, %get3A_224] {strides = array<i32>} : memref<64x128xi32, #tpu.memory_space<vmem>>, vector<1x16xi32>,
      %get3A_226 = vector.shape_cast %get3A_225 : vector<1x16xi32> to vector<16xi32>
      %and3A_227 = arith.constant 65535 : i32
      %and3A_228 = vector.broadcast %and3A_227 : i32 to vector<16xi32>
      %and3A_229 = arith.andi %get3A_226, %and3A_228 : vector<16xi32>
      %swap3A_230 = arith.constant 32 : index
      %swap3A_231 = tpu.vector_load %arg11[%swap3A_230] {strides = array<i32>} : memref<128xi32, #tpu.memory_space<vmem>>, vector<16xi32>,
      %swap3A_232 = vector.shape_cast %swap3A_231 : vector<16xi32> to vector<16xi32>
      %swap3A_233 = vector.shape_cast %and3A_229 : vector<16xi32> to vector<16xi32>
      tpu.vector_store %arg11[%swap3A_230], %swap3A_233 {strides = array<i32>} : memref<128xi32, #tpu.memory_space<vmem>>, vector<16xi32>,
      %shift_right_logical3A_234 = arith.constant 16 : i32
      %shift_right_logical3A_235 = vector.broadcast %shift_right_logical3A_234 : i32 to vector<16xi32>
      %shift_right_logical3A_236 = arith.shrui %get3A_226, %shift_right_logical3A_235 : vector<16xi32>
      %swap3A_237 = arith.constant 96 : index
      %swap3A_238 = tpu.vector_load %arg11[%swap3A_237] {strides = array<i32>} : memref<128xi32, #tpu.memory_space<vmem>>, vector<16xi32>,
      %swap3A_239 = vector.shape_cast %swap3A_238 : vector<16xi32> to vector<16xi32>
      %swap3A_240 = vector.shape_cast %shift_right_logical3A_236 : vector<16xi32> to vector<16xi32>
      tpu.vector_store %arg11[%swap3A_237], %swap3A_240 {strides = array<i32>} : memref<128xi32, #tpu.memory_space<vmem>>, vector<16xi32>,
      %get3A_241 = arith.index_cast %while3A_181 : i32 to index
      %get3A_242 = arith.constant 48 : index
      %get3A_243 = tpu.vector_load %arg8[%get3A_241, %get3A_242] {strides = array<i32>} : memref<64x128xi32, #tpu.memory_space<vmem>>, vector<1x16xi32>,
      %get3A_244 = vector.shape_cast %get3A_243 : vector<1x16xi32> to vector<16xi32>
      %and3A_245 = arith.constant 65535 : i32
      %and3A_246 = vector.broadcast %and3A_245 : i32 to vector<16xi32>
      %and3A_247 = arith.andi %get3A_244, %and3A_246 : vector<16xi32>
      %swap3A_248 = arith.constant 48 : index
      %swap3A_249 = tpu.vector_load %arg11[%swap3A_248] {strides = array<i32>} : memref<128xi32, #tpu.memory_space<vmem>>, vector<16xi32>,
      %swap3A_250 = vector.shape_cast %swap3A_249 : vector<16xi32> to vector<16xi32>
      %swap3A_251 = vector.shape_cast %and3A_247 : vector<16xi32> to vector<16xi32>
      tpu.vector_store %arg11[%swap3A_248], %swap3A_251 {strides = array<i32>} : memref<128xi32, #tpu.memory_space<vmem>>, vector<16xi32>,
      %shift_right_logical3A_252 = arith.constant 16 : i32
      %shift_right_logical3A_253 = vector.broadcast %shift_right_logical3A_252 : i32 to vector<16xi32>
      %shift_right_logical3A_254 = arith.shrui %get3A_244, %shift_right_logical3A_253 : vector<16xi32>
      %swap3A_255 = arith.constant 112 : index
      %swap3A_256 = tpu.vector_load %arg11[%swap3A_255] {strides = array<i32>} : memref<128xi32, #tpu.memory_space<vmem>>, vector<16xi32>,
      %swap3A_257 = vector.shape_cast %swap3A_256 : vector<16xi32> to vector<16xi32>
      %swap3A_258 = vector.shape_cast %shift_right_logical3A_254 : vector<16xi32> to vector<16xi32>
      tpu.vector_store %arg11[%swap3A_255], %swap3A_258 {strides = array<i32>} : memref<128xi32, #tpu.memory_space<vmem>>, vector<16xi32>,
      %dma_start3A_259 = arith.constant 0 : i32
      %dma_start3A_260 = arith.constant 0 : i32
      %dma_start3A_261 = tpu.memref_slice %arg15[%dma_start3A_259, %dma_start3A_260] : memref<10112x128xf32, #tpu.memory_space<vmem_shared>> -> memref<10112x128xf32, #tpu.memory_space<vmem_shared>>
      tpu.enqueue_indirect_dma source(%arg13 : memref<128x128xf32, #tpu.memory_space<vmem>>) target(%dma_start3A_261 : memref<10112x128xf32, #tpu.memory_space<vmem_shared>>) offsets(%arg11 : memref<128xi32, #tpu.memory_space<vmem>>) semaphore(%arg18 : memref<!tpu.dma_semaphore, #tpu.memory_space<semaphore_mem>>) {add = true}
      %get3A_262 = arith.index_cast %rem3A : i32 to index
      %get3A_263 = arith.constant 0 : index
      %get3A_264 = tpu.vector_load %arg7[%get3A_262, %get3A_263] {strides = array<i32>} : memref<64x128xi32, #tpu.memory_space<vmem>>, vector<1x16xi32>,
      %get3A_265 = vector.shape_cast %get3A_264 : vector<1x16xi32> to vector<16xi32>
      %and3A_266 = arith.constant 65535 : i32
      %and3A_267 = vector.broadcast %and3A_266 : i32 to vector<16xi32>
      %and3A_268 = arith.andi %get3A_265, %and3A_267 : vector<16xi32>
      %swap3A_269 = arith.constant 0 : index
      %swap3A_270 = tpu.vector_load %arg9[%swap3A_269] {strides = array<i32>} : memref<128xi32, #tpu.memory_space<vmem>>, vector<16xi32>,
      %swap3A_271 = vector.shape_cast %swap3A_270 : vector<16xi32> to vector<16xi32>
      %swap3A_272 = vector.shape_cast %and3A_268 : vector<16xi32> to vector<16xi32>
      tpu.vector_store %arg9[%swap3A_269], %swap3A_272 {strides = array<i32>} : memref<128xi32, #tpu.memory_space<vmem>>, vector<16xi32>,
      %shift_right_logical3A_273 = arith.constant 16 : i32
      %shift_right_logical3A_274 = vector.broadcast %shift_right_logical3A_273 : i32 to vector<16xi32>
      %shift_right_logical3A_275 = arith.shrui %get3A_265, %shift_right_logical3A_274 : vector<16xi32>
      %swap3A_276 = arith.constant 64 : index
      %swap3A_277 = tpu.vector_load %arg9[%swap3A_276] {strides = array<i32>} : memref<128xi32, #tpu.memory_space<vmem>>, vector<16xi32>,
      %swap3A_278 = vector.shape_cast %swap3A_277 : vector<16xi32> to vector<16xi32>
      %swap3A_279 = vector.shape_cast %shift_right_logical3A_275 : vector<16xi32> to vector<16xi32>
      tpu.vector_store %arg9[%swap3A_276], %swap3A_279 {strides = array<i32>} : memref<128xi32, #tpu.memory_space<vmem>>, vector<16xi32>,
      %get3A_280 = arith.index_cast %rem3A : i32 to index
      %get3A_281 = arith.constant 16 : index
      %get3A_282 = tpu.vector_load %arg7[%get3A_280, %get3A_281] {strides = array<i32>} : memref<64x128xi32, #tpu.memory_space<vmem>>, vector<1x16xi32>,
      %get3A_283 = vector.shape_cast %get3A_282 : vector<1x16xi32> to vector<16xi32>
      %and3A_284 = arith.constant 65535 : i32
      %and3A_285 = vector.broadcast %and3A_284 : i32 to vector<16xi32>
      %and3A_286 = arith.andi %get3A_283, %and3A_285 : vector<16xi32>
      %swap3A_287 = arith.constant 16 : index
      %swap3A_288 = tpu.vector_load %arg9[%swap3A_287] {strides = array<i32>} : memref<128xi32, #tpu.memory_space<vmem>>, vector<16xi32>,
      %swap3A_289 = vector.shape_cast %swap3A_288 : vector<16xi32> to vector<16xi32>
      %swap3A_290 = vector.shape_cast %and3A_286 : vector<16xi32> to vector<16xi32>
      tpu.vector_store %arg9[%swap3A_287], %swap3A_290 {strides = array<i32>} : memref<128xi32, #tpu.memory_space<vmem>>, vector<16xi32>,
      %shift_right_logical3A_291 = arith.constant 16 : i32
      %shift_right_logical3A_292 = vector.broadcast %shift_right_logical3A_291 : i32 to vector<16xi32>
      %shift_right_logical3A_293 = arith.shrui %get3A_283, %shift_right_logical3A_292 : vector<16xi32>
      %swap3A_294 = arith.constant 80 : index
      %swap3A_295 = tpu.vector_load %arg9[%swap3A_294] {strides = array<i32>} : memref<128xi32, #tpu.memory_space<vmem>>, vector<16xi32>,
      %swap3A_296 = vector.shape_cast %swap3A_295 : vector<16xi32> to vector<16xi32>
      %swap3A_297 = vector.shape_cast %shift_right_logical3A_293 : vector<16xi32> to vector<16xi32>
      tpu.vector_store %arg9[%swap3A_294], %swap3A_297 {strides = array<i32>} : memref<128xi32, #tpu.memory_space<vmem>>, vector<16xi32>,
      %get3A_298 = arith.index_cast %rem3A : i32 to index
      %get3A_299 = arith.constant 32 : index
      %get3A_300 = tpu.vector_load %arg7[%get3A_298, %get3A_299] {strides = array<i32>} : memref<64x128xi32, #tpu.memory_space<vmem>>, vector<1x16xi32>,
      %get3A_301 = vector.shape_cast %get3A_300 : vector<1x16xi32> to vector<16xi32>
      %and3A_302 = arith.constant 65535 : i32
      %and3A_303 = vector.broadcast %and3A_302 : i32 to vector<16xi32>
      %and3A_304 = arith.andi %get3A_301, %and3A_303 : vector<16xi32>
      %swap3A_305 = arith.constant 32 : index
      %swap3A_306 = tpu.vector_load %arg9[%swap3A_305] {strides = array<i32>} : memref<128xi32, #tpu.memory_space<vmem>>, vector<16xi32>,
      %swap3A_307 = vector.shape_cast %swap3A_306 : vector<16xi32> to vector<16xi32>
      %swap3A_308 = vector.shape_cast %and3A_304 : vector<16xi32> to vector<16xi32>
      tpu.vector_store %arg9[%swap3A_305], %swap3A_308 {strides = array<i32>} : memref<128xi32, #tpu.memory_space<vmem>>, vector<16xi32>,
      %shift_right_logical3A_309 = arith.constant 16 : i32
      %shift_right_logical3A_310 = vector.broadcast %shift_right_logical3A_309 : i32 to vector<16xi32>
      %shift_right_logical3A_311 = arith.shrui %get3A_301, %shift_right_logical3A_310 : vector<16xi32>
      %swap3A_312 = arith.constant 96 : index
      %swap3A_313 = tpu.vector_load %arg9[%swap3A_312] {strides = array<i32>} : memref<128xi32, #tpu.memory_space<vmem>>, vector<16xi32>,
      %swap3A_314 = vector.shape_cast %swap3A_313 : vector<16xi32> to vector<16xi32>
      %swap3A_315 = vector.shape_cast %shift_right_logical3A_311 : vector<16xi32> to vector<16xi32>
      tpu.vector_store %arg9[%swap3A_312], %swap3A_315 {strides = array<i32>} : memref<128xi32, #tpu.memory_space<vmem>>, vector<16xi32>,
      %get3A_316 = arith.index_cast %rem3A : i32 to index
      %get3A_317 = arith.constant 48 : index
      %get3A_318 = tpu.vector_load %arg7[%get3A_316, %get3A_317] {strides = array<i32>} : memref<64x128xi32, #tpu.memory_space<vmem>>, vector<1x16xi32>,
      %get3A_319 = vector.shape_cast %get3A_318 : vector<1x16xi32> to vector<16xi32>
      %and3A_320 = arith.constant 65535 : i32
      %and3A_321 = vector.broadcast %and3A_320 : i32 to vector<16xi32>
      %and3A_322 = arith.andi %get3A_319, %and3A_321 : vector<16xi32>
      %swap3A_323 = arith.constant 48 : index
      %swap3A_324 = tpu.vector_load %arg9[%swap3A_323] {strides = array<i32>} : memref<128xi32, #tpu.memory_space<vmem>>, vector<16xi32>,
      %swap3A_325 = vector.shape_cast %swap3A_324 : vector<16xi32> to vector<16xi32>
      %swap3A_326 = vector.shape_cast %and3A_322 : vector<16xi32> to vector<16xi32>
      tpu.vector_store %arg9[%swap3A_323], %swap3A_326 {strides = array<i32>} : memref<128xi32, #tpu.memory_space<vmem>>, vector<16xi32>,
      %shift_right_logical3A_327 = arith.constant 16 : i32
      %shift_right_logical3A_328 = vector.broadcast %shift_right_logical3A_327 : i32 to vector<16xi32>
      %shift_right_logical3A_329 = arith.shrui %get3A_319, %shift_right_logical3A_328 : vector<16xi32>
      %swap3A_330 = arith.constant 112 : index
      %swap3A_331 = tpu.vector_load %arg9[%swap3A_330] {strides = array<i32>} : memref<128xi32, #tpu.memory_space<vmem>>, vector<16xi32>,
      %swap3A_332 = vector.shape_cast %swap3A_331 : vector<16xi32> to vector<16xi32>
      %swap3A_333 = vector.shape_cast %shift_right_logical3A_329 : vector<16xi32> to vector<16xi32>
      tpu.vector_store %arg9[%swap3A_330], %swap3A_333 {strides = array<i32>} : memref<128xi32, #tpu.memory_space<vmem>>, vector<16xi32>,
      %dma_wait3A_334 = arith.constant 0 : i32
      %dma_wait3A_335 = arith.constant 0 : i32
      %dma_wait3A_336 = tpu.memref_slice %arg15[%dma_wait3A_334, %dma_wait3A_335] : memref<10112x128xf32, #tpu.memory_space<vmem_shared>> -> memref<10112x128xf32, #tpu.memory_space<vmem_shared>>
      tpu.wait_indirect_dma semaphore(%arg18 : memref<!tpu.dma_semaphore, #tpu.memory_space<semaphore_mem>>) src(%arg13 : memref<128x128xf32, #tpu.memory_space<vmem>>) dst(%dma_wait3A_336 : memref<10112x128xf32, #tpu.memory_space<vmem_shared>>)
      %dma_start3A_337 = arith.constant 0 : i32
      %dma_start3A_338 = arith.constant 0 : i32
      %dma_start3A_339 = tpu.memref_slice %arg2[%dma_start3A_337, %dma_start3A_338] : memref<10000x128xf32, #tpu.memory_space<hbm>> -> memref<10000x128xf32, #tpu.memory_space<hbm>>
      tpu.enqueue_indirect_dma source(%dma_start3A_339 : memref<10000x128xf32, #tpu.memory_space<hbm>>) target(%arg13 : memref<128x128xf32, #tpu.memory_space<vmem>>) offsets(%arg9 : memref<128xi32, #tpu.memory_space<vmem>>) semaphore(%arg16 : memref<!tpu.dma_semaphore, #tpu.memory_space<semaphore_mem>>)
      %dma_wait3A_340 = arith.constant 0 : i32
      %dma_wait3A_341 = arith.constant 0 : i32
      %dma_wait3A_342 = tpu.memref_slice %arg2[%dma_wait3A_340, %dma_wait3A_341] : memref<10000x128xf32, #tpu.memory_space<hbm>> -> memref<10000x128xf32, #tpu.memory_space<hbm>>
      tpu.wait_indirect_dma semaphore(%arg17 : memref<!tpu.dma_semaphore, #tpu.memory_space<semaphore_mem>>) src(%dma_wait3A_342 : memref<10000x128xf32, #tpu.memory_space<hbm>>) dst(%arg14 : memref<128x128xf32, #tpu.memory_space<vmem>>)
      %get3A_343 = arith.index_cast %while3A_181 : i32 to index
      %get3A_344 = arith.constant 64 : index
      %get3A_345 = tpu.vector_load %arg8[%get3A_343, %get3A_344] {strides = array<i32>} : memref<64x128xi32, #tpu.memory_space<vmem>>, vector<1x16xi32>,
      %get3A_346 = vector.shape_cast %get3A_345 : vector<1x16xi32> to vector<16xi32>
      %and3A_347 = arith.constant 65535 : i32
      %and3A_348 = vector.broadcast %and3A_347 : i32 to vector<16xi32>
      %and3A_349 = arith.andi %get3A_346, %and3A_348 : vector<16xi32>
      %swap3A_350 = arith.constant 0 : index
      %swap3A_351 = tpu.vector_load %arg12[%swap3A_350] {strides = array<i32>} : memref<128xi32, #tpu.memory_space<vmem>>, vector<16xi32>,
      %swap3A_352 = vector.shape_cast %swap3A_351 : vector<16xi32> to vector<16xi32>
      %swap3A_353 = vector.shape_cast %and3A_349 : vector<16xi32> to vector<16xi32>
      tpu.vector_store %arg12[%swap3A_350], %swap3A_353 {strides = array<i32>} : memref<128xi32, #tpu.memory_space<vmem>>, vector<16xi32>,
      %shift_right_logical3A_354 = arith.constant 16 : i32
      %shift_right_logical3A_355 = vector.broadcast %shift_right_logical3A_354 : i32 to vector<16xi32>
      %shift_right_logical3A_356 = arith.shrui %get3A_346, %shift_right_logical3A_355 : vector<16xi32>
      %swap3A_357 = arith.constant 64 : index
      %swap3A_358 = tpu.vector_load %arg12[%swap3A_357] {strides = array<i32>} : memref<128xi32, #tpu.memory_space<vmem>>, vector<16xi32>,
      %swap3A_359 = vector.shape_cast %swap3A_358 : vector<16xi32> to vector<16xi32>
      %swap3A_360 = vector.shape_cast %shift_right_logical3A_356 : vector<16xi32> to vector<16xi32>
      tpu.vector_store %arg12[%swap3A_357], %swap3A_360 {strides = array<i32>} : memref<128xi32, #tpu.memory_space<vmem>>, vector<16xi32>,
      %get3A_361 = arith.index_cast %while3A_181 : i32 to index
      %get3A_362 = arith.constant 80 : index
      %get3A_363 = tpu.vector_load %arg8[%get3A_361, %get3A_362] {strides = array<i32>} : memref<64x128xi32, #tpu.memory_space<vmem>>, vector<1x16xi32>,
      %get3A_364 = vector.shape_cast %get3A_363 : vector<1x16xi32> to vector<16xi32>
      %and3A_365 = arith.constant 65535 : i32
      %and3A_366 = vector.broadcast %and3A_365 : i32 to vector<16xi32>
      %and3A_367 = arith.andi %get3A_364, %and3A_366 : vector<16xi32>
      %swap3A_368 = arith.constant 16 : index
      %swap3A_369 = tpu.vector_load %arg12[%swap3A_368] {strides = array<i32>} : memref<128xi32, #tpu.memory_space<vmem>>, vector<16xi32>,
      %swap3A_370 = vector.shape_cast %swap3A_369 : vector<16xi32> to vector<16xi32>
      %swap3A_371 = vector.shape_cast %and3A_367 : vector<16xi32> to vector<16xi32>
      tpu.vector_store %arg12[%swap3A_368], %swap3A_371 {strides = array<i32>} : memref<128xi32, #tpu.memory_space<vmem>>, vector<16xi32>,
      %shift_right_logical3A_372 = arith.constant 16 : i32
      %shift_right_logical3A_373 = vector.broadcast %shift_right_logical3A_372 : i32 to vector<16xi32>
      %shift_right_logical3A_374 = arith.shrui %get3A_364, %shift_right_logical3A_373 : vector<16xi32>
      %swap3A_375 = arith.constant 80 : index
      %swap3A_376 = tpu.vector_load %arg12[%swap3A_375] {strides = array<i32>} : memref<128xi32, #tpu.memory_space<vmem>>, vector<16xi32>,
      %swap3A_377 = vector.shape_cast %swap3A_376 : vector<16xi32> to vector<16xi32>
      %swap3A_378 = vector.shape_cast %shift_right_logical3A_374 : vector<16xi32> to vector<16xi32>
      tpu.vector_store %arg12[%swap3A_375], %swap3A_378 {strides = array<i32>} : memref<128xi32, #tpu.memory_space<vmem>>, vector<16xi32>,
      %get3A_379 = arith.index_cast %while3A_181 : i32 to index
      %get3A_380 = arith.constant 96 : index
      %get3A_381 = tpu.vector_load %arg8[%get3A_379, %get3A_380] {strides = array<i32>} : memref<64x128xi32, #tpu.memory_space<vmem>>, vector<1x16xi32>,
      %get3A_382 = vector.shape_cast %get3A_381 : vector<1x16xi32> to vector<16xi32>
      %and3A_383 = arith.constant 65535 : i32
      %and3A_384 = vector.broadcast %and3A_383 : i32 to vector<16xi32>
      %and3A_385 = arith.andi %get3A_382, %and3A_384 : vector<16xi32>
      %swap3A_386 = arith.constant 32 : index
      %swap3A_387 = tpu.vector_load %arg12[%swap3A_386] {strides = array<i32>} : memref<128xi32, #tpu.memory_space<vmem>>, vector<16xi32>,
      %swap3A_388 = vector.shape_cast %swap3A_387 : vector<16xi32> to vector<16xi32>
      %swap3A_389 = vector.shape_cast %and3A_385 : vector<16xi32> to vector<16xi32>
      tpu.vector_store %arg12[%swap3A_386], %swap3A_389 {strides = array<i32>} : memref<128xi32, #tpu.memory_space<vmem>>, vector<16xi32>,
      %shift_right_logical3A_390 = arith.constant 16 : i32
      %shift_right_logical3A_391 = vector.broadcast %shift_right_logical3A_390 : i32 to vector<16xi32>
      %shift_right_logical3A_392 = arith.shrui %get3A_382, %shift_right_logical3A_391 : vector<16xi32>
      %swap3A_393 = arith.constant 96 : index
      %swap3A_394 = tpu.vector_load %arg12[%swap3A_393] {strides = array<i32>} : memref<128xi32, #tpu.memory_space<vmem>>, vector<16xi32>,
      %swap3A_395 = vector.shape_cast %swap3A_394 : vector<16xi32> to vector<16xi32>
      %swap3A_396 = vector.shape_cast %shift_right_logical3A_392 : vector<16xi32> to vector<16xi32>
      tpu.vector_store %arg12[%swap3A_393], %swap3A_396 {strides = array<i32>} : memref<128xi32, #tpu.memory_space<vmem>>, vector<16xi32>,
      %get3A_397 = arith.index_cast %while3A_181 : i32 to index
      %get3A_398 = arith.constant 112 : index
      %get3A_399 = tpu.vector_load %arg8[%get3A_397, %get3A_398] {strides = array<i32>} : memref<64x128xi32, #tpu.memory_space<vmem>>, vector<1x16xi32>,
      %get3A_400 = vector.shape_cast %get3A_399 : vector<1x16xi32> to vector<16xi32>
      %and3A_401 = arith.constant 65535 : i32
      %and3A_402 = vector.broadcast %and3A_401 : i32 to vector<16xi32>
      %and3A_403 = arith.andi %get3A_400, %and3A_402 : vector<16xi32>
      %swap3A_404 = arith.constant 48 : index
      %swap3A_405 = tpu.vector_load %arg12[%swap3A_404] {strides = array<i32>} : memref<128xi32, #tpu.memory_space<vmem>>, vector<16xi32>,
      %swap3A_406 = vector.shape_cast %swap3A_405 : vector<16xi32> to vector<16xi32>
      %swap3A_407 = vector.shape_cast %and3A_403 : vector<16xi32> to vector<16xi32>
      tpu.vector_store %arg12[%swap3A_404], %swap3A_407 {strides = array<i32>} : memref<128xi32, #tpu.memory_space<vmem>>, vector<16xi32>,
      %shift_right_logical3A_408 = arith.constant 16 : i32
      %shift_right_logical3A_409 = vector.broadcast %shift_right_logical3A_408 : i32 to vector<16xi32>
      %shift_right_logical3A_410 = arith.shrui %get3A_400, %shift_right_logical3A_409 : vector<16xi32>
      %swap3A_411 = arith.constant 112 : index
      %swap3A_412 = tpu.vector_load %arg12[%swap3A_411] {strides = array<i32>} : memref<128xi32, #tpu.memory_space<vmem>>, vector<16xi32>,
      %swap3A_413 = vector.shape_cast %swap3A_412 : vector<16xi32> to vector<16xi32>
      %swap3A_414 = vector.shape_cast %shift_right_logical3A_410 : vector<16xi32> to vector<16xi32>
      tpu.vector_store %arg12[%swap3A_411], %swap3A_414 {strides = array<i32>} : memref<128xi32, #tpu.memory_space<vmem>>, vector<16xi32>,
      %dma_start3A_415 = arith.constant 0 : i32
      %dma_start3A_416 = arith.constant 0 : i32
      %dma_start3A_417 = tpu.memref_slice %arg15[%dma_start3A_415, %dma_start3A_416] : memref<10112x128xf32, #tpu.memory_space<vmem_shared>> -> memref<10112x128xf32, #tpu.memory_space<vmem_shared>>
      tpu.enqueue_indirect_dma source(%arg14 : memref<128x128xf32, #tpu.memory_space<vmem>>) target(%dma_start3A_417 : memref<10112x128xf32, #tpu.memory_space<vmem_shared>>) offsets(%arg12 : memref<128xi32, #tpu.memory_space<vmem>>) semaphore(%arg19 : memref<!tpu.dma_semaphore, #tpu.memory_space<semaphore_mem>>) {add = true}
      %get3A_418 = arith.index_cast %rem3A : i32 to index
      %get3A_419 = arith.constant 64 : index
      %get3A_420 = tpu.vector_load %arg7[%get3A_418, %get3A_419] {strides = array<i32>} : memref<64x128xi32, #tpu.memory_space<vmem>>, vector<1x16xi32>,
      %get3A_421 = vector.shape_cast %get3A_420 : vector<1x16xi32> to vector<16xi32>
      %and3A_422 = arith.constant 65535 : i32
      %and3A_423 = vector.broadcast %and3A_422 : i32 to vector<16xi32>
      %and3A_424 = arith.andi %get3A_421, %and3A_423 : vector<16xi32>
      %swap3A_425 = arith.constant 0 : index
      %swap3A_426 = tpu.vector_load %arg10[%swap3A_425] {strides = array<i32>} : memref<128xi32, #tpu.memory_space<vmem>>, vector<16xi32>,
      %swap3A_427 = vector.shape_cast %swap3A_426 : vector<16xi32> to vector<16xi32>
      %swap3A_428 = vector.shape_cast %and3A_424 : vector<16xi32> to vector<16xi32>
      tpu.vector_store %arg10[%swap3A_425], %swap3A_428 {strides = array<i32>} : memref<128xi32, #tpu.memory_space<vmem>>, vector<16xi32>,
      %shift_right_logical3A_429 = arith.constant 16 : i32
      %shift_right_logical3A_430 = vector.broadcast %shift_right_logical3A_429 : i32 to vector<16xi32>
      %shift_right_logical3A_431 = arith.shrui %get3A_421, %shift_right_logical3A_430 : vector<16xi32>
      %swap3A_432 = arith.constant 64 : index
      %swap3A_433 = tpu.vector_load %arg10[%swap3A_432] {strides = array<i32>} : memref<128xi32, #tpu.memory_space<vmem>>, vector<16xi32>,
      %swap3A_434 = vector.shape_cast %swap3A_433 : vector<16xi32> to vector<16xi32>
      %swap3A_435 = vector.shape_cast %shift_right_logical3A_431 : vector<16xi32> to vector<16xi32>
      tpu.vector_store %arg10[%swap3A_432], %swap3A_435 {strides = array<i32>} : memref<128xi32, #tpu.memory_space<vmem>>, vector<16xi32>,
      %get3A_436 = arith.index_cast %rem3A : i32 to index
      %get3A_437 = arith.constant 80 : index
      %get3A_438 = tpu.vector_load %arg7[%get3A_436, %get3A_437] {strides = array<i32>} : memref<64x128xi32, #tpu.memory_space<vmem>>, vector<1x16xi32>,
      %get3A_439 = vector.shape_cast %get3A_438 : vector<1x16xi32> to vector<16xi32>
      %and3A_440 = arith.constant 65535 : i32
      %and3A_441 = vector.broadcast %and3A_440 : i32 to vector<16xi32>
      %and3A_442 = arith.andi %get3A_439, %and3A_441 : vector<16xi32>
      %swap3A_443 = arith.constant 16 : index
      %swap3A_444 = tpu.vector_load %arg10[%swap3A_443] {strides = array<i32>} : memref<128xi32, #tpu.memory_space<vmem>>, vector<16xi32>,
      %swap3A_445 = vector.shape_cast %swap3A_444 : vector<16xi32> to vector<16xi32>
      %swap3A_446 = vector.shape_cast %and3A_442 : vector<16xi32> to vector<16xi32>
      tpu.vector_store %arg10[%swap3A_443], %swap3A_446 {strides = array<i32>} : memref<128xi32, #tpu.memory_space<vmem>>, vector<16xi32>,
      %shift_right_logical3A_447 = arith.constant 16 : i32
      %shift_right_logical3A_448 = vector.broadcast %shift_right_logical3A_447 : i32 to vector<16xi32>
      %shift_right_logical3A_449 = arith.shrui %get3A_439, %shift_right_logical3A_448 : vector<16xi32>
      %swap3A_450 = arith.constant 80 : index
      %swap3A_451 = tpu.vector_load %arg10[%swap3A_450] {strides = array<i32>} : memref<128xi32, #tpu.memory_space<vmem>>, vector<16xi32>,
      %swap3A_452 = vector.shape_cast %swap3A_451 : vector<16xi32> to vector<16xi32>
      %swap3A_453 = vector.shape_cast %shift_right_logical3A_449 : vector<16xi32> to vector<16xi32>
      tpu.vector_store %arg10[%swap3A_450], %swap3A_453 {strides = array<i32>} : memref<128xi32, #tpu.memory_space<vmem>>, vector<16xi32>,
      %get3A_454 = arith.index_cast %rem3A : i32 to index
      %get3A_455 = arith.constant 96 : index
      %get3A_456 = tpu.vector_load %arg7[%get3A_454, %get3A_455] {strides = array<i32>} : memref<64x128xi32, #tpu.memory_space<vmem>>, vector<1x16xi32>,
      %get3A_457 = vector.shape_cast %get3A_456 : vector<1x16xi32> to vector<16xi32>
      %and3A_458 = arith.constant 65535 : i32
      %and3A_459 = vector.broadcast %and3A_458 : i32 to vector<16xi32>
      %and3A_460 = arith.andi %get3A_457, %and3A_459 : vector<16xi32>
      %swap3A_461 = arith.constant 32 : index
      %swap3A_462 = tpu.vector_load %arg10[%swap3A_461] {strides = array<i32>} : memref<128xi32, #tpu.memory_space<vmem>>, vector<16xi32>,
      %swap3A_463 = vector.shape_cast %swap3A_462 : vector<16xi32> to vector<16xi32>
      %swap3A_464 = vector.shape_cast %and3A_460 : vector<16xi32> to vector<16xi32>
      tpu.vector_store %arg10[%swap3A_461], %swap3A_464 {strides = array<i32>} : memref<128xi32, #tpu.memory_space<vmem>>, vector<16xi32>,
      %shift_right_logical3A_465 = arith.constant 16 : i32
      %shift_right_logical3A_466 = vector.broadcast %shift_right_logical3A_465 : i32 to vector<16xi32>
      %shift_right_logical3A_467 = arith.shrui %get3A_457, %shift_right_logical3A_466 : vector<16xi32>
      %swap3A_468 = arith.constant 96 : index
      %swap3A_469 = tpu.vector_load %arg10[%swap3A_468] {strides = array<i32>} : memref<128xi32, #tpu.memory_space<vmem>>, vector<16xi32>,
      %swap3A_470 = vector.shape_cast %swap3A_469 : vector<16xi32> to vector<16xi32>
      %swap3A_471 = vector.shape_cast %shift_right_logical3A_467 : vector<16xi32> to vector<16xi32>
      tpu.vector_store %arg10[%swap3A_468], %swap3A_471 {strides = array<i32>} : memref<128xi32, #tpu.memory_space<vmem>>, vector<16xi32>,
      %get3A_472 = arith.index_cast %rem3A : i32 to index
      %get3A_473 = arith.constant 112 : index
      %get3A_474 = tpu.vector_load %arg7[%get3A_472, %get3A_473] {strides = array<i32>} : memref<64x128xi32, #tpu.memory_space<vmem>>, vector<1x16xi32>,
      %get3A_475 = vector.shape_cast %get3A_474 : vector<1x16xi32> to vector<16xi32>
      %and3A_476 = arith.constant 65535 : i32
      %and3A_477 = vector.broadcast %and3A_476 : i32 to vector<16xi32>
      %and3A_478 = arith.andi %get3A_475, %and3A_477 : vector<16xi32>
      %swap3A_479 = arith.constant 48 : index
      %swap3A_480 = tpu.vector_load %arg10[%swap3A_479] {strides = array<i32>} : memref<128xi32, #tpu.memory_space<vmem>>, vector<16xi32>,
      %swap3A_481 = vector.shape_cast %swap3A_480 : vector<16xi32> to vector<16xi32>
      %swap3A_482 = vector.shape_cast %and3A_478 : vector<16xi32> to vector<16xi32>
      tpu.vector_store %arg10[%swap3A_479], %swap3A_482 {strides = array<i32>} : memref<128xi32, #tpu.memory_space<vmem>>, vector<16xi32>,
      %shift_right_logical3A_483 = arith.constant 16 : i32
      %shift_right_logical3A_484 = vector.broadcast %shift_right_logical3A_483 : i32 to vector<16xi32>
      %shift_right_logical3A_485 = arith.shrui %get3A_475, %shift_right_logical3A_484 : vector<16xi32>
      %swap3A_486 = arith.constant 112 : index
      %swap3A_487 = tpu.vector_load %arg10[%swap3A_486] {strides = array<i32>} : memref<128xi32, #tpu.memory_space<vmem>>, vector<16xi32>,
      %swap3A_488 = vector.shape_cast %swap3A_487 : vector<16xi32> to vector<16xi32>
      %swap3A_489 = vector.shape_cast %shift_right_logical3A_485 : vector<16xi32> to vector<16xi32>
      tpu.vector_store %arg10[%swap3A_486], %swap3A_489 {strides = array<i32>} : memref<128xi32, #tpu.memory_space<vmem>>, vector<16xi32>,
      %dma_wait3A_490 = arith.constant 0 : i32
      %dma_wait3A_491 = arith.constant 0 : i32
      %dma_wait3A_492 = tpu.memref_slice %arg15[%dma_wait3A_490, %dma_wait3A_491] : memref<10112x128xf32, #tpu.memory_space<vmem_shared>> -> memref<10112x128xf32, #tpu.memory_space<vmem_shared>>
      tpu.wait_indirect_dma semaphore(%arg19 : memref<!tpu.dma_semaphore, #tpu.memory_space<semaphore_mem>>) src(%arg14 : memref<128x128xf32, #tpu.memory_space<vmem>>) dst(%dma_wait3A_492 : memref<10112x128xf32, #tpu.memory_space<vmem_shared>>)
      %dma_start3A_493 = arith.constant 0 : i32
      %dma_start3A_494 = arith.constant 0 : i32
      %dma_start3A_495 = tpu.memref_slice %arg2[%dma_start3A_493, %dma_start3A_494] : memref<10000x128xf32, #tpu.memory_space<hbm>> -> memref<10000x128xf32, #tpu.memory_space<hbm>>
      tpu.enqueue_indirect_dma source(%dma_start3A_495 : memref<10000x128xf32, #tpu.memory_space<hbm>>) target(%arg14 : memref<128x128xf32, #tpu.memory_space<vmem>>) offsets(%arg10 : memref<128xi32, #tpu.memory_space<vmem>>) semaphore(%arg17 : memref<!tpu.dma_semaphore, #tpu.memory_space<semaphore_mem>>)
    }
    %while3A_170 = arith.constant 1 : i32
    scf.for %while3A_181 = %while3A_168 to %while3A_164 step %while3A_170  : i32 {
      %add3A_182 = arith.constant 1 : i32
      %add3A_183 = arith.addi %while3A_181, %add3A_182 : i32
      %rem3A = arith.remsi %add3A_183, %select_n3A : i32
      %dma_wait3A_184 = arith.constant 0 : i32
      %dma_wait3A_185 = arith.constant 0 : i32
      %dma_wait3A_186 = tpu.memref_slice %arg2[%dma_wait3A_184, %dma_wait3A_185] : memref<10000x128xf32, #tpu.memory_space<hbm>> -> memref<10000x128xf32, #tpu.memory_space<hbm>>
      tpu.wait_indirect_dma semaphore(%arg16 : memref<!tpu.dma_semaphore, #tpu.memory_space<semaphore_mem>>) src(%dma_wait3A_186 : memref<10000x128xf32, #tpu.memory_space<hbm>>) dst(%arg13 : memref<128x128xf32, #tpu.memory_space<vmem>>)
      %get3A_187 = arith.index_cast %while3A_181 : i32 to index
      %get3A_188 = arith.constant 0 : index
      %get3A_189 = tpu.vector_load %arg8[%get3A_187, %get3A_188] {strides = array<i32>} : memref<64x128xi32, #tpu.memory_space<vmem>>, vector<1x16xi32>,
      %get3A_190 = vector.shape_cast %get3A_189 : vector<1x16xi32> to vector<16xi32>
      %and3A_191 = arith.constant 65535 : i32
      %and3A_192 = vector.broadcast %and3A_191 : i32 to vector<16xi32>
      %and3A_193 = arith.andi %get3A_190, %and3A_192 : vector<16xi32>
      %swap3A_194 = arith.constant 0 : index
      %swap3A_195 = tpu.vector_load %arg11[%swap3A_194] {strides = array<i32>} : memref<128xi32, #tpu.memory_space<vmem>>, vector<16xi32>,
      %swap3A_196 = vector.shape_cast %swap3A_195 : vector<16xi32> to vector<16xi32>
      %swap3A_197 = vector.shape_cast %and3A_193 : vector<16xi32> to vector<16xi32>
      tpu.vector_store %arg11[%swap3A_194], %swap3A_197 {strides = array<i32>} : memref<128xi32, #tpu.memory_space<vmem>>, vector<16xi32>,
      %shift_right_logical3A_198 = arith.constant 16 : i32
      %shift_right_logical3A_199 = vector.broadcast %shift_right_logical3A_198 : i32 to vector<16xi32>
      %shift_right_logical3A_200 = arith.shrui %get3A_190, %shift_right_logical3A_199 : vector<16xi32>
      %swap3A_201 = arith.constant 64 : index
      %swap3A_202 = tpu.vector_load %arg11[%swap3A_201] {strides = array<i32>} : memref<128xi32, #tpu.memory_space<vmem>>, vector<16xi32>,
      %swap3A_203 = vector.shape_cast %swap3A_202 : vector<16xi32> to vector<16xi32>
      %swap3A_204 = vector.shape_cast %shift_right_logical3A_200 : vector<16xi32> to vector<16xi32>
      tpu.vector_store %arg11[%swap3A_201], %swap3A_204 {strides = array<i32>} : memref<128xi32, #tpu.memory_space<vmem>>, vector<16xi32>,
      %get3A_205 = arith.index_cast %while3A_181 : i32 to index
      %get3A_206 = arith.constant 16 : index
      %get3A_207 = tpu.vector_load %arg8[%get3A_205, %get3A_206] {strides = array<i32>} : memref<64x128xi32, #tpu.memory_space<vmem>>, vector<1x16xi32>,
      %get3A_208 = vector.shape_cast %get3A_207 : vector<1x16xi32> to vector<16xi32>
      %and3A_209 = arith.constant 65535 : i32
      %and3A_210 = vector.broadcast %and3A_209 : i32 to vector<16xi32>
      %and3A_211 = arith.andi %get3A_208, %and3A_210 : vector<16xi32>
      %swap3A_212 = arith.constant 16 : index
      %swap3A_213 = tpu.vector_load %arg11[%swap3A_212] {strides = array<i32>} : memref<128xi32, #tpu.memory_space<vmem>>, vector<16xi32>,
      %swap3A_214 = vector.shape_cast %swap3A_213 : vector<16xi32> to vector<16xi32>
      %swap3A_215 = vector.shape_cast %and3A_211 : vector<16xi32> to vector<16xi32>
      tpu.vector_store %arg11[%swap3A_212], %swap3A_215 {strides = array<i32>} : memref<128xi32, #tpu.memory_space<vmem>>, vector<16xi32>,
      %shift_right_logical3A_216 = arith.constant 16 : i32
      %shift_right_logical3A_217 = vector.broadcast %shift_right_logical3A_216 : i32 to vector<16xi32>
      %shift_right_logical3A_218 = arith.shrui %get3A_208, %shift_right_logical3A_217 : vector<16xi32>
      %swap3A_219 = arith.constant 80 : index
      %swap3A_220 = tpu.vector_load %arg11[%swap3A_219] {strides = array<i32>} : memref<128xi32, #tpu.memory_space<vmem>>, vector<16xi32>,
      %swap3A_221 = vector.shape_cast %swap3A_220 : vector<16xi32> to vector<16xi32>
      %swap3A_222 = vector.shape_cast %shift_right_logical3A_218 : vector<16xi32> to vector<16xi32>
      tpu.vector_store %arg11[%swap3A_219], %swap3A_222 {strides = array<i32>} : memref<128xi32, #tpu.memory_space<vmem>>, vector<16xi32>,
      %get3A_223 = arith.index_cast %while3A_181 : i32 to index
      %get3A_224 = arith.constant 32 : index
      %get3A_225 = tpu.vector_load %arg8[%get3A_223, %get3A_224] {strides = array<i32>} : memref<64x128xi32, #tpu.memory_space<vmem>>, vector<1x16xi32>,
      %get3A_226 = vector.shape_cast %get3A_225 : vector<1x16xi32> to vector<16xi32>
      %and3A_227 = arith.constant 65535 : i32
      %and3A_228 = vector.broadcast %and3A_227 : i32 to vector<16xi32>
      %and3A_229 = arith.andi %get3A_226, %and3A_228 : vector<16xi32>
      %swap3A_230 = arith.constant 32 : index
      %swap3A_231 = tpu.vector_load %arg11[%swap3A_230] {strides = array<i32>} : memref<128xi32, #tpu.memory_space<vmem>>, vector<16xi32>,
      %swap3A_232 = vector.shape_cast %swap3A_231 : vector<16xi32> to vector<16xi32>
      %swap3A_233 = vector.shape_cast %and3A_229 : vector<16xi32> to vector<16xi32>
      tpu.vector_store %arg11[%swap3A_230], %swap3A_233 {strides = array<i32>} : memref<128xi32, #tpu.memory_space<vmem>>, vector<16xi32>,
      %shift_right_logical3A_234 = arith.constant 16 : i32
      %shift_right_logical3A_235 = vector.broadcast %shift_right_logical3A_234 : i32 to vector<16xi32>
      %shift_right_logical3A_236 = arith.shrui %get3A_226, %shift_right_logical3A_235 : vector<16xi32>
      %swap3A_237 = arith.constant 96 : index
      %swap3A_238 = tpu.vector_load %arg11[%swap3A_237] {strides = array<i32>} : memref<128xi32, #tpu.memory_space<vmem>>, vector<16xi32>,
      %swap3A_239 = vector.shape_cast %swap3A_238 : vector<16xi32> to vector<16xi32>
      %swap3A_240 = vector.shape_cast %shift_right_logical3A_236 : vector<16xi32> to vector<16xi32>
      tpu.vector_store %arg11[%swap3A_237], %swap3A_240 {strides = array<i32>} : memref<128xi32, #tpu.memory_space<vmem>>, vector<16xi32>,
      %get3A_241 = arith.index_cast %while3A_181 : i32 to index
      %get3A_242 = arith.constant 48 : index
      %get3A_243 = tpu.vector_load %arg8[%get3A_241, %get3A_242] {strides = array<i32>} : memref<64x128xi32, #tpu.memory_space<vmem>>, vector<1x16xi32>,
      %get3A_244 = vector.shape_cast %get3A_243 : vector<1x16xi32> to vector<16xi32>
      %and3A_245 = arith.constant 65535 : i32
      %and3A_246 = vector.broadcast %and3A_245 : i32 to vector<16xi32>
      %and3A_247 = arith.andi %get3A_244, %and3A_246 : vector<16xi32>
      %swap3A_248 = arith.constant 48 : index
      %swap3A_249 = tpu.vector_load %arg11[%swap3A_248] {strides = array<i32>} : memref<128xi32, #tpu.memory_space<vmem>>, vector<16xi32>,
      %swap3A_250 = vector.shape_cast %swap3A_249 : vector<16xi32> to vector<16xi32>
      %swap3A_251 = vector.shape_cast %and3A_247 : vector<16xi32> to vector<16xi32>
      tpu.vector_store %arg11[%swap3A_248], %swap3A_251 {strides = array<i32>} : memref<128xi32, #tpu.memory_space<vmem>>, vector<16xi32>,
      %shift_right_logical3A_252 = arith.constant 16 : i32
      %shift_right_logical3A_253 = vector.broadcast %shift_right_logical3A_252 : i32 to vector<16xi32>
      %shift_right_logical3A_254 = arith.shrui %get3A_244, %shift_right_logical3A_253 : vector<16xi32>
      %swap3A_255 = arith.constant 112 : index
      %swap3A_256 = tpu.vector_load %arg11[%swap3A_255] {strides = array<i32>} : memref<128xi32, #tpu.memory_space<vmem>>, vector<16xi32>,
      %swap3A_257 = vector.shape_cast %swap3A_256 : vector<16xi32> to vector<16xi32>
      %swap3A_258 = vector.shape_cast %shift_right_logical3A_254 : vector<16xi32> to vector<16xi32>
      tpu.vector_store %arg11[%swap3A_255], %swap3A_258 {strides = array<i32>} : memref<128xi32, #tpu.memory_space<vmem>>, vector<16xi32>,
      %dma_start3A_259 = arith.constant 0 : i32
      %dma_start3A_260 = arith.constant 0 : i32
      %dma_start3A_261 = tpu.memref_slice %arg15[%dma_start3A_259, %dma_start3A_260] : memref<10112x128xf32, #tpu.memory_space<vmem_shared>> -> memref<10112x128xf32, #tpu.memory_space<vmem_shared>>
      tpu.enqueue_indirect_dma source(%arg13 : memref<128x128xf32, #tpu.memory_space<vmem>>) target(%dma_start3A_261 : memref<10112x128xf32, #tpu.memory_space<vmem_shared>>) offsets(%arg11 : memref<128xi32, #tpu.memory_space<vmem>>) semaphore(%arg18 : memref<!tpu.dma_semaphore, #tpu.memory_space<semaphore_mem>>) {add = true}
      %get3A_262 = arith.index_cast %rem3A : i32 to index
      %get3A_263 = arith.constant 0 : index
      %get3A_264 = tpu.vector_load %arg7[%get3A_262, %get3A_263] {strides = array<i32>} : memref<64x128xi32, #tpu.memory_space<vmem>>, vector<1x16xi32>,
      %get3A_265 = vector.shape_cast %get3A_264 : vector<1x16xi32> to vector<16xi32>
      %and3A_266 = arith.constant 65535 : i32
      %and3A_267 = vector.broadcast %and3A_266 : i32 to vector<16xi32>
      %and3A_268 = arith.andi %get3A_265, %and3A_267 : vector<16xi32>
      %swap3A_269 = arith.constant 0 : index
      %swap3A_270 = tpu.vector_load %arg9[%swap3A_269] {strides = array<i32>} : memref<128xi32, #tpu.memory_space<vmem>>, vector<16xi32>,
      %swap3A_271 = vector.shape_cast %swap3A_270 : vector<16xi32> to vector<16xi32>
      %swap3A_272 = vector.shape_cast %and3A_268 : vector<16xi32> to vector<16xi32>
      tpu.vector_store %arg9[%swap3A_269], %swap3A_272 {strides = array<i32>} : memref<128xi32, #tpu.memory_space<vmem>>, vector<16xi32>,
      %shift_right_logical3A_273 = arith.constant 16 : i32
      %shift_right_logical3A_274 = vector.broadcast %shift_right_logical3A_273 : i32 to vector<16xi32>
      %shift_right_logical3A_275 = arith.shrui %get3A_265, %shift_right_logical3A_274 : vector<16xi32>
      %swap3A_276 = arith.constant 64 : index
      %swap3A_277 = tpu.vector_load %arg9[%swap3A_276] {strides = array<i32>} : memref<128xi32, #tpu.memory_space<vmem>>, vector<16xi32>,
      %swap3A_278 = vector.shape_cast %swap3A_277 : vector<16xi32> to vector<16xi32>
      %swap3A_279 = vector.shape_cast %shift_right_logical3A_275 : vector<16xi32> to vector<16xi32>
      tpu.vector_store %arg9[%swap3A_276], %swap3A_279 {strides = array<i32>} : memref<128xi32, #tpu.memory_space<vmem>>, vector<16xi32>,
      %get3A_280 = arith.index_cast %rem3A : i32 to index
      %get3A_281 = arith.constant 16 : index
      %get3A_282 = tpu.vector_load %arg7[%get3A_280, %get3A_281] {strides = array<i32>} : memref<64x128xi32, #tpu.memory_space<vmem>>, vector<1x16xi32>,
      %get3A_283 = vector.shape_cast %get3A_282 : vector<1x16xi32> to vector<16xi32>
      %and3A_284 = arith.constant 65535 : i32
      %and3A_285 = vector.broadcast %and3A_284 : i32 to vector<16xi32>
      %and3A_286 = arith.andi %get3A_283, %and3A_285 : vector<16xi32>
      %swap3A_287 = arith.constant 16 : index
      %swap3A_288 = tpu.vector_load %arg9[%swap3A_287] {strides = array<i32>} : memref<128xi32, #tpu.memory_space<vmem>>, vector<16xi32>,
      %swap3A_289 = vector.shape_cast %swap3A_288 : vector<16xi32> to vector<16xi32>
      %swap3A_290 = vector.shape_cast %and3A_286 : vector<16xi32> to vector<16xi32>
      tpu.vector_store %arg9[%swap3A_287], %swap3A_290 {strides = array<i32>} : memref<128xi32, #tpu.memory_space<vmem>>, vector<16xi32>,
      %shift_right_logical3A_291 = arith.constant 16 : i32
      %shift_right_logical3A_292 = vector.broadcast %shift_right_logical3A_291 : i32 to vector<16xi32>
      %shift_right_logical3A_293 = arith.shrui %get3A_283, %shift_right_logical3A_292 : vector<16xi32>
      %swap3A_294 = arith.constant 80 : index
      %swap3A_295 = tpu.vector_load %arg9[%swap3A_294] {strides = array<i32>} : memref<128xi32, #tpu.memory_space<vmem>>, vector<16xi32>,
      %swap3A_296 = vector.shape_cast %swap3A_295 : vector<16xi32> to vector<16xi32>
      %swap3A_297 = vector.shape_cast %shift_right_logical3A_293 : vector<16xi32> to vector<16xi32>
      tpu.vector_store %arg9[%swap3A_294], %swap3A_297 {strides = array<i32>} : memref<128xi32, #tpu.memory_space<vmem>>, vector<16xi32>,
      %get3A_298 = arith.index_cast %rem3A : i32 to index
      %get3A_299 = arith.constant 32 : index
      %get3A_300 = tpu.vector_load %arg7[%get3A_298, %get3A_299] {strides = array<i32>} : memref<64x128xi32, #tpu.memory_space<vmem>>, vector<1x16xi32>,
      %get3A_301 = vector.shape_cast %get3A_300 : vector<1x16xi32> to vector<16xi32>
      %and3A_302 = arith.constant 65535 : i32
      %and3A_303 = vector.broadcast %and3A_302 : i32 to vector<16xi32>
      %and3A_304 = arith.andi %get3A_301, %and3A_303 : vector<16xi32>
      %swap3A_305 = arith.constant 32 : index
      %swap3A_306 = tpu.vector_load %arg9[%swap3A_305] {strides = array<i32>} : memref<128xi32, #tpu.memory_space<vmem>>, vector<16xi32>,
      %swap3A_307 = vector.shape_cast %swap3A_306 : vector<16xi32> to vector<16xi32>
      %swap3A_308 = vector.shape_cast %and3A_304 : vector<16xi32> to vector<16xi32>
      tpu.vector_store %arg9[%swap3A_305], %swap3A_308 {strides = array<i32>} : memref<128xi32, #tpu.memory_space<vmem>>, vector<16xi32>,
      %shift_right_logical3A_309 = arith.constant 16 : i32
      %shift_right_logical3A_310 = vector.broadcast %shift_right_logical3A_309 : i32 to vector<16xi32>
      %shift_right_logical3A_311 = arith.shrui %get3A_301, %shift_right_logical3A_310 : vector<16xi32>
      %swap3A_312 = arith.constant 96 : index
      %swap3A_313 = tpu.vector_load %arg9[%swap3A_312] {strides = array<i32>} : memref<128xi32, #tpu.memory_space<vmem>>, vector<16xi32>,
      %swap3A_314 = vector.shape_cast %swap3A_313 : vector<16xi32> to vector<16xi32>
      %swap3A_315 = vector.shape_cast %shift_right_logical3A_311 : vector<16xi32> to vector<16xi32>
      tpu.vector_store %arg9[%swap3A_312], %swap3A_315 {strides = array<i32>} : memref<128xi32, #tpu.memory_space<vmem>>, vector<16xi32>,
      %get3A_316 = arith.index_cast %rem3A : i32 to index
      %get3A_317 = arith.constant 48 : index
      %get3A_318 = tpu.vector_load %arg7[%get3A_316, %get3A_317] {strides = array<i32>} : memref<64x128xi32, #tpu.memory_space<vmem>>, vector<1x16xi32>,
      %get3A_319 = vector.shape_cast %get3A_318 : vector<1x16xi32> to vector<16xi32>
      %and3A_320 = arith.constant 65535 : i32
      %and3A_321 = vector.broadcast %and3A_320 : i32 to vector<16xi32>
      %and3A_322 = arith.andi %get3A_319, %and3A_321 : vector<16xi32>
      %swap3A_323 = arith.constant 48 : index
      %swap3A_324 = tpu.vector_load %arg9[%swap3A_323] {strides = array<i32>} : memref<128xi32, #tpu.memory_space<vmem>>, vector<16xi32>,
      %swap3A_325 = vector.shape_cast %swap3A_324 : vector<16xi32> to vector<16xi32>
      %swap3A_326 = vector.shape_cast %and3A_322 : vector<16xi32> to vector<16xi32>
      tpu.vector_store %arg9[%swap3A_323], %swap3A_326 {strides = array<i32>} : memref<128xi32, #tpu.memory_space<vmem>>, vector<16xi32>,
      %shift_right_logical3A_327 = arith.constant 16 : i32
      %shift_right_logical3A_328 = vector.broadcast %shift_right_logical3A_327 : i32 to vector<16xi32>
      %shift_right_logical3A_329 = arith.shrui %get3A_319, %shift_right_logical3A_328 : vector<16xi32>
      %swap3A_330 = arith.constant 112 : index
      %swap3A_331 = tpu.vector_load %arg9[%swap3A_330] {strides = array<i32>} : memref<128xi32, #tpu.memory_space<vmem>>, vector<16xi32>,
      %swap3A_332 = vector.shape_cast %swap3A_331 : vector<16xi32> to vector<16xi32>
      %swap3A_333 = vector.shape_cast %shift_right_logical3A_329 : vector<16xi32> to vector<16xi32>
      tpu.vector_store %arg9[%swap3A_330], %swap3A_333 {strides = array<i32>} : memref<128xi32, #tpu.memory_space<vmem>>, vector<16xi32>,
      %dma_wait3A_334 = arith.constant 0 : i32
      %dma_wait3A_335 = arith.constant 0 : i32
      %dma_wait3A_336 = tpu.memref_slice %arg15[%dma_wait3A_334, %dma_wait3A_335] : memref<10112x128xf32, #tpu.memory_space<vmem_shared>> -> memref<10112x128xf32, #tpu.memory_space<vmem_shared>>
      tpu.wait_indirect_dma semaphore(%arg18 : memref<!tpu.dma_semaphore, #tpu.memory_space<semaphore_mem>>) src(%arg13 : memref<128x128xf32, #tpu.memory_space<vmem>>) dst(%dma_wait3A_336 : memref<10112x128xf32, #tpu.memory_space<vmem_shared>>)
      %dma_start3A_337 = arith.constant 0 : i32
      %dma_start3A_338 = arith.constant 0 : i32
      %dma_start3A_339 = tpu.memref_slice %arg2[%dma_start3A_337, %dma_start3A_338] : memref<10000x128xf32, #tpu.memory_space<hbm>> -> memref<10000x128xf32, #tpu.memory_space<hbm>>
      tpu.enqueue_indirect_dma source(%dma_start3A_339 : memref<10000x128xf32, #tpu.memory_space<hbm>>) target(%arg13 : memref<128x128xf32, #tpu.memory_space<vmem>>) offsets(%arg9 : memref<128xi32, #tpu.memory_space<vmem>>) semaphore(%arg16 : memref<!tpu.dma_semaphore, #tpu.memory_space<semaphore_mem>>)
      %dma_wait3A_340 = arith.constant 0 : i32
      %dma_wait3A_341 = arith.constant 0 : i32
      %dma_wait3A_342 = tpu.memref_slice %arg2[%dma_wait3A_340, %dma_wait3A_341] : memref<10000x128xf32, #tpu.memory_space<hbm>> -> memref<10000x128xf32, #tpu.memory_space<hbm>>
      tpu.wait_indirect_dma semaphore(%arg17 : memref<!tpu.dma_semaphore, #tpu.memory_space<semaphore_mem>>) src(%dma_wait3A_342 : memref<10000x128xf32, #tpu.memory_space<hbm>>) dst(%arg14 : memref<128x128xf32, #tpu.memory_space<vmem>>)
      %get3A_343 = arith.index_cast %while3A_181 : i32 to index
      %get3A_344 = arith.constant 64 : index
      %get3A_345 = tpu.vector_load %arg8[%get3A_343, %get3A_344] {strides = array<i32>} : memref<64x128xi32, #tpu.memory_space<vmem>>, vector<1x16xi32>,
      %get3A_346 = vector.shape_cast %get3A_345 : vector<1x16xi32> to vector<16xi32>
      %and3A_347 = arith.constant 65535 : i32
      %and3A_348 = vector.broadcast %and3A_347 : i32 to vector<16xi32>
      %and3A_349 = arith.andi %get3A_346, %and3A_348 : vector<16xi32>
      %swap3A_350 = arith.constant 0 : index
      %swap3A_351 = tpu.vector_load %arg12[%swap3A_350] {strides = array<i32>} : memref<128xi32, #tpu.memory_space<vmem>>, vector<16xi32>,
      %swap3A_352 = vector.shape_cast %swap3A_351 : vector<16xi32> to vector<16xi32>
      %swap3A_353 = vector.shape_cast %and3A_349 : vector<16xi32> to vector<16xi32>
      tpu.vector_store %arg12[%swap3A_350], %swap3A_353 {strides = array<i32>} : memref<128xi32, #tpu.memory_space<vmem>>, vector<16xi32>,
      %shift_right_logical3A_354 = arith.constant 16 : i32
      %shift_right_logical3A_355 = vector.broadcast %shift_right_logical3A_354 : i32 to vector<16xi32>
      %shift_right_logical3A_356 = arith.shrui %get3A_346, %shift_right_logical3A_355 : vector<16xi32>
      %swap3A_357 = arith.constant 64 : index
      %swap3A_358 = tpu.vector_load %arg12[%swap3A_357] {strides = array<i32>} : memref<128xi32, #tpu.memory_space<vmem>>, vector<16xi32>,
      %swap3A_359 = vector.shape_cast %swap3A_358 : vector<16xi32> to vector<16xi32>
      %swap3A_360 = vector.shape_cast %shift_right_logical3A_356 : vector<16xi32> to vector<16xi32>
      tpu.vector_store %arg12[%swap3A_357], %swap3A_360 {strides = array<i32>} : memref<128xi32, #tpu.memory_space<vmem>>, vector<16xi32>,
      %get3A_361 = arith.index_cast %while3A_181 : i32 to index
      %get3A_362 = arith.constant 80 : index
      %get3A_363 = tpu.vector_load %arg8[%get3A_361, %get3A_362] {strides = array<i32>} : memref<64x128xi32, #tpu.memory_space<vmem>>, vector<1x16xi32>,
      %get3A_364 = vector.shape_cast %get3A_363 : vector<1x16xi32> to vector<16xi32>
      %and3A_365 = arith.constant 65535 : i32
      %and3A_366 = vector.broadcast %and3A_365 : i32 to vector<16xi32>
      %and3A_367 = arith.andi %get3A_364, %and3A_366 : vector<16xi32>
      %swap3A_368 = arith.constant 16 : index
      %swap3A_369 = tpu.vector_load %arg12[%swap3A_368] {strides = array<i32>} : memref<128xi32, #tpu.memory_space<vmem>>, vector<16xi32>,
      %swap3A_370 = vector.shape_cast %swap3A_369 : vector<16xi32> to vector<16xi32>
      %swap3A_371 = vector.shape_cast %and3A_367 : vector<16xi32> to vector<16xi32>
      tpu.vector_store %arg12[%swap3A_368], %swap3A_371 {strides = array<i32>} : memref<128xi32, #tpu.memory_space<vmem>>, vector<16xi32>,
      %shift_right_logical3A_372 = arith.constant 16 : i32
      %shift_right_logical3A_373 = vector.broadcast %shift_right_logical3A_372 : i32 to vector<16xi32>
      %shift_right_logical3A_374 = arith.shrui %get3A_364, %shift_right_logical3A_373 : vector<16xi32>
      %swap3A_375 = arith.constant 80 : index
      %swap3A_376 = tpu.vector_load %arg12[%swap3A_375] {strides = array<i32>} : memref<128xi32, #tpu.memory_space<vmem>>, vector<16xi32>,
      %swap3A_377 = vector.shape_cast %swap3A_376 : vector<16xi32> to vector<16xi32>
      %swap3A_378 = vector.shape_cast %shift_right_logical3A_374 : vector<16xi32> to vector<16xi32>
      tpu.vector_store %arg12[%swap3A_375], %swap3A_378 {strides = array<i32>} : memref<128xi32, #tpu.memory_space<vmem>>, vector<16xi32>,
      %get3A_379 = arith.index_cast %while3A_181 : i32 to index
      %get3A_380 = arith.constant 96 : index
      %get3A_381 = tpu.vector_load %arg8[%get3A_379, %get3A_380] {strides = array<i32>} : memref<64x128xi32, #tpu.memory_space<vmem>>, vector<1x16xi32>,
      %get3A_382 = vector.shape_cast %get3A_381 : vector<1x16xi32> to vector<16xi32>
      %and3A_383 = arith.constant 65535 : i32
      %and3A_384 = vector.broadcast %and3A_383 : i32 to vector<16xi32>
      %and3A_385 = arith.andi %get3A_382, %and3A_384 : vector<16xi32>
      %swap3A_386 = arith.constant 32 : index
      %swap3A_387 = tpu.vector_load %arg12[%swap3A_386] {strides = array<i32>} : memref<128xi32, #tpu.memory_space<vmem>>, vector<16xi32>,
      %swap3A_388 = vector.shape_cast %swap3A_387 : vector<16xi32> to vector<16xi32>
      %swap3A_389 = vector.shape_cast %and3A_385 : vector<16xi32> to vector<16xi32>
      tpu.vector_store %arg12[%swap3A_386], %swap3A_389 {strides = array<i32>} : memref<128xi32, #tpu.memory_space<vmem>>, vector<16xi32>,
      %shift_right_logical3A_390 = arith.constant 16 : i32
      %shift_right_logical3A_391 = vector.broadcast %shift_right_logical3A_390 : i32 to vector<16xi32>
      %shift_right_logical3A_392 = arith.shrui %get3A_382, %shift_right_logical3A_391 : vector<16xi32>
      %swap3A_393 = arith.constant 96 : index
      %swap3A_394 = tpu.vector_load %arg12[%swap3A_393] {strides = array<i32>} : memref<128xi32, #tpu.memory_space<vmem>>, vector<16xi32>,
      %swap3A_395 = vector.shape_cast %swap3A_394 : vector<16xi32> to vector<16xi32>
      %swap3A_396 = vector.shape_cast %shift_right_logical3A_392 : vector<16xi32> to vector<16xi32>
      tpu.vector_store %arg12[%swap3A_393], %swap3A_396 {strides = array<i32>} : memref<128xi32, #tpu.memory_space<vmem>>, vector<16xi32>,
      %get3A_397 = arith.index_cast %while3A_181 : i32 to index
      %get3A_398 = arith.constant 112 : index
      %get3A_399 = tpu.vector_load %arg8[%get3A_397, %get3A_398] {strides = array<i32>} : memref<64x128xi32, #tpu.memory_space<vmem>>, vector<1x16xi32>,
      %get3A_400 = vector.shape_cast %get3A_399 : vector<1x16xi32> to vector<16xi32>
      %and3A_401 = arith.constant 65535 : i32
      %and3A_402 = vector.broadcast %and3A_401 : i32 to vector<16xi32>
      %and3A_403 = arith.andi %get3A_400, %and3A_402 : vector<16xi32>
      %swap3A_404 = arith.constant 48 : index
      %swap3A_405 = tpu.vector_load %arg12[%swap3A_404] {strides = array<i32>} : memref<128xi32, #tpu.memory_space<vmem>>, vector<16xi32>,
      %swap3A_406 = vector.shape_cast %swap3A_405 : vector<16xi32> to vector<16xi32>
      %swap3A_407 = vector.shape_cast %and3A_403 : vector<16xi32> to vector<16xi32>
      tpu.vector_store %arg12[%swap3A_404], %swap3A_407 {strides = array<i32>} : memref<128xi32, #tpu.memory_space<vmem>>, vector<16xi32>,
      %shift_right_logical3A_408 = arith.constant 16 : i32
      %shift_right_logical3A_409 = vector.broadcast %shift_right_logical3A_408 : i32 to vector<16xi32>
      %shift_right_logical3A_410 = arith.shrui %get3A_400, %shift_right_logical3A_409 : vector<16xi32>
      %swap3A_411 = arith.constant 112 : index
      %swap3A_412 = tpu.vector_load %arg12[%swap3A_411] {strides = array<i32>} : memref<128xi32, #tpu.memory_space<vmem>>, vector<16xi32>,
      %swap3A_413 = vector.shape_cast %swap3A_412 : vector<16xi32> to vector<16xi32>
      %swap3A_414 = vector.shape_cast %shift_right_logical3A_410 : vector<16xi32> to vector<16xi32>
      tpu.vector_store %arg12[%swap3A_411], %swap3A_414 {strides = array<i32>} : memref<128xi32, #tpu.memory_space<vmem>>, vector<16xi32>,
      %dma_start3A_415 = arith.constant 0 : i32
      %dma_start3A_416 = arith.constant 0 : i32
      %dma_start3A_417 = tpu.memref_slice %arg15[%dma_start3A_415, %dma_start3A_416] : memref<10112x128xf32, #tpu.memory_space<vmem_shared>> -> memref<10112x128xf32, #tpu.memory_space<vmem_shared>>
      tpu.enqueue_indirect_dma source(%arg14 : memref<128x128xf32, #tpu.memory_space<vmem>>) target(%dma_start3A_417 : memref<10112x128xf32, #tpu.memory_space<vmem_shared>>) offsets(%arg12 : memref<128xi32, #tpu.memory_space<vmem>>) semaphore(%arg19 : memref<!tpu.dma_semaphore, #tpu.memory_space<semaphore_mem>>) {add = true}
      %get3A_418 = arith.index_cast %rem3A : i32 to index
      %get3A_419 = arith.constant 64 : index
      %get3A_420 = tpu.vector_load %arg7[%get3A_418, %get3A_419] {strides = array<i32>} : memref<64x128xi32, #tpu.memory_space<vmem>>, vector<1x16xi32>,
      %get3A_421 = vector.shape_cast %get3A_420 : vector<1x16xi32> to vector<16xi32>
      %and3A_422 = arith.constant 65535 : i32
      %and3A_423 = vector.broadcast %and3A_422 : i32 to vector<16xi32>
      %and3A_424 = arith.andi %get3A_421, %and3A_423 : vector<16xi32>
      %swap3A_425 = arith.constant 0 : index
      %swap3A_426 = tpu.vector_load %arg10[%swap3A_425] {strides = array<i32>} : memref<128xi32, #tpu.memory_space<vmem>>, vector<16xi32>,
      %swap3A_427 = vector.shape_cast %swap3A_426 : vector<16xi32> to vector<16xi32>
      %swap3A_428 = vector.shape_cast %and3A_424 : vector<16xi32> to vector<16xi32>
      tpu.vector_store %arg10[%swap3A_425], %swap3A_428 {strides = array<i32>} : memref<128xi32, #tpu.memory_space<vmem>>, vector<16xi32>,
      %shift_right_logical3A_429 = arith.constant 16 : i32
      %shift_right_logical3A_430 = vector.broadcast %shift_right_logical3A_429 : i32 to vector<16xi32>
      %shift_right_logical3A_431 = arith.shrui %get3A_421, %shift_right_logical3A_430 : vector<16xi32>
      %swap3A_432 = arith.constant 64 : index
      %swap3A_433 = tpu.vector_load %arg10[%swap3A_432] {strides = array<i32>} : memref<128xi32, #tpu.memory_space<vmem>>, vector<16xi32>,
      %swap3A_434 = vector.shape_cast %swap3A_433 : vector<16xi32> to vector<16xi32>
      %swap3A_435 = vector.shape_cast %shift_right_logical3A_431 : vector<16xi32> to vector<16xi32>
      tpu.vector_store %arg10[%swap3A_432], %swap3A_435 {strides = array<i32>} : memref<128xi32, #tpu.memory_space<vmem>>, vector<16xi32>,
      %get3A_436 = arith.index_cast %rem3A : i32 to index
      %get3A_437 = arith.constant 80 : index
      %get3A_438 = tpu.vector_load %arg7[%get3A_436, %get3A_437] {strides = array<i32>} : memref<64x128xi32, #tpu.memory_space<vmem>>, vector<1x16xi32>,
      %get3A_439 = vector.shape_cast %get3A_438 : vector<1x16xi32> to vector<16xi32>
      %and3A_440 = arith.constant 65535 : i32
      %and3A_441 = vector.broadcast %and3A_440 : i32 to vector<16xi32>
      %and3A_442 = arith.andi %get3A_439, %and3A_441 : vector<16xi32>
      %swap3A_443 = arith.constant 16 : index
      %swap3A_444 = tpu.vector_load %arg10[%swap3A_443] {strides = array<i32>} : memref<128xi32, #tpu.memory_space<vmem>>, vector<16xi32>,
      %swap3A_445 = vector.shape_cast %swap3A_444 : vector<16xi32> to vector<16xi32>
      %swap3A_446 = vector.shape_cast %and3A_442 : vector<16xi32> to vector<16xi32>
      tpu.vector_store %arg10[%swap3A_443], %swap3A_446 {strides = array<i32>} : memref<128xi32, #tpu.memory_space<vmem>>, vector<16xi32>,
      %shift_right_logical3A_447 = arith.constant 16 : i32
      %shift_right_logical3A_448 = vector.broadcast %shift_right_logical3A_447 : i32 to vector<16xi32>
      %shift_right_logical3A_449 = arith.shrui %get3A_439, %shift_right_logical3A_448 : vector<16xi32>
      %swap3A_450 = arith.constant 80 : index
      %swap3A_451 = tpu.vector_load %arg10[%swap3A_450] {strides = array<i32>} : memref<128xi32, #tpu.memory_space<vmem>>, vector<16xi32>,
      %swap3A_452 = vector.shape_cast %swap3A_451 : vector<16xi32> to vector<16xi32>
      %swap3A_453 = vector.shape_cast %shift_right_logical3A_449 : vector<16xi32> to vector<16xi32>
      tpu.vector_store %arg10[%swap3A_450], %swap3A_453 {strides = array<i32>} : memref<128xi32, #tpu.memory_space<vmem>>, vector<16xi32>,
      %get3A_454 = arith.index_cast %rem3A : i32 to index
      %get3A_455 = arith.constant 96 : index
      %get3A_456 = tpu.vector_load %arg7[%get3A_454, %get3A_455] {strides = array<i32>} : memref<64x128xi32, #tpu.memory_space<vmem>>, vector<1x16xi32>,
      %get3A_457 = vector.shape_cast %get3A_456 : vector<1x16xi32> to vector<16xi32>
      %and3A_458 = arith.constant 65535 : i32
      %and3A_459 = vector.broadcast %and3A_458 : i32 to vector<16xi32>
      %and3A_460 = arith.andi %get3A_457, %and3A_459 : vector<16xi32>
      %swap3A_461 = arith.constant 32 : index
      %swap3A_462 = tpu.vector_load %arg10[%swap3A_461] {strides = array<i32>} : memref<128xi32, #tpu.memory_space<vmem>>, vector<16xi32>,
      %swap3A_463 = vector.shape_cast %swap3A_462 : vector<16xi32> to vector<16xi32>
      %swap3A_464 = vector.shape_cast %and3A_460 : vector<16xi32> to vector<16xi32>
      tpu.vector_store %arg10[%swap3A_461], %swap3A_464 {strides = array<i32>} : memref<128xi32, #tpu.memory_space<vmem>>, vector<16xi32>,
      %shift_right_logical3A_465 = arith.constant 16 : i32
      %shift_right_logical3A_466 = vector.broadcast %shift_right_logical3A_465 : i32 to vector<16xi32>
      %shift_right_logical3A_467 = arith.shrui %get3A_457, %shift_right_logical3A_466 : vector<16xi32>
      %swap3A_468 = arith.constant 96 : index
      %swap3A_469 = tpu.vector_load %arg10[%swap3A_468] {strides = array<i32>} : memref<128xi32, #tpu.memory_space<vmem>>, vector<16xi32>,
      %swap3A_470 = vector.shape_cast %swap3A_469 : vector<16xi32> to vector<16xi32>
      %swap3A_471 = vector.shape_cast %shift_right_logical3A_467 : vector<16xi32> to vector<16xi32>
      tpu.vector_store %arg10[%swap3A_468], %swap3A_471 {strides = array<i32>} : memref<128xi32, #tpu.memory_space<vmem>>, vector<16xi32>,
      %get3A_472 = arith.index_cast %rem3A : i32 to index
      %get3A_473 = arith.constant 112 : index
      %get3A_474 = tpu.vector_load %arg7[%get3A_472, %get3A_473] {strides = array<i32>} : memref<64x128xi32, #tpu.memory_space<vmem>>, vector<1x16xi32>,
      %get3A_475 = vector.shape_cast %get3A_474 : vector<1x16xi32> to vector<16xi32>
      %and3A_476 = arith.constant 65535 : i32
      %and3A_477 = vector.broadcast %and3A_476 : i32 to vector<16xi32>
      %and3A_478 = arith.andi %get3A_475, %and3A_477 : vector<16xi32>
      %swap3A_479 = arith.constant 48 : index
      %swap3A_480 = tpu.vector_load %arg10[%swap3A_479] {strides = array<i32>} : memref<128xi32, #tpu.memory_space<vmem>>, vector<16xi32>,
      %swap3A_481 = vector.shape_cast %swap3A_480 : vector<16xi32> to vector<16xi32>
      %swap3A_482 = vector.shape_cast %and3A_478 : vector<16xi32> to vector<16xi32>
      tpu.vector_store %arg10[%swap3A_479], %swap3A_482 {strides = array<i32>} : memref<128xi32, #tpu.memory_space<vmem>>, vector<16xi32>,
      %shift_right_logical3A_483 = arith.constant 16 : i32
      %shift_right_logical3A_484 = vector.broadcast %shift_right_logical3A_483 : i32 to vector<16xi32>
      %shift_right_logical3A_485 = arith.shrui %get3A_475, %shift_right_logical3A_484 : vector<16xi32>
      %swap3A_486 = arith.constant 112 : index
      %swap3A_487 = tpu.vector_load %arg10[%swap3A_486] {strides = array<i32>} : memref<128xi32, #tpu.memory_space<vmem>>, vector<16xi32>,
      %swap3A_488 = vector.shape_cast %swap3A_487 : vector<16xi32> to vector<16xi32>
      %swap3A_489 = vector.shape_cast %shift_right_logical3A_485 : vector<16xi32> to vector<16xi32>
      tpu.vector_store %arg10[%swap3A_486], %swap3A_489 {strides = array<i32>} : memref<128xi32, #tpu.memory_space<vmem>>, vector<16xi32>,
      %dma_wait3A_490 = arith.constant 0 : i32
      %dma_wait3A_491 = arith.constant 0 : i32
      %dma_wait3A_492 = tpu.memref_slice %arg15[%dma_wait3A_490, %dma_wait3A_491] : memref<10112x128xf32, #tpu.memory_space<vmem_shared>> -> memref<10112x128xf32, #tpu.memory_space<vmem_shared>>
      tpu.wait_indirect_dma semaphore(%arg19 : memref<!tpu.dma_semaphore, #tpu.memory_space<semaphore_mem>>) src(%arg14 : memref<128x128xf32, #tpu.memory_space<vmem>>) dst(%dma_wait3A_492 : memref<10112x128xf32, #tpu.memory_space<vmem_shared>>)
      %dma_start3A_493 = arith.constant 0 : i32
      %dma_start3A_494 = arith.constant 0 : i32
      %dma_start3A_495 = tpu.memref_slice %arg2[%dma_start3A_493, %dma_start3A_494] : memref<10000x128xf32, #tpu.memory_space<hbm>> -> memref<10000x128xf32, #tpu.memory_space<hbm>>
      tpu.enqueue_indirect_dma source(%dma_start3A_495 : memref<10000x128xf32, #tpu.memory_space<hbm>>) target(%arg14 : memref<128x128xf32, #tpu.memory_space<vmem>>) offsets(%arg10 : memref<128xi32, #tpu.memory_space<vmem>>) semaphore(%arg17 : memref<!tpu.dma_semaphore, #tpu.memory_space<semaphore_mem>>)
    }
    %dma_wait3A = arith.constant 0 : i32
    %dma_wait3A_171 = arith.constant 0 : i32
    %dma_wait3A_172 = tpu.memref_slice %arg2[%dma_wait3A, %dma_wait3A_171] : memref<10000x128xf32, #tpu.memory_space<hbm>> -> memref<10000x128xf32, #tpu.memory_space<hbm>>
    tpu.wait_indirect_dma semaphore(%arg16 : memref<!tpu.dma_semaphore, #tpu.memory_space<semaphore_mem>>) src(%dma_wait3A_172 : memref<10000x128xf32, #tpu.memory_space<hbm>>) dst(%arg13 : memref<128x128xf32, #tpu.memory_space<vmem>>)
    %dma_wait3A_173 = arith.constant 0 : i32
    %dma_wait3A_174 = arith.constant 0 : i32
    %dma_wait3A_175 = tpu.memref_slice %arg2[%dma_wait3A_173, %dma_wait3A_174] : memref<10000x128xf32, #tpu.memory_space<hbm>> -> memref<10000x128xf32, #tpu.memory_space<hbm>>
    tpu.wait_indirect_dma semaphore(%arg17 : memref<!tpu.dma_semaphore, #tpu.memory_space<semaphore_mem>>) src(%dma_wait3A_175 : memref<10000x128xf32, #tpu.memory_space<hbm>>) dst(%arg14 : memref<128x128xf32, #tpu.memory_space<vmem>>)
    %barrier3A_176 = arith.constant 0 : index
    tpu.barrier barrier_id(%barrier3A_176)
    %mul3A_177 = arith.constant 632 : i32
    %mul3A_178 = arith.muli %arg1, %mul3A_177 : i32
    %mul3A_179 = arith.constant 632 : i32
    %mul3A_180 = arith.muli %arg1, %mul3A_179 : i32
    "tpu.region"() ({
      %run_scoped3A = tpu.sem_alloc : memref<!tpu.dma_semaphore, #tpu.memory_space<semaphore_mem>>
      %dma_start3A_181 = arith.constant 0 : i32
      %dma_start3A_182 = tpu.memref_slice %arg6[%arg0, %mul3A_180, %dma_start3A_181] : memref<2x10112x128xf32, #tpu.memory_space<hbm>> -> memref<1x632x128xf32, #tpu.memory_space<hbm>>
      %dma_start3A_183 = tpu.memref_squeeze %dma_start3A_182 : memref<1x632x128xf32, #tpu.memory_space<hbm>> -> memref<632x128xf32, #tpu.memory_space<hbm>>
      %dma_start3A_184 = arith.constant 0 : i32
      %dma_start3A_185 = tpu.memref_slice %arg15[%mul3A_178, %dma_start3A_184] : memref<10112x128xf32, #tpu.memory_space<vmem_shared>> -> memref<632x128xf32, #tpu.memory_space<vmem_shared>>
      tpu.enqueue_dma source(%dma_start3A_185 : memref<632x128xf32, #tpu.memory_space<vmem_shared>>) target(%dma_start3A_183 : memref<632x128xf32, #tpu.memory_space<hbm>>) target_semaphore(%run_scoped3A : memref<!tpu.dma_semaphore, #tpu.memory_space<semaphore_mem>>)
      %dma_wait3A_186 = arith.constant 0 : i32
      %dma_wait3A_187 = tpu.memref_slice %arg6[%arg0, %mul3A_180, %dma_wait3A_186] : memref<2x10112x128xf32, #tpu.memory_space<hbm>> -> memref<1x632x128xf32, #tpu.memory_space<hbm>>
      %dma_wait3A_188 = tpu.memref_squeeze %dma_wait3A_187 : memref<1x632x128xf32, #tpu.memory_space<hbm>> -> memref<632x128xf32, #tpu.memory_space<hbm>>
      %dma_wait3A_189 = arith.constant 0 : i32
      %dma_wait3A_190 = tpu.memref_slice %arg15[%mul3A_178, %dma_wait3A_189] : memref<10112x128xf32, #tpu.memory_space<vmem_shared>> -> memref<632x128xf32, #tpu.memory_space<vmem_shared>>
      tpu.wait_dma2 semaphore(%run_scoped3A : memref<!tpu.dma_semaphore, #tpu.memory_space<semaphore_mem>>) src(%dma_wait3A_190 : memref<632x128xf32, #tpu.memory_space<vmem_shared>>) dst(%dma_wait3A_188 : memref<632x128xf32, #tpu.memory_space<hbm>>)
      tpu.yield
    }) : () -> ()
    return
  }
}

#map = affine_map<(d0, d1) -> (0, 0)>
#map1 = affine_map<(d0, d1) -> (0, 0, 0)>
module attributes {stable_mosaic.version = 14 : i64} {
  func.func @_sc_segsum(%arg0: i32, %arg1: i32, %arg2: memref<10000x128xf32, #tpu.memory_space<hbm>>, %arg3: memref<2048x128xi32, #tpu.memory_space<hbm>>, %arg4: memref<2048x128xi32, #tpu.memory_space<hbm>>, %arg5: memref<632x128xf32, #tpu.memory_space<hbm>>, %arg6: memref<2x10112x128xf32, #tpu.memory_space<hbm>>, %arg7: memref<64x128xi32, #tpu.memory_space<vmem>>, %arg8: memref<64x128xi32, #tpu.memory_space<vmem>>, %arg9: memref<128xi32, #tpu.memory_space<vmem>>, %arg10: memref<128xi32, #tpu.memory_space<vmem>>, %arg11: memref<128xi32, #tpu.memory_space<vmem>>, %arg12: memref<128xi32, #tpu.memory_space<vmem>>, %arg13: memref<128x128xf32, #tpu.memory_space<vmem>>, %arg14: memref<128x128xf32, #tpu.memory_space<vmem>>, %arg15: memref<10112x128xf32, #tpu.memory_space<vmem_shared>>, %arg16: memref<!tpu.dma_semaphore, #tpu.memory_space<semaphore_mem>>, %arg17: memref<!tpu.dma_semaphore, #tpu.memory_space<semaphore_mem>>, %arg18: memref<!tpu.dma_semaphore, #tpu.memory_space<semaphore_mem>>, %arg19: memref<!tpu.dma_semaphore, #tpu.memory_space<semaphore_mem>>) attributes {dimension_semantics = [#tpu.dimension_semantics<core_parallel>, #tpu.dimension_semantics<subcore_parallel>], iteration_bounds = array<i64: 2, 16>, scalar_prefetch = 0 : i64, scratch_operands = 13 : i64, tpu.core_type = #tpu.core_type<sc_vector_subcore>, window_params = [{transform_indices = #map}, {transform_indices = #map}, {transform_indices = #map}, {transform_indices = #map}, {transform_indices = #map1}]} {
    %mul3A = arith.constant 2 : i32
    %mul3A_0 = arith.muli %arg1, %mul3A : i32
    %add3A = arith.addi %mul3A_0, %arg0 : i32
    %eq3A = arith.constant 0 : i32
    %eq3A_1 = arith.cmpi eq, %arg0, %eq3A : i32
    %jit3A = arith.constant 58 : i32
    %jit3A_2 = arith.constant 21 : i32
    %select_n3A = arith.select %eq3A_1, %jit3A, %jit3A_2 : i32
    %mul3A_3 = arith.constant 632 : i32
    %mul3A_4 = arith.muli %arg1, %mul3A_3 : i32
    "tpu.region"() ({
      %run_scoped3A = tpu.sem_alloc : memref<!tpu.dma_semaphore, #tpu.memory_space<semaphore_mem>>
      %dma_start3A_181 = arith.constant 0 : i32
      %dma_start3A_182 = tpu.memref_slice %arg15[%mul3A_4, %dma_start3A_181] : memref<10112x128xf32, #tpu.memory_space<vmem_shared>> -> memref<632x128xf32, #tpu.memory_space<vmem_shared>>
      tpu.enqueue_dma source(%arg5 : memref<632x128xf32, #tpu.memory_space<hbm>>) target(%dma_start3A_182 : memref<632x128xf32, #tpu.memory_space<vmem_shared>>) target_semaphore(%run_scoped3A : memref<!tpu.dma_semaphore, #tpu.memory_space<semaphore_mem>>)
      %dma_wait3A_183 = arith.constant 0 : i32
      %dma_wait3A_184 = tpu.memref_slice %arg15[%mul3A_4, %dma_wait3A_183] : memref<10112x128xf32, #tpu.memory_space<vmem_shared>> -> memref<632x128xf32, #tpu.memory_space<vmem_shared>>
      tpu.wait_dma2 semaphore(%run_scoped3A : memref<!tpu.dma_semaphore, #tpu.memory_space<semaphore_mem>>) src(%arg5 : memref<632x128xf32, #tpu.memory_space<hbm>>) dst(%dma_wait3A_184 : memref<632x128xf32, #tpu.memory_space<vmem_shared>>)
      tpu.yield
    }) : () -> ()
    %mul3A_5 = arith.constant 64 : i32
    %mul3A_6 = arith.muli %add3A, %mul3A_5 : i32
    "tpu.region"() ({
      %run_scoped3A = tpu.sem_alloc : memref<!tpu.dma_semaphore, #tpu.memory_space<semaphore_mem>>
      %dma_start3A_181 = arith.constant 0 : i32
      %dma_start3A_182 = tpu.memref_slice %arg3[%mul3A_6, %dma_start3A_181] : memref<2048x128xi32, #tpu.memory_space<hbm>> -> memref<64x128xi32, #tpu.memory_space<hbm>>
      %dma_start3A_183 = arith.constant 0 : i32
      %dma_start3A_184 = tpu.memref_slice %arg3[%mul3A_6, %dma_start3A_183] : memref<2048x128xi32, #tpu.memory_space<hbm>> -> memref<64x128xi32, #tpu.memory_space<hbm>>
      tpu.enqueue_dma source(%dma_start3A_184 : memref<64x128xi32, #tpu.memory_space<hbm>>) target(%arg7 : memref<64x128xi32, #tpu.memory_space<vmem>>) target_semaphore(%run_scoped3A : memref<!tpu.dma_semaphore, #tpu.memory_space<semaphore_mem>>)
      %dma_wait3A_185 = arith.constant 0 : i32
      %dma_wait3A_186 = tpu.memref_slice %arg3[%mul3A_6, %dma_wait3A_185] : memref<2048x128xi32, #tpu.memory_space<hbm>> -> memref<64x128xi32, #tpu.memory_space<hbm>>
      %dma_wait3A_187 = arith.constant 0 : i32
      %dma_wait3A_188 = tpu.memref_slice %arg3[%mul3A_6, %dma_wait3A_187] : memref<2048x128xi32, #tpu.memory_space<hbm>> -> memref<64x128xi32, #tpu.memory_space<hbm>>
      tpu.wait_dma2 semaphore(%run_scoped3A : memref<!tpu.dma_semaphore, #tpu.memory_space<semaphore_mem>>) src(%dma_wait3A_188 : memref<64x128xi32, #tpu.memory_space<hbm>>) dst(%arg7 : memref<64x128xi32, #tpu.memory_space<vmem>>)
      tpu.yield
    }) : () -> ()
    %mul3A_7 = arith.constant 64 : i32
    %mul3A_8 = arith.muli %add3A, %mul3A_7 : i32
    "tpu.region"() ({
      %run_scoped3A = tpu.sem_alloc : memref<!tpu.dma_semaphore, #tpu.memory_space<semaphore_mem>>
      %dma_start3A_181 = arith.constant 0 : i32
      %dma_start3A_182 = tpu.memref_slice %arg4[%mul3A_8, %dma_start3A_181] : memref<2048x128xi32, #tpu.memory_space<hbm>> -> memref<64x128xi32, #tpu.memory_space<hbm>>
      %dma_start3A_183 = arith.constant 0 : i32
      %dma_start3A_184 = tpu.memref_slice %arg4[%mul3A_8, %dma_start3A_183] : memref<2048x128xi32, #tpu.memory_space<hbm>> -> memref<64x128xi32, #tpu.memory_space<hbm>>
      tpu.enqueue_dma source(%dma_start3A_184 : memref<64x128xi32, #tpu.memory_space<hbm>>) target(%arg8 : memref<64x128xi32, #tpu.memory_space<vmem>>) target_semaphore(%run_scoped3A : memref<!tpu.dma_semaphore, #tpu.memory_space<semaphore_mem>>)
      %dma_wait3A_185 = arith.constant 0 : i32
      %dma_wait3A_186 = tpu.memref_slice %arg4[%mul3A_8, %dma_wait3A_185] : memref<2048x128xi32, #tpu.memory_space<hbm>> -> memref<64x128xi32, #tpu.memory_space<hbm>>
      %dma_wait3A_187 = arith.constant 0 : i32
      %dma_wait3A_188 = tpu.memref_slice %arg4[%mul3A_8, %dma_wait3A_187] : memref<2048x128xi32, #tpu.memory_space<hbm>> -> memref<64x128xi32, #tpu.memory_space<hbm>>
      tpu.wait_dma2 semaphore(%run_scoped3A : memref<!tpu.dma_semaphore, #tpu.memory_space<semaphore_mem>>) src(%dma_wait3A_188 : memref<64x128xi32, #tpu.memory_space<hbm>>) dst(%arg8 : memref<64x128xi32, #tpu.memory_space<vmem>>)
      tpu.yield
    }) : () -> ()
    %barrier3A = arith.constant 0 : index
    tpu.barrier barrier_id(%barrier3A)
    %get3A = arith.constant 0 : i32
    %get3A_9 = arith.index_cast %get3A : i32 to index
    %get3A_10 = arith.constant 0 : index
    %get3A_11 = tpu.vector_load %arg7[%get3A_9, %get3A_10] {strides = array<i32>} : memref<64x128xi32, #tpu.memory_space<vmem>>, vector<1x16xi32>,
    %get3A_12 = vector.shape_cast %get3A_11 : vector<1x16xi32> to vector<16xi32>
    %and3A = arith.constant 65535 : i32
    %and3A_13 = vector.broadcast %and3A : i32 to vector<16xi32>
    %and3A_14 = arith.andi %get3A_12, %and3A_13 : vector<16xi32>
    %swap3A = arith.constant 0 : index
    %swap3A_15 = tpu.vector_load %arg9[%swap3A] {strides = array<i32>} : memref<128xi32, #tpu.memory_space<vmem>>, vector<16xi32>,
    %swap3A_16 = vector.shape_cast %swap3A_15 : vector<16xi32> to vector<16xi32>
    %swap3A_17 = vector.shape_cast %and3A_14 : vector<16xi32> to vector<16xi32>
    tpu.vector_store %arg9[%swap3A], %swap3A_17 {strides = array<i32>} : memref<128xi32, #tpu.memory_space<vmem>>, vector<16xi32>,
    %shift_right_logical3A = arith.constant 16 : i32
    %shift_right_logical3A_18 = vector.broadcast %shift_right_logical3A : i32 to vector<16xi32>
    %shift_right_logical3A_19 = arith.shrui %get3A_12, %shift_right_logical3A_18 : vector<16xi32>
    %swap3A_20 = arith.constant 64 : index
    %swap3A_21 = tpu.vector_load %arg9[%swap3A_20] {strides = array<i32>} : memref<128xi32, #tpu.memory_space<vmem>>, vector<16xi32>,
    %swap3A_22 = vector.shape_cast %swap3A_21 : vector<16xi32> to vector<16xi32>
    %swap3A_23 = vector.shape_cast %shift_right_logical3A_19 : vector<16xi32> to vector<16xi32>
    tpu.vector_store %arg9[%swap3A_20], %swap3A_23 {strides = array<i32>} : memref<128xi32, #tpu.memory_space<vmem>>, vector<16xi32>,
    %get3A_24 = arith.constant 0 : i32
    %get3A_25 = arith.index_cast %get3A_24 : i32 to index
    %get3A_26 = arith.constant 16 : index
    %get3A_27 = tpu.vector_load %arg7[%get3A_25, %get3A_26] {strides = array<i32>} : memref<64x128xi32, #tpu.memory_space<vmem>>, vector<1x16xi32>,
    %get3A_28 = vector.shape_cast %get3A_27 : vector<1x16xi32> to vector<16xi32>
    %and3A_29 = arith.constant 65535 : i32
    %and3A_30 = vector.broadcast %and3A_29 : i32 to vector<16xi32>
    %and3A_31 = arith.andi %get3A_28, %and3A_30 : vector<16xi32>
    %swap3A_32 = arith.constant 16 : index
    %swap3A_33 = tpu.vector_load %arg9[%swap3A_32] {strides = array<i32>} : memref<128xi32, #tpu.memory_space<vmem>>, vector<16xi32>,
    %swap3A_34 = vector.shape_cast %swap3A_33 : vector<16xi32> to vector<16xi32>
    %swap3A_35 = vector.shape_cast %and3A_31 : vector<16xi32> to vector<16xi32>
    tpu.vector_store %arg9[%swap3A_32], %swap3A_35 {strides = array<i32>} : memref<128xi32, #tpu.memory_space<vmem>>, vector<16xi32>,
    %shift_right_logical3A_36 = arith.constant 16 : i32
    %shift_right_logical3A_37 = vector.broadcast %shift_right_logical3A_36 : i32 to vector<16xi32>
    %shift_right_logical3A_38 = arith.shrui %get3A_28, %shift_right_logical3A_37 : vector<16xi32>
    %swap3A_39 = arith.constant 80 : index
    %swap3A_40 = tpu.vector_load %arg9[%swap3A_39] {strides = array<i32>} : memref<128xi32, #tpu.memory_space<vmem>>, vector<16xi32>,
    %swap3A_41 = vector.shape_cast %swap3A_40 : vector<16xi32> to vector<16xi32>
    %swap3A_42 = vector.shape_cast %shift_right_logical3A_38 : vector<16xi32> to vector<16xi32>
    tpu.vector_store %arg9[%swap3A_39], %swap3A_42 {strides = array<i32>} : memref<128xi32, #tpu.memory_space<vmem>>, vector<16xi32>,
    %get3A_43 = arith.constant 0 : i32
    %get3A_44 = arith.index_cast %get3A_43 : i32 to index
    %get3A_45 = arith.constant 32 : index
    %get3A_46 = tpu.vector_load %arg7[%get3A_44, %get3A_45] {strides = array<i32>} : memref<64x128xi32, #tpu.memory_space<vmem>>, vector<1x16xi32>,
    %get3A_47 = vector.shape_cast %get3A_46 : vector<1x16xi32> to vector<16xi32>
    %and3A_48 = arith.constant 65535 : i32
    %and3A_49 = vector.broadcast %and3A_48 : i32 to vector<16xi32>
    %and3A_50 = arith.andi %get3A_47, %and3A_49 : vector<16xi32>
    %swap3A_51 = arith.constant 32 : index
    %swap3A_52 = tpu.vector_load %arg9[%swap3A_51] {strides = array<i32>} : memref<128xi32, #tpu.memory_space<vmem>>, vector<16xi32>,
    %swap3A_53 = vector.shape_cast %swap3A_52 : vector<16xi32> to vector<16xi32>
    %swap3A_54 = vector.shape_cast %and3A_50 : vector<16xi32> to vector<16xi32>
    tpu.vector_store %arg9[%swap3A_51], %swap3A_54 {strides = array<i32>} : memref<128xi32, #tpu.memory_space<vmem>>, vector<16xi32>,
    %shift_right_logical3A_55 = arith.constant 16 : i32
    %shift_right_logical3A_56 = vector.broadcast %shift_right_logical3A_55 : i32 to vector<16xi32>
    %shift_right_logical3A_57 = arith.shrui %get3A_47, %shift_right_logical3A_56 : vector<16xi32>
    %swap3A_58 = arith.constant 96 : index
    %swap3A_59 = tpu.vector_load %arg9[%swap3A_58] {strides = array<i32>} : memref<128xi32, #tpu.memory_space<vmem>>, vector<16xi32>,
    %swap3A_60 = vector.shape_cast %swap3A_59 : vector<16xi32> to vector<16xi32>
    %swap3A_61 = vector.shape_cast %shift_right_logical3A_57 : vector<16xi32> to vector<16xi32>
    tpu.vector_store %arg9[%swap3A_58], %swap3A_61 {strides = array<i32>} : memref<128xi32, #tpu.memory_space<vmem>>, vector<16xi32>,
    %get3A_62 = arith.constant 0 : i32
    %get3A_63 = arith.index_cast %get3A_62 : i32 to index
    %get3A_64 = arith.constant 48 : index
    %get3A_65 = tpu.vector_load %arg7[%get3A_63, %get3A_64] {strides = array<i32>} : memref<64x128xi32, #tpu.memory_space<vmem>>, vector<1x16xi32>,
    %get3A_66 = vector.shape_cast %get3A_65 : vector<1x16xi32> to vector<16xi32>
    %and3A_67 = arith.constant 65535 : i32
    %and3A_68 = vector.broadcast %and3A_67 : i32 to vector<16xi32>
    %and3A_69 = arith.andi %get3A_66, %and3A_68 : vector<16xi32>
    %swap3A_70 = arith.constant 48 : index
    %swap3A_71 = tpu.vector_load %arg9[%swap3A_70] {strides = array<i32>} : memref<128xi32, #tpu.memory_space<vmem>>, vector<16xi32>,
    %swap3A_72 = vector.shape_cast %swap3A_71 : vector<16xi32> to vector<16xi32>
    %swap3A_73 = vector.shape_cast %and3A_69 : vector<16xi32> to vector<16xi32>
    tpu.vector_store %arg9[%swap3A_70], %swap3A_73 {strides = array<i32>} : memref<128xi32, #tpu.memory_space<vmem>>, vector<16xi32>,
    %shift_right_logical3A_74 = arith.constant 16 : i32
    %shift_right_logical3A_75 = vector.broadcast %shift_right_logical3A_74 : i32 to vector<16xi32>
    %shift_right_logical3A_76 = arith.shrui %get3A_66, %shift_right_logical3A_75 : vector<16xi32>
    %swap3A_77 = arith.constant 112 : index
    %swap3A_78 = tpu.vector_load %arg9[%swap3A_77] {strides = array<i32>} : memref<128xi32, #tpu.memory_space<vmem>>, vector<16xi32>,
    %swap3A_79 = vector.shape_cast %swap3A_78 : vector<16xi32> to vector<16xi32>
    %swap3A_80 = vector.shape_cast %shift_right_logical3A_76 : vector<16xi32> to vector<16xi32>
    tpu.vector_store %arg9[%swap3A_77], %swap3A_80 {strides = array<i32>} : memref<128xi32, #tpu.memory_space<vmem>>, vector<16xi32>,
    %dma_start3A = arith.constant 0 : i32
    %dma_start3A_81 = arith.constant 0 : i32
    %dma_start3A_82 = tpu.memref_slice %arg2[%dma_start3A, %dma_start3A_81] : memref<10000x128xf32, #tpu.memory_space<hbm>> -> memref<10000x128xf32, #tpu.memory_space<hbm>>
    tpu.enqueue_indirect_dma source(%dma_start3A_82 : memref<10000x128xf32, #tpu.memory_space<hbm>>) target(%arg13 : memref<128x128xf32, #tpu.memory_space<vmem>>) offsets(%arg9 : memref<128xi32, #tpu.memory_space<vmem>>) semaphore(%arg16 : memref<!tpu.dma_semaphore, #tpu.memory_space<semaphore_mem>>)
    %get3A_83 = arith.constant 0 : i32
    %get3A_84 = arith.index_cast %get3A_83 : i32 to index
    %get3A_85 = arith.constant 64 : index
    %get3A_86 = tpu.vector_load %arg7[%get3A_84, %get3A_85] {strides = array<i32>} : memref<64x128xi32, #tpu.memory_space<vmem>>, vector<1x16xi32>,
    %get3A_87 = vector.shape_cast %get3A_86 : vector<1x16xi32> to vector<16xi32>
    %and3A_88 = arith.constant 65535 : i32
    %and3A_89 = vector.broadcast %and3A_88 : i32 to vector<16xi32>
    %and3A_90 = arith.andi %get3A_87, %and3A_89 : vector<16xi32>
    %swap3A_91 = arith.constant 0 : index
    %swap3A_92 = tpu.vector_load %arg10[%swap3A_91] {strides = array<i32>} : memref<128xi32, #tpu.memory_space<vmem>>, vector<16xi32>,
    %swap3A_93 = vector.shape_cast %swap3A_92 : vector<16xi32> to vector<16xi32>
    %swap3A_94 = vector.shape_cast %and3A_90 : vector<16xi32> to vector<16xi32>
    tpu.vector_store %arg10[%swap3A_91], %swap3A_94 {strides = array<i32>} : memref<128xi32, #tpu.memory_space<vmem>>, vector<16xi32>,
    %shift_right_logical3A_95 = arith.constant 16 : i32
    %shift_right_logical3A_96 = vector.broadcast %shift_right_logical3A_95 : i32 to vector<16xi32>
    %shift_right_logical3A_97 = arith.shrui %get3A_87, %shift_right_logical3A_96 : vector<16xi32>
    %swap3A_98 = arith.constant 64 : index
    %swap3A_99 = tpu.vector_load %arg10[%swap3A_98] {strides = array<i32>} : memref<128xi32, #tpu.memory_space<vmem>>, vector<16xi32>,
    %swap3A_100 = vector.shape_cast %swap3A_99 : vector<16xi32> to vector<16xi32>
    %swap3A_101 = vector.shape_cast %shift_right_logical3A_97 : vector<16xi32> to vector<16xi32>
    tpu.vector_store %arg10[%swap3A_98], %swap3A_101 {strides = array<i32>} : memref<128xi32, #tpu.memory_space<vmem>>, vector<16xi32>,
    %get3A_102 = arith.constant 0 : i32
    %get3A_103 = arith.index_cast %get3A_102 : i32 to index
    %get3A_104 = arith.constant 80 : index
    %get3A_105 = tpu.vector_load %arg7[%get3A_103, %get3A_104] {strides = array<i32>} : memref<64x128xi32, #tpu.memory_space<vmem>>, vector<1x16xi32>,
    %get3A_106 = vector.shape_cast %get3A_105 : vector<1x16xi32> to vector<16xi32>
    %and3A_107 = arith.constant 65535 : i32
    %and3A_108 = vector.broadcast %and3A_107 : i32 to vector<16xi32>
    %and3A_109 = arith.andi %get3A_106, %and3A_108 : vector<16xi32>
    %swap3A_110 = arith.constant 16 : index
    %swap3A_111 = tpu.vector_load %arg10[%swap3A_110] {strides = array<i32>} : memref<128xi32, #tpu.memory_space<vmem>>, vector<16xi32>,
    %swap3A_112 = vector.shape_cast %swap3A_111 : vector<16xi32> to vector<16xi32>
    %swap3A_113 = vector.shape_cast %and3A_109 : vector<16xi32> to vector<16xi32>
    tpu.vector_store %arg10[%swap3A_110], %swap3A_113 {strides = array<i32>} : memref<128xi32, #tpu.memory_space<vmem>>, vector<16xi32>,
    %shift_right_logical3A_114 = arith.constant 16 : i32
    %shift_right_logical3A_115 = vector.broadcast %shift_right_logical3A_114 : i32 to vector<16xi32>
    %shift_right_logical3A_116 = arith.shrui %get3A_106, %shift_right_logical3A_115 : vector<16xi32>
    %swap3A_117 = arith.constant 80 : index
    %swap3A_118 = tpu.vector_load %arg10[%swap3A_117] {strides = array<i32>} : memref<128xi32, #tpu.memory_space<vmem>>, vector<16xi32>,
    %swap3A_119 = vector.shape_cast %swap3A_118 : vector<16xi32> to vector<16xi32>
    %swap3A_120 = vector.shape_cast %shift_right_logical3A_116 : vector<16xi32> to vector<16xi32>
    tpu.vector_store %arg10[%swap3A_117], %swap3A_120 {strides = array<i32>} : memref<128xi32, #tpu.memory_space<vmem>>, vector<16xi32>,
    %get3A_121 = arith.constant 0 : i32
    %get3A_122 = arith.index_cast %get3A_121 : i32 to index
    %get3A_123 = arith.constant 96 : index
    %get3A_124 = tpu.vector_load %arg7[%get3A_122, %get3A_123] {strides = array<i32>} : memref<64x128xi32, #tpu.memory_space<vmem>>, vector<1x16xi32>,
    %get3A_125 = vector.shape_cast %get3A_124 : vector<1x16xi32> to vector<16xi32>
    %and3A_126 = arith.constant 65535 : i32
    %and3A_127 = vector.broadcast %and3A_126 : i32 to vector<16xi32>
    %and3A_128 = arith.andi %get3A_125, %and3A_127 : vector<16xi32>
    %swap3A_129 = arith.constant 32 : index
    %swap3A_130 = tpu.vector_load %arg10[%swap3A_129] {strides = array<i32>} : memref<128xi32, #tpu.memory_space<vmem>>, vector<16xi32>,
    %swap3A_131 = vector.shape_cast %swap3A_130 : vector<16xi32> to vector<16xi32>
    %swap3A_132 = vector.shape_cast %and3A_128 : vector<16xi32> to vector<16xi32>
    tpu.vector_store %arg10[%swap3A_129], %swap3A_132 {strides = array<i32>} : memref<128xi32, #tpu.memory_space<vmem>>, vector<16xi32>,
    %shift_right_logical3A_133 = arith.constant 16 : i32
    %shift_right_logical3A_134 = vector.broadcast %shift_right_logical3A_133 : i32 to vector<16xi32>
    %shift_right_logical3A_135 = arith.shrui %get3A_125, %shift_right_logical3A_134 : vector<16xi32>
    %swap3A_136 = arith.constant 96 : index
    %swap3A_137 = tpu.vector_load %arg10[%swap3A_136] {strides = array<i32>} : memref<128xi32, #tpu.memory_space<vmem>>, vector<16xi32>,
    %swap3A_138 = vector.shape_cast %swap3A_137 : vector<16xi32> to vector<16xi32>
    %swap3A_139 = vector.shape_cast %shift_right_logical3A_135 : vector<16xi32> to vector<16xi32>
    tpu.vector_store %arg10[%swap3A_136], %swap3A_139 {strides = array<i32>} : memref<128xi32, #tpu.memory_space<vmem>>, vector<16xi32>,
    %get3A_140 = arith.constant 0 : i32
    %get3A_141 = arith.index_cast %get3A_140 : i32 to index
    %get3A_142 = arith.constant 112 : index
    %get3A_143 = tpu.vector_load %arg7[%get3A_141, %get3A_142] {strides = array<i32>} : memref<64x128xi32, #tpu.memory_space<vmem>>, vector<1x16xi32>,
    %get3A_144 = vector.shape_cast %get3A_143 : vector<1x16xi32> to vector<16xi32>
    %and3A_145 = arith.constant 65535 : i32
    %and3A_146 = vector.broadcast %and3A_145 : i32 to vector<16xi32>
    %and3A_147 = arith.andi %get3A_144, %and3A_146 : vector<16xi32>
    %swap3A_148 = arith.constant 48 : index
    %swap3A_149 = tpu.vector_load %arg10[%swap3A_148] {strides = array<i32>} : memref<128xi32, #tpu.memory_space<vmem>>, vector<16xi32>,
    %swap3A_150 = vector.shape_cast %swap3A_149 : vector<16xi32> to vector<16xi32>
    %swap3A_151 = vector.shape_cast %and3A_147 : vector<16xi32> to vector<16xi32>
    tpu.vector_store %arg10[%swap3A_148], %swap3A_151 {strides = array<i32>} : memref<128xi32, #tpu.memory_space<vmem>>, vector<16xi32>,
    %shift_right_logical3A_152 = arith.constant 16 : i32
    %shift_right_logical3A_153 = vector.broadcast %shift_right_logical3A_152 : i32 to vector<16xi32>
    %shift_right_logical3A_154 = arith.shrui %get3A_144, %shift_right_logical3A_153 : vector<16xi32>
    %swap3A_155 = arith.constant 112 : index
    %swap3A_156 = tpu.vector_load %arg10[%swap3A_155] {strides = array<i32>} : memref<128xi32, #tpu.memory_space<vmem>>, vector<16xi32>,
    %swap3A_157 = vector.shape_cast %swap3A_156 : vector<16xi32> to vector<16xi32>
    %swap3A_158 = vector.shape_cast %shift_right_logical3A_154 : vector<16xi32> to vector<16xi32>
    tpu.vector_store %arg10[%swap3A_155], %swap3A_158 {strides = array<i32>} : memref<128xi32, #tpu.memory_space<vmem>>, vector<16xi32>,
    %dma_start3A_159 = arith.constant 0 : i32
    %dma_start3A_160 = arith.constant 0 : i32
    %dma_start3A_161 = tpu.memref_slice %arg2[%dma_start3A_159, %dma_start3A_160] : memref<10000x128xf32, #tpu.memory_space<hbm>> -> memref<10000x128xf32, #tpu.memory_space<hbm>>
    tpu.enqueue_indirect_dma source(%dma_start3A_161 : memref<10000x128xf32, #tpu.memory_space<hbm>>) target(%arg14 : memref<128x128xf32, #tpu.memory_space<vmem>>) offsets(%arg10 : memref<128xi32, #tpu.memory_space<vmem>>) semaphore(%arg17 : memref<!tpu.dma_semaphore, #tpu.memory_space<semaphore_mem>>)
    %while3A = arith.constant 0 : i32
    %while3A_162 = arith.constant 0 : i32
    %while3A_163 = arith.subi %select_n3A, %while3A_162 : i32
    %while3A_164 = arith.addi %while3A_162, %while3A_163 : i32
    %while3A_165 = arith.constant 1 : i32
    %while3A_166 = arith.divsi %while3A_163, %while3A_165 : i32
    %while3A_167 = arith.muli %while3A_166, %while3A_165 : i32
    %while3A_168 = arith.addi %while3A_162, %while3A_167 : i32
    %while3A_169 = arith.constant 1 : i32
    scf.for %while3A_181 = %while3A_162 to %while3A_168 step %while3A_169  : i32 {
      %add3A_182 = arith.constant 1 : i32
      %add3A_183 = arith.addi %while3A_181, %add3A_182 : i32
      %rem3A = arith.remsi %add3A_183, %select_n3A : i32
      %dma_wait3A_184 = arith.constant 0 : i32
      %dma_wait3A_185 = arith.constant 0 : i32
      %dma_wait3A_186 = tpu.memref_slice %arg2[%dma_wait3A_184, %dma_wait3A_185] : memref<10000x128xf32, #tpu.memory_space<hbm>> -> memref<10000x128xf32, #tpu.memory_space<hbm>>
      tpu.wait_indirect_dma semaphore(%arg16 : memref<!tpu.dma_semaphore, #tpu.memory_space<semaphore_mem>>) src(%dma_wait3A_186 : memref<10000x128xf32, #tpu.memory_space<hbm>>) dst(%arg13 : memref<128x128xf32, #tpu.memory_space<vmem>>)
      %get3A_187 = arith.index_cast %while3A_181 : i32 to index
      %get3A_188 = arith.constant 0 : index
      %get3A_189 = tpu.vector_load %arg8[%get3A_187, %get3A_188] {strides = array<i32>} : memref<64x128xi32, #tpu.memory_space<vmem>>, vector<1x16xi32>,
      %get3A_190 = vector.shape_cast %get3A_189 : vector<1x16xi32> to vector<16xi32>
      %and3A_191 = arith.constant 65535 : i32
      %and3A_192 = vector.broadcast %and3A_191 : i32 to vector<16xi32>
      %and3A_193 = arith.andi %get3A_190, %and3A_192 : vector<16xi32>
      %swap3A_194 = arith.constant 0 : index
      %swap3A_195 = tpu.vector_load %arg11[%swap3A_194] {strides = array<i32>} : memref<128xi32, #tpu.memory_space<vmem>>, vector<16xi32>,
      %swap3A_196 = vector.shape_cast %swap3A_195 : vector<16xi32> to vector<16xi32>
      %swap3A_197 = vector.shape_cast %and3A_193 : vector<16xi32> to vector<16xi32>
      tpu.vector_store %arg11[%swap3A_194], %swap3A_197 {strides = array<i32>} : memref<128xi32, #tpu.memory_space<vmem>>, vector<16xi32>,
      %shift_right_logical3A_198 = arith.constant 16 : i32
      %shift_right_logical3A_199 = vector.broadcast %shift_right_logical3A_198 : i32 to vector<16xi32>
      %shift_right_logical3A_200 = arith.shrui %get3A_190, %shift_right_logical3A_199 : vector<16xi32>
      %swap3A_201 = arith.constant 64 : index
      %swap3A_202 = tpu.vector_load %arg11[%swap3A_201] {strides = array<i32>} : memref<128xi32, #tpu.memory_space<vmem>>, vector<16xi32>,
      %swap3A_203 = vector.shape_cast %swap3A_202 : vector<16xi32> to vector<16xi32>
      %swap3A_204 = vector.shape_cast %shift_right_logical3A_200 : vector<16xi32> to vector<16xi32>
      tpu.vector_store %arg11[%swap3A_201], %swap3A_204 {strides = array<i32>} : memref<128xi32, #tpu.memory_space<vmem>>, vector<16xi32>,
      %get3A_205 = arith.index_cast %while3A_181 : i32 to index
      %get3A_206 = arith.constant 16 : index
      %get3A_207 = tpu.vector_load %arg8[%get3A_205, %get3A_206] {strides = array<i32>} : memref<64x128xi32, #tpu.memory_space<vmem>>, vector<1x16xi32>,
      %get3A_208 = vector.shape_cast %get3A_207 : vector<1x16xi32> to vector<16xi32>
      %and3A_209 = arith.constant 65535 : i32
      %and3A_210 = vector.broadcast %and3A_209 : i32 to vector<16xi32>
      %and3A_211 = arith.andi %get3A_208, %and3A_210 : vector<16xi32>
      %swap3A_212 = arith.constant 16 : index
      %swap3A_213 = tpu.vector_load %arg11[%swap3A_212] {strides = array<i32>} : memref<128xi32, #tpu.memory_space<vmem>>, vector<16xi32>,
      %swap3A_214 = vector.shape_cast %swap3A_213 : vector<16xi32> to vector<16xi32>
      %swap3A_215 = vector.shape_cast %and3A_211 : vector<16xi32> to vector<16xi32>
      tpu.vector_store %arg11[%swap3A_212], %swap3A_215 {strides = array<i32>} : memref<128xi32, #tpu.memory_space<vmem>>, vector<16xi32>,
      %shift_right_logical3A_216 = arith.constant 16 : i32
      %shift_right_logical3A_217 = vector.broadcast %shift_right_logical3A_216 : i32 to vector<16xi32>
      %shift_right_logical3A_218 = arith.shrui %get3A_208, %shift_right_logical3A_217 : vector<16xi32>
      %swap3A_219 = arith.constant 80 : index
      %swap3A_220 = tpu.vector_load %arg11[%swap3A_219] {strides = array<i32>} : memref<128xi32, #tpu.memory_space<vmem>>, vector<16xi32>,
      %swap3A_221 = vector.shape_cast %swap3A_220 : vector<16xi32> to vector<16xi32>
      %swap3A_222 = vector.shape_cast %shift_right_logical3A_218 : vector<16xi32> to vector<16xi32>
      tpu.vector_store %arg11[%swap3A_219], %swap3A_222 {strides = array<i32>} : memref<128xi32, #tpu.memory_space<vmem>>, vector<16xi32>,
      %get3A_223 = arith.index_cast %while3A_181 : i32 to index
      %get3A_224 = arith.constant 32 : index
      %get3A_225 = tpu.vector_load %arg8[%get3A_223, %get3A_224] {strides = array<i32>} : memref<64x128xi32, #tpu.memory_space<vmem>>, vector<1x16xi32>,
      %get3A_226 = vector.shape_cast %get3A_225 : vector<1x16xi32> to vector<16xi32>
      %and3A_227 = arith.constant 65535 : i32
      %and3A_228 = vector.broadcast %and3A_227 : i32 to vector<16xi32>
      %and3A_229 = arith.andi %get3A_226, %and3A_228 : vector<16xi32>
      %swap3A_230 = arith.constant 32 : index
      %swap3A_231 = tpu.vector_load %arg11[%swap3A_230] {strides = array<i32>} : memref<128xi32, #tpu.memory_space<vmem>>, vector<16xi32>,
      %swap3A_232 = vector.shape_cast %swap3A_231 : vector<16xi32> to vector<16xi32>
      %swap3A_233 = vector.shape_cast %and3A_229 : vector<16xi32> to vector<16xi32>
      tpu.vector_store %arg11[%swap3A_230], %swap3A_233 {strides = array<i32>} : memref<128xi32, #tpu.memory_space<vmem>>, vector<16xi32>,
      %shift_right_logical3A_234 = arith.constant 16 : i32
      %shift_right_logical3A_235 = vector.broadcast %shift_right_logical3A_234 : i32 to vector<16xi32>
      %shift_right_logical3A_236 = arith.shrui %get3A_226, %shift_right_logical3A_235 : vector<16xi32>
      %swap3A_237 = arith.constant 96 : index
      %swap3A_238 = tpu.vector_load %arg11[%swap3A_237] {strides = array<i32>} : memref<128xi32, #tpu.memory_space<vmem>>, vector<16xi32>,
      %swap3A_239 = vector.shape_cast %swap3A_238 : vector<16xi32> to vector<16xi32>
      %swap3A_240 = vector.shape_cast %shift_right_logical3A_236 : vector<16xi32> to vector<16xi32>
      tpu.vector_store %arg11[%swap3A_237], %swap3A_240 {strides = array<i32>} : memref<128xi32, #tpu.memory_space<vmem>>, vector<16xi32>,
      %get3A_241 = arith.index_cast %while3A_181 : i32 to index
      %get3A_242 = arith.constant 48 : index
      %get3A_243 = tpu.vector_load %arg8[%get3A_241, %get3A_242] {strides = array<i32>} : memref<64x128xi32, #tpu.memory_space<vmem>>, vector<1x16xi32>,
      %get3A_244 = vector.shape_cast %get3A_243 : vector<1x16xi32> to vector<16xi32>
      %and3A_245 = arith.constant 65535 : i32
      %and3A_246 = vector.broadcast %and3A_245 : i32 to vector<16xi32>
      %and3A_247 = arith.andi %get3A_244, %and3A_246 : vector<16xi32>
      %swap3A_248 = arith.constant 48 : index
      %swap3A_249 = tpu.vector_load %arg11[%swap3A_248] {strides = array<i32>} : memref<128xi32, #tpu.memory_space<vmem>>, vector<16xi32>,
      %swap3A_250 = vector.shape_cast %swap3A_249 : vector<16xi32> to vector<16xi32>
      %swap3A_251 = vector.shape_cast %and3A_247 : vector<16xi32> to vector<16xi32>
      tpu.vector_store %arg11[%swap3A_248], %swap3A_251 {strides = array<i32>} : memref<128xi32, #tpu.memory_space<vmem>>, vector<16xi32>,
      %shift_right_logical3A_252 = arith.constant 16 : i32
      %shift_right_logical3A_253 = vector.broadcast %shift_right_logical3A_252 : i32 to vector<16xi32>
      %shift_right_logical3A_254 = arith.shrui %get3A_244, %shift_right_logical3A_253 : vector<16xi32>
      %swap3A_255 = arith.constant 112 : index
      %swap3A_256 = tpu.vector_load %arg11[%swap3A_255] {strides = array<i32>} : memref<128xi32, #tpu.memory_space<vmem>>, vector<16xi32>,
      %swap3A_257 = vector.shape_cast %swap3A_256 : vector<16xi32> to vector<16xi32>
      %swap3A_258 = vector.shape_cast %shift_right_logical3A_254 : vector<16xi32> to vector<16xi32>
      tpu.vector_store %arg11[%swap3A_255], %swap3A_258 {strides = array<i32>} : memref<128xi32, #tpu.memory_space<vmem>>, vector<16xi32>,
      %dma_start3A_259 = arith.constant 0 : i32
      %dma_start3A_260 = arith.constant 0 : i32
      %dma_start3A_261 = tpu.memref_slice %arg15[%dma_start3A_259, %dma_start3A_260] : memref<10112x128xf32, #tpu.memory_space<vmem_shared>> -> memref<10112x128xf32, #tpu.memory_space<vmem_shared>>
      tpu.enqueue_indirect_dma source(%arg13 : memref<128x128xf32, #tpu.memory_space<vmem>>) target(%dma_start3A_261 : memref<10112x128xf32, #tpu.memory_space<vmem_shared>>) offsets(%arg11 : memref<128xi32, #tpu.memory_space<vmem>>) semaphore(%arg18 : memref<!tpu.dma_semaphore, #tpu.memory_space<semaphore_mem>>) {add = true}
      %get3A_262 = arith.index_cast %rem3A : i32 to index
      %get3A_263 = arith.constant 0 : index
      %get3A_264 = tpu.vector_load %arg7[%get3A_262, %get3A_263] {strides = array<i32>} : memref<64x128xi32, #tpu.memory_space<vmem>>, vector<1x16xi32>,
      %get3A_265 = vector.shape_cast %get3A_264 : vector<1x16xi32> to vector<16xi32>
      %and3A_266 = arith.constant 65535 : i32
      %and3A_267 = vector.broadcast %and3A_266 : i32 to vector<16xi32>
      %and3A_268 = arith.andi %get3A_265, %and3A_267 : vector<16xi32>
      %swap3A_269 = arith.constant 0 : index
      %swap3A_270 = tpu.vector_load %arg9[%swap3A_269] {strides = array<i32>} : memref<128xi32, #tpu.memory_space<vmem>>, vector<16xi32>,
      %swap3A_271 = vector.shape_cast %swap3A_270 : vector<16xi32> to vector<16xi32>
      %swap3A_272 = vector.shape_cast %and3A_268 : vector<16xi32> to vector<16xi32>
      tpu.vector_store %arg9[%swap3A_269], %swap3A_272 {strides = array<i32>} : memref<128xi32, #tpu.memory_space<vmem>>, vector<16xi32>,
      %shift_right_logical3A_273 = arith.constant 16 : i32
      %shift_right_logical3A_274 = vector.broadcast %shift_right_logical3A_273 : i32 to vector<16xi32>
      %shift_right_logical3A_275 = arith.shrui %get3A_265, %shift_right_logical3A_274 : vector<16xi32>
      %swap3A_276 = arith.constant 64 : index
      %swap3A_277 = tpu.vector_load %arg9[%swap3A_276] {strides = array<i32>} : memref<128xi32, #tpu.memory_space<vmem>>, vector<16xi32>,
      %swap3A_278 = vector.shape_cast %swap3A_277 : vector<16xi32> to vector<16xi32>
      %swap3A_279 = vector.shape_cast %shift_right_logical3A_275 : vector<16xi32> to vector<16xi32>
      tpu.vector_store %arg9[%swap3A_276], %swap3A_279 {strides = array<i32>} : memref<128xi32, #tpu.memory_space<vmem>>, vector<16xi32>,
      %get3A_280 = arith.index_cast %rem3A : i32 to index
      %get3A_281 = arith.constant 16 : index
      %get3A_282 = tpu.vector_load %arg7[%get3A_280, %get3A_281] {strides = array<i32>} : memref<64x128xi32, #tpu.memory_space<vmem>>, vector<1x16xi32>,
      %get3A_283 = vector.shape_cast %get3A_282 : vector<1x16xi32> to vector<16xi32>
      %and3A_284 = arith.constant 65535 : i32
      %and3A_285 = vector.broadcast %and3A_284 : i32 to vector<16xi32>
      %and3A_286 = arith.andi %get3A_283, %and3A_285 : vector<16xi32>
      %swap3A_287 = arith.constant 16 : index
      %swap3A_288 = tpu.vector_load %arg9[%swap3A_287] {strides = array<i32>} : memref<128xi32, #tpu.memory_space<vmem>>, vector<16xi32>,
      %swap3A_289 = vector.shape_cast %swap3A_288 : vector<16xi32> to vector<16xi32>
      %swap3A_290 = vector.shape_cast %and3A_286 : vector<16xi32> to vector<16xi32>
      tpu.vector_store %arg9[%swap3A_287], %swap3A_290 {strides = array<i32>} : memref<128xi32, #tpu.memory_space<vmem>>, vector<16xi32>,
      %shift_right_logical3A_291 = arith.constant 16 : i32
      %shift_right_logical3A_292 = vector.broadcast %shift_right_logical3A_291 : i32 to vector<16xi32>
      %shift_right_logical3A_293 = arith.shrui %get3A_283, %shift_right_logical3A_292 : vector<16xi32>
      %swap3A_294 = arith.constant 80 : index
      %swap3A_295 = tpu.vector_load %arg9[%swap3A_294] {strides = array<i32>} : memref<128xi32, #tpu.memory_space<vmem>>, vector<16xi32>,
      %swap3A_296 = vector.shape_cast %swap3A_295 : vector<16xi32> to vector<16xi32>
      %swap3A_297 = vector.shape_cast %shift_right_logical3A_293 : vector<16xi32> to vector<16xi32>
      tpu.vector_store %arg9[%swap3A_294], %swap3A_297 {strides = array<i32>} : memref<128xi32, #tpu.memory_space<vmem>>, vector<16xi32>,
      %get3A_298 = arith.index_cast %rem3A : i32 to index
      %get3A_299 = arith.constant 32 : index
      %get3A_300 = tpu.vector_load %arg7[%get3A_298, %get3A_299] {strides = array<i32>} : memref<64x128xi32, #tpu.memory_space<vmem>>, vector<1x16xi32>,
      %get3A_301 = vector.shape_cast %get3A_300 : vector<1x16xi32> to vector<16xi32>
      %and3A_302 = arith.constant 65535 : i32
      %and3A_303 = vector.broadcast %and3A_302 : i32 to vector<16xi32>
      %and3A_304 = arith.andi %get3A_301, %and3A_303 : vector<16xi32>
      %swap3A_305 = arith.constant 32 : index
      %swap3A_306 = tpu.vector_load %arg9[%swap3A_305] {strides = array<i32>} : memref<128xi32, #tpu.memory_space<vmem>>, vector<16xi32>,
      %swap3A_307 = vector.shape_cast %swap3A_306 : vector<16xi32> to vector<16xi32>
      %swap3A_308 = vector.shape_cast %and3A_304 : vector<16xi32> to vector<16xi32>
      tpu.vector_store %arg9[%swap3A_305], %swap3A_308 {strides = array<i32>} : memref<128xi32, #tpu.memory_space<vmem>>, vector<16xi32>,
      %shift_right_logical3A_309 = arith.constant 16 : i32
      %shift_right_logical3A_310 = vector.broadcast %shift_right_logical3A_309 : i32 to vector<16xi32>
      %shift_right_logical3A_311 = arith.shrui %get3A_301, %shift_right_logical3A_310 : vector<16xi32>
      %swap3A_312 = arith.constant 96 : index
      %swap3A_313 = tpu.vector_load %arg9[%swap3A_312] {strides = array<i32>} : memref<128xi32, #tpu.memory_space<vmem>>, vector<16xi32>,
      %swap3A_314 = vector.shape_cast %swap3A_313 : vector<16xi32> to vector<16xi32>
      %swap3A_315 = vector.shape_cast %shift_right_logical3A_311 : vector<16xi32> to vector<16xi32>
      tpu.vector_store %arg9[%swap3A_312], %swap3A_315 {strides = array<i32>} : memref<128xi32, #tpu.memory_space<vmem>>, vector<16xi32>,
      %get3A_316 = arith.index_cast %rem3A : i32 to index
      %get3A_317 = arith.constant 48 : index
      %get3A_318 = tpu.vector_load %arg7[%get3A_316, %get3A_317] {strides = array<i32>} : memref<64x128xi32, #tpu.memory_space<vmem>>, vector<1x16xi32>,
      %get3A_319 = vector.shape_cast %get3A_318 : vector<1x16xi32> to vector<16xi32>
      %and3A_320 = arith.constant 65535 : i32
      %and3A_321 = vector.broadcast %and3A_320 : i32 to vector<16xi32>
      %and3A_322 = arith.andi %get3A_319, %and3A_321 : vector<16xi32>
      %swap3A_323 = arith.constant 48 : index
      %swap3A_324 = tpu.vector_load %arg9[%swap3A_323] {strides = array<i32>} : memref<128xi32, #tpu.memory_space<vmem>>, vector<16xi32>,
      %swap3A_325 = vector.shape_cast %swap3A_324 : vector<16xi32> to vector<16xi32>
      %swap3A_326 = vector.shape_cast %and3A_322 : vector<16xi32> to vector<16xi32>
      tpu.vector_store %arg9[%swap3A_323], %swap3A_326 {strides = array<i32>} : memref<128xi32, #tpu.memory_space<vmem>>, vector<16xi32>,
      %shift_right_logical3A_327 = arith.constant 16 : i32
      %shift_right_logical3A_328 = vector.broadcast %shift_right_logical3A_327 : i32 to vector<16xi32>
      %shift_right_logical3A_329 = arith.shrui %get3A_319, %shift_right_logical3A_328 : vector<16xi32>
      %swap3A_330 = arith.constant 112 : index
      %swap3A_331 = tpu.vector_load %arg9[%swap3A_330] {strides = array<i32>} : memref<128xi32, #tpu.memory_space<vmem>>, vector<16xi32>,
      %swap3A_332 = vector.shape_cast %swap3A_331 : vector<16xi32> to vector<16xi32>
      %swap3A_333 = vector.shape_cast %shift_right_logical3A_329 : vector<16xi32> to vector<16xi32>
      tpu.vector_store %arg9[%swap3A_330], %swap3A_333 {strides = array<i32>} : memref<128xi32, #tpu.memory_space<vmem>>, vector<16xi32>,
      %dma_wait3A_334 = arith.constant 0 : i32
      %dma_wait3A_335 = arith.constant 0 : i32
      %dma_wait3A_336 = tpu.memref_slice %arg15[%dma_wait3A_334, %dma_wait3A_335] : memref<10112x128xf32, #tpu.memory_space<vmem_shared>> -> memref<10112x128xf32, #tpu.memory_space<vmem_shared>>
      tpu.wait_indirect_dma semaphore(%arg18 : memref<!tpu.dma_semaphore, #tpu.memory_space<semaphore_mem>>) src(%arg13 : memref<128x128xf32, #tpu.memory_space<vmem>>) dst(%dma_wait3A_336 : memref<10112x128xf32, #tpu.memory_space<vmem_shared>>)
      %dma_start3A_337 = arith.constant 0 : i32
      %dma_start3A_338 = arith.constant 0 : i32
      %dma_start3A_339 = tpu.memref_slice %arg2[%dma_start3A_337, %dma_start3A_338] : memref<10000x128xf32, #tpu.memory_space<hbm>> -> memref<10000x128xf32, #tpu.memory_space<hbm>>
      tpu.enqueue_indirect_dma source(%dma_start3A_339 : memref<10000x128xf32, #tpu.memory_space<hbm>>) target(%arg13 : memref<128x128xf32, #tpu.memory_space<vmem>>) offsets(%arg9 : memref<128xi32, #tpu.memory_space<vmem>>) semaphore(%arg16 : memref<!tpu.dma_semaphore, #tpu.memory_space<semaphore_mem>>)
      %dma_wait3A_340 = arith.constant 0 : i32
      %dma_wait3A_341 = arith.constant 0 : i32
      %dma_wait3A_342 = tpu.memref_slice %arg2[%dma_wait3A_340, %dma_wait3A_341] : memref<10000x128xf32, #tpu.memory_space<hbm>> -> memref<10000x128xf32, #tpu.memory_space<hbm>>
      tpu.wait_indirect_dma semaphore(%arg17 : memref<!tpu.dma_semaphore, #tpu.memory_space<semaphore_mem>>) src(%dma_wait3A_342 : memref<10000x128xf32, #tpu.memory_space<hbm>>) dst(%arg14 : memref<128x128xf32, #tpu.memory_space<vmem>>)
      %get3A_343 = arith.index_cast %while3A_181 : i32 to index
      %get3A_344 = arith.constant 64 : index
      %get3A_345 = tpu.vector_load %arg8[%get3A_343, %get3A_344] {strides = array<i32>} : memref<64x128xi32, #tpu.memory_space<vmem>>, vector<1x16xi32>,
      %get3A_346 = vector.shape_cast %get3A_345 : vector<1x16xi32> to vector<16xi32>
      %and3A_347 = arith.constant 65535 : i32
      %and3A_348 = vector.broadcast %and3A_347 : i32 to vector<16xi32>
      %and3A_349 = arith.andi %get3A_346, %and3A_348 : vector<16xi32>
      %swap3A_350 = arith.constant 0 : index
      %swap3A_351 = tpu.vector_load %arg12[%swap3A_350] {strides = array<i32>} : memref<128xi32, #tpu.memory_space<vmem>>, vector<16xi32>,
      %swap3A_352 = vector.shape_cast %swap3A_351 : vector<16xi32> to vector<16xi32>
      %swap3A_353 = vector.shape_cast %and3A_349 : vector<16xi32> to vector<16xi32>
      tpu.vector_store %arg12[%swap3A_350], %swap3A_353 {strides = array<i32>} : memref<128xi32, #tpu.memory_space<vmem>>, vector<16xi32>,
      %shift_right_logical3A_354 = arith.constant 16 : i32
      %shift_right_logical3A_355 = vector.broadcast %shift_right_logical3A_354 : i32 to vector<16xi32>
      %shift_right_logical3A_356 = arith.shrui %get3A_346, %shift_right_logical3A_355 : vector<16xi32>
      %swap3A_357 = arith.constant 64 : index
      %swap3A_358 = tpu.vector_load %arg12[%swap3A_357] {strides = array<i32>} : memref<128xi32, #tpu.memory_space<vmem>>, vector<16xi32>,
      %swap3A_359 = vector.shape_cast %swap3A_358 : vector<16xi32> to vector<16xi32>
      %swap3A_360 = vector.shape_cast %shift_right_logical3A_356 : vector<16xi32> to vector<16xi32>
      tpu.vector_store %arg12[%swap3A_357], %swap3A_360 {strides = array<i32>} : memref<128xi32, #tpu.memory_space<vmem>>, vector<16xi32>,
      %get3A_361 = arith.index_cast %while3A_181 : i32 to index
      %get3A_362 = arith.constant 80 : index
      %get3A_363 = tpu.vector_load %arg8[%get3A_361, %get3A_362] {strides = array<i32>} : memref<64x128xi32, #tpu.memory_space<vmem>>, vector<1x16xi32>,
      %get3A_364 = vector.shape_cast %get3A_363 : vector<1x16xi32> to vector<16xi32>
      %and3A_365 = arith.constant 65535 : i32
      %and3A_366 = vector.broadcast %and3A_365 : i32 to vector<16xi32>
      %and3A_367 = arith.andi %get3A_364, %and3A_366 : vector<16xi32>
      %swap3A_368 = arith.constant 16 : index
      %swap3A_369 = tpu.vector_load %arg12[%swap3A_368] {strides = array<i32>} : memref<128xi32, #tpu.memory_space<vmem>>, vector<16xi32>,
      %swap3A_370 = vector.shape_cast %swap3A_369 : vector<16xi32> to vector<16xi32>
      %swap3A_371 = vector.shape_cast %and3A_367 : vector<16xi32> to vector<16xi32>
      tpu.vector_store %arg12[%swap3A_368], %swap3A_371 {strides = array<i32>} : memref<128xi32, #tpu.memory_space<vmem>>, vector<16xi32>,
      %shift_right_logical3A_372 = arith.constant 16 : i32
      %shift_right_logical3A_373 = vector.broadcast %shift_right_logical3A_372 : i32 to vector<16xi32>
      %shift_right_logical3A_374 = arith.shrui %get3A_364, %shift_right_logical3A_373 : vector<16xi32>
      %swap3A_375 = arith.constant 80 : index
      %swap3A_376 = tpu.vector_load %arg12[%swap3A_375] {strides = array<i32>} : memref<128xi32, #tpu.memory_space<vmem>>, vector<16xi32>,
      %swap3A_377 = vector.shape_cast %swap3A_376 : vector<16xi32> to vector<16xi32>
      %swap3A_378 = vector.shape_cast %shift_right_logical3A_374 : vector<16xi32> to vector<16xi32>
      tpu.vector_store %arg12[%swap3A_375], %swap3A_378 {strides = array<i32>} : memref<128xi32, #tpu.memory_space<vmem>>, vector<16xi32>,
      %get3A_379 = arith.index_cast %while3A_181 : i32 to index
      %get3A_380 = arith.constant 96 : index
      %get3A_381 = tpu.vector_load %arg8[%get3A_379, %get3A_380] {strides = array<i32>} : memref<64x128xi32, #tpu.memory_space<vmem>>, vector<1x16xi32>,
      %get3A_382 = vector.shape_cast %get3A_381 : vector<1x16xi32> to vector<16xi32>
      %and3A_383 = arith.constant 65535 : i32
      %and3A_384 = vector.broadcast %and3A_383 : i32 to vector<16xi32>
      %and3A_385 = arith.andi %get3A_382, %and3A_384 : vector<16xi32>
      %swap3A_386 = arith.constant 32 : index
      %swap3A_387 = tpu.vector_load %arg12[%swap3A_386] {strides = array<i32>} : memref<128xi32, #tpu.memory_space<vmem>>, vector<16xi32>,
      %swap3A_388 = vector.shape_cast %swap3A_387 : vector<16xi32> to vector<16xi32>
      %swap3A_389 = vector.shape_cast %and3A_385 : vector<16xi32> to vector<16xi32>
      tpu.vector_store %arg12[%swap3A_386], %swap3A_389 {strides = array<i32>} : memref<128xi32, #tpu.memory_space<vmem>>, vector<16xi32>,
      %shift_right_logical3A_390 = arith.constant 16 : i32
      %shift_right_logical3A_391 = vector.broadcast %shift_right_logical3A_390 : i32 to vector<16xi32>
      %shift_right_logical3A_392 = arith.shrui %get3A_382, %shift_right_logical3A_391 : vector<16xi32>
      %swap3A_393 = arith.constant 96 : index
      %swap3A_394 = tpu.vector_load %arg12[%swap3A_393] {strides = array<i32>} : memref<128xi32, #tpu.memory_space<vmem>>, vector<16xi32>,
      %swap3A_395 = vector.shape_cast %swap3A_394 : vector<16xi32> to vector<16xi32>
      %swap3A_396 = vector.shape_cast %shift_right_logical3A_392 : vector<16xi32> to vector<16xi32>
      tpu.vector_store %arg12[%swap3A_393], %swap3A_396 {strides = array<i32>} : memref<128xi32, #tpu.memory_space<vmem>>, vector<16xi32>,
      %get3A_397 = arith.index_cast %while3A_181 : i32 to index
      %get3A_398 = arith.constant 112 : index
      %get3A_399 = tpu.vector_load %arg8[%get3A_397, %get3A_398] {strides = array<i32>} : memref<64x128xi32, #tpu.memory_space<vmem>>, vector<1x16xi32>,
      %get3A_400 = vector.shape_cast %get3A_399 : vector<1x16xi32> to vector<16xi32>
      %and3A_401 = arith.constant 65535 : i32
      %and3A_402 = vector.broadcast %and3A_401 : i32 to vector<16xi32>
      %and3A_403 = arith.andi %get3A_400, %and3A_402 : vector<16xi32>
      %swap3A_404 = arith.constant 48 : index
      %swap3A_405 = tpu.vector_load %arg12[%swap3A_404] {strides = array<i32>} : memref<128xi32, #tpu.memory_space<vmem>>, vector<16xi32>,
      %swap3A_406 = vector.shape_cast %swap3A_405 : vector<16xi32> to vector<16xi32>
      %swap3A_407 = vector.shape_cast %and3A_403 : vector<16xi32> to vector<16xi32>
      tpu.vector_store %arg12[%swap3A_404], %swap3A_407 {strides = array<i32>} : memref<128xi32, #tpu.memory_space<vmem>>, vector<16xi32>,
      %shift_right_logical3A_408 = arith.constant 16 : i32
      %shift_right_logical3A_409 = vector.broadcast %shift_right_logical3A_408 : i32 to vector<16xi32>
      %shift_right_logical3A_410 = arith.shrui %get3A_400, %shift_right_logical3A_409 : vector<16xi32>
      %swap3A_411 = arith.constant 112 : index
      %swap3A_412 = tpu.vector_load %arg12[%swap3A_411] {strides = array<i32>} : memref<128xi32, #tpu.memory_space<vmem>>, vector<16xi32>,
      %swap3A_413 = vector.shape_cast %swap3A_412 : vector<16xi32> to vector<16xi32>
      %swap3A_414 = vector.shape_cast %shift_right_logical3A_410 : vector<16xi32> to vector<16xi32>
      tpu.vector_store %arg12[%swap3A_411], %swap3A_414 {strides = array<i32>} : memref<128xi32, #tpu.memory_space<vmem>>, vector<16xi32>,
      %dma_start3A_415 = arith.constant 0 : i32
      %dma_start3A_416 = arith.constant 0 : i32
      %dma_start3A_417 = tpu.memref_slice %arg15[%dma_start3A_415, %dma_start3A_416] : memref<10112x128xf32, #tpu.memory_space<vmem_shared>> -> memref<10112x128xf32, #tpu.memory_space<vmem_shared>>
      tpu.enqueue_indirect_dma source(%arg14 : memref<128x128xf32, #tpu.memory_space<vmem>>) target(%dma_start3A_417 : memref<10112x128xf32, #tpu.memory_space<vmem_shared>>) offsets(%arg12 : memref<128xi32, #tpu.memory_space<vmem>>) semaphore(%arg19 : memref<!tpu.dma_semaphore, #tpu.memory_space<semaphore_mem>>) {add = true}
      %get3A_418 = arith.index_cast %rem3A : i32 to index
      %get3A_419 = arith.constant 64 : index
      %get3A_420 = tpu.vector_load %arg7[%get3A_418, %get3A_419] {strides = array<i32>} : memref<64x128xi32, #tpu.memory_space<vmem>>, vector<1x16xi32>,
      %get3A_421 = vector.shape_cast %get3A_420 : vector<1x16xi32> to vector<16xi32>
      %and3A_422 = arith.constant 65535 : i32
      %and3A_423 = vector.broadcast %and3A_422 : i32 to vector<16xi32>
      %and3A_424 = arith.andi %get3A_421, %and3A_423 : vector<16xi32>
      %swap3A_425 = arith.constant 0 : index
      %swap3A_426 = tpu.vector_load %arg10[%swap3A_425] {strides = array<i32>} : memref<128xi32, #tpu.memory_space<vmem>>, vector<16xi32>,
      %swap3A_427 = vector.shape_cast %swap3A_426 : vector<16xi32> to vector<16xi32>
      %swap3A_428 = vector.shape_cast %and3A_424 : vector<16xi32> to vector<16xi32>
      tpu.vector_store %arg10[%swap3A_425], %swap3A_428 {strides = array<i32>} : memref<128xi32, #tpu.memory_space<vmem>>, vector<16xi32>,
      %shift_right_logical3A_429 = arith.constant 16 : i32
      %shift_right_logical3A_430 = vector.broadcast %shift_right_logical3A_429 : i32 to vector<16xi32>
      %shift_right_logical3A_431 = arith.shrui %get3A_421, %shift_right_logical3A_430 : vector<16xi32>
      %swap3A_432 = arith.constant 64 : index
      %swap3A_433 = tpu.vector_load %arg10[%swap3A_432] {strides = array<i32>} : memref<128xi32, #tpu.memory_space<vmem>>, vector<16xi32>,
      %swap3A_434 = vector.shape_cast %swap3A_433 : vector<16xi32> to vector<16xi32>
      %swap3A_435 = vector.shape_cast %shift_right_logical3A_431 : vector<16xi32> to vector<16xi32>
      tpu.vector_store %arg10[%swap3A_432], %swap3A_435 {strides = array<i32>} : memref<128xi32, #tpu.memory_space<vmem>>, vector<16xi32>,
      %get3A_436 = arith.index_cast %rem3A : i32 to index
      %get3A_437 = arith.constant 80 : index
      %get3A_438 = tpu.vector_load %arg7[%get3A_436, %get3A_437] {strides = array<i32>} : memref<64x128xi32, #tpu.memory_space<vmem>>, vector<1x16xi32>,
      %get3A_439 = vector.shape_cast %get3A_438 : vector<1x16xi32> to vector<16xi32>
      %and3A_440 = arith.constant 65535 : i32
      %and3A_441 = vector.broadcast %and3A_440 : i32 to vector<16xi32>
      %and3A_442 = arith.andi %get3A_439, %and3A_441 : vector<16xi32>
      %swap3A_443 = arith.constant 16 : index
      %swap3A_444 = tpu.vector_load %arg10[%swap3A_443] {strides = array<i32>} : memref<128xi32, #tpu.memory_space<vmem>>, vector<16xi32>,
      %swap3A_445 = vector.shape_cast %swap3A_444 : vector<16xi32> to vector<16xi32>
      %swap3A_446 = vector.shape_cast %and3A_442 : vector<16xi32> to vector<16xi32>
      tpu.vector_store %arg10[%swap3A_443], %swap3A_446 {strides = array<i32>} : memref<128xi32, #tpu.memory_space<vmem>>, vector<16xi32>,
      %shift_right_logical3A_447 = arith.constant 16 : i32
      %shift_right_logical3A_448 = vector.broadcast %shift_right_logical3A_447 : i32 to vector<16xi32>
      %shift_right_logical3A_449 = arith.shrui %get3A_439, %shift_right_logical3A_448 : vector<16xi32>
      %swap3A_450 = arith.constant 80 : index
      %swap3A_451 = tpu.vector_load %arg10[%swap3A_450] {strides = array<i32>} : memref<128xi32, #tpu.memory_space<vmem>>, vector<16xi32>,
      %swap3A_452 = vector.shape_cast %swap3A_451 : vector<16xi32> to vector<16xi32>
      %swap3A_453 = vector.shape_cast %shift_right_logical3A_449 : vector<16xi32> to vector<16xi32>
      tpu.vector_store %arg10[%swap3A_450], %swap3A_453 {strides = array<i32>} : memref<128xi32, #tpu.memory_space<vmem>>, vector<16xi32>,
      %get3A_454 = arith.index_cast %rem3A : i32 to index
      %get3A_455 = arith.constant 96 : index
      %get3A_456 = tpu.vector_load %arg7[%get3A_454, %get3A_455] {strides = array<i32>} : memref<64x128xi32, #tpu.memory_space<vmem>>, vector<1x16xi32>,
      %get3A_457 = vector.shape_cast %get3A_456 : vector<1x16xi32> to vector<16xi32>
      %and3A_458 = arith.constant 65535 : i32
      %and3A_459 = vector.broadcast %and3A_458 : i32 to vector<16xi32>
      %and3A_460 = arith.andi %get3A_457, %and3A_459 : vector<16xi32>
      %swap3A_461 = arith.constant 32 : index
      %swap3A_462 = tpu.vector_load %arg10[%swap3A_461] {strides = array<i32>} : memref<128xi32, #tpu.memory_space<vmem>>, vector<16xi32>,
      %swap3A_463 = vector.shape_cast %swap3A_462 : vector<16xi32> to vector<16xi32>
      %swap3A_464 = vector.shape_cast %and3A_460 : vector<16xi32> to vector<16xi32>
      tpu.vector_store %arg10[%swap3A_461], %swap3A_464 {strides = array<i32>} : memref<128xi32, #tpu.memory_space<vmem>>, vector<16xi32>,
      %shift_right_logical3A_465 = arith.constant 16 : i32
      %shift_right_logical3A_466 = vector.broadcast %shift_right_logical3A_465 : i32 to vector<16xi32>
      %shift_right_logical3A_467 = arith.shrui %get3A_457, %shift_right_logical3A_466 : vector<16xi32>
      %swap3A_468 = arith.constant 96 : index
      %swap3A_469 = tpu.vector_load %arg10[%swap3A_468] {strides = array<i32>} : memref<128xi32, #tpu.memory_space<vmem>>, vector<16xi32>,
      %swap3A_470 = vector.shape_cast %swap3A_469 : vector<16xi32> to vector<16xi32>
      %swap3A_471 = vector.shape_cast %shift_right_logical3A_467 : vector<16xi32> to vector<16xi32>
      tpu.vector_store %arg10[%swap3A_468], %swap3A_471 {strides = array<i32>} : memref<128xi32, #tpu.memory_space<vmem>>, vector<16xi32>,
      %get3A_472 = arith.index_cast %rem3A : i32 to index
      %get3A_473 = arith.constant 112 : index
      %get3A_474 = tpu.vector_load %arg7[%get3A_472, %get3A_473] {strides = array<i32>} : memref<64x128xi32, #tpu.memory_space<vmem>>, vector<1x16xi32>,
      %get3A_475 = vector.shape_cast %get3A_474 : vector<1x16xi32> to vector<16xi32>
      %and3A_476 = arith.constant 65535 : i32
      %and3A_477 = vector.broadcast %and3A_476 : i32 to vector<16xi32>
      %and3A_478 = arith.andi %get3A_475, %and3A_477 : vector<16xi32>
      %swap3A_479 = arith.constant 48 : index
      %swap3A_480 = tpu.vector_load %arg10[%swap3A_479] {strides = array<i32>} : memref<128xi32, #tpu.memory_space<vmem>>, vector<16xi32>,
      %swap3A_481 = vector.shape_cast %swap3A_480 : vector<16xi32> to vector<16xi32>
      %swap3A_482 = vector.shape_cast %and3A_478 : vector<16xi32> to vector<16xi32>
      tpu.vector_store %arg10[%swap3A_479], %swap3A_482 {strides = array<i32>} : memref<128xi32, #tpu.memory_space<vmem>>, vector<16xi32>,
      %shift_right_logical3A_483 = arith.constant 16 : i32
      %shift_right_logical3A_484 = vector.broadcast %shift_right_logical3A_483 : i32 to vector<16xi32>
      %shift_right_logical3A_485 = arith.shrui %get3A_475, %shift_right_logical3A_484 : vector<16xi32>
      %swap3A_486 = arith.constant 112 : index
      %swap3A_487 = tpu.vector_load %arg10[%swap3A_486] {strides = array<i32>} : memref<128xi32, #tpu.memory_space<vmem>>, vector<16xi32>,
      %swap3A_488 = vector.shape_cast %swap3A_487 : vector<16xi32> to vector<16xi32>
      %swap3A_489 = vector.shape_cast %shift_right_logical3A_485 : vector<16xi32> to vector<16xi32>
      tpu.vector_store %arg10[%swap3A_486], %swap3A_489 {strides = array<i32>} : memref<128xi32, #tpu.memory_space<vmem>>, vector<16xi32>,
      %dma_wait3A_490 = arith.constant 0 : i32
      %dma_wait3A_491 = arith.constant 0 : i32
      %dma_wait3A_492 = tpu.memref_slice %arg15[%dma_wait3A_490, %dma_wait3A_491] : memref<10112x128xf32, #tpu.memory_space<vmem_shared>> -> memref<10112x128xf32, #tpu.memory_space<vmem_shared>>
      tpu.wait_indirect_dma semaphore(%arg19 : memref<!tpu.dma_semaphore, #tpu.memory_space<semaphore_mem>>) src(%arg14 : memref<128x128xf32, #tpu.memory_space<vmem>>) dst(%dma_wait3A_492 : memref<10112x128xf32, #tpu.memory_space<vmem_shared>>)
      %dma_start3A_493 = arith.constant 0 : i32
      %dma_start3A_494 = arith.constant 0 : i32
      %dma_start3A_495 = tpu.memref_slice %arg2[%dma_start3A_493, %dma_start3A_494] : memref<10000x128xf32, #tpu.memory_space<hbm>> -> memref<10000x128xf32, #tpu.memory_space<hbm>>
      tpu.enqueue_indirect_dma source(%dma_start3A_495 : memref<10000x128xf32, #tpu.memory_space<hbm>>) target(%arg14 : memref<128x128xf32, #tpu.memory_space<vmem>>) offsets(%arg10 : memref<128xi32, #tpu.memory_space<vmem>>) semaphore(%arg17 : memref<!tpu.dma_semaphore, #tpu.memory_space<semaphore_mem>>)
    }
    %while3A_170 = arith.constant 1 : i32
    scf.for %while3A_181 = %while3A_168 to %while3A_164 step %while3A_170  : i32 {
      %add3A_182 = arith.constant 1 : i32
      %add3A_183 = arith.addi %while3A_181, %add3A_182 : i32
      %rem3A = arith.remsi %add3A_183, %select_n3A : i32
      %dma_wait3A_184 = arith.constant 0 : i32
      %dma_wait3A_185 = arith.constant 0 : i32
      %dma_wait3A_186 = tpu.memref_slice %arg2[%dma_wait3A_184, %dma_wait3A_185] : memref<10000x128xf32, #tpu.memory_space<hbm>> -> memref<10000x128xf32, #tpu.memory_space<hbm>>
      tpu.wait_indirect_dma semaphore(%arg16 : memref<!tpu.dma_semaphore, #tpu.memory_space<semaphore_mem>>) src(%dma_wait3A_186 : memref<10000x128xf32, #tpu.memory_space<hbm>>) dst(%arg13 : memref<128x128xf32, #tpu.memory_space<vmem>>)
      %get3A_187 = arith.index_cast %while3A_181 : i32 to index
      %get3A_188 = arith.constant 0 : index
      %get3A_189 = tpu.vector_load %arg8[%get3A_187, %get3A_188] {strides = array<i32>} : memref<64x128xi32, #tpu.memory_space<vmem>>, vector<1x16xi32>,
      %get3A_190 = vector.shape_cast %get3A_189 : vector<1x16xi32> to vector<16xi32>
      %and3A_191 = arith.constant 65535 : i32
      %and3A_192 = vector.broadcast %and3A_191 : i32 to vector<16xi32>
      %and3A_193 = arith.andi %get3A_190, %and3A_192 : vector<16xi32>
      %swap3A_194 = arith.constant 0 : index
      %swap3A_195 = tpu.vector_load %arg11[%swap3A_194] {strides = array<i32>} : memref<128xi32, #tpu.memory_space<vmem>>, vector<16xi32>,
      %swap3A_196 = vector.shape_cast %swap3A_195 : vector<16xi32> to vector<16xi32>
      %swap3A_197 = vector.shape_cast %and3A_193 : vector<16xi32> to vector<16xi32>
      tpu.vector_store %arg11[%swap3A_194], %swap3A_197 {strides = array<i32>} : memref<128xi32, #tpu.memory_space<vmem>>, vector<16xi32>,
      %shift_right_logical3A_198 = arith.constant 16 : i32
      %shift_right_logical3A_199 = vector.broadcast %shift_right_logical3A_198 : i32 to vector<16xi32>
      %shift_right_logical3A_200 = arith.shrui %get3A_190, %shift_right_logical3A_199 : vector<16xi32>
      %swap3A_201 = arith.constant 64 : index
      %swap3A_202 = tpu.vector_load %arg11[%swap3A_201] {strides = array<i32>} : memref<128xi32, #tpu.memory_space<vmem>>, vector<16xi32>,
      %swap3A_203 = vector.shape_cast %swap3A_202 : vector<16xi32> to vector<16xi32>
      %swap3A_204 = vector.shape_cast %shift_right_logical3A_200 : vector<16xi32> to vector<16xi32>
      tpu.vector_store %arg11[%swap3A_201], %swap3A_204 {strides = array<i32>} : memref<128xi32, #tpu.memory_space<vmem>>, vector<16xi32>,
      %get3A_205 = arith.index_cast %while3A_181 : i32 to index
      %get3A_206 = arith.constant 16 : index
      %get3A_207 = tpu.vector_load %arg8[%get3A_205, %get3A_206] {strides = array<i32>} : memref<64x128xi32, #tpu.memory_space<vmem>>, vector<1x16xi32>,
      %get3A_208 = vector.shape_cast %get3A_207 : vector<1x16xi32> to vector<16xi32>
      %and3A_209 = arith.constant 65535 : i32
      %and3A_210 = vector.broadcast %and3A_209 : i32 to vector<16xi32>
      %and3A_211 = arith.andi %get3A_208, %and3A_210 : vector<16xi32>
      %swap3A_212 = arith.constant 16 : index
      %swap3A_213 = tpu.vector_load %arg11[%swap3A_212] {strides = array<i32>} : memref<128xi32, #tpu.memory_space<vmem>>, vector<16xi32>,
      %swap3A_214 = vector.shape_cast %swap3A_213 : vector<16xi32> to vector<16xi32>
      %swap3A_215 = vector.shape_cast %and3A_211 : vector<16xi32> to vector<16xi32>
      tpu.vector_store %arg11[%swap3A_212], %swap3A_215 {strides = array<i32>} : memref<128xi32, #tpu.memory_space<vmem>>, vector<16xi32>,
      %shift_right_logical3A_216 = arith.constant 16 : i32
      %shift_right_logical3A_217 = vector.broadcast %shift_right_logical3A_216 : i32 to vector<16xi32>
      %shift_right_logical3A_218 = arith.shrui %get3A_208, %shift_right_logical3A_217 : vector<16xi32>
      %swap3A_219 = arith.constant 80 : index
      %swap3A_220 = tpu.vector_load %arg11[%swap3A_219] {strides = array<i32>} : memref<128xi32, #tpu.memory_space<vmem>>, vector<16xi32>,
      %swap3A_221 = vector.shape_cast %swap3A_220 : vector<16xi32> to vector<16xi32>
      %swap3A_222 = vector.shape_cast %shift_right_logical3A_218 : vector<16xi32> to vector<16xi32>
      tpu.vector_store %arg11[%swap3A_219], %swap3A_222 {strides = array<i32>} : memref<128xi32, #tpu.memory_space<vmem>>, vector<16xi32>,
      %get3A_223 = arith.index_cast %while3A_181 : i32 to index
      %get3A_224 = arith.constant 32 : index
      %get3A_225 = tpu.vector_load %arg8[%get3A_223, %get3A_224] {strides = array<i32>} : memref<64x128xi32, #tpu.memory_space<vmem>>, vector<1x16xi32>,
      %get3A_226 = vector.shape_cast %get3A_225 : vector<1x16xi32> to vector<16xi32>
      %and3A_227 = arith.constant 65535 : i32
      %and3A_228 = vector.broadcast %and3A_227 : i32 to vector<16xi32>
      %and3A_229 = arith.andi %get3A_226, %and3A_228 : vector<16xi32>
      %swap3A_230 = arith.constant 32 : index
      %swap3A_231 = tpu.vector_load %arg11[%swap3A_230] {strides = array<i32>} : memref<128xi32, #tpu.memory_space<vmem>>, vector<16xi32>,
      %swap3A_232 = vector.shape_cast %swap3A_231 : vector<16xi32> to vector<16xi32>
      %swap3A_233 = vector.shape_cast %and3A_229 : vector<16xi32> to vector<16xi32>
      tpu.vector_store %arg11[%swap3A_230], %swap3A_233 {strides = array<i32>} : memref<128xi32, #tpu.memory_space<vmem>>, vector<16xi32>,
      %shift_right_logical3A_234 = arith.constant 16 : i32
      %shift_right_logical3A_235 = vector.broadcast %shift_right_logical3A_234 : i32 to vector<16xi32>
      %shift_right_logical3A_236 = arith.shrui %get3A_226, %shift_right_logical3A_235 : vector<16xi32>
      %swap3A_237 = arith.constant 96 : index
      %swap3A_238 = tpu.vector_load %arg11[%swap3A_237] {strides = array<i32>} : memref<128xi32, #tpu.memory_space<vmem>>, vector<16xi32>,
      %swap3A_239 = vector.shape_cast %swap3A_238 : vector<16xi32> to vector<16xi32>
      %swap3A_240 = vector.shape_cast %shift_right_logical3A_236 : vector<16xi32> to vector<16xi32>
      tpu.vector_store %arg11[%swap3A_237], %swap3A_240 {strides = array<i32>} : memref<128xi32, #tpu.memory_space<vmem>>, vector<16xi32>,
      %get3A_241 = arith.index_cast %while3A_181 : i32 to index
      %get3A_242 = arith.constant 48 : index
      %get3A_243 = tpu.vector_load %arg8[%get3A_241, %get3A_242] {strides = array<i32>} : memref<64x128xi32, #tpu.memory_space<vmem>>, vector<1x16xi32>,
      %get3A_244 = vector.shape_cast %get3A_243 : vector<1x16xi32> to vector<16xi32>
      %and3A_245 = arith.constant 65535 : i32
      %and3A_246 = vector.broadcast %and3A_245 : i32 to vector<16xi32>
      %and3A_247 = arith.andi %get3A_244, %and3A_246 : vector<16xi32>
      %swap3A_248 = arith.constant 48 : index
      %swap3A_249 = tpu.vector_load %arg11[%swap3A_248] {strides = array<i32>} : memref<128xi32, #tpu.memory_space<vmem>>, vector<16xi32>,
      %swap3A_250 = vector.shape_cast %swap3A_249 : vector<16xi32> to vector<16xi32>
      %swap3A_251 = vector.shape_cast %and3A_247 : vector<16xi32> to vector<16xi32>
      tpu.vector_store %arg11[%swap3A_248], %swap3A_251 {strides = array<i32>} : memref<128xi32, #tpu.memory_space<vmem>>, vector<16xi32>,
      %shift_right_logical3A_252 = arith.constant 16 : i32
      %shift_right_logical3A_253 = vector.broadcast %shift_right_logical3A_252 : i32 to vector<16xi32>
      %shift_right_logical3A_254 = arith.shrui %get3A_244, %shift_right_logical3A_253 : vector<16xi32>
      %swap3A_255 = arith.constant 112 : index
      %swap3A_256 = tpu.vector_load %arg11[%swap3A_255] {strides = array<i32>} : memref<128xi32, #tpu.memory_space<vmem>>, vector<16xi32>,
      %swap3A_257 = vector.shape_cast %swap3A_256 : vector<16xi32> to vector<16xi32>
      %swap3A_258 = vector.shape_cast %shift_right_logical3A_254 : vector<16xi32> to vector<16xi32>
      tpu.vector_store %arg11[%swap3A_255], %swap3A_258 {strides = array<i32>} : memref<128xi32, #tpu.memory_space<vmem>>, vector<16xi32>,
      %dma_start3A_259 = arith.constant 0 : i32
      %dma_start3A_260 = arith.constant 0 : i32
      %dma_start3A_261 = tpu.memref_slice %arg15[%dma_start3A_259, %dma_start3A_260] : memref<10112x128xf32, #tpu.memory_space<vmem_shared>> -> memref<10112x128xf32, #tpu.memory_space<vmem_shared>>
      tpu.enqueue_indirect_dma source(%arg13 : memref<128x128xf32, #tpu.memory_space<vmem>>) target(%dma_start3A_261 : memref<10112x128xf32, #tpu.memory_space<vmem_shared>>) offsets(%arg11 : memref<128xi32, #tpu.memory_space<vmem>>) semaphore(%arg18 : memref<!tpu.dma_semaphore, #tpu.memory_space<semaphore_mem>>) {add = true}
      %get3A_262 = arith.index_cast %rem3A : i32 to index
      %get3A_263 = arith.constant 0 : index
      %get3A_264 = tpu.vector_load %arg7[%get3A_262, %get3A_263] {strides = array<i32>} : memref<64x128xi32, #tpu.memory_space<vmem>>, vector<1x16xi32>,
      %get3A_265 = vector.shape_cast %get3A_264 : vector<1x16xi32> to vector<16xi32>
      %and3A_266 = arith.constant 65535 : i32
      %and3A_267 = vector.broadcast %and3A_266 : i32 to vector<16xi32>
      %and3A_268 = arith.andi %get3A_265, %and3A_267 : vector<16xi32>
      %swap3A_269 = arith.constant 0 : index
      %swap3A_270 = tpu.vector_load %arg9[%swap3A_269] {strides = array<i32>} : memref<128xi32, #tpu.memory_space<vmem>>, vector<16xi32>,
      %swap3A_271 = vector.shape_cast %swap3A_270 : vector<16xi32> to vector<16xi32>
      %swap3A_272 = vector.shape_cast %and3A_268 : vector<16xi32> to vector<16xi32>
      tpu.vector_store %arg9[%swap3A_269], %swap3A_272 {strides = array<i32>} : memref<128xi32, #tpu.memory_space<vmem>>, vector<16xi32>,
      %shift_right_logical3A_273 = arith.constant 16 : i32
      %shift_right_logical3A_274 = vector.broadcast %shift_right_logical3A_273 : i32 to vector<16xi32>
      %shift_right_logical3A_275 = arith.shrui %get3A_265, %shift_right_logical3A_274 : vector<16xi32>
      %swap3A_276 = arith.constant 64 : index
      %swap3A_277 = tpu.vector_load %arg9[%swap3A_276] {strides = array<i32>} : memref<128xi32, #tpu.memory_space<vmem>>, vector<16xi32>,
      %swap3A_278 = vector.shape_cast %swap3A_277 : vector<16xi32> to vector<16xi32>
      %swap3A_279 = vector.shape_cast %shift_right_logical3A_275 : vector<16xi32> to vector<16xi32>
      tpu.vector_store %arg9[%swap3A_276], %swap3A_279 {strides = array<i32>} : memref<128xi32, #tpu.memory_space<vmem>>, vector<16xi32>,
      %get3A_280 = arith.index_cast %rem3A : i32 to index
      %get3A_281 = arith.constant 16 : index
      %get3A_282 = tpu.vector_load %arg7[%get3A_280, %get3A_281] {strides = array<i32>} : memref<64x128xi32, #tpu.memory_space<vmem>>, vector<1x16xi32>,
      %get3A_283 = vector.shape_cast %get3A_282 : vector<1x16xi32> to vector<16xi32>
      %and3A_284 = arith.constant 65535 : i32
      %and3A_285 = vector.broadcast %and3A_284 : i32 to vector<16xi32>
      %and3A_286 = arith.andi %get3A_283, %and3A_285 : vector<16xi32>
      %swap3A_287 = arith.constant 16 : index
      %swap3A_288 = tpu.vector_load %arg9[%swap3A_287] {strides = array<i32>} : memref<128xi32, #tpu.memory_space<vmem>>, vector<16xi32>,
      %swap3A_289 = vector.shape_cast %swap3A_288 : vector<16xi32> to vector<16xi32>
      %swap3A_290 = vector.shape_cast %and3A_286 : vector<16xi32> to vector<16xi32>
      tpu.vector_store %arg9[%swap3A_287], %swap3A_290 {strides = array<i32>} : memref<128xi32, #tpu.memory_space<vmem>>, vector<16xi32>,
      %shift_right_logical3A_291 = arith.constant 16 : i32
      %shift_right_logical3A_292 = vector.broadcast %shift_right_logical3A_291 : i32 to vector<16xi32>
      %shift_right_logical3A_293 = arith.shrui %get3A_283, %shift_right_logical3A_292 : vector<16xi32>
      %swap3A_294 = arith.constant 80 : index
      %swap3A_295 = tpu.vector_load %arg9[%swap3A_294] {strides = array<i32>} : memref<128xi32, #tpu.memory_space<vmem>>, vector<16xi32>,
      %swap3A_296 = vector.shape_cast %swap3A_295 : vector<16xi32> to vector<16xi32>
      %swap3A_297 = vector.shape_cast %shift_right_logical3A_293 : vector<16xi32> to vector<16xi32>
      tpu.vector_store %arg9[%swap3A_294], %swap3A_297 {strides = array<i32>} : memref<128xi32, #tpu.memory_space<vmem>>, vector<16xi32>,
      %get3A_298 = arith.index_cast %rem3A : i32 to index
      %get3A_299 = arith.constant 32 : index
      %get3A_300 = tpu.vector_load %arg7[%get3A_298, %get3A_299] {strides = array<i32>} : memref<64x128xi32, #tpu.memory_space<vmem>>, vector<1x16xi32>,
      %get3A_301 = vector.shape_cast %get3A_300 : vector<1x16xi32> to vector<16xi32>
      %and3A_302 = arith.constant 65535 : i32
      %and3A_303 = vector.broadcast %and3A_302 : i32 to vector<16xi32>
      %and3A_304 = arith.andi %get3A_301, %and3A_303 : vector<16xi32>
      %swap3A_305 = arith.constant 32 : index
      %swap3A_306 = tpu.vector_load %arg9[%swap3A_305] {strides = array<i32>} : memref<128xi32, #tpu.memory_space<vmem>>, vector<16xi32>,
      %swap3A_307 = vector.shape_cast %swap3A_306 : vector<16xi32> to vector<16xi32>
      %swap3A_308 = vector.shape_cast %and3A_304 : vector<16xi32> to vector<16xi32>
      tpu.vector_store %arg9[%swap3A_305], %swap3A_308 {strides = array<i32>} : memref<128xi32, #tpu.memory_space<vmem>>, vector<16xi32>,
      %shift_right_logical3A_309 = arith.constant 16 : i32
      %shift_right_logical3A_310 = vector.broadcast %shift_right_logical3A_309 : i32 to vector<16xi32>
      %shift_right_logical3A_311 = arith.shrui %get3A_301, %shift_right_logical3A_310 : vector<16xi32>
      %swap3A_312 = arith.constant 96 : index
      %swap3A_313 = tpu.vector_load %arg9[%swap3A_312] {strides = array<i32>} : memref<128xi32, #tpu.memory_space<vmem>>, vector<16xi32>,
      %swap3A_314 = vector.shape_cast %swap3A_313 : vector<16xi32> to vector<16xi32>
      %swap3A_315 = vector.shape_cast %shift_right_logical3A_311 : vector<16xi32> to vector<16xi32>
      tpu.vector_store %arg9[%swap3A_312], %swap3A_315 {strides = array<i32>} : memref<128xi32, #tpu.memory_space<vmem>>, vector<16xi32>,
      %get3A_316 = arith.index_cast %rem3A : i32 to index
      %get3A_317 = arith.constant 48 : index
      %get3A_318 = tpu.vector_load %arg7[%get3A_316, %get3A_317] {strides = array<i32>} : memref<64x128xi32, #tpu.memory_space<vmem>>, vector<1x16xi32>,
      %get3A_319 = vector.shape_cast %get3A_318 : vector<1x16xi32> to vector<16xi32>
      %and3A_320 = arith.constant 65535 : i32
      %and3A_321 = vector.broadcast %and3A_320 : i32 to vector<16xi32>
      %and3A_322 = arith.andi %get3A_319, %and3A_321 : vector<16xi32>
      %swap3A_323 = arith.constant 48 : index
      %swap3A_324 = tpu.vector_load %arg9[%swap3A_323] {strides = array<i32>} : memref<128xi32, #tpu.memory_space<vmem>>, vector<16xi32>,
      %swap3A_325 = vector.shape_cast %swap3A_324 : vector<16xi32> to vector<16xi32>
      %swap3A_326 = vector.shape_cast %and3A_322 : vector<16xi32> to vector<16xi32>
      tpu.vector_store %arg9[%swap3A_323], %swap3A_326 {strides = array<i32>} : memref<128xi32, #tpu.memory_space<vmem>>, vector<16xi32>,
      %shift_right_logical3A_327 = arith.constant 16 : i32
      %shift_right_logical3A_328 = vector.broadcast %shift_right_logical3A_327 : i32 to vector<16xi32>
      %shift_right_logical3A_329 = arith.shrui %get3A_319, %shift_right_logical3A_328 : vector<16xi32>
      %swap3A_330 = arith.constant 112 : index
      %swap3A_331 = tpu.vector_load %arg9[%swap3A_330] {strides = array<i32>} : memref<128xi32, #tpu.memory_space<vmem>>, vector<16xi32>,
      %swap3A_332 = vector.shape_cast %swap3A_331 : vector<16xi32> to vector<16xi32>
      %swap3A_333 = vector.shape_cast %shift_right_logical3A_329 : vector<16xi32> to vector<16xi32>
      tpu.vector_store %arg9[%swap3A_330], %swap3A_333 {strides = array<i32>} : memref<128xi32, #tpu.memory_space<vmem>>, vector<16xi32>,
      %dma_wait3A_334 = arith.constant 0 : i32
      %dma_wait3A_335 = arith.constant 0 : i32
      %dma_wait3A_336 = tpu.memref_slice %arg15[%dma_wait3A_334, %dma_wait3A_335] : memref<10112x128xf32, #tpu.memory_space<vmem_shared>> -> memref<10112x128xf32, #tpu.memory_space<vmem_shared>>
      tpu.wait_indirect_dma semaphore(%arg18 : memref<!tpu.dma_semaphore, #tpu.memory_space<semaphore_mem>>) src(%arg13 : memref<128x128xf32, #tpu.memory_space<vmem>>) dst(%dma_wait3A_336 : memref<10112x128xf32, #tpu.memory_space<vmem_shared>>)
      %dma_start3A_337 = arith.constant 0 : i32
      %dma_start3A_338 = arith.constant 0 : i32
      %dma_start3A_339 = tpu.memref_slice %arg2[%dma_start3A_337, %dma_start3A_338] : memref<10000x128xf32, #tpu.memory_space<hbm>> -> memref<10000x128xf32, #tpu.memory_space<hbm>>
      tpu.enqueue_indirect_dma source(%dma_start3A_339 : memref<10000x128xf32, #tpu.memory_space<hbm>>) target(%arg13 : memref<128x128xf32, #tpu.memory_space<vmem>>) offsets(%arg9 : memref<128xi32, #tpu.memory_space<vmem>>) semaphore(%arg16 : memref<!tpu.dma_semaphore, #tpu.memory_space<semaphore_mem>>)
      %dma_wait3A_340 = arith.constant 0 : i32
      %dma_wait3A_341 = arith.constant 0 : i32
      %dma_wait3A_342 = tpu.memref_slice %arg2[%dma_wait3A_340, %dma_wait3A_341] : memref<10000x128xf32, #tpu.memory_space<hbm>> -> memref<10000x128xf32, #tpu.memory_space<hbm>>
      tpu.wait_indirect_dma semaphore(%arg17 : memref<!tpu.dma_semaphore, #tpu.memory_space<semaphore_mem>>) src(%dma_wait3A_342 : memref<10000x128xf32, #tpu.memory_space<hbm>>) dst(%arg14 : memref<128x128xf32, #tpu.memory_space<vmem>>)
      %get3A_343 = arith.index_cast %while3A_181 : i32 to index
      %get3A_344 = arith.constant 64 : index
      %get3A_345 = tpu.vector_load %arg8[%get3A_343, %get3A_344] {strides = array<i32>} : memref<64x128xi32, #tpu.memory_space<vmem>>, vector<1x16xi32>,
      %get3A_346 = vector.shape_cast %get3A_345 : vector<1x16xi32> to vector<16xi32>
      %and3A_347 = arith.constant 65535 : i32
      %and3A_348 = vector.broadcast %and3A_347 : i32 to vector<16xi32>
      %and3A_349 = arith.andi %get3A_346, %and3A_348 : vector<16xi32>
      %swap3A_350 = arith.constant 0 : index
      %swap3A_351 = tpu.vector_load %arg12[%swap3A_350] {strides = array<i32>} : memref<128xi32, #tpu.memory_space<vmem>>, vector<16xi32>,
      %swap3A_352 = vector.shape_cast %swap3A_351 : vector<16xi32> to vector<16xi32>
      %swap3A_353 = vector.shape_cast %and3A_349 : vector<16xi32> to vector<16xi32>
      tpu.vector_store %arg12[%swap3A_350], %swap3A_353 {strides = array<i32>} : memref<128xi32, #tpu.memory_space<vmem>>, vector<16xi32>,
      %shift_right_logical3A_354 = arith.constant 16 : i32
      %shift_right_logical3A_355 = vector.broadcast %shift_right_logical3A_354 : i32 to vector<16xi32>
      %shift_right_logical3A_356 = arith.shrui %get3A_346, %shift_right_logical3A_355 : vector<16xi32>
      %swap3A_357 = arith.constant 64 : index
      %swap3A_358 = tpu.vector_load %arg12[%swap3A_357] {strides = array<i32>} : memref<128xi32, #tpu.memory_space<vmem>>, vector<16xi32>,
      %swap3A_359 = vector.shape_cast %swap3A_358 : vector<16xi32> to vector<16xi32>
      %swap3A_360 = vector.shape_cast %shift_right_logical3A_356 : vector<16xi32> to vector<16xi32>
      tpu.vector_store %arg12[%swap3A_357], %swap3A_360 {strides = array<i32>} : memref<128xi32, #tpu.memory_space<vmem>>, vector<16xi32>,
      %get3A_361 = arith.index_cast %while3A_181 : i32 to index
      %get3A_362 = arith.constant 80 : index
      %get3A_363 = tpu.vector_load %arg8[%get3A_361, %get3A_362] {strides = array<i32>} : memref<64x128xi32, #tpu.memory_space<vmem>>, vector<1x16xi32>,
      %get3A_364 = vector.shape_cast %get3A_363 : vector<1x16xi32> to vector<16xi32>
      %and3A_365 = arith.constant 65535 : i32
      %and3A_366 = vector.broadcast %and3A_365 : i32 to vector<16xi32>
      %and3A_367 = arith.andi %get3A_364, %and3A_366 : vector<16xi32>
      %swap3A_368 = arith.constant 16 : index
      %swap3A_369 = tpu.vector_load %arg12[%swap3A_368] {strides = array<i32>} : memref<128xi32, #tpu.memory_space<vmem>>, vector<16xi32>,
      %swap3A_370 = vector.shape_cast %swap3A_369 : vector<16xi32> to vector<16xi32>
      %swap3A_371 = vector.shape_cast %and3A_367 : vector<16xi32> to vector<16xi32>
      tpu.vector_store %arg12[%swap3A_368], %swap3A_371 {strides = array<i32>} : memref<128xi32, #tpu.memory_space<vmem>>, vector<16xi32>,
      %shift_right_logical3A_372 = arith.constant 16 : i32
      %shift_right_logical3A_373 = vector.broadcast %shift_right_logical3A_372 : i32 to vector<16xi32>
      %shift_right_logical3A_374 = arith.shrui %get3A_364, %shift_right_logical3A_373 : vector<16xi32>
      %swap3A_375 = arith.constant 80 : index
      %swap3A_376 = tpu.vector_load %arg12[%swap3A_375] {strides = array<i32>} : memref<128xi32, #tpu.memory_space<vmem>>, vector<16xi32>,
      %swap3A_377 = vector.shape_cast %swap3A_376 : vector<16xi32> to vector<16xi32>
      %swap3A_378 = vector.shape_cast %shift_right_logical3A_374 : vector<16xi32> to vector<16xi32>
      tpu.vector_store %arg12[%swap3A_375], %swap3A_378 {strides = array<i32>} : memref<128xi32, #tpu.memory_space<vmem>>, vector<16xi32>,
      %get3A_379 = arith.index_cast %while3A_181 : i32 to index
      %get3A_380 = arith.constant 96 : index
      %get3A_381 = tpu.vector_load %arg8[%get3A_379, %get3A_380] {strides = array<i32>} : memref<64x128xi32, #tpu.memory_space<vmem>>, vector<1x16xi32>,
      %get3A_382 = vector.shape_cast %get3A_381 : vector<1x16xi32> to vector<16xi32>
      %and3A_383 = arith.constant 65535 : i32
      %and3A_384 = vector.broadcast %and3A_383 : i32 to vector<16xi32>
      %and3A_385 = arith.andi %get3A_382, %and3A_384 : vector<16xi32>
      %swap3A_386 = arith.constant 32 : index
      %swap3A_387 = tpu.vector_load %arg12[%swap3A_386] {strides = array<i32>} : memref<128xi32, #tpu.memory_space<vmem>>, vector<16xi32>,
      %swap3A_388 = vector.shape_cast %swap3A_387 : vector<16xi32> to vector<16xi32>
      %swap3A_389 = vector.shape_cast %and3A_385 : vector<16xi32> to vector<16xi32>
      tpu.vector_store %arg12[%swap3A_386], %swap3A_389 {strides = array<i32>} : memref<128xi32, #tpu.memory_space<vmem>>, vector<16xi32>,
      %shift_right_logical3A_390 = arith.constant 16 : i32
      %shift_right_logical3A_391 = vector.broadcast %shift_right_logical3A_390 : i32 to vector<16xi32>
      %shift_right_logical3A_392 = arith.shrui %get3A_382, %shift_right_logical3A_391 : vector<16xi32>
      %swap3A_393 = arith.constant 96 : index
      %swap3A_394 = tpu.vector_load %arg12[%swap3A_393] {strides = array<i32>} : memref<128xi32, #tpu.memory_space<vmem>>, vector<16xi32>,
      %swap3A_395 = vector.shape_cast %swap3A_394 : vector<16xi32> to vector<16xi32>
      %swap3A_396 = vector.shape_cast %shift_right_logical3A_392 : vector<16xi32> to vector<16xi32>
      tpu.vector_store %arg12[%swap3A_393], %swap3A_396 {strides = array<i32>} : memref<128xi32, #tpu.memory_space<vmem>>, vector<16xi32>,
      %get3A_397 = arith.index_cast %while3A_181 : i32 to index
      %get3A_398 = arith.constant 112 : index
      %get3A_399 = tpu.vector_load %arg8[%get3A_397, %get3A_398] {strides = array<i32>} : memref<64x128xi32, #tpu.memory_space<vmem>>, vector<1x16xi32>,
      %get3A_400 = vector.shape_cast %get3A_399 : vector<1x16xi32> to vector<16xi32>
      %and3A_401 = arith.constant 65535 : i32
      %and3A_402 = vector.broadcast %and3A_401 : i32 to vector<16xi32>
      %and3A_403 = arith.andi %get3A_400, %and3A_402 : vector<16xi32>
      %swap3A_404 = arith.constant 48 : index
      %swap3A_405 = tpu.vector_load %arg12[%swap3A_404] {strides = array<i32>} : memref<128xi32, #tpu.memory_space<vmem>>, vector<16xi32>,
      %swap3A_406 = vector.shape_cast %swap3A_405 : vector<16xi32> to vector<16xi32>
      %swap3A_407 = vector.shape_cast %and3A_403 : vector<16xi32> to vector<16xi32>
      tpu.vector_store %arg12[%swap3A_404], %swap3A_407 {strides = array<i32>} : memref<128xi32, #tpu.memory_space<vmem>>, vector<16xi32>,
      %shift_right_logical3A_408 = arith.constant 16 : i32
      %shift_right_logical3A_409 = vector.broadcast %shift_right_logical3A_408 : i32 to vector<16xi32>
      %shift_right_logical3A_410 = arith.shrui %get3A_400, %shift_right_logical3A_409 : vector<16xi32>
      %swap3A_411 = arith.constant 112 : index
      %swap3A_412 = tpu.vector_load %arg12[%swap3A_411] {strides = array<i32>} : memref<128xi32, #tpu.memory_space<vmem>>, vector<16xi32>,
      %swap3A_413 = vector.shape_cast %swap3A_412 : vector<16xi32> to vector<16xi32>
      %swap3A_414 = vector.shape_cast %shift_right_logical3A_410 : vector<16xi32> to vector<16xi32>
      tpu.vector_store %arg12[%swap3A_411], %swap3A_414 {strides = array<i32>} : memref<128xi32, #tpu.memory_space<vmem>>, vector<16xi32>,
      %dma_start3A_415 = arith.constant 0 : i32
      %dma_start3A_416 = arith.constant 0 : i32
      %dma_start3A_417 = tpu.memref_slice %arg15[%dma_start3A_415, %dma_start3A_416] : memref<10112x128xf32, #tpu.memory_space<vmem_shared>> -> memref<10112x128xf32, #tpu.memory_space<vmem_shared>>
      tpu.enqueue_indirect_dma source(%arg14 : memref<128x128xf32, #tpu.memory_space<vmem>>) target(%dma_start3A_417 : memref<10112x128xf32, #tpu.memory_space<vmem_shared>>) offsets(%arg12 : memref<128xi32, #tpu.memory_space<vmem>>) semaphore(%arg19 : memref<!tpu.dma_semaphore, #tpu.memory_space<semaphore_mem>>) {add = true}
      %get3A_418 = arith.index_cast %rem3A : i32 to index
      %get3A_419 = arith.constant 64 : index
      %get3A_420 = tpu.vector_load %arg7[%get3A_418, %get3A_419] {strides = array<i32>} : memref<64x128xi32, #tpu.memory_space<vmem>>, vector<1x16xi32>,
      %get3A_421 = vector.shape_cast %get3A_420 : vector<1x16xi32> to vector<16xi32>
      %and3A_422 = arith.constant 65535 : i32
      %and3A_423 = vector.broadcast %and3A_422 : i32 to vector<16xi32>
      %and3A_424 = arith.andi %get3A_421, %and3A_423 : vector<16xi32>
      %swap3A_425 = arith.constant 0 : index
      %swap3A_426 = tpu.vector_load %arg10[%swap3A_425] {strides = array<i32>} : memref<128xi32, #tpu.memory_space<vmem>>, vector<16xi32>,
      %swap3A_427 = vector.shape_cast %swap3A_426 : vector<16xi32> to vector<16xi32>
      %swap3A_428 = vector.shape_cast %and3A_424 : vector<16xi32> to vector<16xi32>
      tpu.vector_store %arg10[%swap3A_425], %swap3A_428 {strides = array<i32>} : memref<128xi32, #tpu.memory_space<vmem>>, vector<16xi32>,
      %shift_right_logical3A_429 = arith.constant 16 : i32
      %shift_right_logical3A_430 = vector.broadcast %shift_right_logical3A_429 : i32 to vector<16xi32>
      %shift_right_logical3A_431 = arith.shrui %get3A_421, %shift_right_logical3A_430 : vector<16xi32>
      %swap3A_432 = arith.constant 64 : index
      %swap3A_433 = tpu.vector_load %arg10[%swap3A_432] {strides = array<i32>} : memref<128xi32, #tpu.memory_space<vmem>>, vector<16xi32>,
      %swap3A_434 = vector.shape_cast %swap3A_433 : vector<16xi32> to vector<16xi32>
      %swap3A_435 = vector.shape_cast %shift_right_logical3A_431 : vector<16xi32> to vector<16xi32>
      tpu.vector_store %arg10[%swap3A_432], %swap3A_435 {strides = array<i32>} : memref<128xi32, #tpu.memory_space<vmem>>, vector<16xi32>,
      %get3A_436 = arith.index_cast %rem3A : i32 to index
      %get3A_437 = arith.constant 80 : index
      %get3A_438 = tpu.vector_load %arg7[%get3A_436, %get3A_437] {strides = array<i32>} : memref<64x128xi32, #tpu.memory_space<vmem>>, vector<1x16xi32>,
      %get3A_439 = vector.shape_cast %get3A_438 : vector<1x16xi32> to vector<16xi32>
      %and3A_440 = arith.constant 65535 : i32
      %and3A_441 = vector.broadcast %and3A_440 : i32 to vector<16xi32>
      %and3A_442 = arith.andi %get3A_439, %and3A_441 : vector<16xi32>
      %swap3A_443 = arith.constant 16 : index
      %swap3A_444 = tpu.vector_load %arg10[%swap3A_443] {strides = array<i32>} : memref<128xi32, #tpu.memory_space<vmem>>, vector<16xi32>,
      %swap3A_445 = vector.shape_cast %swap3A_444 : vector<16xi32> to vector<16xi32>
      %swap3A_446 = vector.shape_cast %and3A_442 : vector<16xi32> to vector<16xi32>
      tpu.vector_store %arg10[%swap3A_443], %swap3A_446 {strides = array<i32>} : memref<128xi32, #tpu.memory_space<vmem>>, vector<16xi32>,
      %shift_right_logical3A_447 = arith.constant 16 : i32
      %shift_right_logical3A_448 = vector.broadcast %shift_right_logical3A_447 : i32 to vector<16xi32>
      %shift_right_logical3A_449 = arith.shrui %get3A_439, %shift_right_logical3A_448 : vector<16xi32>
      %swap3A_450 = arith.constant 80 : index
      %swap3A_451 = tpu.vector_load %arg10[%swap3A_450] {strides = array<i32>} : memref<128xi32, #tpu.memory_space<vmem>>, vector<16xi32>,
      %swap3A_452 = vector.shape_cast %swap3A_451 : vector<16xi32> to vector<16xi32>
      %swap3A_453 = vector.shape_cast %shift_right_logical3A_449 : vector<16xi32> to vector<16xi32>
      tpu.vector_store %arg10[%swap3A_450], %swap3A_453 {strides = array<i32>} : memref<128xi32, #tpu.memory_space<vmem>>, vector<16xi32>,
      %get3A_454 = arith.index_cast %rem3A : i32 to index
      %get3A_455 = arith.constant 96 : index
      %get3A_456 = tpu.vector_load %arg7[%get3A_454, %get3A_455] {strides = array<i32>} : memref<64x128xi32, #tpu.memory_space<vmem>>, vector<1x16xi32>,
      %get3A_457 = vector.shape_cast %get3A_456 : vector<1x16xi32> to vector<16xi32>
      %and3A_458 = arith.constant 65535 : i32
      %and3A_459 = vector.broadcast %and3A_458 : i32 to vector<16xi32>
      %and3A_460 = arith.andi %get3A_457, %and3A_459 : vector<16xi32>
      %swap3A_461 = arith.constant 32 : index
      %swap3A_462 = tpu.vector_load %arg10[%swap3A_461] {strides = array<i32>} : memref<128xi32, #tpu.memory_space<vmem>>, vector<16xi32>,
      %swap3A_463 = vector.shape_cast %swap3A_462 : vector<16xi32> to vector<16xi32>
      %swap3A_464 = vector.shape_cast %and3A_460 : vector<16xi32> to vector<16xi32>
      tpu.vector_store %arg10[%swap3A_461], %swap3A_464 {strides = array<i32>} : memref<128xi32, #tpu.memory_space<vmem>>, vector<16xi32>,
      %shift_right_logical3A_465 = arith.constant 16 : i32
      %shift_right_logical3A_466 = vector.broadcast %shift_right_logical3A_465 : i32 to vector<16xi32>
      %shift_right_logical3A_467 = arith.shrui %get3A_457, %shift_right_logical3A_466 : vector<16xi32>
      %swap3A_468 = arith.constant 96 : index
      %swap3A_469 = tpu.vector_load %arg10[%swap3A_468] {strides = array<i32>} : memref<128xi32, #tpu.memory_space<vmem>>, vector<16xi32>,
      %swap3A_470 = vector.shape_cast %swap3A_469 : vector<16xi32> to vector<16xi32>
      %swap3A_471 = vector.shape_cast %shift_right_logical3A_467 : vector<16xi32> to vector<16xi32>
      tpu.vector_store %arg10[%swap3A_468], %swap3A_471 {strides = array<i32>} : memref<128xi32, #tpu.memory_space<vmem>>, vector<16xi32>,
      %get3A_472 = arith.index_cast %rem3A : i32 to index
      %get3A_473 = arith.constant 112 : index
      %get3A_474 = tpu.vector_load %arg7[%get3A_472, %get3A_473] {strides = array<i32>} : memref<64x128xi32, #tpu.memory_space<vmem>>, vector<1x16xi32>,
      %get3A_475 = vector.shape_cast %get3A_474 : vector<1x16xi32> to vector<16xi32>
      %and3A_476 = arith.constant 65535 : i32
      %and3A_477 = vector.broadcast %and3A_476 : i32 to vector<16xi32>
      %and3A_478 = arith.andi %get3A_475, %and3A_477 : vector<16xi32>
      %swap3A_479 = arith.constant 48 : index
      %swap3A_480 = tpu.vector_load %arg10[%swap3A_479] {strides = array<i32>} : memref<128xi32, #tpu.memory_space<vmem>>, vector<16xi32>,
      %swap3A_481 = vector.shape_cast %swap3A_480 : vector<16xi32> to vector<16xi32>
      %swap3A_482 = vector.shape_cast %and3A_478 : vector<16xi32> to vector<16xi32>
      tpu.vector_store %arg10[%swap3A_479], %swap3A_482 {strides = array<i32>} : memref<128xi32, #tpu.memory_space<vmem>>, vector<16xi32>,
      %shift_right_logical3A_483 = arith.constant 16 : i32
      %shift_right_logical3A_484 = vector.broadcast %shift_right_logical3A_483 : i32 to vector<16xi32>
      %shift_right_logical3A_485 = arith.shrui %get3A_475, %shift_right_logical3A_484 : vector<16xi32>
      %swap3A_486 = arith.constant 112 : index
      %swap3A_487 = tpu.vector_load %arg10[%swap3A_486] {strides = array<i32>} : memref<128xi32, #tpu.memory_space<vmem>>, vector<16xi32>,
      %swap3A_488 = vector.shape_cast %swap3A_487 : vector<16xi32> to vector<16xi32>
      %swap3A_489 = vector.shape_cast %shift_right_logical3A_485 : vector<16xi32> to vector<16xi32>
      tpu.vector_store %arg10[%swap3A_486], %swap3A_489 {strides = array<i32>} : memref<128xi32, #tpu.memory_space<vmem>>, vector<16xi32>,
      %dma_wait3A_490 = arith.constant 0 : i32
      %dma_wait3A_491 = arith.constant 0 : i32
      %dma_wait3A_492 = tpu.memref_slice %arg15[%dma_wait3A_490, %dma_wait3A_491] : memref<10112x128xf32, #tpu.memory_space<vmem_shared>> -> memref<10112x128xf32, #tpu.memory_space<vmem_shared>>
      tpu.wait_indirect_dma semaphore(%arg19 : memref<!tpu.dma_semaphore, #tpu.memory_space<semaphore_mem>>) src(%arg14 : memref<128x128xf32, #tpu.memory_space<vmem>>) dst(%dma_wait3A_492 : memref<10112x128xf32, #tpu.memory_space<vmem_shared>>)
      %dma_start3A_493 = arith.constant 0 : i32
      %dma_start3A_494 = arith.constant 0 : i32
      %dma_start3A_495 = tpu.memref_slice %arg2[%dma_start3A_493, %dma_start3A_494] : memref<10000x128xf32, #tpu.memory_space<hbm>> -> memref<10000x128xf32, #tpu.memory_space<hbm>>
      tpu.enqueue_indirect_dma source(%dma_start3A_495 : memref<10000x128xf32, #tpu.memory_space<hbm>>) target(%arg14 : memref<128x128xf32, #tpu.memory_space<vmem>>) offsets(%arg10 : memref<128xi32, #tpu.memory_space<vmem>>) semaphore(%arg17 : memref<!tpu.dma_semaphore, #tpu.memory_space<semaphore_mem>>)
    }
    %dma_wait3A = arith.constant 0 : i32
    %dma_wait3A_171 = arith.constant 0 : i32
    %dma_wait3A_172 = tpu.memref_slice %arg2[%dma_wait3A, %dma_wait3A_171] : memref<10000x128xf32, #tpu.memory_space<hbm>> -> memref<10000x128xf32, #tpu.memory_space<hbm>>
    tpu.wait_indirect_dma semaphore(%arg16 : memref<!tpu.dma_semaphore, #tpu.memory_space<semaphore_mem>>) src(%dma_wait3A_172 : memref<10000x128xf32, #tpu.memory_space<hbm>>) dst(%arg13 : memref<128x128xf32, #tpu.memory_space<vmem>>)
    %dma_wait3A_173 = arith.constant 0 : i32
    %dma_wait3A_174 = arith.constant 0 : i32
    %dma_wait3A_175 = tpu.memref_slice %arg2[%dma_wait3A_173, %dma_wait3A_174] : memref<10000x128xf32, #tpu.memory_space<hbm>> -> memref<10000x128xf32, #tpu.memory_space<hbm>>
    tpu.wait_indirect_dma semaphore(%arg17 : memref<!tpu.dma_semaphore, #tpu.memory_space<semaphore_mem>>) src(%dma_wait3A_175 : memref<10000x128xf32, #tpu.memory_space<hbm>>) dst(%arg14 : memref<128x128xf32, #tpu.memory_space<vmem>>)
    %barrier3A_176 = arith.constant 0 : index
    tpu.barrier barrier_id(%barrier3A_176)
    %mul3A_177 = arith.constant 632 : i32
    %mul3A_178 = arith.muli %arg1, %mul3A_177 : i32
    %mul3A_179 = arith.constant 632 : i32
    %mul3A_180 = arith.muli %arg1, %mul3A_179 : i32
    "tpu.region"() ({
      %run_scoped3A = tpu.sem_alloc : memref<!tpu.dma_semaphore, #tpu.memory_space<semaphore_mem>>
      %dma_start3A_181 = arith.constant 0 : i32
      %dma_start3A_182 = tpu.memref_slice %arg6[%arg0, %mul3A_180, %dma_start3A_181] : memref<2x10112x128xf32, #tpu.memory_space<hbm>> -> memref<1x632x128xf32, #tpu.memory_space<hbm>>
      %dma_start3A_183 = tpu.memref_squeeze %dma_start3A_182 : memref<1x632x128xf32, #tpu.memory_space<hbm>> -> memref<632x128xf32, #tpu.memory_space<hbm>>
      %dma_start3A_184 = arith.constant 0 : i32
      %dma_start3A_185 = tpu.memref_slice %arg15[%mul3A_178, %dma_start3A_184] : memref<10112x128xf32, #tpu.memory_space<vmem_shared>> -> memref<632x128xf32, #tpu.memory_space<vmem_shared>>
      tpu.enqueue_dma source(%dma_start3A_185 : memref<632x128xf32, #tpu.memory_space<vmem_shared>>) target(%dma_start3A_183 : memref<632x128xf32, #tpu.memory_space<hbm>>) target_semaphore(%run_scoped3A : memref<!tpu.dma_semaphore, #tpu.memory_space<semaphore_mem>>)
      %dma_wait3A_186 = arith.constant 0 : i32
      %dma_wait3A_187 = tpu.memref_slice %arg6[%arg0, %mul3A_180, %dma_wait3A_186] : memref<2x10112x128xf32, #tpu.memory_space<hbm>> -> memref<1x632x128xf32, #tpu.memory_space<hbm>>
      %dma_wait3A_188 = tpu.memref_squeeze %dma_wait3A_187 : memref<1x632x128xf32, #tpu.memory_space<hbm>> -> memref<632x128xf32, #tpu.memory_space<hbm>>
      %dma_wait3A_189 = arith.constant 0 : i32
      %dma_wait3A_190 = tpu.memref_slice %arg15[%mul3A_178, %dma_wait3A_189] : memref<10112x128xf32, #tpu.memory_space<vmem_shared>> -> memref<632x128xf32, #tpu.memory_space<vmem_shared>>
      tpu.wait_dma2 semaphore(%run_scoped3A : memref<!tpu.dma_semaphore, #tpu.memory_space<semaphore_mem>>) src(%dma_wait3A_190 : memref<632x128xf32, #tpu.memory_space<vmem_shared>>) dst(%dma_wait3A_188 : memref<632x128xf32, #tpu.memory_space<hbm>>)
      tpu.yield
    }) : () -> ()
    return
  }
}

#map = affine_map<(d0, d1) -> (0, 0)>
#map1 = affine_map<(d0, d1) -> (0, 0, 0)>
module attributes {stable_mosaic.version = 14 : i64} {
  func.func @_sc_segsum(%arg0: i32, %arg1: i32, %arg2: memref<10000x128xf32, #tpu.memory_space<hbm>>, %arg3: memref<2048x128xi32, #tpu.memory_space<hbm>>, %arg4: memref<2048x128xi32, #tpu.memory_space<hbm>>, %arg5: memref<632x128xf32, #tpu.memory_space<hbm>>, %arg6: memref<2x10112x128xf32, #tpu.memory_space<hbm>>, %arg7: memref<64x128xi32, #tpu.memory_space<vmem>>, %arg8: memref<64x128xi32, #tpu.memory_space<vmem>>, %arg9: memref<128xi32, #tpu.memory_space<vmem>>, %arg10: memref<128xi32, #tpu.memory_space<vmem>>, %arg11: memref<128xi32, #tpu.memory_space<vmem>>, %arg12: memref<128xi32, #tpu.memory_space<vmem>>, %arg13: memref<128x128xf32, #tpu.memory_space<vmem>>, %arg14: memref<128x128xf32, #tpu.memory_space<vmem>>, %arg15: memref<10112x128xf32, #tpu.memory_space<vmem_shared>>, %arg16: memref<!tpu.dma_semaphore, #tpu.memory_space<semaphore_mem>>, %arg17: memref<!tpu.dma_semaphore, #tpu.memory_space<semaphore_mem>>, %arg18: memref<!tpu.dma_semaphore, #tpu.memory_space<semaphore_mem>>, %arg19: memref<!tpu.dma_semaphore, #tpu.memory_space<semaphore_mem>>) attributes {dimension_semantics = [#tpu.dimension_semantics<core_parallel>, #tpu.dimension_semantics<subcore_parallel>], iteration_bounds = array<i64: 2, 16>, scalar_prefetch = 0 : i64, scratch_operands = 13 : i64, tpu.core_type = #tpu.core_type<sc_vector_subcore>, window_params = [{transform_indices = #map}, {transform_indices = #map}, {transform_indices = #map}, {transform_indices = #map}, {transform_indices = #map1}]} {
    %mul3A = arith.constant 2 : i32
    %mul3A_0 = arith.muli %arg1, %mul3A : i32
    %add3A = arith.addi %mul3A_0, %arg0 : i32
    %eq3A = arith.constant 0 : i32
    %eq3A_1 = arith.cmpi eq, %arg0, %eq3A : i32
    %jit3A = arith.constant 58 : i32
    %jit3A_2 = arith.constant 21 : i32
    %select_n3A = arith.select %eq3A_1, %jit3A, %jit3A_2 : i32
    %mul3A_3 = arith.constant 632 : i32
    %mul3A_4 = arith.muli %arg1, %mul3A_3 : i32
    "tpu.region"() ({
      %run_scoped3A = tpu.sem_alloc : memref<!tpu.dma_semaphore, #tpu.memory_space<semaphore_mem>>
      %dma_start3A_181 = arith.constant 0 : i32
      %dma_start3A_182 = tpu.memref_slice %arg15[%mul3A_4, %dma_start3A_181] : memref<10112x128xf32, #tpu.memory_space<vmem_shared>> -> memref<632x128xf32, #tpu.memory_space<vmem_shared>>
      tpu.enqueue_dma source(%arg5 : memref<632x128xf32, #tpu.memory_space<hbm>>) target(%dma_start3A_182 : memref<632x128xf32, #tpu.memory_space<vmem_shared>>) target_semaphore(%run_scoped3A : memref<!tpu.dma_semaphore, #tpu.memory_space<semaphore_mem>>)
      %dma_wait3A_183 = arith.constant 0 : i32
      %dma_wait3A_184 = tpu.memref_slice %arg15[%mul3A_4, %dma_wait3A_183] : memref<10112x128xf32, #tpu.memory_space<vmem_shared>> -> memref<632x128xf32, #tpu.memory_space<vmem_shared>>
      tpu.wait_dma2 semaphore(%run_scoped3A : memref<!tpu.dma_semaphore, #tpu.memory_space<semaphore_mem>>) src(%arg5 : memref<632x128xf32, #tpu.memory_space<hbm>>) dst(%dma_wait3A_184 : memref<632x128xf32, #tpu.memory_space<vmem_shared>>)
      tpu.yield
    }) : () -> ()
    %mul3A_5 = arith.constant 64 : i32
    %mul3A_6 = arith.muli %add3A, %mul3A_5 : i32
    "tpu.region"() ({
      %run_scoped3A = tpu.sem_alloc : memref<!tpu.dma_semaphore, #tpu.memory_space<semaphore_mem>>
      %dma_start3A_181 = arith.constant 0 : i32
      %dma_start3A_182 = tpu.memref_slice %arg3[%mul3A_6, %dma_start3A_181] : memref<2048x128xi32, #tpu.memory_space<hbm>> -> memref<64x128xi32, #tpu.memory_space<hbm>>
      %dma_start3A_183 = arith.constant 0 : i32
      %dma_start3A_184 = tpu.memref_slice %arg3[%mul3A_6, %dma_start3A_183] : memref<2048x128xi32, #tpu.memory_space<hbm>> -> memref<64x128xi32, #tpu.memory_space<hbm>>
      tpu.enqueue_dma source(%dma_start3A_184 : memref<64x128xi32, #tpu.memory_space<hbm>>) target(%arg7 : memref<64x128xi32, #tpu.memory_space<vmem>>) target_semaphore(%run_scoped3A : memref<!tpu.dma_semaphore, #tpu.memory_space<semaphore_mem>>)
      %dma_wait3A_185 = arith.constant 0 : i32
      %dma_wait3A_186 = tpu.memref_slice %arg3[%mul3A_6, %dma_wait3A_185] : memref<2048x128xi32, #tpu.memory_space<hbm>> -> memref<64x128xi32, #tpu.memory_space<hbm>>
      %dma_wait3A_187 = arith.constant 0 : i32
      %dma_wait3A_188 = tpu.memref_slice %arg3[%mul3A_6, %dma_wait3A_187] : memref<2048x128xi32, #tpu.memory_space<hbm>> -> memref<64x128xi32, #tpu.memory_space<hbm>>
      tpu.wait_dma2 semaphore(%run_scoped3A : memref<!tpu.dma_semaphore, #tpu.memory_space<semaphore_mem>>) src(%dma_wait3A_188 : memref<64x128xi32, #tpu.memory_space<hbm>>) dst(%arg7 : memref<64x128xi32, #tpu.memory_space<vmem>>)
      tpu.yield
    }) : () -> ()
    %mul3A_7 = arith.constant 64 : i32
    %mul3A_8 = arith.muli %add3A, %mul3A_7 : i32
    "tpu.region"() ({
      %run_scoped3A = tpu.sem_alloc : memref<!tpu.dma_semaphore, #tpu.memory_space<semaphore_mem>>
      %dma_start3A_181 = arith.constant 0 : i32
      %dma_start3A_182 = tpu.memref_slice %arg4[%mul3A_8, %dma_start3A_181] : memref<2048x128xi32, #tpu.memory_space<hbm>> -> memref<64x128xi32, #tpu.memory_space<hbm>>
      %dma_start3A_183 = arith.constant 0 : i32
      %dma_start3A_184 = tpu.memref_slice %arg4[%mul3A_8, %dma_start3A_183] : memref<2048x128xi32, #tpu.memory_space<hbm>> -> memref<64x128xi32, #tpu.memory_space<hbm>>
      tpu.enqueue_dma source(%dma_start3A_184 : memref<64x128xi32, #tpu.memory_space<hbm>>) target(%arg8 : memref<64x128xi32, #tpu.memory_space<vmem>>) target_semaphore(%run_scoped3A : memref<!tpu.dma_semaphore, #tpu.memory_space<semaphore_mem>>)
      %dma_wait3A_185 = arith.constant 0 : i32
      %dma_wait3A_186 = tpu.memref_slice %arg4[%mul3A_8, %dma_wait3A_185] : memref<2048x128xi32, #tpu.memory_space<hbm>> -> memref<64x128xi32, #tpu.memory_space<hbm>>
      %dma_wait3A_187 = arith.constant 0 : i32
      %dma_wait3A_188 = tpu.memref_slice %arg4[%mul3A_8, %dma_wait3A_187] : memref<2048x128xi32, #tpu.memory_space<hbm>> -> memref<64x128xi32, #tpu.memory_space<hbm>>
      tpu.wait_dma2 semaphore(%run_scoped3A : memref<!tpu.dma_semaphore, #tpu.memory_space<semaphore_mem>>) src(%dma_wait3A_188 : memref<64x128xi32, #tpu.memory_space<hbm>>) dst(%arg8 : memref<64x128xi32, #tpu.memory_space<vmem>>)
      tpu.yield
    }) : () -> ()
    %barrier3A = arith.constant 0 : index
    tpu.barrier barrier_id(%barrier3A)
    %get3A = arith.constant 0 : i32
    %get3A_9 = arith.index_cast %get3A : i32 to index
    %get3A_10 = arith.constant 0 : index
    %get3A_11 = tpu.vector_load %arg7[%get3A_9, %get3A_10] {strides = array<i32>} : memref<64x128xi32, #tpu.memory_space<vmem>>, vector<1x16xi32>,
    %get3A_12 = vector.shape_cast %get3A_11 : vector<1x16xi32> to vector<16xi32>
    %and3A = arith.constant 65535 : i32
    %and3A_13 = vector.broadcast %and3A : i32 to vector<16xi32>
    %and3A_14 = arith.andi %get3A_12, %and3A_13 : vector<16xi32>
    %swap3A = arith.constant 0 : index
    %swap3A_15 = tpu.vector_load %arg9[%swap3A] {strides = array<i32>} : memref<128xi32, #tpu.memory_space<vmem>>, vector<16xi32>,
    %swap3A_16 = vector.shape_cast %swap3A_15 : vector<16xi32> to vector<16xi32>
    %swap3A_17 = vector.shape_cast %and3A_14 : vector<16xi32> to vector<16xi32>
    tpu.vector_store %arg9[%swap3A], %swap3A_17 {strides = array<i32>} : memref<128xi32, #tpu.memory_space<vmem>>, vector<16xi32>,
    %shift_right_logical3A = arith.constant 16 : i32
    %shift_right_logical3A_18 = vector.broadcast %shift_right_logical3A : i32 to vector<16xi32>
    %shift_right_logical3A_19 = arith.shrui %get3A_12, %shift_right_logical3A_18 : vector<16xi32>
    %swap3A_20 = arith.constant 64 : index
    %swap3A_21 = tpu.vector_load %arg9[%swap3A_20] {strides = array<i32>} : memref<128xi32, #tpu.memory_space<vmem>>, vector<16xi32>,
    %swap3A_22 = vector.shape_cast %swap3A_21 : vector<16xi32> to vector<16xi32>
    %swap3A_23 = vector.shape_cast %shift_right_logical3A_19 : vector<16xi32> to vector<16xi32>
    tpu.vector_store %arg9[%swap3A_20], %swap3A_23 {strides = array<i32>} : memref<128xi32, #tpu.memory_space<vmem>>, vector<16xi32>,
    %get3A_24 = arith.constant 0 : i32
    %get3A_25 = arith.index_cast %get3A_24 : i32 to index
    %get3A_26 = arith.constant 16 : index
    %get3A_27 = tpu.vector_load %arg7[%get3A_25, %get3A_26] {strides = array<i32>} : memref<64x128xi32, #tpu.memory_space<vmem>>, vector<1x16xi32>,
    %get3A_28 = vector.shape_cast %get3A_27 : vector<1x16xi32> to vector<16xi32>
    %and3A_29 = arith.constant 65535 : i32
    %and3A_30 = vector.broadcast %and3A_29 : i32 to vector<16xi32>
    %and3A_31 = arith.andi %get3A_28, %and3A_30 : vector<16xi32>
    %swap3A_32 = arith.constant 16 : index
    %swap3A_33 = tpu.vector_load %arg9[%swap3A_32] {strides = array<i32>} : memref<128xi32, #tpu.memory_space<vmem>>, vector<16xi32>,
    %swap3A_34 = vector.shape_cast %swap3A_33 : vector<16xi32> to vector<16xi32>
    %swap3A_35 = vector.shape_cast %and3A_31 : vector<16xi32> to vector<16xi32>
    tpu.vector_store %arg9[%swap3A_32], %swap3A_35 {strides = array<i32>} : memref<128xi32, #tpu.memory_space<vmem>>, vector<16xi32>,
    %shift_right_logical3A_36 = arith.constant 16 : i32
    %shift_right_logical3A_37 = vector.broadcast %shift_right_logical3A_36 : i32 to vector<16xi32>
    %shift_right_logical3A_38 = arith.shrui %get3A_28, %shift_right_logical3A_37 : vector<16xi32>
    %swap3A_39 = arith.constant 80 : index
    %swap3A_40 = tpu.vector_load %arg9[%swap3A_39] {strides = array<i32>} : memref<128xi32, #tpu.memory_space<vmem>>, vector<16xi32>,
    %swap3A_41 = vector.shape_cast %swap3A_40 : vector<16xi32> to vector<16xi32>
    %swap3A_42 = vector.shape_cast %shift_right_logical3A_38 : vector<16xi32> to vector<16xi32>
    tpu.vector_store %arg9[%swap3A_39], %swap3A_42 {strides = array<i32>} : memref<128xi32, #tpu.memory_space<vmem>>, vector<16xi32>,
    %get3A_43 = arith.constant 0 : i32
    %get3A_44 = arith.index_cast %get3A_43 : i32 to index
    %get3A_45 = arith.constant 32 : index
    %get3A_46 = tpu.vector_load %arg7[%get3A_44, %get3A_45] {strides = array<i32>} : memref<64x128xi32, #tpu.memory_space<vmem>>, vector<1x16xi32>,
    %get3A_47 = vector.shape_cast %get3A_46 : vector<1x16xi32> to vector<16xi32>
    %and3A_48 = arith.constant 65535 : i32
    %and3A_49 = vector.broadcast %and3A_48 : i32 to vector<16xi32>
    %and3A_50 = arith.andi %get3A_47, %and3A_49 : vector<16xi32>
    %swap3A_51 = arith.constant 32 : index
    %swap3A_52 = tpu.vector_load %arg9[%swap3A_51] {strides = array<i32>} : memref<128xi32, #tpu.memory_space<vmem>>, vector<16xi32>,
    %swap3A_53 = vector.shape_cast %swap3A_52 : vector<16xi32> to vector<16xi32>
    %swap3A_54 = vector.shape_cast %and3A_50 : vector<16xi32> to vector<16xi32>
    tpu.vector_store %arg9[%swap3A_51], %swap3A_54 {strides = array<i32>} : memref<128xi32, #tpu.memory_space<vmem>>, vector<16xi32>,
    %shift_right_logical3A_55 = arith.constant 16 : i32
    %shift_right_logical3A_56 = vector.broadcast %shift_right_logical3A_55 : i32 to vector<16xi32>
    %shift_right_logical3A_57 = arith.shrui %get3A_47, %shift_right_logical3A_56 : vector<16xi32>
    %swap3A_58 = arith.constant 96 : index
    %swap3A_59 = tpu.vector_load %arg9[%swap3A_58] {strides = array<i32>} : memref<128xi32, #tpu.memory_space<vmem>>, vector<16xi32>,
    %swap3A_60 = vector.shape_cast %swap3A_59 : vector<16xi32> to vector<16xi32>
    %swap3A_61 = vector.shape_cast %shift_right_logical3A_57 : vector<16xi32> to vector<16xi32>
    tpu.vector_store %arg9[%swap3A_58], %swap3A_61 {strides = array<i32>} : memref<128xi32, #tpu.memory_space<vmem>>, vector<16xi32>,
    %get3A_62 = arith.constant 0 : i32
    %get3A_63 = arith.index_cast %get3A_62 : i32 to index
    %get3A_64 = arith.constant 48 : index
    %get3A_65 = tpu.vector_load %arg7[%get3A_63, %get3A_64] {strides = array<i32>} : memref<64x128xi32, #tpu.memory_space<vmem>>, vector<1x16xi32>,
    %get3A_66 = vector.shape_cast %get3A_65 : vector<1x16xi32> to vector<16xi32>
    %and3A_67 = arith.constant 65535 : i32
    %and3A_68 = vector.broadcast %and3A_67 : i32 to vector<16xi32>
    %and3A_69 = arith.andi %get3A_66, %and3A_68 : vector<16xi32>
    %swap3A_70 = arith.constant 48 : index
    %swap3A_71 = tpu.vector_load %arg9[%swap3A_70] {strides = array<i32>} : memref<128xi32, #tpu.memory_space<vmem>>, vector<16xi32>,
    %swap3A_72 = vector.shape_cast %swap3A_71 : vector<16xi32> to vector<16xi32>
    %swap3A_73 = vector.shape_cast %and3A_69 : vector<16xi32> to vector<16xi32>
    tpu.vector_store %arg9[%swap3A_70], %swap3A_73 {strides = array<i32>} : memref<128xi32, #tpu.memory_space<vmem>>, vector<16xi32>,
    %shift_right_logical3A_74 = arith.constant 16 : i32
    %shift_right_logical3A_75 = vector.broadcast %shift_right_logical3A_74 : i32 to vector<16xi32>
    %shift_right_logical3A_76 = arith.shrui %get3A_66, %shift_right_logical3A_75 : vector<16xi32>
    %swap3A_77 = arith.constant 112 : index
    %swap3A_78 = tpu.vector_load %arg9[%swap3A_77] {strides = array<i32>} : memref<128xi32, #tpu.memory_space<vmem>>, vector<16xi32>,
    %swap3A_79 = vector.shape_cast %swap3A_78 : vector<16xi32> to vector<16xi32>
    %swap3A_80 = vector.shape_cast %shift_right_logical3A_76 : vector<16xi32> to vector<16xi32>
    tpu.vector_store %arg9[%swap3A_77], %swap3A_80 {strides = array<i32>} : memref<128xi32, #tpu.memory_space<vmem>>, vector<16xi32>,
    %dma_start3A = arith.constant 0 : i32
    %dma_start3A_81 = arith.constant 0 : i32
    %dma_start3A_82 = tpu.memref_slice %arg2[%dma_start3A, %dma_start3A_81] : memref<10000x128xf32, #tpu.memory_space<hbm>> -> memref<10000x128xf32, #tpu.memory_space<hbm>>
    tpu.enqueue_indirect_dma source(%dma_start3A_82 : memref<10000x128xf32, #tpu.memory_space<hbm>>) target(%arg13 : memref<128x128xf32, #tpu.memory_space<vmem>>) offsets(%arg9 : memref<128xi32, #tpu.memory_space<vmem>>) semaphore(%arg16 : memref<!tpu.dma_semaphore, #tpu.memory_space<semaphore_mem>>)
    %get3A_83 = arith.constant 0 : i32
    %get3A_84 = arith.index_cast %get3A_83 : i32 to index
    %get3A_85 = arith.constant 64 : index
    %get3A_86 = tpu.vector_load %arg7[%get3A_84, %get3A_85] {strides = array<i32>} : memref<64x128xi32, #tpu.memory_space<vmem>>, vector<1x16xi32>,
    %get3A_87 = vector.shape_cast %get3A_86 : vector<1x16xi32> to vector<16xi32>
    %and3A_88 = arith.constant 65535 : i32
    %and3A_89 = vector.broadcast %and3A_88 : i32 to vector<16xi32>
    %and3A_90 = arith.andi %get3A_87, %and3A_89 : vector<16xi32>
    %swap3A_91 = arith.constant 0 : index
    %swap3A_92 = tpu.vector_load %arg10[%swap3A_91] {strides = array<i32>} : memref<128xi32, #tpu.memory_space<vmem>>, vector<16xi32>,
    %swap3A_93 = vector.shape_cast %swap3A_92 : vector<16xi32> to vector<16xi32>
    %swap3A_94 = vector.shape_cast %and3A_90 : vector<16xi32> to vector<16xi32>
    tpu.vector_store %arg10[%swap3A_91], %swap3A_94 {strides = array<i32>} : memref<128xi32, #tpu.memory_space<vmem>>, vector<16xi32>,
    %shift_right_logical3A_95 = arith.constant 16 : i32
    %shift_right_logical3A_96 = vector.broadcast %shift_right_logical3A_95 : i32 to vector<16xi32>
    %shift_right_logical3A_97 = arith.shrui %get3A_87, %shift_right_logical3A_96 : vector<16xi32>
    %swap3A_98 = arith.constant 64 : index
    %swap3A_99 = tpu.vector_load %arg10[%swap3A_98] {strides = array<i32>} : memref<128xi32, #tpu.memory_space<vmem>>, vector<16xi32>,
    %swap3A_100 = vector.shape_cast %swap3A_99 : vector<16xi32> to vector<16xi32>
    %swap3A_101 = vector.shape_cast %shift_right_logical3A_97 : vector<16xi32> to vector<16xi32>
    tpu.vector_store %arg10[%swap3A_98], %swap3A_101 {strides = array<i32>} : memref<128xi32, #tpu.memory_space<vmem>>, vector<16xi32>,
    %get3A_102 = arith.constant 0 : i32
    %get3A_103 = arith.index_cast %get3A_102 : i32 to index
    %get3A_104 = arith.constant 80 : index
    %get3A_105 = tpu.vector_load %arg7[%get3A_103, %get3A_104] {strides = array<i32>} : memref<64x128xi32, #tpu.memory_space<vmem>>, vector<1x16xi32>,
    %get3A_106 = vector.shape_cast %get3A_105 : vector<1x16xi32> to vector<16xi32>
    %and3A_107 = arith.constant 65535 : i32
    %and3A_108 = vector.broadcast %and3A_107 : i32 to vector<16xi32>
    %and3A_109 = arith.andi %get3A_106, %and3A_108 : vector<16xi32>
    %swap3A_110 = arith.constant 16 : index
    %swap3A_111 = tpu.vector_load %arg10[%swap3A_110] {strides = array<i32>} : memref<128xi32, #tpu.memory_space<vmem>>, vector<16xi32>,
    %swap3A_112 = vector.shape_cast %swap3A_111 : vector<16xi32> to vector<16xi32>
    %swap3A_113 = vector.shape_cast %and3A_109 : vector<16xi32> to vector<16xi32>
    tpu.vector_store %arg10[%swap3A_110], %swap3A_113 {strides = array<i32>} : memref<128xi32, #tpu.memory_space<vmem>>, vector<16xi32>,
    %shift_right_logical3A_114 = arith.constant 16 : i32
    %shift_right_logical3A_115 = vector.broadcast %shift_right_logical3A_114 : i32 to vector<16xi32>
    %shift_right_logical3A_116 = arith.shrui %get3A_106, %shift_right_logical3A_115 : vector<16xi32>
    %swap3A_117 = arith.constant 80 : index
    %swap3A_118 = tpu.vector_load %arg10[%swap3A_117] {strides = array<i32>} : memref<128xi32, #tpu.memory_space<vmem>>, vector<16xi32>,
    %swap3A_119 = vector.shape_cast %swap3A_118 : vector<16xi32> to vector<16xi32>
    %swap3A_120 = vector.shape_cast %shift_right_logical3A_116 : vector<16xi32> to vector<16xi32>
    tpu.vector_store %arg10[%swap3A_117], %swap3A_120 {strides = array<i32>} : memref<128xi32, #tpu.memory_space<vmem>>, vector<16xi32>,
    %get3A_121 = arith.constant 0 : i32
    %get3A_122 = arith.index_cast %get3A_121 : i32 to index
    %get3A_123 = arith.constant 96 : index
    %get3A_124 = tpu.vector_load %arg7[%get3A_122, %get3A_123] {strides = array<i32>} : memref<64x128xi32, #tpu.memory_space<vmem>>, vector<1x16xi32>,
    %get3A_125 = vector.shape_cast %get3A_124 : vector<1x16xi32> to vector<16xi32>
    %and3A_126 = arith.constant 65535 : i32
    %and3A_127 = vector.broadcast %and3A_126 : i32 to vector<16xi32>
    %and3A_128 = arith.andi %get3A_125, %and3A_127 : vector<16xi32>
    %swap3A_129 = arith.constant 32 : index
    %swap3A_130 = tpu.vector_load %arg10[%swap3A_129] {strides = array<i32>} : memref<128xi32, #tpu.memory_space<vmem>>, vector<16xi32>,
    %swap3A_131 = vector.shape_cast %swap3A_130 : vector<16xi32> to vector<16xi32>
    %swap3A_132 = vector.shape_cast %and3A_128 : vector<16xi32> to vector<16xi32>
    tpu.vector_store %arg10[%swap3A_129], %swap3A_132 {strides = array<i32>} : memref<128xi32, #tpu.memory_space<vmem>>, vector<16xi32>,
    %shift_right_logical3A_133 = arith.constant 16 : i32
    %shift_right_logical3A_134 = vector.broadcast %shift_right_logical3A_133 : i32 to vector<16xi32>
    %shift_right_logical3A_135 = arith.shrui %get3A_125, %shift_right_logical3A_134 : vector<16xi32>
    %swap3A_136 = arith.constant 96 : index
    %swap3A_137 = tpu.vector_load %arg10[%swap3A_136] {strides = array<i32>} : memref<128xi32, #tpu.memory_space<vmem>>, vector<16xi32>,
    %swap3A_138 = vector.shape_cast %swap3A_137 : vector<16xi32> to vector<16xi32>
    %swap3A_139 = vector.shape_cast %shift_right_logical3A_135 : vector<16xi32> to vector<16xi32>
    tpu.vector_store %arg10[%swap3A_136], %swap3A_139 {strides = array<i32>} : memref<128xi32, #tpu.memory_space<vmem>>, vector<16xi32>,
    %get3A_140 = arith.constant 0 : i32
    %get3A_141 = arith.index_cast %get3A_140 : i32 to index
    %get3A_142 = arith.constant 112 : index
    %get3A_143 = tpu.vector_load %arg7[%get3A_141, %get3A_142] {strides = array<i32>} : memref<64x128xi32, #tpu.memory_space<vmem>>, vector<1x16xi32>,
    %get3A_144 = vector.shape_cast %get3A_143 : vector<1x16xi32> to vector<16xi32>
    %and3A_145 = arith.constant 65535 : i32
    %and3A_146 = vector.broadcast %and3A_145 : i32 to vector<16xi32>
    %and3A_147 = arith.andi %get3A_144, %and3A_146 : vector<16xi32>
    %swap3A_148 = arith.constant 48 : index
    %swap3A_149 = tpu.vector_load %arg10[%swap3A_148] {strides = array<i32>} : memref<128xi32, #tpu.memory_space<vmem>>, vector<16xi32>,
    %swap3A_150 = vector.shape_cast %swap3A_149 : vector<16xi32> to vector<16xi32>
    %swap3A_151 = vector.shape_cast %and3A_147 : vector<16xi32> to vector<16xi32>
    tpu.vector_store %arg10[%swap3A_148], %swap3A_151 {strides = array<i32>} : memref<128xi32, #tpu.memory_space<vmem>>, vector<16xi32>,
    %shift_right_logical3A_152 = arith.constant 16 : i32
    %shift_right_logical3A_153 = vector.broadcast %shift_right_logical3A_152 : i32 to vector<16xi32>
    %shift_right_logical3A_154 = arith.shrui %get3A_144, %shift_right_logical3A_153 : vector<16xi32>
    %swap3A_155 = arith.constant 112 : index
    %swap3A_156 = tpu.vector_load %arg10[%swap3A_155] {strides = array<i32>} : memref<128xi32, #tpu.memory_space<vmem>>, vector<16xi32>,
    %swap3A_157 = vector.shape_cast %swap3A_156 : vector<16xi32> to vector<16xi32>
    %swap3A_158 = vector.shape_cast %shift_right_logical3A_154 : vector<16xi32> to vector<16xi32>
    tpu.vector_store %arg10[%swap3A_155], %swap3A_158 {strides = array<i32>} : memref<128xi32, #tpu.memory_space<vmem>>, vector<16xi32>,
    %dma_start3A_159 = arith.constant 0 : i32
    %dma_start3A_160 = arith.constant 0 : i32
    %dma_start3A_161 = tpu.memref_slice %arg2[%dma_start3A_159, %dma_start3A_160] : memref<10000x128xf32, #tpu.memory_space<hbm>> -> memref<10000x128xf32, #tpu.memory_space<hbm>>
    tpu.enqueue_indirect_dma source(%dma_start3A_161 : memref<10000x128xf32, #tpu.memory_space<hbm>>) target(%arg14 : memref<128x128xf32, #tpu.memory_space<vmem>>) offsets(%arg10 : memref<128xi32, #tpu.memory_space<vmem>>) semaphore(%arg17 : memref<!tpu.dma_semaphore, #tpu.memory_space<semaphore_mem>>)
    %while3A = arith.constant 0 : i32
    %while3A_162 = arith.constant 0 : i32
    %while3A_163 = arith.subi %select_n3A, %while3A_162 : i32
    %while3A_164 = arith.addi %while3A_162, %while3A_163 : i32
    %while3A_165 = arith.constant 1 : i32
    %while3A_166 = arith.divsi %while3A_163, %while3A_165 : i32
    %while3A_167 = arith.muli %while3A_166, %while3A_165 : i32
    %while3A_168 = arith.addi %while3A_162, %while3A_167 : i32
    %while3A_169 = arith.constant 1 : i32
    scf.for %while3A_181 = %while3A_162 to %while3A_168 step %while3A_169  : i32 {
      %add3A_182 = arith.constant 1 : i32
      %add3A_183 = arith.addi %while3A_181, %add3A_182 : i32
      %rem3A = arith.remsi %add3A_183, %select_n3A : i32
      %dma_wait3A_184 = arith.constant 0 : i32
      %dma_wait3A_185 = arith.constant 0 : i32
      %dma_wait3A_186 = tpu.memref_slice %arg2[%dma_wait3A_184, %dma_wait3A_185] : memref<10000x128xf32, #tpu.memory_space<hbm>> -> memref<10000x128xf32, #tpu.memory_space<hbm>>
      tpu.wait_indirect_dma semaphore(%arg16 : memref<!tpu.dma_semaphore, #tpu.memory_space<semaphore_mem>>) src(%dma_wait3A_186 : memref<10000x128xf32, #tpu.memory_space<hbm>>) dst(%arg13 : memref<128x128xf32, #tpu.memory_space<vmem>>)
      %get3A_187 = arith.index_cast %while3A_181 : i32 to index
      %get3A_188 = arith.constant 0 : index
      %get3A_189 = tpu.vector_load %arg8[%get3A_187, %get3A_188] {strides = array<i32>} : memref<64x128xi32, #tpu.memory_space<vmem>>, vector<1x16xi32>,
      %get3A_190 = vector.shape_cast %get3A_189 : vector<1x16xi32> to vector<16xi32>
      %and3A_191 = arith.constant 65535 : i32
      %and3A_192 = vector.broadcast %and3A_191 : i32 to vector<16xi32>
      %and3A_193 = arith.andi %get3A_190, %and3A_192 : vector<16xi32>
      %swap3A_194 = arith.constant 0 : index
      %swap3A_195 = tpu.vector_load %arg11[%swap3A_194] {strides = array<i32>} : memref<128xi32, #tpu.memory_space<vmem>>, vector<16xi32>,
      %swap3A_196 = vector.shape_cast %swap3A_195 : vector<16xi32> to vector<16xi32>
      %swap3A_197 = vector.shape_cast %and3A_193 : vector<16xi32> to vector<16xi32>
      tpu.vector_store %arg11[%swap3A_194], %swap3A_197 {strides = array<i32>} : memref<128xi32, #tpu.memory_space<vmem>>, vector<16xi32>,
      %shift_right_logical3A_198 = arith.constant 16 : i32
      %shift_right_logical3A_199 = vector.broadcast %shift_right_logical3A_198 : i32 to vector<16xi32>
      %shift_right_logical3A_200 = arith.shrui %get3A_190, %shift_right_logical3A_199 : vector<16xi32>
      %swap3A_201 = arith.constant 64 : index
      %swap3A_202 = tpu.vector_load %arg11[%swap3A_201] {strides = array<i32>} : memref<128xi32, #tpu.memory_space<vmem>>, vector<16xi32>,
      %swap3A_203 = vector.shape_cast %swap3A_202 : vector<16xi32> to vector<16xi32>
      %swap3A_204 = vector.shape_cast %shift_right_logical3A_200 : vector<16xi32> to vector<16xi32>
      tpu.vector_store %arg11[%swap3A_201], %swap3A_204 {strides = array<i32>} : memref<128xi32, #tpu.memory_space<vmem>>, vector<16xi32>,
      %get3A_205 = arith.index_cast %while3A_181 : i32 to index
      %get3A_206 = arith.constant 16 : index
      %get3A_207 = tpu.vector_load %arg8[%get3A_205, %get3A_206] {strides = array<i32>} : memref<64x128xi32, #tpu.memory_space<vmem>>, vector<1x16xi32>,
      %get3A_208 = vector.shape_cast %get3A_207 : vector<1x16xi32> to vector<16xi32>
      %and3A_209 = arith.constant 65535 : i32
      %and3A_210 = vector.broadcast %and3A_209 : i32 to vector<16xi32>
      %and3A_211 = arith.andi %get3A_208, %and3A_210 : vector<16xi32>
      %swap3A_212 = arith.constant 16 : index
      %swap3A_213 = tpu.vector_load %arg11[%swap3A_212] {strides = array<i32>} : memref<128xi32, #tpu.memory_space<vmem>>, vector<16xi32>,
      %swap3A_214 = vector.shape_cast %swap3A_213 : vector<16xi32> to vector<16xi32>
      %swap3A_215 = vector.shape_cast %and3A_211 : vector<16xi32> to vector<16xi32>
      tpu.vector_store %arg11[%swap3A_212], %swap3A_215 {strides = array<i32>} : memref<128xi32, #tpu.memory_space<vmem>>, vector<16xi32>,
      %shift_right_logical3A_216 = arith.constant 16 : i32
      %shift_right_logical3A_217 = vector.broadcast %shift_right_logical3A_216 : i32 to vector<16xi32>
      %shift_right_logical3A_218 = arith.shrui %get3A_208, %shift_right_logical3A_217 : vector<16xi32>
      %swap3A_219 = arith.constant 80 : index
      %swap3A_220 = tpu.vector_load %arg11[%swap3A_219] {strides = array<i32>} : memref<128xi32, #tpu.memory_space<vmem>>, vector<16xi32>,
      %swap3A_221 = vector.shape_cast %swap3A_220 : vector<16xi32> to vector<16xi32>
      %swap3A_222 = vector.shape_cast %shift_right_logical3A_218 : vector<16xi32> to vector<16xi32>
      tpu.vector_store %arg11[%swap3A_219], %swap3A_222 {strides = array<i32>} : memref<128xi32, #tpu.memory_space<vmem>>, vector<16xi32>,
      %get3A_223 = arith.index_cast %while3A_181 : i32 to index
      %get3A_224 = arith.constant 32 : index
      %get3A_225 = tpu.vector_load %arg8[%get3A_223, %get3A_224] {strides = array<i32>} : memref<64x128xi32, #tpu.memory_space<vmem>>, vector<1x16xi32>,
      %get3A_226 = vector.shape_cast %get3A_225 : vector<1x16xi32> to vector<16xi32>
      %and3A_227 = arith.constant 65535 : i32
      %and3A_228 = vector.broadcast %and3A_227 : i32 to vector<16xi32>
      %and3A_229 = arith.andi %get3A_226, %and3A_228 : vector<16xi32>
      %swap3A_230 = arith.constant 32 : index
      %swap3A_231 = tpu.vector_load %arg11[%swap3A_230] {strides = array<i32>} : memref<128xi32, #tpu.memory_space<vmem>>, vector<16xi32>,
      %swap3A_232 = vector.shape_cast %swap3A_231 : vector<16xi32> to vector<16xi32>
      %swap3A_233 = vector.shape_cast %and3A_229 : vector<16xi32> to vector<16xi32>
      tpu.vector_store %arg11[%swap3A_230], %swap3A_233 {strides = array<i32>} : memref<128xi32, #tpu.memory_space<vmem>>, vector<16xi32>,
      %shift_right_logical3A_234 = arith.constant 16 : i32
      %shift_right_logical3A_235 = vector.broadcast %shift_right_logical3A_234 : i32 to vector<16xi32>
      %shift_right_logical3A_236 = arith.shrui %get3A_226, %shift_right_logical3A_235 : vector<16xi32>
      %swap3A_237 = arith.constant 96 : index
      %swap3A_238 = tpu.vector_load %arg11[%swap3A_237] {strides = array<i32>} : memref<128xi32, #tpu.memory_space<vmem>>, vector<16xi32>,
      %swap3A_239 = vector.shape_cast %swap3A_238 : vector<16xi32> to vector<16xi32>
      %swap3A_240 = vector.shape_cast %shift_right_logical3A_236 : vector<16xi32> to vector<16xi32>
      tpu.vector_store %arg11[%swap3A_237], %swap3A_240 {strides = array<i32>} : memref<128xi32, #tpu.memory_space<vmem>>, vector<16xi32>,
      %get3A_241 = arith.index_cast %while3A_181 : i32 to index
      %get3A_242 = arith.constant 48 : index
      %get3A_243 = tpu.vector_load %arg8[%get3A_241, %get3A_242] {strides = array<i32>} : memref<64x128xi32, #tpu.memory_space<vmem>>, vector<1x16xi32>,
      %get3A_244 = vector.shape_cast %get3A_243 : vector<1x16xi32> to vector<16xi32>
      %and3A_245 = arith.constant 65535 : i32
      %and3A_246 = vector.broadcast %and3A_245 : i32 to vector<16xi32>
      %and3A_247 = arith.andi %get3A_244, %and3A_246 : vector<16xi32>
      %swap3A_248 = arith.constant 48 : index
      %swap3A_249 = tpu.vector_load %arg11[%swap3A_248] {strides = array<i32>} : memref<128xi32, #tpu.memory_space<vmem>>, vector<16xi32>,
      %swap3A_250 = vector.shape_cast %swap3A_249 : vector<16xi32> to vector<16xi32>
      %swap3A_251 = vector.shape_cast %and3A_247 : vector<16xi32> to vector<16xi32>
      tpu.vector_store %arg11[%swap3A_248], %swap3A_251 {strides = array<i32>} : memref<128xi32, #tpu.memory_space<vmem>>, vector<16xi32>,
      %shift_right_logical3A_252 = arith.constant 16 : i32
      %shift_right_logical3A_253 = vector.broadcast %shift_right_logical3A_252 : i32 to vector<16xi32>
      %shift_right_logical3A_254 = arith.shrui %get3A_244, %shift_right_logical3A_253 : vector<16xi32>
      %swap3A_255 = arith.constant 112 : index
      %swap3A_256 = tpu.vector_load %arg11[%swap3A_255] {strides = array<i32>} : memref<128xi32, #tpu.memory_space<vmem>>, vector<16xi32>,
      %swap3A_257 = vector.shape_cast %swap3A_256 : vector<16xi32> to vector<16xi32>
      %swap3A_258 = vector.shape_cast %shift_right_logical3A_254 : vector<16xi32> to vector<16xi32>
      tpu.vector_store %arg11[%swap3A_255], %swap3A_258 {strides = array<i32>} : memref<128xi32, #tpu.memory_space<vmem>>, vector<16xi32>,
      %dma_start3A_259 = arith.constant 0 : i32
      %dma_start3A_260 = arith.constant 0 : i32
      %dma_start3A_261 = tpu.memref_slice %arg15[%dma_start3A_259, %dma_start3A_260] : memref<10112x128xf32, #tpu.memory_space<vmem_shared>> -> memref<10112x128xf32, #tpu.memory_space<vmem_shared>>
      tpu.enqueue_indirect_dma source(%arg13 : memref<128x128xf32, #tpu.memory_space<vmem>>) target(%dma_start3A_261 : memref<10112x128xf32, #tpu.memory_space<vmem_shared>>) offsets(%arg11 : memref<128xi32, #tpu.memory_space<vmem>>) semaphore(%arg18 : memref<!tpu.dma_semaphore, #tpu.memory_space<semaphore_mem>>) {add = true}
      %get3A_262 = arith.index_cast %rem3A : i32 to index
      %get3A_263 = arith.constant 0 : index
      %get3A_264 = tpu.vector_load %arg7[%get3A_262, %get3A_263] {strides = array<i32>} : memref<64x128xi32, #tpu.memory_space<vmem>>, vector<1x16xi32>,
      %get3A_265 = vector.shape_cast %get3A_264 : vector<1x16xi32> to vector<16xi32>
      %and3A_266 = arith.constant 65535 : i32
      %and3A_267 = vector.broadcast %and3A_266 : i32 to vector<16xi32>
      %and3A_268 = arith.andi %get3A_265, %and3A_267 : vector<16xi32>
      %swap3A_269 = arith.constant 0 : index
      %swap3A_270 = tpu.vector_load %arg9[%swap3A_269] {strides = array<i32>} : memref<128xi32, #tpu.memory_space<vmem>>, vector<16xi32>,
      %swap3A_271 = vector.shape_cast %swap3A_270 : vector<16xi32> to vector<16xi32>
      %swap3A_272 = vector.shape_cast %and3A_268 : vector<16xi32> to vector<16xi32>
      tpu.vector_store %arg9[%swap3A_269], %swap3A_272 {strides = array<i32>} : memref<128xi32, #tpu.memory_space<vmem>>, vector<16xi32>,
      %shift_right_logical3A_273 = arith.constant 16 : i32
      %shift_right_logical3A_274 = vector.broadcast %shift_right_logical3A_273 : i32 to vector<16xi32>
      %shift_right_logical3A_275 = arith.shrui %get3A_265, %shift_right_logical3A_274 : vector<16xi32>
      %swap3A_276 = arith.constant 64 : index
      %swap3A_277 = tpu.vector_load %arg9[%swap3A_276] {strides = array<i32>} : memref<128xi32, #tpu.memory_space<vmem>>, vector<16xi32>,
      %swap3A_278 = vector.shape_cast %swap3A_277 : vector<16xi32> to vector<16xi32>
      %swap3A_279 = vector.shape_cast %shift_right_logical3A_275 : vector<16xi32> to vector<16xi32>
      tpu.vector_store %arg9[%swap3A_276], %swap3A_279 {strides = array<i32>} : memref<128xi32, #tpu.memory_space<vmem>>, vector<16xi32>,
      %get3A_280 = arith.index_cast %rem3A : i32 to index
      %get3A_281 = arith.constant 16 : index
      %get3A_282 = tpu.vector_load %arg7[%get3A_280, %get3A_281] {strides = array<i32>} : memref<64x128xi32, #tpu.memory_space<vmem>>, vector<1x16xi32>,
      %get3A_283 = vector.shape_cast %get3A_282 : vector<1x16xi32> to vector<16xi32>
      %and3A_284 = arith.constant 65535 : i32
      %and3A_285 = vector.broadcast %and3A_284 : i32 to vector<16xi32>
      %and3A_286 = arith.andi %get3A_283, %and3A_285 : vector<16xi32>
      %swap3A_287 = arith.constant 16 : index
      %swap3A_288 = tpu.vector_load %arg9[%swap3A_287] {strides = array<i32>} : memref<128xi32, #tpu.memory_space<vmem>>, vector<16xi32>,
      %swap3A_289 = vector.shape_cast %swap3A_288 : vector<16xi32> to vector<16xi32>
      %swap3A_290 = vector.shape_cast %and3A_286 : vector<16xi32> to vector<16xi32>
      tpu.vector_store %arg9[%swap3A_287], %swap3A_290 {strides = array<i32>} : memref<128xi32, #tpu.memory_space<vmem>>, vector<16xi32>,
      %shift_right_logical3A_291 = arith.constant 16 : i32
      %shift_right_logical3A_292 = vector.broadcast %shift_right_logical3A_291 : i32 to vector<16xi32>
      %shift_right_logical3A_293 = arith.shrui %get3A_283, %shift_right_logical3A_292 : vector<16xi32>
      %swap3A_294 = arith.constant 80 : index
      %swap3A_295 = tpu.vector_load %arg9[%swap3A_294] {strides = array<i32>} : memref<128xi32, #tpu.memory_space<vmem>>, vector<16xi32>,
      %swap3A_296 = vector.shape_cast %swap3A_295 : vector<16xi32> to vector<16xi32>
      %swap3A_297 = vector.shape_cast %shift_right_logical3A_293 : vector<16xi32> to vector<16xi32>
      tpu.vector_store %arg9[%swap3A_294], %swap3A_297 {strides = array<i32>} : memref<128xi32, #tpu.memory_space<vmem>>, vector<16xi32>,
      %get3A_298 = arith.index_cast %rem3A : i32 to index
      %get3A_299 = arith.constant 32 : index
      %get3A_300 = tpu.vector_load %arg7[%get3A_298, %get3A_299] {strides = array<i32>} : memref<64x128xi32, #tpu.memory_space<vmem>>, vector<1x16xi32>,
      %get3A_301 = vector.shape_cast %get3A_300 : vector<1x16xi32> to vector<16xi32>
      %and3A_302 = arith.constant 65535 : i32
      %and3A_303 = vector.broadcast %and3A_302 : i32 to vector<16xi32>
      %and3A_304 = arith.andi %get3A_301, %and3A_303 : vector<16xi32>
      %swap3A_305 = arith.constant 32 : index
      %swap3A_306 = tpu.vector_load %arg9[%swap3A_305] {strides = array<i32>} : memref<128xi32, #tpu.memory_space<vmem>>, vector<16xi32>,
      %swap3A_307 = vector.shape_cast %swap3A_306 : vector<16xi32> to vector<16xi32>
      %swap3A_308 = vector.shape_cast %and3A_304 : vector<16xi32> to vector<16xi32>
      tpu.vector_store %arg9[%swap3A_305], %swap3A_308 {strides = array<i32>} : memref<128xi32, #tpu.memory_space<vmem>>, vector<16xi32>,
      %shift_right_logical3A_309 = arith.constant 16 : i32
      %shift_right_logical3A_310 = vector.broadcast %shift_right_logical3A_309 : i32 to vector<16xi32>
      %shift_right_logical3A_311 = arith.shrui %get3A_301, %shift_right_logical3A_310 : vector<16xi32>
      %swap3A_312 = arith.constant 96 : index
      %swap3A_313 = tpu.vector_load %arg9[%swap3A_312] {strides = array<i32>} : memref<128xi32, #tpu.memory_space<vmem>>, vector<16xi32>,
      %swap3A_314 = vector.shape_cast %swap3A_313 : vector<16xi32> to vector<16xi32>
      %swap3A_315 = vector.shape_cast %shift_right_logical3A_311 : vector<16xi32> to vector<16xi32>
      tpu.vector_store %arg9[%swap3A_312], %swap3A_315 {strides = array<i32>} : memref<128xi32, #tpu.memory_space<vmem>>, vector<16xi32>,
      %get3A_316 = arith.index_cast %rem3A : i32 to index
      %get3A_317 = arith.constant 48 : index
      %get3A_318 = tpu.vector_load %arg7[%get3A_316, %get3A_317] {strides = array<i32>} : memref<64x128xi32, #tpu.memory_space<vmem>>, vector<1x16xi32>,
      %get3A_319 = vector.shape_cast %get3A_318 : vector<1x16xi32> to vector<16xi32>
      %and3A_320 = arith.constant 65535 : i32
      %and3A_321 = vector.broadcast %and3A_320 : i32 to vector<16xi32>
      %and3A_322 = arith.andi %get3A_319, %and3A_321 : vector<16xi32>
      %swap3A_323 = arith.constant 48 : index
      %swap3A_324 = tpu.vector_load %arg9[%swap3A_323] {strides = array<i32>} : memref<128xi32, #tpu.memory_space<vmem>>, vector<16xi32>,
      %swap3A_325 = vector.shape_cast %swap3A_324 : vector<16xi32> to vector<16xi32>
      %swap3A_326 = vector.shape_cast %and3A_322 : vector<16xi32> to vector<16xi32>
      tpu.vector_store %arg9[%swap3A_323], %swap3A_326 {strides = array<i32>} : memref<128xi32, #tpu.memory_space<vmem>>, vector<16xi32>,
      %shift_right_logical3A_327 = arith.constant 16 : i32
      %shift_right_logical3A_328 = vector.broadcast %shift_right_logical3A_327 : i32 to vector<16xi32>
      %shift_right_logical3A_329 = arith.shrui %get3A_319, %shift_right_logical3A_328 : vector<16xi32>
      %swap3A_330 = arith.constant 112 : index
      %swap3A_331 = tpu.vector_load %arg9[%swap3A_330] {strides = array<i32>} : memref<128xi32, #tpu.memory_space<vmem>>, vector<16xi32>,
      %swap3A_332 = vector.shape_cast %swap3A_331 : vector<16xi32> to vector<16xi32>
      %swap3A_333 = vector.shape_cast %shift_right_logical3A_329 : vector<16xi32> to vector<16xi32>
      tpu.vector_store %arg9[%swap3A_330], %swap3A_333 {strides = array<i32>} : memref<128xi32, #tpu.memory_space<vmem>>, vector<16xi32>,
      %dma_wait3A_334 = arith.constant 0 : i32
      %dma_wait3A_335 = arith.constant 0 : i32
      %dma_wait3A_336 = tpu.memref_slice %arg15[%dma_wait3A_334, %dma_wait3A_335] : memref<10112x128xf32, #tpu.memory_space<vmem_shared>> -> memref<10112x128xf32, #tpu.memory_space<vmem_shared>>
      tpu.wait_indirect_dma semaphore(%arg18 : memref<!tpu.dma_semaphore, #tpu.memory_space<semaphore_mem>>) src(%arg13 : memref<128x128xf32, #tpu.memory_space<vmem>>) dst(%dma_wait3A_336 : memref<10112x128xf32, #tpu.memory_space<vmem_shared>>)
      %dma_start3A_337 = arith.constant 0 : i32
      %dma_start3A_338 = arith.constant 0 : i32
      %dma_start3A_339 = tpu.memref_slice %arg2[%dma_start3A_337, %dma_start3A_338] : memref<10000x128xf32, #tpu.memory_space<hbm>> -> memref<10000x128xf32, #tpu.memory_space<hbm>>
      tpu.enqueue_indirect_dma source(%dma_start3A_339 : memref<10000x128xf32, #tpu.memory_space<hbm>>) target(%arg13 : memref<128x128xf32, #tpu.memory_space<vmem>>) offsets(%arg9 : memref<128xi32, #tpu.memory_space<vmem>>) semaphore(%arg16 : memref<!tpu.dma_semaphore, #tpu.memory_space<semaphore_mem>>)
      %dma_wait3A_340 = arith.constant 0 : i32
      %dma_wait3A_341 = arith.constant 0 : i32
      %dma_wait3A_342 = tpu.memref_slice %arg2[%dma_wait3A_340, %dma_wait3A_341] : memref<10000x128xf32, #tpu.memory_space<hbm>> -> memref<10000x128xf32, #tpu.memory_space<hbm>>
      tpu.wait_indirect_dma semaphore(%arg17 : memref<!tpu.dma_semaphore, #tpu.memory_space<semaphore_mem>>) src(%dma_wait3A_342 : memref<10000x128xf32, #tpu.memory_space<hbm>>) dst(%arg14 : memref<128x128xf32, #tpu.memory_space<vmem>>)
      %get3A_343 = arith.index_cast %while3A_181 : i32 to index
      %get3A_344 = arith.constant 64 : index
      %get3A_345 = tpu.vector_load %arg8[%get3A_343, %get3A_344] {strides = array<i32>} : memref<64x128xi32, #tpu.memory_space<vmem>>, vector<1x16xi32>,
      %get3A_346 = vector.shape_cast %get3A_345 : vector<1x16xi32> to vector<16xi32>
      %and3A_347 = arith.constant 65535 : i32
      %and3A_348 = vector.broadcast %and3A_347 : i32 to vector<16xi32>
      %and3A_349 = arith.andi %get3A_346, %and3A_348 : vector<16xi32>
      %swap3A_350 = arith.constant 0 : index
      %swap3A_351 = tpu.vector_load %arg12[%swap3A_350] {strides = array<i32>} : memref<128xi32, #tpu.memory_space<vmem>>, vector<16xi32>,
      %swap3A_352 = vector.shape_cast %swap3A_351 : vector<16xi32> to vector<16xi32>
      %swap3A_353 = vector.shape_cast %and3A_349 : vector<16xi32> to vector<16xi32>
      tpu.vector_store %arg12[%swap3A_350], %swap3A_353 {strides = array<i32>} : memref<128xi32, #tpu.memory_space<vmem>>, vector<16xi32>,
      %shift_right_logical3A_354 = arith.constant 16 : i32
      %shift_right_logical3A_355 = vector.broadcast %shift_right_logical3A_354 : i32 to vector<16xi32>
      %shift_right_logical3A_356 = arith.shrui %get3A_346, %shift_right_logical3A_355 : vector<16xi32>
      %swap3A_357 = arith.constant 64 : index
      %swap3A_358 = tpu.vector_load %arg12[%swap3A_357] {strides = array<i32>} : memref<128xi32, #tpu.memory_space<vmem>>, vector<16xi32>,
      %swap3A_359 = vector.shape_cast %swap3A_358 : vector<16xi32> to vector<16xi32>
      %swap3A_360 = vector.shape_cast %shift_right_logical3A_356 : vector<16xi32> to vector<16xi32>
      tpu.vector_store %arg12[%swap3A_357], %swap3A_360 {strides = array<i32>} : memref<128xi32, #tpu.memory_space<vmem>>, vector<16xi32>,
      %get3A_361 = arith.index_cast %while3A_181 : i32 to index
      %get3A_362 = arith.constant 80 : index
      %get3A_363 = tpu.vector_load %arg8[%get3A_361, %get3A_362] {strides = array<i32>} : memref<64x128xi32, #tpu.memory_space<vmem>>, vector<1x16xi32>,
      %get3A_364 = vector.shape_cast %get3A_363 : vector<1x16xi32> to vector<16xi32>
      %and3A_365 = arith.constant 65535 : i32
      %and3A_366 = vector.broadcast %and3A_365 : i32 to vector<16xi32>
      %and3A_367 = arith.andi %get3A_364, %and3A_366 : vector<16xi32>
      %swap3A_368 = arith.constant 16 : index
      %swap3A_369 = tpu.vector_load %arg12[%swap3A_368] {strides = array<i32>} : memref<128xi32, #tpu.memory_space<vmem>>, vector<16xi32>,
      %swap3A_370 = vector.shape_cast %swap3A_369 : vector<16xi32> to vector<16xi32>
      %swap3A_371 = vector.shape_cast %and3A_367 : vector<16xi32> to vector<16xi32>
      tpu.vector_store %arg12[%swap3A_368], %swap3A_371 {strides = array<i32>} : memref<128xi32, #tpu.memory_space<vmem>>, vector<16xi32>,
      %shift_right_logical3A_372 = arith.constant 16 : i32
      %shift_right_logical3A_373 = vector.broadcast %shift_right_logical3A_372 : i32 to vector<16xi32>
      %shift_right_logical3A_374 = arith.shrui %get3A_364, %shift_right_logical3A_373 : vector<16xi32>
      %swap3A_375 = arith.constant 80 : index
      %swap3A_376 = tpu.vector_load %arg12[%swap3A_375] {strides = array<i32>} : memref<128xi32, #tpu.memory_space<vmem>>, vector<16xi32>,
      %swap3A_377 = vector.shape_cast %swap3A_376 : vector<16xi32> to vector<16xi32>
      %swap3A_378 = vector.shape_cast %shift_right_logical3A_374 : vector<16xi32> to vector<16xi32>
      tpu.vector_store %arg12[%swap3A_375], %swap3A_378 {strides = array<i32>} : memref<128xi32, #tpu.memory_space<vmem>>, vector<16xi32>,
      %get3A_379 = arith.index_cast %while3A_181 : i32 to index
      %get3A_380 = arith.constant 96 : index
      %get3A_381 = tpu.vector_load %arg8[%get3A_379, %get3A_380] {strides = array<i32>} : memref<64x128xi32, #tpu.memory_space<vmem>>, vector<1x16xi32>,
      %get3A_382 = vector.shape_cast %get3A_381 : vector<1x16xi32> to vector<16xi32>
      %and3A_383 = arith.constant 65535 : i32
      %and3A_384 = vector.broadcast %and3A_383 : i32 to vector<16xi32>
      %and3A_385 = arith.andi %get3A_382, %and3A_384 : vector<16xi32>
      %swap3A_386 = arith.constant 32 : index
      %swap3A_387 = tpu.vector_load %arg12[%swap3A_386] {strides = array<i32>} : memref<128xi32, #tpu.memory_space<vmem>>, vector<16xi32>,
      %swap3A_388 = vector.shape_cast %swap3A_387 : vector<16xi32> to vector<16xi32>
      %swap3A_389 = vector.shape_cast %and3A_385 : vector<16xi32> to vector<16xi32>
      tpu.vector_store %arg12[%swap3A_386], %swap3A_389 {strides = array<i32>} : memref<128xi32, #tpu.memory_space<vmem>>, vector<16xi32>,
      %shift_right_logical3A_390 = arith.constant 16 : i32
      %shift_right_logical3A_391 = vector.broadcast %shift_right_logical3A_390 : i32 to vector<16xi32>
      %shift_right_logical3A_392 = arith.shrui %get3A_382, %shift_right_logical3A_391 : vector<16xi32>
      %swap3A_393 = arith.constant 96 : index
      %swap3A_394 = tpu.vector_load %arg12[%swap3A_393] {strides = array<i32>} : memref<128xi32, #tpu.memory_space<vmem>>, vector<16xi32>,
      %swap3A_395 = vector.shape_cast %swap3A_394 : vector<16xi32> to vector<16xi32>
      %swap3A_396 = vector.shape_cast %shift_right_logical3A_392 : vector<16xi32> to vector<16xi32>
      tpu.vector_store %arg12[%swap3A_393], %swap3A_396 {strides = array<i32>} : memref<128xi32, #tpu.memory_space<vmem>>, vector<16xi32>,
      %get3A_397 = arith.index_cast %while3A_181 : i32 to index
      %get3A_398 = arith.constant 112 : index
      %get3A_399 = tpu.vector_load %arg8[%get3A_397, %get3A_398] {strides = array<i32>} : memref<64x128xi32, #tpu.memory_space<vmem>>, vector<1x16xi32>,
      %get3A_400 = vector.shape_cast %get3A_399 : vector<1x16xi32> to vector<16xi32>
      %and3A_401 = arith.constant 65535 : i32
      %and3A_402 = vector.broadcast %and3A_401 : i32 to vector<16xi32>
      %and3A_403 = arith.andi %get3A_400, %and3A_402 : vector<16xi32>
      %swap3A_404 = arith.constant 48 : index
      %swap3A_405 = tpu.vector_load %arg12[%swap3A_404] {strides = array<i32>} : memref<128xi32, #tpu.memory_space<vmem>>, vector<16xi32>,
      %swap3A_406 = vector.shape_cast %swap3A_405 : vector<16xi32> to vector<16xi32>
      %swap3A_407 = vector.shape_cast %and3A_403 : vector<16xi32> to vector<16xi32>
      tpu.vector_store %arg12[%swap3A_404], %swap3A_407 {strides = array<i32>} : memref<128xi32, #tpu.memory_space<vmem>>, vector<16xi32>,
      %shift_right_logical3A_408 = arith.constant 16 : i32
      %shift_right_logical3A_409 = vector.broadcast %shift_right_logical3A_408 : i32 to vector<16xi32>
      %shift_right_logical3A_410 = arith.shrui %get3A_400, %shift_right_logical3A_409 : vector<16xi32>
      %swap3A_411 = arith.constant 112 : index
      %swap3A_412 = tpu.vector_load %arg12[%swap3A_411] {strides = array<i32>} : memref<128xi32, #tpu.memory_space<vmem>>, vector<16xi32>,
      %swap3A_413 = vector.shape_cast %swap3A_412 : vector<16xi32> to vector<16xi32>
      %swap3A_414 = vector.shape_cast %shift_right_logical3A_410 : vector<16xi32> to vector<16xi32>
      tpu.vector_store %arg12[%swap3A_411], %swap3A_414 {strides = array<i32>} : memref<128xi32, #tpu.memory_space<vmem>>, vector<16xi32>,
      %dma_start3A_415 = arith.constant 0 : i32
      %dma_start3A_416 = arith.constant 0 : i32
      %dma_start3A_417 = tpu.memref_slice %arg15[%dma_start3A_415, %dma_start3A_416] : memref<10112x128xf32, #tpu.memory_space<vmem_shared>> -> memref<10112x128xf32, #tpu.memory_space<vmem_shared>>
      tpu.enqueue_indirect_dma source(%arg14 : memref<128x128xf32, #tpu.memory_space<vmem>>) target(%dma_start3A_417 : memref<10112x128xf32, #tpu.memory_space<vmem_shared>>) offsets(%arg12 : memref<128xi32, #tpu.memory_space<vmem>>) semaphore(%arg19 : memref<!tpu.dma_semaphore, #tpu.memory_space<semaphore_mem>>) {add = true}
      %get3A_418 = arith.index_cast %rem3A : i32 to index
      %get3A_419 = arith.constant 64 : index
      %get3A_420 = tpu.vector_load %arg7[%get3A_418, %get3A_419] {strides = array<i32>} : memref<64x128xi32, #tpu.memory_space<vmem>>, vector<1x16xi32>,
      %get3A_421 = vector.shape_cast %get3A_420 : vector<1x16xi32> to vector<16xi32>
      %and3A_422 = arith.constant 65535 : i32
      %and3A_423 = vector.broadcast %and3A_422 : i32 to vector<16xi32>
      %and3A_424 = arith.andi %get3A_421, %and3A_423 : vector<16xi32>
      %swap3A_425 = arith.constant 0 : index
      %swap3A_426 = tpu.vector_load %arg10[%swap3A_425] {strides = array<i32>} : memref<128xi32, #tpu.memory_space<vmem>>, vector<16xi32>,
      %swap3A_427 = vector.shape_cast %swap3A_426 : vector<16xi32> to vector<16xi32>
      %swap3A_428 = vector.shape_cast %and3A_424 : vector<16xi32> to vector<16xi32>
      tpu.vector_store %arg10[%swap3A_425], %swap3A_428 {strides = array<i32>} : memref<128xi32, #tpu.memory_space<vmem>>, vector<16xi32>,
      %shift_right_logical3A_429 = arith.constant 16 : i32
      %shift_right_logical3A_430 = vector.broadcast %shift_right_logical3A_429 : i32 to vector<16xi32>
      %shift_right_logical3A_431 = arith.shrui %get3A_421, %shift_right_logical3A_430 : vector<16xi32>
      %swap3A_432 = arith.constant 64 : index
      %swap3A_433 = tpu.vector_load %arg10[%swap3A_432] {strides = array<i32>} : memref<128xi32, #tpu.memory_space<vmem>>, vector<16xi32>,
      %swap3A_434 = vector.shape_cast %swap3A_433 : vector<16xi32> to vector<16xi32>
      %swap3A_435 = vector.shape_cast %shift_right_logical3A_431 : vector<16xi32> to vector<16xi32>
      tpu.vector_store %arg10[%swap3A_432], %swap3A_435 {strides = array<i32>} : memref<128xi32, #tpu.memory_space<vmem>>, vector<16xi32>,
      %get3A_436 = arith.index_cast %rem3A : i32 to index
      %get3A_437 = arith.constant 80 : index
      %get3A_438 = tpu.vector_load %arg7[%get3A_436, %get3A_437] {strides = array<i32>} : memref<64x128xi32, #tpu.memory_space<vmem>>, vector<1x16xi32>,
      %get3A_439 = vector.shape_cast %get3A_438 : vector<1x16xi32> to vector<16xi32>
      %and3A_440 = arith.constant 65535 : i32
      %and3A_441 = vector.broadcast %and3A_440 : i32 to vector<16xi32>
      %and3A_442 = arith.andi %get3A_439, %and3A_441 : vector<16xi32>
      %swap3A_443 = arith.constant 16 : index
      %swap3A_444 = tpu.vector_load %arg10[%swap3A_443] {strides = array<i32>} : memref<128xi32, #tpu.memory_space<vmem>>, vector<16xi32>,
      %swap3A_445 = vector.shape_cast %swap3A_444 : vector<16xi32> to vector<16xi32>
      %swap3A_446 = vector.shape_cast %and3A_442 : vector<16xi32> to vector<16xi32>
      tpu.vector_store %arg10[%swap3A_443], %swap3A_446 {strides = array<i32>} : memref<128xi32, #tpu.memory_space<vmem>>, vector<16xi32>,
      %shift_right_logical3A_447 = arith.constant 16 : i32
      %shift_right_logical3A_448 = vector.broadcast %shift_right_logical3A_447 : i32 to vector<16xi32>
      %shift_right_logical3A_449 = arith.shrui %get3A_439, %shift_right_logical3A_448 : vector<16xi32>
      %swap3A_450 = arith.constant 80 : index
      %swap3A_451 = tpu.vector_load %arg10[%swap3A_450] {strides = array<i32>} : memref<128xi32, #tpu.memory_space<vmem>>, vector<16xi32>,
      %swap3A_452 = vector.shape_cast %swap3A_451 : vector<16xi32> to vector<16xi32>
      %swap3A_453 = vector.shape_cast %shift_right_logical3A_449 : vector<16xi32> to vector<16xi32>
      tpu.vector_store %arg10[%swap3A_450], %swap3A_453 {strides = array<i32>} : memref<128xi32, #tpu.memory_space<vmem>>, vector<16xi32>,
      %get3A_454 = arith.index_cast %rem3A : i32 to index
      %get3A_455 = arith.constant 96 : index
      %get3A_456 = tpu.vector_load %arg7[%get3A_454, %get3A_455] {strides = array<i32>} : memref<64x128xi32, #tpu.memory_space<vmem>>, vector<1x16xi32>,
      %get3A_457 = vector.shape_cast %get3A_456 : vector<1x16xi32> to vector<16xi32>
      %and3A_458 = arith.constant 65535 : i32
      %and3A_459 = vector.broadcast %and3A_458 : i32 to vector<16xi32>
      %and3A_460 = arith.andi %get3A_457, %and3A_459 : vector<16xi32>
      %swap3A_461 = arith.constant 32 : index
      %swap3A_462 = tpu.vector_load %arg10[%swap3A_461] {strides = array<i32>} : memref<128xi32, #tpu.memory_space<vmem>>, vector<16xi32>,
      %swap3A_463 = vector.shape_cast %swap3A_462 : vector<16xi32> to vector<16xi32>
      %swap3A_464 = vector.shape_cast %and3A_460 : vector<16xi32> to vector<16xi32>
      tpu.vector_store %arg10[%swap3A_461], %swap3A_464 {strides = array<i32>} : memref<128xi32, #tpu.memory_space<vmem>>, vector<16xi32>,
      %shift_right_logical3A_465 = arith.constant 16 : i32
      %shift_right_logical3A_466 = vector.broadcast %shift_right_logical3A_465 : i32 to vector<16xi32>
      %shift_right_logical3A_467 = arith.shrui %get3A_457, %shift_right_logical3A_466 : vector<16xi32>
      %swap3A_468 = arith.constant 96 : index
      %swap3A_469 = tpu.vector_load %arg10[%swap3A_468] {strides = array<i32>} : memref<128xi32, #tpu.memory_space<vmem>>, vector<16xi32>,
      %swap3A_470 = vector.shape_cast %swap3A_469 : vector<16xi32> to vector<16xi32>
      %swap3A_471 = vector.shape_cast %shift_right_logical3A_467 : vector<16xi32> to vector<16xi32>
      tpu.vector_store %arg10[%swap3A_468], %swap3A_471 {strides = array<i32>} : memref<128xi32, #tpu.memory_space<vmem>>, vector<16xi32>,
      %get3A_472 = arith.index_cast %rem3A : i32 to index
      %get3A_473 = arith.constant 112 : index
      %get3A_474 = tpu.vector_load %arg7[%get3A_472, %get3A_473] {strides = array<i32>} : memref<64x128xi32, #tpu.memory_space<vmem>>, vector<1x16xi32>,
      %get3A_475 = vector.shape_cast %get3A_474 : vector<1x16xi32> to vector<16xi32>
      %and3A_476 = arith.constant 65535 : i32
      %and3A_477 = vector.broadcast %and3A_476 : i32 to vector<16xi32>
      %and3A_478 = arith.andi %get3A_475, %and3A_477 : vector<16xi32>
      %swap3A_479 = arith.constant 48 : index
      %swap3A_480 = tpu.vector_load %arg10[%swap3A_479] {strides = array<i32>} : memref<128xi32, #tpu.memory_space<vmem>>, vector<16xi32>,
      %swap3A_481 = vector.shape_cast %swap3A_480 : vector<16xi32> to vector<16xi32>
      %swap3A_482 = vector.shape_cast %and3A_478 : vector<16xi32> to vector<16xi32>
      tpu.vector_store %arg10[%swap3A_479], %swap3A_482 {strides = array<i32>} : memref<128xi32, #tpu.memory_space<vmem>>, vector<16xi32>,
      %shift_right_logical3A_483 = arith.constant 16 : i32
      %shift_right_logical3A_484 = vector.broadcast %shift_right_logical3A_483 : i32 to vector<16xi32>
      %shift_right_logical3A_485 = arith.shrui %get3A_475, %shift_right_logical3A_484 : vector<16xi32>
      %swap3A_486 = arith.constant 112 : index
      %swap3A_487 = tpu.vector_load %arg10[%swap3A_486] {strides = array<i32>} : memref<128xi32, #tpu.memory_space<vmem>>, vector<16xi32>,
      %swap3A_488 = vector.shape_cast %swap3A_487 : vector<16xi32> to vector<16xi32>
      %swap3A_489 = vector.shape_cast %shift_right_logical3A_485 : vector<16xi32> to vector<16xi32>
      tpu.vector_store %arg10[%swap3A_486], %swap3A_489 {strides = array<i32>} : memref<128xi32, #tpu.memory_space<vmem>>, vector<16xi32>,
      %dma_wait3A_490 = arith.constant 0 : i32
      %dma_wait3A_491 = arith.constant 0 : i32
      %dma_wait3A_492 = tpu.memref_slice %arg15[%dma_wait3A_490, %dma_wait3A_491] : memref<10112x128xf32, #tpu.memory_space<vmem_shared>> -> memref<10112x128xf32, #tpu.memory_space<vmem_shared>>
      tpu.wait_indirect_dma semaphore(%arg19 : memref<!tpu.dma_semaphore, #tpu.memory_space<semaphore_mem>>) src(%arg14 : memref<128x128xf32, #tpu.memory_space<vmem>>) dst(%dma_wait3A_492 : memref<10112x128xf32, #tpu.memory_space<vmem_shared>>)
      %dma_start3A_493 = arith.constant 0 : i32
      %dma_start3A_494 = arith.constant 0 : i32
      %dma_start3A_495 = tpu.memref_slice %arg2[%dma_start3A_493, %dma_start3A_494] : memref<10000x128xf32, #tpu.memory_space<hbm>> -> memref<10000x128xf32, #tpu.memory_space<hbm>>
      tpu.enqueue_indirect_dma source(%dma_start3A_495 : memref<10000x128xf32, #tpu.memory_space<hbm>>) target(%arg14 : memref<128x128xf32, #tpu.memory_space<vmem>>) offsets(%arg10 : memref<128xi32, #tpu.memory_space<vmem>>) semaphore(%arg17 : memref<!tpu.dma_semaphore, #tpu.memory_space<semaphore_mem>>)
    }
    %while3A_170 = arith.constant 1 : i32
    scf.for %while3A_181 = %while3A_168 to %while3A_164 step %while3A_170  : i32 {
      %add3A_182 = arith.constant 1 : i32
      %add3A_183 = arith.addi %while3A_181, %add3A_182 : i32
      %rem3A = arith.remsi %add3A_183, %select_n3A : i32
      %dma_wait3A_184 = arith.constant 0 : i32
      %dma_wait3A_185 = arith.constant 0 : i32
      %dma_wait3A_186 = tpu.memref_slice %arg2[%dma_wait3A_184, %dma_wait3A_185] : memref<10000x128xf32, #tpu.memory_space<hbm>> -> memref<10000x128xf32, #tpu.memory_space<hbm>>
      tpu.wait_indirect_dma semaphore(%arg16 : memref<!tpu.dma_semaphore, #tpu.memory_space<semaphore_mem>>) src(%dma_wait3A_186 : memref<10000x128xf32, #tpu.memory_space<hbm>>) dst(%arg13 : memref<128x128xf32, #tpu.memory_space<vmem>>)
      %get3A_187 = arith.index_cast %while3A_181 : i32 to index
      %get3A_188 = arith.constant 0 : index
      %get3A_189 = tpu.vector_load %arg8[%get3A_187, %get3A_188] {strides = array<i32>} : memref<64x128xi32, #tpu.memory_space<vmem>>, vector<1x16xi32>,
      %get3A_190 = vector.shape_cast %get3A_189 : vector<1x16xi32> to vector<16xi32>
      %and3A_191 = arith.constant 65535 : i32
      %and3A_192 = vector.broadcast %and3A_191 : i32 to vector<16xi32>
      %and3A_193 = arith.andi %get3A_190, %and3A_192 : vector<16xi32>
      %swap3A_194 = arith.constant 0 : index
      %swap3A_195 = tpu.vector_load %arg11[%swap3A_194] {strides = array<i32>} : memref<128xi32, #tpu.memory_space<vmem>>, vector<16xi32>,
      %swap3A_196 = vector.shape_cast %swap3A_195 : vector<16xi32> to vector<16xi32>
      %swap3A_197 = vector.shape_cast %and3A_193 : vector<16xi32> to vector<16xi32>
      tpu.vector_store %arg11[%swap3A_194], %swap3A_197 {strides = array<i32>} : memref<128xi32, #tpu.memory_space<vmem>>, vector<16xi32>,
      %shift_right_logical3A_198 = arith.constant 16 : i32
      %shift_right_logical3A_199 = vector.broadcast %shift_right_logical3A_198 : i32 to vector<16xi32>
      %shift_right_logical3A_200 = arith.shrui %get3A_190, %shift_right_logical3A_199 : vector<16xi32>
      %swap3A_201 = arith.constant 64 : index
      %swap3A_202 = tpu.vector_load %arg11[%swap3A_201] {strides = array<i32>} : memref<128xi32, #tpu.memory_space<vmem>>, vector<16xi32>,
      %swap3A_203 = vector.shape_cast %swap3A_202 : vector<16xi32> to vector<16xi32>
      %swap3A_204 = vector.shape_cast %shift_right_logical3A_200 : vector<16xi32> to vector<16xi32>
      tpu.vector_store %arg11[%swap3A_201], %swap3A_204 {strides = array<i32>} : memref<128xi32, #tpu.memory_space<vmem>>, vector<16xi32>,
      %get3A_205 = arith.index_cast %while3A_181 : i32 to index
      %get3A_206 = arith.constant 16 : index
      %get3A_207 = tpu.vector_load %arg8[%get3A_205, %get3A_206] {strides = array<i32>} : memref<64x128xi32, #tpu.memory_space<vmem>>, vector<1x16xi32>,
      %get3A_208 = vector.shape_cast %get3A_207 : vector<1x16xi32> to vector<16xi32>
      %and3A_209 = arith.constant 65535 : i32
      %and3A_210 = vector.broadcast %and3A_209 : i32 to vector<16xi32>
      %and3A_211 = arith.andi %get3A_208, %and3A_210 : vector<16xi32>
      %swap3A_212 = arith.constant 16 : index
      %swap3A_213 = tpu.vector_load %arg11[%swap3A_212] {strides = array<i32>} : memref<128xi32, #tpu.memory_space<vmem>>, vector<16xi32>,
      %swap3A_214 = vector.shape_cast %swap3A_213 : vector<16xi32> to vector<16xi32>
      %swap3A_215 = vector.shape_cast %and3A_211 : vector<16xi32> to vector<16xi32>
      tpu.vector_store %arg11[%swap3A_212], %swap3A_215 {strides = array<i32>} : memref<128xi32, #tpu.memory_space<vmem>>, vector<16xi32>,
      %shift_right_logical3A_216 = arith.constant 16 : i32
      %shift_right_logical3A_217 = vector.broadcast %shift_right_logical3A_216 : i32 to vector<16xi32>
      %shift_right_logical3A_218 = arith.shrui %get3A_208, %shift_right_logical3A_217 : vector<16xi32>
      %swap3A_219 = arith.constant 80 : index
      %swap3A_220 = tpu.vector_load %arg11[%swap3A_219] {strides = array<i32>} : memref<128xi32, #tpu.memory_space<vmem>>, vector<16xi32>,
      %swap3A_221 = vector.shape_cast %swap3A_220 : vector<16xi32> to vector<16xi32>
      %swap3A_222 = vector.shape_cast %shift_right_logical3A_218 : vector<16xi32> to vector<16xi32>
      tpu.vector_store %arg11[%swap3A_219], %swap3A_222 {strides = array<i32>} : memref<128xi32, #tpu.memory_space<vmem>>, vector<16xi32>,
      %get3A_223 = arith.index_cast %while3A_181 : i32 to index
      %get3A_224 = arith.constant 32 : index
      %get3A_225 = tpu.vector_load %arg8[%get3A_223, %get3A_224] {strides = array<i32>} : memref<64x128xi32, #tpu.memory_space<vmem>>, vector<1x16xi32>,
      %get3A_226 = vector.shape_cast %get3A_225 : vector<1x16xi32> to vector<16xi32>
      %and3A_227 = arith.constant 65535 : i32
      %and3A_228 = vector.broadcast %and3A_227 : i32 to vector<16xi32>
      %and3A_229 = arith.andi %get3A_226, %and3A_228 : vector<16xi32>
      %swap3A_230 = arith.constant 32 : index
      %swap3A_231 = tpu.vector_load %arg11[%swap3A_230] {strides = array<i32>} : memref<128xi32, #tpu.memory_space<vmem>>, vector<16xi32>,
      %swap3A_232 = vector.shape_cast %swap3A_231 : vector<16xi32> to vector<16xi32>
      %swap3A_233 = vector.shape_cast %and3A_229 : vector<16xi32> to vector<16xi32>
      tpu.vector_store %arg11[%swap3A_230], %swap3A_233 {strides = array<i32>} : memref<128xi32, #tpu.memory_space<vmem>>, vector<16xi32>,
      %shift_right_logical3A_234 = arith.constant 16 : i32
      %shift_right_logical3A_235 = vector.broadcast %shift_right_logical3A_234 : i32 to vector<16xi32>
      %shift_right_logical3A_236 = arith.shrui %get3A_226, %shift_right_logical3A_235 : vector<16xi32>
      %swap3A_237 = arith.constant 96 : index
      %swap3A_238 = tpu.vector_load %arg11[%swap3A_237] {strides = array<i32>} : memref<128xi32, #tpu.memory_space<vmem>>, vector<16xi32>,
      %swap3A_239 = vector.shape_cast %swap3A_238 : vector<16xi32> to vector<16xi32>
      %swap3A_240 = vector.shape_cast %shift_right_logical3A_236 : vector<16xi32> to vector<16xi32>
      tpu.vector_store %arg11[%swap3A_237], %swap3A_240 {strides = array<i32>} : memref<128xi32, #tpu.memory_space<vmem>>, vector<16xi32>,
      %get3A_241 = arith.index_cast %while3A_181 : i32 to index
      %get3A_242 = arith.constant 48 : index
      %get3A_243 = tpu.vector_load %arg8[%get3A_241, %get3A_242] {strides = array<i32>} : memref<64x128xi32, #tpu.memory_space<vmem>>, vector<1x16xi32>,
      %get3A_244 = vector.shape_cast %get3A_243 : vector<1x16xi32> to vector<16xi32>
      %and3A_245 = arith.constant 65535 : i32
      %and3A_246 = vector.broadcast %and3A_245 : i32 to vector<16xi32>
      %and3A_247 = arith.andi %get3A_244, %and3A_246 : vector<16xi32>
      %swap3A_248 = arith.constant 48 : index
      %swap3A_249 = tpu.vector_load %arg11[%swap3A_248] {strides = array<i32>} : memref<128xi32, #tpu.memory_space<vmem>>, vector<16xi32>,
      %swap3A_250 = vector.shape_cast %swap3A_249 : vector<16xi32> to vector<16xi32>
      %swap3A_251 = vector.shape_cast %and3A_247 : vector<16xi32> to vector<16xi32>
      tpu.vector_store %arg11[%swap3A_248], %swap3A_251 {strides = array<i32>} : memref<128xi32, #tpu.memory_space<vmem>>, vector<16xi32>,
      %shift_right_logical3A_252 = arith.constant 16 : i32
      %shift_right_logical3A_253 = vector.broadcast %shift_right_logical3A_252 : i32 to vector<16xi32>
      %shift_right_logical3A_254 = arith.shrui %get3A_244, %shift_right_logical3A_253 : vector<16xi32>
      %swap3A_255 = arith.constant 112 : index
      %swap3A_256 = tpu.vector_load %arg11[%swap3A_255] {strides = array<i32>} : memref<128xi32, #tpu.memory_space<vmem>>, vector<16xi32>,
      %swap3A_257 = vector.shape_cast %swap3A_256 : vector<16xi32> to vector<16xi32>
      %swap3A_258 = vector.shape_cast %shift_right_logical3A_254 : vector<16xi32> to vector<16xi32>
      tpu.vector_store %arg11[%swap3A_255], %swap3A_258 {strides = array<i32>} : memref<128xi32, #tpu.memory_space<vmem>>, vector<16xi32>,
      %dma_start3A_259 = arith.constant 0 : i32
      %dma_start3A_260 = arith.constant 0 : i32
      %dma_start3A_261 = tpu.memref_slice %arg15[%dma_start3A_259, %dma_start3A_260] : memref<10112x128xf32, #tpu.memory_space<vmem_shared>> -> memref<10112x128xf32, #tpu.memory_space<vmem_shared>>
      tpu.enqueue_indirect_dma source(%arg13 : memref<128x128xf32, #tpu.memory_space<vmem>>) target(%dma_start3A_261 : memref<10112x128xf32, #tpu.memory_space<vmem_shared>>) offsets(%arg11 : memref<128xi32, #tpu.memory_space<vmem>>) semaphore(%arg18 : memref<!tpu.dma_semaphore, #tpu.memory_space<semaphore_mem>>) {add = true}
      %get3A_262 = arith.index_cast %rem3A : i32 to index
      %get3A_263 = arith.constant 0 : index
      %get3A_264 = tpu.vector_load %arg7[%get3A_262, %get3A_263] {strides = array<i32>} : memref<64x128xi32, #tpu.memory_space<vmem>>, vector<1x16xi32>,
      %get3A_265 = vector.shape_cast %get3A_264 : vector<1x16xi32> to vector<16xi32>
      %and3A_266 = arith.constant 65535 : i32
      %and3A_267 = vector.broadcast %and3A_266 : i32 to vector<16xi32>
      %and3A_268 = arith.andi %get3A_265, %and3A_267 : vector<16xi32>
      %swap3A_269 = arith.constant 0 : index
      %swap3A_270 = tpu.vector_load %arg9[%swap3A_269] {strides = array<i32>} : memref<128xi32, #tpu.memory_space<vmem>>, vector<16xi32>,
      %swap3A_271 = vector.shape_cast %swap3A_270 : vector<16xi32> to vector<16xi32>
      %swap3A_272 = vector.shape_cast %and3A_268 : vector<16xi32> to vector<16xi32>
      tpu.vector_store %arg9[%swap3A_269], %swap3A_272 {strides = array<i32>} : memref<128xi32, #tpu.memory_space<vmem>>, vector<16xi32>,
      %shift_right_logical3A_273 = arith.constant 16 : i32
      %shift_right_logical3A_274 = vector.broadcast %shift_right_logical3A_273 : i32 to vector<16xi32>
      %shift_right_logical3A_275 = arith.shrui %get3A_265, %shift_right_logical3A_274 : vector<16xi32>
      %swap3A_276 = arith.constant 64 : index
      %swap3A_277 = tpu.vector_load %arg9[%swap3A_276] {strides = array<i32>} : memref<128xi32, #tpu.memory_space<vmem>>, vector<16xi32>,
      %swap3A_278 = vector.shape_cast %swap3A_277 : vector<16xi32> to vector<16xi32>
      %swap3A_279 = vector.shape_cast %shift_right_logical3A_275 : vector<16xi32> to vector<16xi32>
      tpu.vector_store %arg9[%swap3A_276], %swap3A_279 {strides = array<i32>} : memref<128xi32, #tpu.memory_space<vmem>>, vector<16xi32>,
      %get3A_280 = arith.index_cast %rem3A : i32 to index
      %get3A_281 = arith.constant 16 : index
      %get3A_282 = tpu.vector_load %arg7[%get3A_280, %get3A_281] {strides = array<i32>} : memref<64x128xi32, #tpu.memory_space<vmem>>, vector<1x16xi32>,
      %get3A_283 = vector.shape_cast %get3A_282 : vector<1x16xi32> to vector<16xi32>
      %and3A_284 = arith.constant 65535 : i32
      %and3A_285 = vector.broadcast %and3A_284 : i32 to vector<16xi32>
      %and3A_286 = arith.andi %get3A_283, %and3A_285 : vector<16xi32>
      %swap3A_287 = arith.constant 16 : index
      %swap3A_288 = tpu.vector_load %arg9[%swap3A_287] {strides = array<i32>} : memref<128xi32, #tpu.memory_space<vmem>>, vector<16xi32>,
      %swap3A_289 = vector.shape_cast %swap3A_288 : vector<16xi32> to vector<16xi32>
      %swap3A_290 = vector.shape_cast %and3A_286 : vector<16xi32> to vector<16xi32>
      tpu.vector_store %arg9[%swap3A_287], %swap3A_290 {strides = array<i32>} : memref<128xi32, #tpu.memory_space<vmem>>, vector<16xi32>,
      %shift_right_logical3A_291 = arith.constant 16 : i32
      %shift_right_logical3A_292 = vector.broadcast %shift_right_logical3A_291 : i32 to vector<16xi32>
      %shift_right_logical3A_293 = arith.shrui %get3A_283, %shift_right_logical3A_292 : vector<16xi32>
      %swap3A_294 = arith.constant 80 : index
      %swap3A_295 = tpu.vector_load %arg9[%swap3A_294] {strides = array<i32>} : memref<128xi32, #tpu.memory_space<vmem>>, vector<16xi32>,
      %swap3A_296 = vector.shape_cast %swap3A_295 : vector<16xi32> to vector<16xi32>
      %swap3A_297 = vector.shape_cast %shift_right_logical3A_293 : vector<16xi32> to vector<16xi32>
      tpu.vector_store %arg9[%swap3A_294], %swap3A_297 {strides = array<i32>} : memref<128xi32, #tpu.memory_space<vmem>>, vector<16xi32>,
      %get3A_298 = arith.index_cast %rem3A : i32 to index
      %get3A_299 = arith.constant 32 : index
      %get3A_300 = tpu.vector_load %arg7[%get3A_298, %get3A_299] {strides = array<i32>} : memref<64x128xi32, #tpu.memory_space<vmem>>, vector<1x16xi32>,
      %get3A_301 = vector.shape_cast %get3A_300 : vector<1x16xi32> to vector<16xi32>
      %and3A_302 = arith.constant 65535 : i32
      %and3A_303 = vector.broadcast %and3A_302 : i32 to vector<16xi32>
      %and3A_304 = arith.andi %get3A_301, %and3A_303 : vector<16xi32>
      %swap3A_305 = arith.constant 32 : index
      %swap3A_306 = tpu.vector_load %arg9[%swap3A_305] {strides = array<i32>} : memref<128xi32, #tpu.memory_space<vmem>>, vector<16xi32>,
      %swap3A_307 = vector.shape_cast %swap3A_306 : vector<16xi32> to vector<16xi32>
      %swap3A_308 = vector.shape_cast %and3A_304 : vector<16xi32> to vector<16xi32>
      tpu.vector_store %arg9[%swap3A_305], %swap3A_308 {strides = array<i32>} : memref<128xi32, #tpu.memory_space<vmem>>, vector<16xi32>,
      %shift_right_logical3A_309 = arith.constant 16 : i32
      %shift_right_logical3A_310 = vector.broadcast %shift_right_logical3A_309 : i32 to vector<16xi32>
      %shift_right_logical3A_311 = arith.shrui %get3A_301, %shift_right_logical3A_310 : vector<16xi32>
      %swap3A_312 = arith.constant 96 : index
      %swap3A_313 = tpu.vector_load %arg9[%swap3A_312] {strides = array<i32>} : memref<128xi32, #tpu.memory_space<vmem>>, vector<16xi32>,
      %swap3A_314 = vector.shape_cast %swap3A_313 : vector<16xi32> to vector<16xi32>
      %swap3A_315 = vector.shape_cast %shift_right_logical3A_311 : vector<16xi32> to vector<16xi32>
      tpu.vector_store %arg9[%swap3A_312], %swap3A_315 {strides = array<i32>} : memref<128xi32, #tpu.memory_space<vmem>>, vector<16xi32>,
      %get3A_316 = arith.index_cast %rem3A : i32 to index
      %get3A_317 = arith.constant 48 : index
      %get3A_318 = tpu.vector_load %arg7[%get3A_316, %get3A_317] {strides = array<i32>} : memref<64x128xi32, #tpu.memory_space<vmem>>, vector<1x16xi32>,
      %get3A_319 = vector.shape_cast %get3A_318 : vector<1x16xi32> to vector<16xi32>
      %and3A_320 = arith.constant 65535 : i32
      %and3A_321 = vector.broadcast %and3A_320 : i32 to vector<16xi32>
      %and3A_322 = arith.andi %get3A_319, %and3A_321 : vector<16xi32>
      %swap3A_323 = arith.constant 48 : index
      %swap3A_324 = tpu.vector_load %arg9[%swap3A_323] {strides = array<i32>} : memref<128xi32, #tpu.memory_space<vmem>>, vector<16xi32>,
      %swap3A_325 = vector.shape_cast %swap3A_324 : vector<16xi32> to vector<16xi32>
      %swap3A_326 = vector.shape_cast %and3A_322 : vector<16xi32> to vector<16xi32>
      tpu.vector_store %arg9[%swap3A_323], %swap3A_326 {strides = array<i32>} : memref<128xi32, #tpu.memory_space<vmem>>, vector<16xi32>,
      %shift_right_logical3A_327 = arith.constant 16 : i32
      %shift_right_logical3A_328 = vector.broadcast %shift_right_logical3A_327 : i32 to vector<16xi32>
      %shift_right_logical3A_329 = arith.shrui %get3A_319, %shift_right_logical3A_328 : vector<16xi32>
      %swap3A_330 = arith.constant 112 : index
      %swap3A_331 = tpu.vector_load %arg9[%swap3A_330] {strides = array<i32>} : memref<128xi32, #tpu.memory_space<vmem>>, vector<16xi32>,
      %swap3A_332 = vector.shape_cast %swap3A_331 : vector<16xi32> to vector<16xi32>
      %swap3A_333 = vector.shape_cast %shift_right_logical3A_329 : vector<16xi32> to vector<16xi32>
      tpu.vector_store %arg9[%swap3A_330], %swap3A_333 {strides = array<i32>} : memref<128xi32, #tpu.memory_space<vmem>>, vector<16xi32>,
      %dma_wait3A_334 = arith.constant 0 : i32
      %dma_wait3A_335 = arith.constant 0 : i32
      %dma_wait3A_336 = tpu.memref_slice %arg15[%dma_wait3A_334, %dma_wait3A_335] : memref<10112x128xf32, #tpu.memory_space<vmem_shared>> -> memref<10112x128xf32, #tpu.memory_space<vmem_shared>>
      tpu.wait_indirect_dma semaphore(%arg18 : memref<!tpu.dma_semaphore, #tpu.memory_space<semaphore_mem>>) src(%arg13 : memref<128x128xf32, #tpu.memory_space<vmem>>) dst(%dma_wait3A_336 : memref<10112x128xf32, #tpu.memory_space<vmem_shared>>)
      %dma_start3A_337 = arith.constant 0 : i32
      %dma_start3A_338 = arith.constant 0 : i32
      %dma_start3A_339 = tpu.memref_slice %arg2[%dma_start3A_337, %dma_start3A_338] : memref<10000x128xf32, #tpu.memory_space<hbm>> -> memref<10000x128xf32, #tpu.memory_space<hbm>>
      tpu.enqueue_indirect_dma source(%dma_start3A_339 : memref<10000x128xf32, #tpu.memory_space<hbm>>) target(%arg13 : memref<128x128xf32, #tpu.memory_space<vmem>>) offsets(%arg9 : memref<128xi32, #tpu.memory_space<vmem>>) semaphore(%arg16 : memref<!tpu.dma_semaphore, #tpu.memory_space<semaphore_mem>>)
      %dma_wait3A_340 = arith.constant 0 : i32
      %dma_wait3A_341 = arith.constant 0 : i32
      %dma_wait3A_342 = tpu.memref_slice %arg2[%dma_wait3A_340, %dma_wait3A_341] : memref<10000x128xf32, #tpu.memory_space<hbm>> -> memref<10000x128xf32, #tpu.memory_space<hbm>>
      tpu.wait_indirect_dma semaphore(%arg17 : memref<!tpu.dma_semaphore, #tpu.memory_space<semaphore_mem>>) src(%dma_wait3A_342 : memref<10000x128xf32, #tpu.memory_space<hbm>>) dst(%arg14 : memref<128x128xf32, #tpu.memory_space<vmem>>)
      %get3A_343 = arith.index_cast %while3A_181 : i32 to index
      %get3A_344 = arith.constant 64 : index
      %get3A_345 = tpu.vector_load %arg8[%get3A_343, %get3A_344] {strides = array<i32>} : memref<64x128xi32, #tpu.memory_space<vmem>>, vector<1x16xi32>,
      %get3A_346 = vector.shape_cast %get3A_345 : vector<1x16xi32> to vector<16xi32>
      %and3A_347 = arith.constant 65535 : i32
      %and3A_348 = vector.broadcast %and3A_347 : i32 to vector<16xi32>
      %and3A_349 = arith.andi %get3A_346, %and3A_348 : vector<16xi32>
      %swap3A_350 = arith.constant 0 : index
      %swap3A_351 = tpu.vector_load %arg12[%swap3A_350] {strides = array<i32>} : memref<128xi32, #tpu.memory_space<vmem>>, vector<16xi32>,
      %swap3A_352 = vector.shape_cast %swap3A_351 : vector<16xi32> to vector<16xi32>
      %swap3A_353 = vector.shape_cast %and3A_349 : vector<16xi32> to vector<16xi32>
      tpu.vector_store %arg12[%swap3A_350], %swap3A_353 {strides = array<i32>} : memref<128xi32, #tpu.memory_space<vmem>>, vector<16xi32>,
      %shift_right_logical3A_354 = arith.constant 16 : i32
      %shift_right_logical3A_355 = vector.broadcast %shift_right_logical3A_354 : i32 to vector<16xi32>
      %shift_right_logical3A_356 = arith.shrui %get3A_346, %shift_right_logical3A_355 : vector<16xi32>
      %swap3A_357 = arith.constant 64 : index
      %swap3A_358 = tpu.vector_load %arg12[%swap3A_357] {strides = array<i32>} : memref<128xi32, #tpu.memory_space<vmem>>, vector<16xi32>,
      %swap3A_359 = vector.shape_cast %swap3A_358 : vector<16xi32> to vector<16xi32>
      %swap3A_360 = vector.shape_cast %shift_right_logical3A_356 : vector<16xi32> to vector<16xi32>
      tpu.vector_store %arg12[%swap3A_357], %swap3A_360 {strides = array<i32>} : memref<128xi32, #tpu.memory_space<vmem>>, vector<16xi32>,
      %get3A_361 = arith.index_cast %while3A_181 : i32 to index
      %get3A_362 = arith.constant 80 : index
      %get3A_363 = tpu.vector_load %arg8[%get3A_361, %get3A_362] {strides = array<i32>} : memref<64x128xi32, #tpu.memory_space<vmem>>, vector<1x16xi32>,
      %get3A_364 = vector.shape_cast %get3A_363 : vector<1x16xi32> to vector<16xi32>
      %and3A_365 = arith.constant 65535 : i32
      %and3A_366 = vector.broadcast %and3A_365 : i32 to vector<16xi32>
      %and3A_367 = arith.andi %get3A_364, %and3A_366 : vector<16xi32>
      %swap3A_368 = arith.constant 16 : index
      %swap3A_369 = tpu.vector_load %arg12[%swap3A_368] {strides = array<i32>} : memref<128xi32, #tpu.memory_space<vmem>>, vector<16xi32>,
      %swap3A_370 = vector.shape_cast %swap3A_369 : vector<16xi32> to vector<16xi32>
      %swap3A_371 = vector.shape_cast %and3A_367 : vector<16xi32> to vector<16xi32>
      tpu.vector_store %arg12[%swap3A_368], %swap3A_371 {strides = array<i32>} : memref<128xi32, #tpu.memory_space<vmem>>, vector<16xi32>,
      %shift_right_logical3A_372 = arith.constant 16 : i32
      %shift_right_logical3A_373 = vector.broadcast %shift_right_logical3A_372 : i32 to vector<16xi32>
      %shift_right_logical3A_374 = arith.shrui %get3A_364, %shift_right_logical3A_373 : vector<16xi32>
      %swap3A_375 = arith.constant 80 : index
      %swap3A_376 = tpu.vector_load %arg12[%swap3A_375] {strides = array<i32>} : memref<128xi32, #tpu.memory_space<vmem>>, vector<16xi32>,
      %swap3A_377 = vector.shape_cast %swap3A_376 : vector<16xi32> to vector<16xi32>
      %swap3A_378 = vector.shape_cast %shift_right_logical3A_374 : vector<16xi32> to vector<16xi32>
      tpu.vector_store %arg12[%swap3A_375], %swap3A_378 {strides = array<i32>} : memref<128xi32, #tpu.memory_space<vmem>>, vector<16xi32>,
      %get3A_379 = arith.index_cast %while3A_181 : i32 to index
      %get3A_380 = arith.constant 96 : index
      %get3A_381 = tpu.vector_load %arg8[%get3A_379, %get3A_380] {strides = array<i32>} : memref<64x128xi32, #tpu.memory_space<vmem>>, vector<1x16xi32>,
      %get3A_382 = vector.shape_cast %get3A_381 : vector<1x16xi32> to vector<16xi32>
      %and3A_383 = arith.constant 65535 : i32
      %and3A_384 = vector.broadcast %and3A_383 : i32 to vector<16xi32>
      %and3A_385 = arith.andi %get3A_382, %and3A_384 : vector<16xi32>
      %swap3A_386 = arith.constant 32 : index
      %swap3A_387 = tpu.vector_load %arg12[%swap3A_386] {strides = array<i32>} : memref<128xi32, #tpu.memory_space<vmem>>, vector<16xi32>,
      %swap3A_388 = vector.shape_cast %swap3A_387 : vector<16xi32> to vector<16xi32>
      %swap3A_389 = vector.shape_cast %and3A_385 : vector<16xi32> to vector<16xi32>
      tpu.vector_store %arg12[%swap3A_386], %swap3A_389 {strides = array<i32>} : memref<128xi32, #tpu.memory_space<vmem>>, vector<16xi32>,
      %shift_right_logical3A_390 = arith.constant 16 : i32
      %shift_right_logical3A_391 = vector.broadcast %shift_right_logical3A_390 : i32 to vector<16xi32>
      %shift_right_logical3A_392 = arith.shrui %get3A_382, %shift_right_logical3A_391 : vector<16xi32>
      %swap3A_393 = arith.constant 96 : index
      %swap3A_394 = tpu.vector_load %arg12[%swap3A_393] {strides = array<i32>} : memref<128xi32, #tpu.memory_space<vmem>>, vector<16xi32>,
      %swap3A_395 = vector.shape_cast %swap3A_394 : vector<16xi32> to vector<16xi32>
      %swap3A_396 = vector.shape_cast %shift_right_logical3A_392 : vector<16xi32> to vector<16xi32>
      tpu.vector_store %arg12[%swap3A_393], %swap3A_396 {strides = array<i32>} : memref<128xi32, #tpu.memory_space<vmem>>, vector<16xi32>,
      %get3A_397 = arith.index_cast %while3A_181 : i32 to index
      %get3A_398 = arith.constant 112 : index
      %get3A_399 = tpu.vector_load %arg8[%get3A_397, %get3A_398] {strides = array<i32>} : memref<64x128xi32, #tpu.memory_space<vmem>>, vector<1x16xi32>,
      %get3A_400 = vector.shape_cast %get3A_399 : vector<1x16xi32> to vector<16xi32>
      %and3A_401 = arith.constant 65535 : i32
      %and3A_402 = vector.broadcast %and3A_401 : i32 to vector<16xi32>
      %and3A_403 = arith.andi %get3A_400, %and3A_402 : vector<16xi32>
      %swap3A_404 = arith.constant 48 : index
      %swap3A_405 = tpu.vector_load %arg12[%swap3A_404] {strides = array<i32>} : memref<128xi32, #tpu.memory_space<vmem>>, vector<16xi32>,
      %swap3A_406 = vector.shape_cast %swap3A_405 : vector<16xi32> to vector<16xi32>
      %swap3A_407 = vector.shape_cast %and3A_403 : vector<16xi32> to vector<16xi32>
      tpu.vector_store %arg12[%swap3A_404], %swap3A_407 {strides = array<i32>} : memref<128xi32, #tpu.memory_space<vmem>>, vector<16xi32>,
      %shift_right_logical3A_408 = arith.constant 16 : i32
      %shift_right_logical3A_409 = vector.broadcast %shift_right_logical3A_408 : i32 to vector<16xi32>
      %shift_right_logical3A_410 = arith.shrui %get3A_400, %shift_right_logical3A_409 : vector<16xi32>
      %swap3A_411 = arith.constant 112 : index
      %swap3A_412 = tpu.vector_load %arg12[%swap3A_411] {strides = array<i32>} : memref<128xi32, #tpu.memory_space<vmem>>, vector<16xi32>,
      %swap3A_413 = vector.shape_cast %swap3A_412 : vector<16xi32> to vector<16xi32>
      %swap3A_414 = vector.shape_cast %shift_right_logical3A_410 : vector<16xi32> to vector<16xi32>
      tpu.vector_store %arg12[%swap3A_411], %swap3A_414 {strides = array<i32>} : memref<128xi32, #tpu.memory_space<vmem>>, vector<16xi32>,
      %dma_start3A_415 = arith.constant 0 : i32
      %dma_start3A_416 = arith.constant 0 : i32
      %dma_start3A_417 = tpu.memref_slice %arg15[%dma_start3A_415, %dma_start3A_416] : memref<10112x128xf32, #tpu.memory_space<vmem_shared>> -> memref<10112x128xf32, #tpu.memory_space<vmem_shared>>
      tpu.enqueue_indirect_dma source(%arg14 : memref<128x128xf32, #tpu.memory_space<vmem>>) target(%dma_start3A_417 : memref<10112x128xf32, #tpu.memory_space<vmem_shared>>) offsets(%arg12 : memref<128xi32, #tpu.memory_space<vmem>>) semaphore(%arg19 : memref<!tpu.dma_semaphore, #tpu.memory_space<semaphore_mem>>) {add = true}
      %get3A_418 = arith.index_cast %rem3A : i32 to index
      %get3A_419 = arith.constant 64 : index
      %get3A_420 = tpu.vector_load %arg7[%get3A_418, %get3A_419] {strides = array<i32>} : memref<64x128xi32, #tpu.memory_space<vmem>>, vector<1x16xi32>,
      %get3A_421 = vector.shape_cast %get3A_420 : vector<1x16xi32> to vector<16xi32>
      %and3A_422 = arith.constant 65535 : i32
      %and3A_423 = vector.broadcast %and3A_422 : i32 to vector<16xi32>
      %and3A_424 = arith.andi %get3A_421, %and3A_423 : vector<16xi32>
      %swap3A_425 = arith.constant 0 : index
      %swap3A_426 = tpu.vector_load %arg10[%swap3A_425] {strides = array<i32>} : memref<128xi32, #tpu.memory_space<vmem>>, vector<16xi32>,
      %swap3A_427 = vector.shape_cast %swap3A_426 : vector<16xi32> to vector<16xi32>
      %swap3A_428 = vector.shape_cast %and3A_424 : vector<16xi32> to vector<16xi32>
      tpu.vector_store %arg10[%swap3A_425], %swap3A_428 {strides = array<i32>} : memref<128xi32, #tpu.memory_space<vmem>>, vector<16xi32>,
      %shift_right_logical3A_429 = arith.constant 16 : i32
      %shift_right_logical3A_430 = vector.broadcast %shift_right_logical3A_429 : i32 to vector<16xi32>
      %shift_right_logical3A_431 = arith.shrui %get3A_421, %shift_right_logical3A_430 : vector<16xi32>
      %swap3A_432 = arith.constant 64 : index
      %swap3A_433 = tpu.vector_load %arg10[%swap3A_432] {strides = array<i32>} : memref<128xi32, #tpu.memory_space<vmem>>, vector<16xi32>,
      %swap3A_434 = vector.shape_cast %swap3A_433 : vector<16xi32> to vector<16xi32>
      %swap3A_435 = vector.shape_cast %shift_right_logical3A_431 : vector<16xi32> to vector<16xi32>
      tpu.vector_store %arg10[%swap3A_432], %swap3A_435 {strides = array<i32>} : memref<128xi32, #tpu.memory_space<vmem>>, vector<16xi32>,
      %get3A_436 = arith.index_cast %rem3A : i32 to index
      %get3A_437 = arith.constant 80 : index
      %get3A_438 = tpu.vector_load %arg7[%get3A_436, %get3A_437] {strides = array<i32>} : memref<64x128xi32, #tpu.memory_space<vmem>>, vector<1x16xi32>,
      %get3A_439 = vector.shape_cast %get3A_438 : vector<1x16xi32> to vector<16xi32>
      %and3A_440 = arith.constant 65535 : i32
      %and3A_441 = vector.broadcast %and3A_440 : i32 to vector<16xi32>
      %and3A_442 = arith.andi %get3A_439, %and3A_441 : vector<16xi32>
      %swap3A_443 = arith.constant 16 : index
      %swap3A_444 = tpu.vector_load %arg10[%swap3A_443] {strides = array<i32>} : memref<128xi32, #tpu.memory_space<vmem>>, vector<16xi32>,
      %swap3A_445 = vector.shape_cast %swap3A_444 : vector<16xi32> to vector<16xi32>
      %swap3A_446 = vector.shape_cast %and3A_442 : vector<16xi32> to vector<16xi32>
      tpu.vector_store %arg10[%swap3A_443], %swap3A_446 {strides = array<i32>} : memref<128xi32, #tpu.memory_space<vmem>>, vector<16xi32>,
      %shift_right_logical3A_447 = arith.constant 16 : i32
      %shift_right_logical3A_448 = vector.broadcast %shift_right_logical3A_447 : i32 to vector<16xi32>
      %shift_right_logical3A_449 = arith.shrui %get3A_439, %shift_right_logical3A_448 : vector<16xi32>
      %swap3A_450 = arith.constant 80 : index
      %swap3A_451 = tpu.vector_load %arg10[%swap3A_450] {strides = array<i32>} : memref<128xi32, #tpu.memory_space<vmem>>, vector<16xi32>,
      %swap3A_452 = vector.shape_cast %swap3A_451 : vector<16xi32> to vector<16xi32>
      %swap3A_453 = vector.shape_cast %shift_right_logical3A_449 : vector<16xi32> to vector<16xi32>
      tpu.vector_store %arg10[%swap3A_450], %swap3A_453 {strides = array<i32>} : memref<128xi32, #tpu.memory_space<vmem>>, vector<16xi32>,
      %get3A_454 = arith.index_cast %rem3A : i32 to index
      %get3A_455 = arith.constant 96 : index
      %get3A_456 = tpu.vector_load %arg7[%get3A_454, %get3A_455] {strides = array<i32>} : memref<64x128xi32, #tpu.memory_space<vmem>>, vector<1x16xi32>,
      %get3A_457 = vector.shape_cast %get3A_456 : vector<1x16xi32> to vector<16xi32>
      %and3A_458 = arith.constant 65535 : i32
      %and3A_459 = vector.broadcast %and3A_458 : i32 to vector<16xi32>
      %and3A_460 = arith.andi %get3A_457, %and3A_459 : vector<16xi32>
      %swap3A_461 = arith.constant 32 : index
      %swap3A_462 = tpu.vector_load %arg10[%swap3A_461] {strides = array<i32>} : memref<128xi32, #tpu.memory_space<vmem>>, vector<16xi32>,
      %swap3A_463 = vector.shape_cast %swap3A_462 : vector<16xi32> to vector<16xi32>
      %swap3A_464 = vector.shape_cast %and3A_460 : vector<16xi32> to vector<16xi32>
      tpu.vector_store %arg10[%swap3A_461], %swap3A_464 {strides = array<i32>} : memref<128xi32, #tpu.memory_space<vmem>>, vector<16xi32>,
      %shift_right_logical3A_465 = arith.constant 16 : i32
      %shift_right_logical3A_466 = vector.broadcast %shift_right_logical3A_465 : i32 to vector<16xi32>
      %shift_right_logical3A_467 = arith.shrui %get3A_457, %shift_right_logical3A_466 : vector<16xi32>
      %swap3A_468 = arith.constant 96 : index
      %swap3A_469 = tpu.vector_load %arg10[%swap3A_468] {strides = array<i32>} : memref<128xi32, #tpu.memory_space<vmem>>, vector<16xi32>,
      %swap3A_470 = vector.shape_cast %swap3A_469 : vector<16xi32> to vector<16xi32>
      %swap3A_471 = vector.shape_cast %shift_right_logical3A_467 : vector<16xi32> to vector<16xi32>
      tpu.vector_store %arg10[%swap3A_468], %swap3A_471 {strides = array<i32>} : memref<128xi32, #tpu.memory_space<vmem>>, vector<16xi32>,
      %get3A_472 = arith.index_cast %rem3A : i32 to index
      %get3A_473 = arith.constant 112 : index
      %get3A_474 = tpu.vector_load %arg7[%get3A_472, %get3A_473] {strides = array<i32>} : memref<64x128xi32, #tpu.memory_space<vmem>>, vector<1x16xi32>,
      %get3A_475 = vector.shape_cast %get3A_474 : vector<1x16xi32> to vector<16xi32>
      %and3A_476 = arith.constant 65535 : i32
      %and3A_477 = vector.broadcast %and3A_476 : i32 to vector<16xi32>
      %and3A_478 = arith.andi %get3A_475, %and3A_477 : vector<16xi32>
      %swap3A_479 = arith.constant 48 : index
      %swap3A_480 = tpu.vector_load %arg10[%swap3A_479] {strides = array<i32>} : memref<128xi32, #tpu.memory_space<vmem>>, vector<16xi32>,
      %swap3A_481 = vector.shape_cast %swap3A_480 : vector<16xi32> to vector<16xi32>
      %swap3A_482 = vector.shape_cast %and3A_478 : vector<16xi32> to vector<16xi32>
      tpu.vector_store %arg10[%swap3A_479], %swap3A_482 {strides = array<i32>} : memref<128xi32, #tpu.memory_space<vmem>>, vector<16xi32>,
      %shift_right_logical3A_483 = arith.constant 16 : i32
      %shift_right_logical3A_484 = vector.broadcast %shift_right_logical3A_483 : i32 to vector<16xi32>
      %shift_right_logical3A_485 = arith.shrui %get3A_475, %shift_right_logical3A_484 : vector<16xi32>
      %swap3A_486 = arith.constant 112 : index
      %swap3A_487 = tpu.vector_load %arg10[%swap3A_486] {strides = array<i32>} : memref<128xi32, #tpu.memory_space<vmem>>, vector<16xi32>,
      %swap3A_488 = vector.shape_cast %swap3A_487 : vector<16xi32> to vector<16xi32>
      %swap3A_489 = vector.shape_cast %shift_right_logical3A_485 : vector<16xi32> to vector<16xi32>
      tpu.vector_store %arg10[%swap3A_486], %swap3A_489 {strides = array<i32>} : memref<128xi32, #tpu.memory_space<vmem>>, vector<16xi32>,
      %dma_wait3A_490 = arith.constant 0 : i32
      %dma_wait3A_491 = arith.constant 0 : i32
      %dma_wait3A_492 = tpu.memref_slice %arg15[%dma_wait3A_490, %dma_wait3A_491] : memref<10112x128xf32, #tpu.memory_space<vmem_shared>> -> memref<10112x128xf32, #tpu.memory_space<vmem_shared>>
      tpu.wait_indirect_dma semaphore(%arg19 : memref<!tpu.dma_semaphore, #tpu.memory_space<semaphore_mem>>) src(%arg14 : memref<128x128xf32, #tpu.memory_space<vmem>>) dst(%dma_wait3A_492 : memref<10112x128xf32, #tpu.memory_space<vmem_shared>>)
      %dma_start3A_493 = arith.constant 0 : i32
      %dma_start3A_494 = arith.constant 0 : i32
      %dma_start3A_495 = tpu.memref_slice %arg2[%dma_start3A_493, %dma_start3A_494] : memref<10000x128xf32, #tpu.memory_space<hbm>> -> memref<10000x128xf32, #tpu.memory_space<hbm>>
      tpu.enqueue_indirect_dma source(%dma_start3A_495 : memref<10000x128xf32, #tpu.memory_space<hbm>>) target(%arg14 : memref<128x128xf32, #tpu.memory_space<vmem>>) offsets(%arg10 : memref<128xi32, #tpu.memory_space<vmem>>) semaphore(%arg17 : memref<!tpu.dma_semaphore, #tpu.memory_space<semaphore_mem>>)
    }
    %dma_wait3A = arith.constant 0 : i32
    %dma_wait3A_171 = arith.constant 0 : i32
    %dma_wait3A_172 = tpu.memref_slice %arg2[%dma_wait3A, %dma_wait3A_171] : memref<10000x128xf32, #tpu.memory_space<hbm>> -> memref<10000x128xf32, #tpu.memory_space<hbm>>
    tpu.wait_indirect_dma semaphore(%arg16 : memref<!tpu.dma_semaphore, #tpu.memory_space<semaphore_mem>>) src(%dma_wait3A_172 : memref<10000x128xf32, #tpu.memory_space<hbm>>) dst(%arg13 : memref<128x128xf32, #tpu.memory_space<vmem>>)
    %dma_wait3A_173 = arith.constant 0 : i32
    %dma_wait3A_174 = arith.constant 0 : i32
    %dma_wait3A_175 = tpu.memref_slice %arg2[%dma_wait3A_173, %dma_wait3A_174] : memref<10000x128xf32, #tpu.memory_space<hbm>> -> memref<10000x128xf32, #tpu.memory_space<hbm>>
    tpu.wait_indirect_dma semaphore(%arg17 : memref<!tpu.dma_semaphore, #tpu.memory_space<semaphore_mem>>) src(%dma_wait3A_175 : memref<10000x128xf32, #tpu.memory_space<hbm>>) dst(%arg14 : memref<128x128xf32, #tpu.memory_space<vmem>>)
    %barrier3A_176 = arith.constant 0 : index
    tpu.barrier barrier_id(%barrier3A_176)
    %mul3A_177 = arith.constant 632 : i32
    %mul3A_178 = arith.muli %arg1, %mul3A_177 : i32
    %mul3A_179 = arith.constant 632 : i32
    %mul3A_180 = arith.muli %arg1, %mul3A_179 : i32
    "tpu.region"() ({
      %run_scoped3A = tpu.sem_alloc : memref<!tpu.dma_semaphore, #tpu.memory_space<semaphore_mem>>
      %dma_start3A_181 = arith.constant 0 : i32
      %dma_start3A_182 = tpu.memref_slice %arg6[%arg0, %mul3A_180, %dma_start3A_181] : memref<2x10112x128xf32, #tpu.memory_space<hbm>> -> memref<1x632x128xf32, #tpu.memory_space<hbm>>
      %dma_start3A_183 = tpu.memref_squeeze %dma_start3A_182 : memref<1x632x128xf32, #tpu.memory_space<hbm>> -> memref<632x128xf32, #tpu.memory_space<hbm>>
      %dma_start3A_184 = arith.constant 0 : i32
      %dma_start3A_185 = tpu.memref_slice %arg15[%mul3A_178, %dma_start3A_184] : memref<10112x128xf32, #tpu.memory_space<vmem_shared>> -> memref<632x128xf32, #tpu.memory_space<vmem_shared>>
      tpu.enqueue_dma source(%dma_start3A_185 : memref<632x128xf32, #tpu.memory_space<vmem_shared>>) target(%dma_start3A_183 : memref<632x128xf32, #tpu.memory_space<hbm>>) target_semaphore(%run_scoped3A : memref<!tpu.dma_semaphore, #tpu.memory_space<semaphore_mem>>)
      %dma_wait3A_186 = arith.constant 0 : i32
      %dma_wait3A_187 = tpu.memref_slice %arg6[%arg0, %mul3A_180, %dma_wait3A_186] : memref<2x10112x128xf32, #tpu.memory_space<hbm>> -> memref<1x632x128xf32, #tpu.memory_space<hbm>>
      %dma_wait3A_188 = tpu.memref_squeeze %dma_wait3A_187 : memref<1x632x128xf32, #tpu.memory_space<hbm>> -> memref<632x128xf32, #tpu.memory_space<hbm>>
      %dma_wait3A_189 = arith.constant 0 : i32
      %dma_wait3A_190 = tpu.memref_slice %arg15[%mul3A_178, %dma_wait3A_189] : memref<10112x128xf32, #tpu.memory_space<vmem_shared>> -> memref<632x128xf32, #tpu.memory_space<vmem_shared>>
      tpu.wait_dma2 semaphore(%run_scoped3A : memref<!tpu.dma_semaphore, #tpu.memory_space<semaphore_mem>>) src(%dma_wait3A_190 : memref<632x128xf32, #tpu.memory_space<vmem_shared>>) dst(%dma_wait3A_188 : memref<632x128xf32, #tpu.memory_space<hbm>>)
      tpu.yield
    }) : () -> ()
    return
  }
}

module attributes {stable_mosaic.version = 14 : i64} {
  func.func @_tc_stage1_body(%arg0: i32, %arg1: memref<2000x128xf32, #tpu.memory_space<vmem>>, %arg2: memref<2000x128xf32, #tpu.memory_space<vmem>>, %arg3: memref<128x128xf32, #tpu.memory_space<vmem>>, %arg4: memref<128x128xf32, #tpu.memory_space<vmem>>, %arg5: memref<128x128xf32, #tpu.memory_space<vmem>>, %arg6: memref<128x128xf32, #tpu.memory_space<vmem>>, %arg7: memref<1x128xf32, #tpu.memory_space<vmem>>, %arg8: memref<2000x128xf32, #tpu.memory_space<vmem>>, %arg9: memref<2000x128xf32, #tpu.memory_space<vmem>>) attributes {dimension_semantics = [#tpu.dimension_semantics<arbitrary>], iteration_bounds = array<i64: 5>, scalar_prefetch = 0 : i64, scratch_operands = 0 : i64, tpu.core_type = #tpu.core_type<tc>, window_params = [{transform_indices = @transform_0, window_bounds = array<i64: 2000, 128>}, {transform_indices = @transform_1, window_bounds = array<i64: 2000, 128>}, {pipeline_mode = #tpu.pipeline_mode<synchronous>, transform_indices = @transform_2, window_bounds = array<i64: 128, 128>}, {pipeline_mode = #tpu.pipeline_mode<synchronous>, transform_indices = @transform_3, window_bounds = array<i64: 128, 128>}, {pipeline_mode = #tpu.pipeline_mode<synchronous>, transform_indices = @transform_4, window_bounds = array<i64: 128, 128>}, {pipeline_mode = #tpu.pipeline_mode<synchronous>, transform_indices = @transform_5, window_bounds = array<i64: 128, 128>}, {pipeline_mode = #tpu.pipeline_mode<synchronous>, transform_indices = @transform_6, window_bounds = array<i64: 1, 128>}, {transform_indices = @transform_7, window_bounds = array<i64: 2000, 128>}, {transform_indices = @transform_8, window_bounds = array<i64: 2000, 128>}]} {
    %get3A = arith.constant 0 : index
    %get3A_0 = arith.constant 0 : index
    %get3A_1 = vector.load %arg1[%get3A, %get3A_0] : memref<2000x128xf32, #tpu.memory_space<vmem>>, vector<2000x128xf32>
    %get3A_2 = arith.constant 0 : index
    %get3A_3 = arith.constant 0 : index
    %get3A_4 = vector.load %arg2[%get3A_2, %get3A_3] : memref<2000x128xf32, #tpu.memory_space<vmem>>, vector<2000x128xf32>
    %get3A_5 = arith.constant 0 : index
    %get3A_6 = arith.constant 0 : index
    %get3A_7 = vector.load %arg3[%get3A_5, %get3A_6] : memref<128x128xf32, #tpu.memory_space<vmem>>, vector<128x128xf32>
    %dot_general3A = arith.constant dense<0.000000e+00> : vector<2000x128xf32>
    %dot_general3A_8 = tpu.matmul %get3A_1, %get3A_7, %dot_general3A {dimension_numbers = #tpu.dot_dimension_numbers<[1], [0], [0], [1], [0, 0, 1, 1], [], []>, transpose_lhs_hint = false} : vector<2000x128xf32>, vector<128x128xf32>, vector<2000x128xf32> -> vector<2000x128xf32>
    %get3A_9 = arith.constant 0 : index
    %get3A_10 = arith.constant 0 : index
    %get3A_11 = vector.load %arg4[%get3A_9, %get3A_10] : memref<128x128xf32, #tpu.memory_space<vmem>>, vector<128x128xf32>
    %dot_general3A_12 = arith.constant dense<0.000000e+00> : vector<2000x128xf32>
    %dot_general3A_13 = tpu.matmul %get3A_4, %get3A_11, %dot_general3A_12 {dimension_numbers = #tpu.dot_dimension_numbers<[1], [0], [0], [1], [0, 0, 1, 1], [], []>, transpose_lhs_hint = false} : vector<2000x128xf32>, vector<128x128xf32>, vector<2000x128xf32> -> vector<2000x128xf32>
    %add3A = arith.addf %dot_general3A_8, %dot_general3A_13 : vector<2000x128xf32>
    %swap3A = arith.constant 0 : index
    %swap3A_14 = arith.constant 0 : index
    %swap3A_15 = vector.load %arg8[%swap3A, %swap3A_14] : memref<2000x128xf32, #tpu.memory_space<vmem>>, vector<2000x128xf32>
    tpu.vector_store %arg8[%swap3A, %swap3A_14], %add3A {strides = array<i32>} : memref<2000x128xf32, #tpu.memory_space<vmem>>, vector<2000x128xf32>,
    %get3A_16 = arith.constant 0 : index
    %get3A_17 = arith.constant 0 : index
    %get3A_18 = vector.load %arg5[%get3A_16, %get3A_17] : memref<128x128xf32, #tpu.memory_space<vmem>>, vector<128x128xf32>
    %dot_general3A_19 = arith.constant dense<0.000000e+00> : vector<2000x128xf32>
    %dot_general3A_20 = tpu.matmul %get3A_1, %get3A_18, %dot_general3A_19 {dimension_numbers = #tpu.dot_dimension_numbers<[1], [0], [0], [1], [0, 0, 1, 1], [], []>, transpose_lhs_hint = false} : vector<2000x128xf32>, vector<128x128xf32>, vector<2000x128xf32> -> vector<2000x128xf32>
    %get3A_21 = arith.constant 0 : index
    %get3A_22 = arith.constant 0 : index
    %get3A_23 = vector.load %arg6[%get3A_21, %get3A_22] : memref<128x128xf32, #tpu.memory_space<vmem>>, vector<128x128xf32>
    %dot_general3A_24 = arith.constant dense<0.000000e+00> : vector<2000x128xf32>
    %dot_general3A_25 = tpu.matmul %get3A_4, %get3A_23, %dot_general3A_24 {dimension_numbers = #tpu.dot_dimension_numbers<[1], [0], [0], [1], [0, 0, 1, 1], [], []>, transpose_lhs_hint = false} : vector<2000x128xf32>, vector<128x128xf32>, vector<2000x128xf32> -> vector<2000x128xf32>
    %add3A_26 = arith.addf %dot_general3A_20, %dot_general3A_25 : vector<2000x128xf32>
    %get3A_27 = arith.constant 0 : index
    %get3A_28 = arith.constant 0 : index
    %get3A_29 = vector.load %arg7[%get3A_27, %get3A_28] : memref<1x128xf32, #tpu.memory_space<vmem>>, vector<1x128xf32>
    %add3A_30 = vector.broadcast %get3A_29 : vector<1x128xf32> to vector<2000x128xf32>
    %add3A_31 = arith.addf %add3A_26, %add3A_30 : vector<2000x128xf32>
    %swap3A_32 = arith.constant 0 : index
    %swap3A_33 = arith.constant 0 : index
    %swap3A_34 = vector.load %arg9[%swap3A_32, %swap3A_33] : memref<2000x128xf32, #tpu.memory_space<vmem>>, vector<2000x128xf32>
    tpu.vector_store %arg9[%swap3A_32, %swap3A_33], %add3A_31 {strides = array<i32>} : memref<2000x128xf32, #tpu.memory_space<vmem>>, vector<2000x128xf32>,
    return
  }
  func.func @transform_0(%arg0: i32) -> (i32, i32) {
    %c0_i32 = arith.constant 0 : i32
    %c0_i32_0 = arith.constant 0 : i32
    return %arg0, %c0_i32 : i32, i32
  }
  func.func @transform_1(%arg0: i32) -> (i32, i32) {
    %c0_i32 = arith.constant 0 : i32
    %c0_i32_0 = arith.constant 0 : i32
    return %arg0, %c0_i32 : i32, i32
  }
  func.func @transform_2(%arg0: i32) -> (i32, i32) {
    %c0_i32 = arith.constant 0 : i32
    %c0_i32_0 = arith.constant 0 : i32
    %c0_i32_1 = arith.constant 0 : i32
    return %c0_i32, %c0_i32_0 : i32, i32
  }
  func.func @transform_3(%arg0: i32) -> (i32, i32) {
    %c0_i32 = arith.constant 0 : i32
    %c0_i32_0 = arith.constant 0 : i32
    %c0_i32_1 = arith.constant 0 : i32
    return %c0_i32, %c0_i32_0 : i32, i32
  }
  func.func @transform_4(%arg0: i32) -> (i32, i32) {
    %c0_i32 = arith.constant 0 : i32
    %c0_i32_0 = arith.constant 0 : i32
    %c0_i32_1 = arith.constant 0 : i32
    return %c0_i32, %c0_i32_0 : i32, i32
  }
  func.func @transform_5(%arg0: i32) -> (i32, i32) {
    %c0_i32 = arith.constant 0 : i32
    %c0_i32_0 = arith.constant 0 : i32
    %c0_i32_1 = arith.constant 0 : i32
    return %c0_i32, %c0_i32_0 : i32, i32
  }
  func.func @transform_6(%arg0: i32) -> (i32, i32) {
    %c0_i32 = arith.constant 0 : i32
    %c0_i32_0 = arith.constant 0 : i32
    %c0_i32_1 = arith.constant 0 : i32
    return %c0_i32, %c0_i32_0 : i32, i32
  }
  func.func @transform_7(%arg0: i32) -> (i32, i32) {
    %c0_i32 = arith.constant 0 : i32
    %c0_i32_0 = arith.constant 0 : i32
    return %arg0, %c0_i32 : i32, i32
  }
  func.func @transform_8(%arg0: i32) -> (i32, i32) {
    %c0_i32 = arith.constant 0 : i32
    %c0_i32_0 = arith.constant 0 : i32
    return %arg0, %c0_i32 : i32, i32
  }
}

module attributes {stable_mosaic.version = 14 : i64} {
  func.func @_tc_mid_body(%arg0: i32, %arg1: memref<2x2000x128xf32, #tpu.memory_space<vmem>>, %arg2: memref<2000x128xf32, #tpu.memory_space<vmem>>, %arg3: memref<128x128xf32, #tpu.memory_space<vmem>>, %arg4: memref<128x128xf32, #tpu.memory_space<vmem>>, %arg5: memref<1x128xf32, #tpu.memory_space<vmem>>, %arg6: memref<2000x128xf32, #tpu.memory_space<vmem>>, %arg7: memref<2000x128xf32, #tpu.memory_space<vmem>>) attributes {dimension_semantics = [#tpu.dimension_semantics<arbitrary>], iteration_bounds = array<i64: 5>, scalar_prefetch = 0 : i64, scratch_operands = 0 : i64, tpu.core_type = #tpu.core_type<tc>, window_params = [{transform_indices = @transform_0, window_bounds = array<i64: 2, 2000, 128>}, {transform_indices = @transform_1, window_bounds = array<i64: 2000, 128>}, {pipeline_mode = #tpu.pipeline_mode<synchronous>, transform_indices = @transform_2, window_bounds = array<i64: 128, 128>}, {pipeline_mode = #tpu.pipeline_mode<synchronous>, transform_indices = @transform_3, window_bounds = array<i64: 128, 128>}, {pipeline_mode = #tpu.pipeline_mode<synchronous>, transform_indices = @transform_4, window_bounds = array<i64: 1, 128>}, {transform_indices = @transform_5, window_bounds = array<i64: 2000, 128>}, {transform_indices = @transform_6, window_bounds = array<i64: 2000, 128>}]} {
    %get3A = arith.constant 0 : index
    %get3A_0 = arith.constant 0 : index
    %get3A_1 = arith.constant 0 : index
    %get3A_2 = vector.load %arg1[%get3A, %get3A_0, %get3A_1] : memref<2x2000x128xf32, #tpu.memory_space<vmem>>, vector<1x2000x128xf32>
    %get3A_3 = vector.shape_cast %get3A_2 : vector<1x2000x128xf32> to vector<2000x128xf32>
    %get3A_4 = arith.constant 1 : index
    %get3A_5 = arith.constant 0 : index
    %get3A_6 = arith.constant 0 : index
    %get3A_7 = vector.load %arg1[%get3A_4, %get3A_5, %get3A_6] : memref<2x2000x128xf32, #tpu.memory_space<vmem>>, vector<1x2000x128xf32>
    %get3A_8 = vector.shape_cast %get3A_7 : vector<1x2000x128xf32> to vector<2000x128xf32>
    %add3A = arith.addf %get3A_3, %get3A_8 : vector<2000x128xf32>
    %get3A_9 = arith.constant 0 : index
    %get3A_10 = arith.constant 0 : index
    %get3A_11 = vector.load %arg2[%get3A_9, %get3A_10] : memref<2000x128xf32, #tpu.memory_space<vmem>>, vector<2000x128xf32>
    %add3A_12 = arith.addf %add3A, %get3A_11 : vector<2000x128xf32>
    %max3A = arith.constant 0.000000e+00 : f32
    %max3A_13 = vector.broadcast %max3A : f32 to vector<2000x128xf32>
    %max3A_14 = arith.maximumf %add3A_12, %max3A_13 : vector<2000x128xf32>
    %get3A_15 = arith.constant 0 : index
    %get3A_16 = arith.constant 0 : index
    %get3A_17 = vector.load %arg3[%get3A_15, %get3A_16] : memref<128x128xf32, #tpu.memory_space<vmem>>, vector<128x128xf32>
    %dot_general3A = arith.constant dense<0.000000e+00> : vector<2000x128xf32>
    %dot_general3A_18 = tpu.matmul %max3A_14, %get3A_17, %dot_general3A {dimension_numbers = #tpu.dot_dimension_numbers<[1], [0], [0], [1], [0, 0, 1, 1], [], []>, transpose_lhs_hint = false} : vector<2000x128xf32>, vector<128x128xf32>, vector<2000x128xf32> -> vector<2000x128xf32>
    %swap3A = arith.constant 0 : index
    %swap3A_19 = arith.constant 0 : index
    %swap3A_20 = vector.load %arg6[%swap3A, %swap3A_19] : memref<2000x128xf32, #tpu.memory_space<vmem>>, vector<2000x128xf32>
    tpu.vector_store %arg6[%swap3A, %swap3A_19], %dot_general3A_18 {strides = array<i32>} : memref<2000x128xf32, #tpu.memory_space<vmem>>, vector<2000x128xf32>,
    %get3A_21 = arith.constant 0 : index
    %get3A_22 = arith.constant 0 : index
    %get3A_23 = vector.load %arg4[%get3A_21, %get3A_22] : memref<128x128xf32, #tpu.memory_space<vmem>>, vector<128x128xf32>
    %dot_general3A_24 = arith.constant dense<0.000000e+00> : vector<2000x128xf32>
    %dot_general3A_25 = tpu.matmul %max3A_14, %get3A_23, %dot_general3A_24 {dimension_numbers = #tpu.dot_dimension_numbers<[1], [0], [0], [1], [0, 0, 1, 1], [], []>, transpose_lhs_hint = false} : vector<2000x128xf32>, vector<128x128xf32>, vector<2000x128xf32> -> vector<2000x128xf32>
    %get3A_26 = arith.constant 0 : index
    %get3A_27 = arith.constant 0 : index
    %get3A_28 = vector.load %arg5[%get3A_26, %get3A_27] : memref<1x128xf32, #tpu.memory_space<vmem>>, vector<1x128xf32>
    %add3A_29 = vector.broadcast %get3A_28 : vector<1x128xf32> to vector<2000x128xf32>
    %add3A_30 = arith.addf %dot_general3A_25, %add3A_29 : vector<2000x128xf32>
    %swap3A_31 = arith.constant 0 : index
    %swap3A_32 = arith.constant 0 : index
    %swap3A_33 = vector.load %arg7[%swap3A_31, %swap3A_32] : memref<2000x128xf32, #tpu.memory_space<vmem>>, vector<2000x128xf32>
    tpu.vector_store %arg7[%swap3A_31, %swap3A_32], %add3A_30 {strides = array<i32>} : memref<2000x128xf32, #tpu.memory_space<vmem>>, vector<2000x128xf32>,
    return
  }
  func.func @transform_0(%arg0: i32) -> (i32, i32, i32) {
    %c0_i32 = arith.constant 0 : i32
    %c0_i32_0 = arith.constant 0 : i32
    %c0_i32_1 = arith.constant 0 : i32
    return %c0_i32, %arg0, %c0_i32_0 : i32, i32, i32
  }
  func.func @transform_1(%arg0: i32) -> (i32, i32) {
    %c0_i32 = arith.constant 0 : i32
    %c0_i32_0 = arith.constant 0 : i32
    return %arg0, %c0_i32 : i32, i32
  }
  func.func @transform_2(%arg0: i32) -> (i32, i32) {
    %c0_i32 = arith.constant 0 : i32
    %c0_i32_0 = arith.constant 0 : i32
    %c0_i32_1 = arith.constant 0 : i32
    return %c0_i32, %c0_i32_0 : i32, i32
  }
  func.func @transform_3(%arg0: i32) -> (i32, i32) {
    %c0_i32 = arith.constant 0 : i32
    %c0_i32_0 = arith.constant 0 : i32
    %c0_i32_1 = arith.constant 0 : i32
    return %c0_i32, %c0_i32_0 : i32, i32
  }
  func.func @transform_4(%arg0: i32) -> (i32, i32) {
    %c0_i32 = arith.constant 0 : i32
    %c0_i32_0 = arith.constant 0 : i32
    %c0_i32_1 = arith.constant 0 : i32
    return %c0_i32, %c0_i32_0 : i32, i32
  }
  func.func @transform_5(%arg0: i32) -> (i32, i32) {
    %c0_i32 = arith.constant 0 : i32
    %c0_i32_0 = arith.constant 0 : i32
    return %arg0, %c0_i32 : i32, i32
  }
  func.func @transform_6(%arg0: i32) -> (i32, i32) {
    %c0_i32 = arith.constant 0 : i32
    %c0_i32_0 = arith.constant 0 : i32
    return %arg0, %c0_i32 : i32, i32
  }
}

module attributes {stable_mosaic.version = 14 : i64} {
  func.func @_tc_final_body(%arg0: i32, %arg1: memref<2x2000x128xf32, #tpu.memory_space<vmem>>, %arg2: memref<2000x128xf32, #tpu.memory_space<vmem>>, %arg3: memref<2000x128xf32, #tpu.memory_space<vmem>>, %arg4: memref<2000x128xf32, #tpu.memory_space<vmem>>) attributes {dimension_semantics = [#tpu.dimension_semantics<arbitrary>], iteration_bounds = array<i64: 5>, scalar_prefetch = 0 : i64, scratch_operands = 0 : i64, tpu.core_type = #tpu.core_type<tc>, window_params = [{transform_indices = @transform_0, window_bounds = array<i64: 2, 2000, 128>}, {transform_indices = @transform_1, window_bounds = array<i64: 2000, 128>}, {transform_indices = @transform_2, window_bounds = array<i64: 2000, 128>}, {transform_indices = @transform_3, window_bounds = array<i64: 2000, 128>}]} {
    %get3A = arith.constant 0 : index
    %get3A_0 = arith.constant 0 : index
    %get3A_1 = arith.constant 0 : index
    %get3A_2 = vector.load %arg1[%get3A, %get3A_0, %get3A_1] : memref<2x2000x128xf32, #tpu.memory_space<vmem>>, vector<1x2000x128xf32>
    %get3A_3 = vector.shape_cast %get3A_2 : vector<1x2000x128xf32> to vector<2000x128xf32>
    %get3A_4 = arith.constant 1 : index
    %get3A_5 = arith.constant 0 : index
    %get3A_6 = arith.constant 0 : index
    %get3A_7 = vector.load %arg1[%get3A_4, %get3A_5, %get3A_6] : memref<2x2000x128xf32, #tpu.memory_space<vmem>>, vector<1x2000x128xf32>
    %get3A_8 = vector.shape_cast %get3A_7 : vector<1x2000x128xf32> to vector<2000x128xf32>
    %add3A = arith.addf %get3A_3, %get3A_8 : vector<2000x128xf32>
    %get3A_9 = arith.constant 0 : index
    %get3A_10 = arith.constant 0 : index
    %get3A_11 = vector.load %arg2[%get3A_9, %get3A_10] : memref<2000x128xf32, #tpu.memory_space<vmem>>, vector<2000x128xf32>
    %add3A_12 = arith.addf %add3A, %get3A_11 : vector<2000x128xf32>
    %get3A_13 = arith.constant 0 : index
    %get3A_14 = arith.constant 0 : index
    %get3A_15 = vector.load %arg3[%get3A_13, %get3A_14] : memref<2000x128xf32, #tpu.memory_space<vmem>>, vector<2000x128xf32>
    %add3A_16 = arith.addf %add3A_12, %get3A_15 : vector<2000x128xf32>
    %swap3A = arith.constant 0 : index
    %swap3A_17 = arith.constant 0 : index
    %swap3A_18 = vector.load %arg4[%swap3A, %swap3A_17] : memref<2000x128xf32, #tpu.memory_space<vmem>>, vector<2000x128xf32>
    tpu.vector_store %arg4[%swap3A, %swap3A_17], %add3A_16 {strides = array<i32>} : memref<2000x128xf32, #tpu.memory_space<vmem>>, vector<2000x128xf32>,
    return
  }
  func.func @transform_0(%arg0: i32) -> (i32, i32, i32) {
    %c0_i32 = arith.constant 0 : i32
    %c0_i32_0 = arith.constant 0 : i32
    %c0_i32_1 = arith.constant 0 : i32
    return %c0_i32, %arg0, %c0_i32_0 : i32, i32, i32
  }
  func.func @transform_1(%arg0: i32) -> (i32, i32) {
    %c0_i32 = arith.constant 0 : i32
    %c0_i32_0 = arith.constant 0 : i32
    return %arg0, %c0_i32 : i32, i32
  }
  func.func @transform_2(%arg0: i32) -> (i32, i32) {
    %c0_i32 = arith.constant 0 : i32
    %c0_i32_0 = arith.constant 0 : i32
    return %arg0, %c0_i32 : i32, i32
  }
  func.func @transform_3(%arg0: i32) -> (i32, i32) {
    %c0_i32 = arith.constant 0 : i32
    %c0_i32_0 = arith.constant 0 : i32
    return %arg0, %c0_i32 : i32, i32
  }
}

</mosaic_0001>

<sc_bundles>
// kernel: kernel.12.cloned.1.call-start
scs
__scs_entry_jumppad:
0x0: {  	(pc) =	sbr.rel $0x88, $3  }
0x1: {  	(tag) =	ssettag $0x0;
	lr =	simm.s32 $0x1  }
0x2: {  	[smem:$0x3F95] =	sst lr;
	_ =	strace $0xD0000000  }
0x3: {  	_ = 	snop  }
0x4: {  	_ = 	snop  }
0x5: {  	_ = 	snop  }
0x6: {  	_ = 	snop  }
0x7: {  	_ = 	snop  }
__scs_overlays_trampoline_lowered:
0x8: {  	[smem:$0x3FA4] =	sst s0  }
0x9: {  	[smem:$0x3FA5] =	sst s1  }
0xa: {  	[smem:$0x3FA6] =	sst s2  }
0xb: {  	[smem:$0x3FA7] =	sst s3  }
0xc: {  	[smem:$0x3FA8] =	sst s4  }
0xd: {  	[smem:$0x3FA9] =	sst s5  }
0xe: {  	[smem:$0x3FAA] =	sst s6  }
0xf: {  	[smem:$0x3FAB] =	sst s7  }
0x10: {  	[smem:$0x3FAC] =	sst s8  }
0x11: {  	[smem:$0x3FAD] =	sst s9;
	s0 =	simm.s32 @!p0 $0x0  }
0x12: {  	s1 =	sld [smem:$0x3F93];
	s0 =	simm.s32 @p0 $0x1  }
0x13: {  	[smem:$0x3FAE] =	sst s0;
	s0 =	simm.s32 @!p1 $0x0  }
0x14: {  	s2 =	sld [smem:$0x3F92];
	s0 =	simm.s32 @p1 $0x1  }
0x15: {  	[smem:$0x3FAF] =	sst s0;
	s0 =	simm.s32 @!p2 $0x0  }
0x16: {  	s3 =	sld [smem:$0x3FDB];
	s0 =	simm.s32 @p2 $0x1  }
0x17: {  	s4 =	simm.s32 $0x1BF5;
	[smem:$0x3FB1] =	sst s0  }
0x18: {  	s0 =	sld [smem:$0x3F94];
	_ =	swait.ge [sflag:s4], $0x0  }
0x19: {  	s7 =	sld [smem:$0x3F95]  }
0x1a: {  	s8 =	sadd.s32 $0xFFFFE003, lr  }
0x1b: {  	s9 =	sadd.s32 $0xFFFFFEF7, lr;
	s5 =	simm.s32 $0xFFFFFFFF;
	p2 =	slt.u32 s8, $0xFFFFF086  }
0x1c: {  	p1 =	slt.u32 s9, $0xF7A;
	s5 =	simm.s32 @!p2 $0x0  }
0x1d: {  	s5 =	simm.s32 @p1 $0x1;
	p0 =	seq.s32 s7, s2  }
0x1e: {  	s7 =	smul.u32 @!p0 $0xF7A, s2;
	p2 =	seq.s32 @!p0 s5, $0x0  }
0x1f: {  	s9 =	smul.u32 $0xF7A, s1;
	s8 =	simm.s32 @!p0 $0x1BF5;
	p2 =	por !p2, p0  }
0x20: {  	[sflag:s8] =	ssyncset.s32 @!p0 $0xFFFFF086;
	s6 =	sadd.s32 @!p0 s3, s7;
	s7 =	simm.s32 @!p0 $0x108  }
0x21: {  	s3 =	sadd.s32 s3, s9;
	s6 =	sadd.s32 @!p0 $0x88, s6;
	s7 =	simm.s32 @p2 $0x1082  }
0x22: {  	[simem:s7], [sflag:s8] =	dma.local @!p0 [hbm:s6], $0xF7A  }
0x23: {  	s9 =	sor.u32 $0xD0000000, s2;
	s6 =	simm.s32 $0x108;
	_ =	swait.ge @!p0 [sflag:s8], $0x0  }
0x24: {  	s3 =	sadd.s32 $0x88, s3;
	s6 =	simm.s32 @!p1 $0x1082;
	[sflag:s4] =	ssyncset.s32 $0xFFFFF086  }
0x25: {  	[simem:s6], [sflag:s4] =	dma.local [hbm:s3], $0xF7A  }
0x26: {  	[smem:$0x3F95] =	sst s1;
	(tag) =	ssettag s2;
	_ =	strace s9  }
0x27: {  	s1 =	sld [smem:$0x3FA5]  }
0x28: {  	s2 =	sld [smem:$0x3FA6]  }
0x29: {  	s4 =	sld [smem:$0x3FA8]  }
0x2a: {  	p0 =	seq.s32 s5, $0x0;
	s5 =	sld [smem:$0x3FA9]  }
0x2b: {  	s6 =	sld [smem:$0x3FAA]  }
0x2c: {  	s7 =	sld [smem:$0x3FAB]  }
0x2d: {  	s3 =	simm.s32 $0x108;
	s8 =	sld [smem:$0x3FAC]  }
0x2e: {  	s3 =	simm.s32 @!p0 $0x1082;
	s9 =	sld [smem:$0x3FAD]  }
0x2f: {  	lr =	sadd.s32 s0, s3;
	s0 =	sld [smem:$0x3FA4]  }
0x30: {  	s3 =	sld [smem:$0x3FA7]  }
0x31: {  	[smem:$0x3FB0] =	sst s10  }
0x32: {  	s10 =	sld [smem:$0x3FAE];
	_ =	sdelay $0x3  }
0x33: {  	p0 =	seq.s32 s10, $0x1;
	s10 =	sld [smem:$0x3FB0];
	_ =	sdelay $0x3  }
0x34: {  	[smem:$0x3FB0] =	sst s10  }
0x35: {  	s10 =	sld [smem:$0x3FAF];
	_ =	sdelay $0x3  }
0x36: {  	p1 =	seq.s32 s10, $0x1;
	s10 =	sld [smem:$0x3FB0];
	_ =	sdelay $0x3  }
0x37: {  	[smem:$0x3FB0] =	sst s10  }
0x38: {  	s10 =	sld [smem:$0x3FB1]  }
0x39: {  	_ = 	snop;
	(pc) =	sbr.ind lr, $3  }
0x3a: {  	_ = 	snop  }
0x3b: {  	_ = 	snop  }
0x3c: {  	p2 =	seq.s32 s10, $0x1;
	s10 =	sld [smem:$0x3FB0]  }
0x3d: {  	_ =	shalt  }
0x3e: {  	_ =	shalt  }
0x3f: {  	_ =	shalt  }
0x40: {  	_ =	shalt  }
0x41: {  	_ =	shalt  }
0x42: {  	_ =	shalt  }
0x43: {  	_ =	shalt  }
0x44: {  	_ =	shalt  }
0x45: {  	_ =	shalt  }
0x46: {  	_ =	shalt  }
0x47: {  	_ =	shalt  }
0x48: {  	_ =	shalt  }
0x49: {  	_ =	shalt  }
0x4a: {  	_ =	shalt  }
0x4b: {  	_ =	shalt  }
0x4c: {  	_ =	shalt  }
0x4d: {  	_ =	shalt  }
0x4e: {  	_ =	shalt  }
0x4f: {  	_ =	shalt  }
0x50: {  	_ =	shalt  }
0x51: {  	_ =	shalt  }
0x52: {  	_ =	shalt  }
0x53: {  	_ =	shalt  }
0x54: {  	_ =	shalt  }
0x55: {  	_ =	shalt  }
0x56: {  	_ =	shalt  }
0x57: {  	_ =	shalt  }
0x58: {  	_ =	shalt  }
0x59: {  	_ =	shalt  }
0x5a: {  	_ =	shalt  }
0x5b: {  	_ =	shalt  }
0x5c: {  	_ =	shalt  }
0x5d: {  	_ =	shalt  }
0x5e: {  	_ =	shalt  }
0x5f: {  	_ =	shalt  }
0x60: {  	_ =	shalt  }
0x61: {  	_ =	shalt  }
0x62: {  	_ =	shalt  }
0x63: {  	_ =	shalt  }
0x64: {  	_ =	shalt  }
0x65: {  	_ =	shalt  }
0x66: {  	_ =	shalt  }
0x67: {  	_ =	shalt  }
0x68: {  	_ =	shalt  }
0x69: {  	_ =	shalt  }
0x6a: {  	_ =	shalt  }
0x6b: {  	_ =	shalt  }
0x6c: {  	_ =	shalt  }
0x6d: {  	_ =	shalt  }
0x6e: {  	_ =	shalt  }
0x6f: {  	_ =	shalt  }
0x70: {  	_ =	shalt  }
0x71: {  	_ =	shalt  }
0x72: {  	_ =	shalt  }
0x73: {  	_ =	shalt  }
0x74: {  	_ =	shalt  }
0x75: {  	_ =	shalt  }
0x76: {  	_ =	shalt  }
0x77: {  	_ =	shalt  }
0x78: {  	_ =	shalt  }
0x79: {  	_ =	shalt  }
0x7a: {  	_ =	shalt  }
0x7b: {  	_ =	shalt  }
0x7c: {  	_ =	shalt  }
0x7d: {  	_ =	shalt  }
0x7e: {  	_ =	shalt  }
0x7f: {  	_ =	shalt  }
0x80: {  	_ =	shalt  }
0x81: {  	_ =	shalt  }
0x82: {  	_ =	shalt  }
0x83: {  	_ =	shalt  }
0x84: {  	_ =	shalt  }
0x85: {  	_ =	shalt  }
0x86: {  	_ =	shalt  }
0x87: {  	_ =	shalt  }
.Lfunc_end0:
.L_simem_size_0:
called_computation.1_lowered:
.L_overlay_start_0:
0x88: {  	s2 =	sld [smem:$0x3FD9]  }
0x89: {  	s3 =	sld [smem:$0x3FFE];
	_ =	sdelay $0x1  }
0x8a: {  	s1 =	srdreg.scid  }
0x8b: {  	s0 =	sand.u32 $0x1, s1  }
0x8c: {  	s17 =	sshll.u32 s0, $0xA;
	s2 =	sadd.s32 s3, s2  }
0x8d: {  	s2 =	sadd.s32 s2, s17  }
0x8e: {  	[smem:$0x3FBC] =	sst s2  }
0x8f: {  	_ = 	snop  }
0x90: {  	s2 =	sld [smem:$0x3FD0];
	(tm) =	ssettm $0x1  }
0x91: {  	s18 =	sld [smem:$0x3FFB];
	_ =	sdelay $0x3  }
0x92: {  	_ =	strace s18  }
0x93: {  	s3 =	sld [smem:$0x3FFC];
	_ =	sdelay $0x3  }
0x94: {  	_ =	strace s3  }
0x95: {  	s3 =	sld [smem:$0x3FFD];
	_ =	sdelay $0x3  }
0x96: {  	_ =	strace s3  }
0x97: {  	_ =	strace $0x8FFFFFFF  }
0x98: {  	s19 =	sld [smem:$0x3FDB];
	_ =	sdelay $0x1  }
0x99: {  	s4 =	simm.s32 $_scs_section_size  }
0x9a: {  	s5 =	simm.s32 $_size__tile_overlayer_lowered;
	s6 =	simm.s32 $_tile_overlayer_lowered  }
0x9b: {  	s22 =	simm.s32 $0x1BFF;
	s21 =	sshll.u32 s6, $0x1;
	s3 =	sadd.s32 s4, s19  }
0x9c: {  	s7 =	simm.s32 $0x0;
	s20 =	sshll.u32 s5, $0x1;
	s5 =	sadd.s32 s21, s3  }
0x9d: {  	[timem:s7], [sflag:s22] =	dma.local [hbm:s5], s20  }
0x9e: {  	_ =	swait.ge [sflag:s22], s20  }
0x9f: {  	s4 =	ssub.s32 $0x0, s20;
	[sflag:s22] =	ssyncset.done $0x0  }
0xa0: {  	[sflag:s22] =	ssyncadd.s32 s4;
	_ =	sdelay $0x1  }
0xa1: {  	s23 =	simm.s32 $0x1B8B  }
0xa2: {  	_ =	swait.ge [sflag:s23], $0x1  }
0xa3: {  	[sflag:s23] =	ssyncset.done $0x0  }
0xa4: {  	s25 =	simm.s32 $0x1B8E;
	s24 =	sld [smem:$0x3FFE];
	[sflag:s23] =	ssyncadd.s32 $0xFFFFFFFF  }
0xa5: {  	s26 =	simm.s32 $execute0_lowered;
	[smem:$0x3FD2] =	sst s25  }
0xa6: {  	s5 =	sshll.u32 s26, $0x1;
	_ =	strace $0x80000049;
	[dreg:$0x1] =	wrdreg $0xFFFFFFFF  }
0xa7: {  	s28 =	simm.s32 $_size_execute0_lowered;
	s3 =	sadd.s32 s3, s5;
	[dreg:$0x0] =	wrdreg $0x0  }
0xa8: {  	s5 =	sshll.u32 s28, $0x1;
	[dreg:$0x2] =	wrdreg s3  }
0xa9: {  	[dreg:$0x3] =	wrdreg s5  }
0xaa: {  	[dreg:$0x4] =	wrdreg $0xC0  }
0xab: {  	_ =	task [dreg:s7], $0x5FFFF  }
0xac: {  	[dreg:$0x1] =	wrdreg $0xFFFFFFFF  }
0xad: {  	[dreg:$0x0] =	wrdreg $0x60  }
0xae: {  	[dreg:$0x2] =	wrdreg s2  }
0xaf: {  	[dreg:$0x3] =	wrdreg s24  }
0xb0: {  	[dreg:$0x4] =	wrdreg $0xC2000  }
0xb1: {  	[dreg:$0x5] =	wrdreg $0x9  }
0xb2: {  	_ =	task.clear_ibuf [dreg:s7], $0x6FFFF;
	_ =	strace $0x90000049  }
0xb3: {  	s29 =	simm.s32 $0x9;
	_ =	strace $0x8000004B  }
0xb4: {  	_ =	swait.ge [sflag:s29], $0x1  }
0xb5: {  	[sflag:s29] =	ssyncadd.s32 $0xFFFFFFFF  }
0xb6: {  	_ =	strace $0x9000004B  }
0xb7: {  	_ =	sfence  }
0xb8: {  	s30 =	sld [smem:$0x0];
	_ =	sdelay $0x2  }
0xb9: {  	s31 =	sshll.u32 s1, $0xD;
	s1 =	sshrl.u32 s1, $0x2  }
0xba: {  	s3 =	sand.u32 $0x4000, s31;
	s1 =	sadd.s32 s1, s30  }
0xbb: {  	s0 =	sor.u32 s3, s0;
	s1 =	sshll.u32 s1, $0x11  }
0xbc: {  	s0 =	sor.u32 s1, s0  }
0xbd: {  	s0 =	sadd.s32 $0x8F2B, s0  }
0xbe: {  	[sflag:s0] =	ssyncadd.remote.s32 $0x1  }
0xbf: {  	_ =	sfence.sel $0xFFFF  }
0xc0: {  	[dreg:$0x0] =	wrdreg $0xFFFFFFFF;
	(pc) =	sbr.abs _section_cstart, $3  }
0xc1: {  	[dreg:$0x1] =	wrdreg $0xFFFFFFFF  }
0xc2: {  	_ =	task.clear_ibuf [dreg:s7], $0x2FFFF;
	_ =	strace $0x9FFFFFFF  }
0xc3: {  	(tm) =	ssettm $0x7FFFFFFF  }
tec
execute0_lowered:
.L_overlay_start_1:
0x0: {  	(tag) =	ssettag $0x1  }
0x1: {  	s1 =	rddreg [dreg:$0x0]  }
0x2: {  	s0 =	rddreg [dreg:$0x1]  }
0x3: {  	s2 =	rddreg [dreg:$0x2];
	s4 =	simm.s32 $0x0;
	s3 =	srdreg.scid  }
0x4: {  	s14 =	simm.s32 $0x5;
	s15 =	simm.s32 $0x2000;
	s16 =	simm.s32 $0x80  }
0x5: {  	s17 =	simm.s32 $0x4000;
	s18 =	simm.s32 $0x4200;
	s19 =	simm.s32 $0x4080  }
0x6: {  	s20 =	simm.s32 $0x8200;
	s21 =	simm.s32 $0x1;
	s22 =	simm.s32 $0x4100  }
0x7: {  	s23 =	simm.s32 $0x3;
	s24 =	simm.s32 $0x2;
	s28 =	simm.s32 $0x0  }
0x8: {  	[smem:$0x7FF] =	sst s4;
	s6 =	sand.u32 $0x1, s3;
	s3 =	stileid.u32  }
0x9: {  	s5 =	smul.u32 $0x13C000, s6;
	s7 =	sshll.u32 s3, $0xB;
	s8 =	sshll.u32 s6, $0xA  }
0xa: {  	s9 =	smul.u32 $0x13C00, s3;
	_ =	strace $0x8000004A;
	s25 =	ssub.s32 $0x2, s6  }
0xb: {  	s11 =	smul.u32 $0x4F000, s3;
	p0 =	seq.s32 s6, $0x0;
	s6 =	simm.s32 $0x1D00  }
0xc: {  	s31 =	sshll.u32 s3, $0x6;
	s7 =	sor.u32 s8, s7;
	s29 =	sshrl.u32 s25, $0x1  }
0xd: {  	s6 =	simm.s32 @!p0 $0xA80;
	s10 =	sadd.s32 s7, s0;
	s5 =	sadd.s32 s9, s5  }
0xe: {  	s12 =	ssub.s32 s25, s29;
	s30 =	sshrl.u32 s11, $0x2;
	s7 =	sor.u32 $0x1C05, s31  }
0xf: {  	s25 =	simm.s32 $0x4180;
	s26 =	sshrl.u32 s5, $0x3;
	s5 =	sadd.s32 $0x13000, s0  }
0x10: {  	s13 =	sadd.s32 s30, s2;
	s8 =	sadd.s32 $0x3000, s10;
	s9 =	sadd.s32 $0xB000, s10  }
0x11: {  	s11 =	smax.u32 s12, $0x1;
	s12 =	sadd.s32 $0xFFFFFF80, s6;
	s0 =	sadd.s32 s26, s0  }
0x12: {  	s13 =	sshrl.u32 s13, $0x3;
	s26 =	simm.s32 $0x4;
	s10 =	sadd.s32 $0x15800, s0  }
.LBB2_1:
0x13: {  	[spmem:s13], [sflag:s7] =	dma.local [hbm:s5], $0x2780  }
0x14: {  	_ =	swait.ge [sflag:s14], $0x2780  }
0x15: {  	[sflag:s14] =	ssyncset.done $0x0  }
0x16: {  	[sflag:s14] =	ssyncadd.s32 $0xFFFFD880  }
0x17: {  	[tilespmem:s4], [sflag:$0x5] =	stream.linear.gather [hbm4b:s8+s4], $0x2000, $0x38;
	[tilespmem:$0x1FE00] =	vst v63  }
0x18: {  	_ =	swait.ge [sflag:s14], $0x2000  }
0x19: {  	[sflag:s14] =	ssyncset.done $0x0  }
0x1a: {  	[sflag:s14] =	ssyncadd.s32 $0xFFFFE000  }
0x1b: {  	[tilespmem:s15], [sflag:$0x5] =	stream.linear.gather [hbm4b:s9+s4], $0x2000, $0x38;
	[tilespmem:$0x1FE00] =	vst v63  }
0x1c: {  	_ =	swait.ge [sflag:s14], $0x2000  }
0x1d: {  	[sflag:s14] =	ssyncset.done $0x0  }
0x1e: {  	[sflag:s14] =	ssyncadd.s32 $0xFFFFE000  }
0x1f: {  	[bflag:$0x0] =	sbarrier.arrive $0xFFFF  }
0x20: {  	v0 =	vld [tilespmem:$0x0];
	_ =	sdelay $0x1  }
0x21: {  	v1 =	vld [tilespmem:$0x10];
	_ =	sdelay $0x1  }
0x22: {  	v2 =	vld [tilespmem:$0x20]  }
0x23: {  	v3 =	vand.u32 $0xFFFF, v0  }
0x24: {  	v0 =	vshrl.u32 v0, $0x10;
	[tilespmem:$0x4000] =	vst v3;
	v3 =	vld [tilespmem:$0x30]  }
0x25: {  	[tilespmem:$0x4040] =	vst v0;
	v0 =	vand.u32 $0xFFFF, v1  }
0x26: {  	[tilespmem:$0x4010] =	vst v0;
	v0 =	vshrl.u32 v1, $0x10  }
0x27: {  	[tilespmem:$0x4050] =	vst v0;
	v0 =	vand.u32 $0xFFFF, v2  }
0x28: {  	[tilespmem:$0x4020] =	vst v0;
	v0 =	vshrl.u32 v2, $0x10  }
0x29: {  	[tilespmem:$0x4060] =	vst v0;
	v0 =	vand.u32 $0xFFFF, v3  }
0x2a: {  	[tilespmem:$0x4030] =	vst v0;
	v0 =	vshrl.u32 v3, $0x10  }
0x2b: {  	[tilespmem:$0x4070] =	vst v0  }
0x2c: {  	[tilespmem:s18], [sflag:$0x1] =	stream.indirect.gather [hbm4b:s1+s16], $0x80, s17, s16, $0xb8;
	[tilespmem:$0x1FE00] =	vst v63  }
0x2d: {  	v0 =	vld [tilespmem:$0x40];
	_ =	sdelay $0x1  }
0x2e: {  	v1 =	vld [tilespmem:$0x50];
	_ =	sdelay $0x1  }
0x2f: {  	v2 =	vld [tilespmem:$0x60]  }
0x30: {  	v3 =	vand.u32 $0xFFFF, v0  }
0x31: {  	v0 =	vshrl.u32 v0, $0x10;
	[tilespmem:$0x4080] =	vst v3;
	v3 =	vld [tilespmem:$0x70]  }
0x32: {  	[tilespmem:$0x40C0] =	vst v0;
	v0 =	vand.u32 $0xFFFF, v1  }
0x33: {  	[tilespmem:$0x4090] =	vst v0;
	v0 =	vshrl.u32 v1, $0x10  }
0x34: {  	[tilespmem:$0x40D0] =	vst v0;
	v0 =	vand.u32 $0xFFFF, v2  }
0x35: {  	[tilespmem:$0x40A0] =	vst v0;
	v0 =	vshrl.u32 v2, $0x10  }
0x36: {  	[tilespmem:$0x40E0] =	vst v0;
	v0 =	vand.u32 $0xFFFF, v3  }
0x37: {  	[tilespmem:$0x40B0] =	vst v0;
	v0 =	vshrl.u32 v3, $0x10  }
0x38: {  	[tilespmem:$0x40F0] =	vst v0  }
0x39: {  	[tilespmem:s20], [sflag:$0x2] =	stream.indirect.gather [hbm4b:s1+s16], $0x80, s19, s16, $0xb8;
	[tilespmem:$0x1FE00] =	vst v63  }
0x3a: {  	_ =	swait.ge [sflag:s21], $0x4000  }
0x3b: {  	[sflag:s21] =	ssyncset.done $0x0  }
0x3c: {  	s29 =	simm.s32 $0x2040;
	[sflag:s21] =	ssyncadd.s32 $0xFFFFC000  }
0x3d: {  	v0 =	vld [tilespmem:s29+$0xFFFFFFC0];
	_ =	sdelay $0x4  }
0x3e: {  	v1 =	vand.u32 $0xFFFF, v0  }
0x3f: {  	v0 =	vshrl.u32 v0, $0x10;
	[tilespmem:$0x4100] =	vst v1  }
0x40: {  	[tilespmem:$0x4140] =	vst v0  }
0x41: {  	v0 =	vld [tilespmem:s29+$0xFFFFFFD0];
	_ =	sdelay $0x4  }
0x42: {  	v1 =	vand.u32 $0xFFFF, v0  }
0x43: {  	v0 =	vshrl.u32 v0, $0x10;
	[tilespmem:$0x4110] =	vst v1  }
0x44: {  	[tilespmem:$0x4150] =	vst v0  }
0x45: {  	v0 =	vld [tilespmem:s29+$0xFFFFFFE0];
	_ =	sdelay $0x4  }
0x46: {  	v1 =	vand.u32 $0xFFFF, v0  }
0x47: {  	v0 =	vshrl.u32 v0, $0x10;
	[tilespmem:$0x4120] =	vst v1  }
0x48: {  	[tilespmem:$0x4160] =	vst v0  }
0x49: {  	v0 =	vld [tilespmem:s29+$0xFFFFFFF0];
	_ =	sdelay $0x4  }
0x4a: {  	v1 =	vand.u32 $0xFFFF, v0  }
0x4b: {  	p0 =	seq.s32 s12, $0x0;
	s31 =	simm.s32 $0x80;
	v0 =	vshrl.u32 v0, $0x10;
	[tilespmem:$0x4130] =	vst v1  }
0x4c: {  	s31 =	simm.s32 @p0 $0x0;
	[tilespmem:$0x4170] =	vst v0  }
0x4d: {  	[spmem:s2] =	stream.indirect.scatter.add.f32 [tilespmem:s18], [sflag:$0x3], $0x80, s22, s16, $0xb8;
	[tilespmem:$0x1FE00] =	vst v63  }
0x4e: {  	v0 =	vld [tilespmem:s31+$0x0];
	_ =	sdelay $0x4  }
0x4f: {  	v1 =	vand.u32 $0xFFFF, v0  }
0x50: {  	v0 =	vshrl.u32 v0, $0x10;
	[tilespmem:$0x4000] =	vst v1  }
0x51: {  	[tilespmem:$0x4040] =	vst v0  }
0x52: {  	v0 =	vld [tilespmem:s31+$0x10];
	_ =	sdelay $0x4  }
0x53: {  	v1 =	vand.u32 $0xFFFF, v0  }
0x54: {  	v0 =	vshrl.u32 v0, $0x10;
	[tilespmem:$0x4010] =	vst v1  }
0x55: {  	[tilespmem:$0x4050] =	vst v0  }
0x56: {  	v0 =	vld [tilespmem:s31+$0x20];
	_ =	sdelay $0x4  }
0x57: {  	v1 =	vand.u32 $0xFFFF, v0  }
0x58: {  	v0 =	vshrl.u32 v0, $0x10;
	[tilespmem:$0x4020] =	vst v1  }
0x59: {  	[tilespmem:$0x4060] =	vst v0  }
0x5a: {  	v0 =	vld [tilespmem:s31+$0x30];
	_ =	sdelay $0x4  }
0x5b: {  	v1 =	vand.u32 $0xFFFF, v0  }
0x5c: {  	v0 =	vshrl.u32 v0, $0x10;
	[tilespmem:$0x4030] =	vst v1  }
0x5d: {  	[tilespmem:$0x4070] =	vst v0  }
0x5e: {  	_ =	swait.ge [sflag:s23], $0x4000  }
0x5f: {  	[sflag:s23] =	ssyncset.done $0x0  }
0x60: {  	[sflag:s23] =	ssyncadd.s32 $0xFFFFC000  }
0x61: {  	[tilespmem:s18], [sflag:$0x1] =	stream.indirect.gather [hbm4b:s1+s16], $0x80, s17, s16, $0xb8;
	[tilespmem:$0x1FE00] =	vst v63  }
0x62: {  	_ =	swait.ge [sflag:s24], $0x4000  }
0x63: {  	[sflag:s24] =	ssyncset.done $0x0  }
0x64: {  	[sflag:s24] =	ssyncadd.s32 $0xFFFFC000  }
0x65: {  	v0 =	vld [tilespmem:s29+$0x0];
	_ =	sdelay $0x4  }
0x66: {  	v1 =	vand.u32 $0xFFFF, v0  }
0x67: {  	v0 =	vshrl.u32 v0, $0x10;
	[tilespmem:$0x4180] =	vst v1  }
0x68: {  	[tilespmem:$0x41C0] =	vst v0  }
0x69: {  	v0 =	vld [tilespmem:s29+$0x10];
	_ =	sdelay $0x4  }
0x6a: {  	v1 =	vand.u32 $0xFFFF, v0  }
0x6b: {  	v0 =	vshrl.u32 v0, $0x10;
	[tilespmem:$0x4190] =	vst v1  }
0x6c: {  	[tilespmem:$0x41D0] =	vst v0  }
0x6d: {  	v0 =	vld [tilespmem:s29+$0x20];
	_ =	sdelay $0x4  }
0x6e: {  	v1 =	vand.u32 $0xFFFF, v0  }
0x6f: {  	v0 =	vshrl.u32 v0, $0x10;
	[tilespmem:$0x41A0] =	vst v1  }
0x70: {  	[tilespmem:$0x41E0] =	vst v0  }
0x71: {  	v0 =	vld [tilespmem:s29+$0x30];
	_ =	sdelay $0x4  }
0x72: {  	v1 =	vand.u32 $0xFFFF, v0  }
0x73: {  	v0 =	vshrl.u32 v0, $0x10;
	[tilespmem:$0x41B0] =	vst v1  }
0x74: {  	[tilespmem:$0x41F0] =	vst v0  }
0x75: {  	[spmem:s2] =	stream.indirect.scatter.add.f32 [tilespmem:s20], [sflag:$0x4], $0x80, s25, s16, $0xb8;
	[tilespmem:$0x1FE00] =	vst v63  }
0x76: {  	v0 =	vld [tilespmem:s31+$0x40];
	_ =	sdelay $0x4  }
0x77: {  	v1 =	vand.u32 $0xFFFF, v0  }
0x78: {  	v0 =	vshrl.u32 v0, $0x10;
	[tilespmem:$0x4080] =	vst v1  }
0x79: {  	[tilespmem:$0x40C0] =	vst v0  }
0x7a: {  	v0 =	vld [tilespmem:s31+$0x50];
	_ =	sdelay $0x2  }
0x7b: {  	p0 =	sne.s32 s6, $0x80  }
.Ltmp0:
0x7c: {  	_ = 	snop;
	(pc) =	sbr.rel @!p0 .LBB2_3-.Ltmp0, $4  }
0x7d: {  	v1 =	vand.u32 $0xFFFF, v0  }
0x7e: {  	v0 =	vshrl.u32 v0, $0x10;
	[tilespmem:$0x4090] =	vst v1  }
0x7f: {  	[tilespmem:$0x40D0] =	vst v0  }
0x80: {  	s30 =	simm.s32 $0x80;
	v0 =	vld [tilespmem:s31+$0x60]  }
.LBB2_2:
0x81: {  	_ =	sdelay $0x1  }
0x82: {  	s29 =	sadd.s32 $0x80, s29;
	s0 =	smov.u32 s30;
	s30 =	sadd.s32 $0x80, s30  }
0x83: {  	p0 =	sne.s32 s6, s30  }
0x84: {  	v1 =	vand.u32 $0xFFFF, v0;
	v0 =	vshrl.u32 v0, $0x10  }
0x85: {  	[tilespmem:$0x40A0] =	vst v1  }
0x86: {  	[tilespmem:$0x40E0] =	vst v0  }
0x87: {  	v0 =	vld [tilespmem:s31+$0x70];
	_ =	sdelay $0x4  }
0x88: {  	v1 =	vand.u32 $0xFFFF, v0;
	v0 =	vshrl.u32 v0, $0x10  }
0x89: {  	[tilespmem:$0x40B0] =	vst v1  }
0x8a: {  	[tilespmem:$0x40F0] =	vst v0  }
0x8b: {  	_ =	swait.ge [sflag:s26], $0x4000  }
0x8c: {  	[sflag:s26] =	ssyncset.done $0x0  }
0x8d: {  	[sflag:s26] =	ssyncadd.s32 $0xFFFFC000  }
0x8e: {  	[tilespmem:s20], [sflag:$0x2] =	stream.indirect.gather [hbm4b:s1+s16], $0x80, s19, s16, $0xb8;
	[tilespmem:$0x1FE00] =	vst v63  }
0x8f: {  	_ =	swait.ge [sflag:s21], $0x4000  }
0x90: {  	[sflag:s21] =	ssyncset.done $0x0  }
0x91: {  	[sflag:s21] =	ssyncadd.s32 $0xFFFFC000  }
0x92: {  	v0 =	vld [tilespmem:s29+$0xFFFFFFC0];
	_ =	sdelay $0x4  }
0x93: {  	v1 =	vand.u32 $0xFFFF, v0;
	v0 =	vshrl.u32 v0, $0x10  }
0x94: {  	[tilespmem:$0x4100] =	vst v1  }
0x95: {  	[tilespmem:$0x4140] =	vst v0  }
0x96: {  	v0 =	vld [tilespmem:s29+$0xFFFFFFD0];
	_ =	sdelay $0x4  }
0x97: {  	v1 =	vand.u32 $0xFFFF, v0;
	v0 =	vshrl.u32 v0, $0x10  }
0x98: {  	[tilespmem:$0x4110] =	vst v1  }
0x99: {  	[tilespmem:$0x4150] =	vst v0  }
0x9a: {  	v0 =	vld [tilespmem:s29+$0xFFFFFFE0];
	_ =	sdelay $0x4  }
0x9b: {  	v1 =	vand.u32 $0xFFFF, v0;
	v0 =	vshrl.u32 v0, $0x10  }
0x9c: {  	[tilespmem:$0x4120] =	vst v1  }
0x9d: {  	[tilespmem:$0x4160] =	vst v0  }
0x9e: {  	v0 =	vld [tilespmem:s29+$0xFFFFFFF0];
	_ =	sdelay $0x2  }
0x9f: {  	p1 =	seq.s32 s12, s0;
	s31 =	smov.u32 s30  }
0xa0: {  	s31 =	simm.s32 @p1 $0x0  }
0xa1: {  	v1 =	vand.u32 $0xFFFF, v0;
	v0 =	vshrl.u32 v0, $0x10  }
0xa2: {  	[tilespmem:$0x4130] =	vst v1  }
0xa3: {  	[tilespmem:$0x4170] =	vst v0  }
0xa4: {  	[spmem:s2] =	stream.indirect.scatter.add.f32 [tilespmem:s18], [sflag:$0x3], $0x80, s22, s16, $0xb8;
	[tilespmem:$0x1FE00] =	vst v63  }
0xa5: {  	v0 =	vld [tilespmem:s31+$0x0];
	_ =	sdelay $0x4  }
0xa6: {  	v1 =	vand.u32 $0xFFFF, v0;
	v0 =	vshrl.u32 v0, $0x10  }
0xa7: {  	[tilespmem:$0x4000] =	vst v1  }
0xa8: {  	[tilespmem:$0x4040] =	vst v0  }
0xa9: {  	v0 =	vld [tilespmem:s31+$0x10];
	_ =	sdelay $0x4  }
0xaa: {  	v1 =	vand.u32 $0xFFFF, v0;
	v0 =	vshrl.u32 v0, $0x10  }
0xab: {  	[tilespmem:$0x4010] =	vst v1  }
0xac: {  	[tilespmem:$0x4050] =	vst v0  }
0xad: {  	v0 =	vld [tilespmem:s31+$0x20];
	_ =	sdelay $0x4  }
0xae: {  	v1 =	vand.u32 $0xFFFF, v0;
	v0 =	vshrl.u32 v0, $0x10  }
0xaf: {  	[tilespmem:$0x4020] =	vst v1  }
0xb0: {  	[tilespmem:$0x4060] =	vst v0  }
0xb1: {  	v0 =	vld [tilespmem:s31+$0x30];
	_ =	sdelay $0x4  }
0xb2: {  	v1 =	vand.u32 $0xFFFF, v0;
	v0 =	vshrl.u32 v0, $0x10  }
0xb3: {  	[tilespmem:$0x4030] =	vst v1  }
0xb4: {  	[tilespmem:$0x4070] =	vst v0  }
0xb5: {  	_ =	swait.ge [sflag:s23], $0x4000  }
0xb6: {  	[sflag:s23] =	ssyncset.done $0x0  }
0xb7: {  	[sflag:s23] =	ssyncadd.s32 $0xFFFFC000  }
0xb8: {  	[tilespmem:s18], [sflag:$0x1] =	stream.indirect.gather [hbm4b:s1+s16], $0x80, s17, s16, $0xb8;
	[tilespmem:$0x1FE00] =	vst v63  }
0xb9: {  	_ =	swait.ge [sflag:s24], $0x4000  }
0xba: {  	[sflag:s24] =	ssyncset.done $0x0  }
0xbb: {  	[sflag:s24] =	ssyncadd.s32 $0xFFFFC000  }
0xbc: {  	v0 =	vld [tilespmem:s29+$0x0];
	_ =	sdelay $0x4  }
0xbd: {  	v1 =	vand.u32 $0xFFFF, v0;
	v0 =	vshrl.u32 v0, $0x10  }
0xbe: {  	[tilespmem:$0x4180] =	vst v1  }
0xbf: {  	[tilespmem:$0x41C0] =	vst v0  }
0xc0: {  	v0 =	vld [tilespmem:s29+$0x10];
	_ =	sdelay $0x4  }
0xc1: {  	v1 =	vand.u32 $0xFFFF, v0;
	v0 =	vshrl.u32 v0, $0x10  }
0xc2: {  	[tilespmem:$0x4190] =	vst v1  }
0xc3: {  	[tilespmem:$0x41D0] =	vst v0  }
0xc4: {  	v0 =	vld [tilespmem:s29+$0x20];
	_ =	sdelay $0x4  }
0xc5: {  	v1 =	vand.u32 $0xFFFF, v0;
	v0 =	vshrl.u32 v0, $0x10  }
0xc6: {  	[tilespmem:$0x41A0] =	vst v1  }
0xc7: {  	[tilespmem:$0x41E0] =	vst v0  }
0xc8: {  	v0 =	vld [tilespmem:s29+$0x30];
	_ =	sdelay $0x4  }
0xc9: {  	v1 =	vand.u32 $0xFFFF, v0;
	v0 =	vshrl.u32 v0, $0x10  }
0xca: {  	[tilespmem:$0x41B0] =	vst v1  }
0xcb: {  	[tilespmem:$0x41F0] =	vst v0  }
0xcc: {  	[spmem:s2] =	stream.indirect.scatter.add.f32 [tilespmem:s20], [sflag:$0x4], $0x80, s25, s16, $0xb8;
	[tilespmem:$0x1FE00] =	vst v63  }
0xcd: {  	v0 =	vld [tilespmem:s31+$0x40];
	_ =	sdelay $0x4  }
0xce: {  	v1 =	vand.u32 $0xFFFF, v0;
	v0 =	vshrl.u32 v0, $0x10  }
0xcf: {  	[tilespmem:$0x4080] =	vst v1  }
0xd0: {  	[tilespmem:$0x40C0] =	vst v0  }
0xd1: {  	v0 =	vld [tilespmem:s31+$0x50];
	_ =	sdelay $0x3  }
.Ltmp1:
0xd2: {  	(pc) =	sbr.rel @p0 .LBB2_2-.Ltmp1, $4  }
0xd3: {  	v1 =	vand.u32 $0xFFFF, v0;
	v0 =	vshrl.u32 v0, $0x10  }
0xd4: {  	[tilespmem:$0x4090] =	vst v1  }
0xd5: {  	[tilespmem:$0x40D0] =	vst v0  }
0xd6: {  	v0 =	vld [tilespmem:s31+$0x60]  }
.LBB2_3:
0xd7: {  	_ =	sdelay $0x3  }
0xd8: {  	v1 =	vand.u32 $0xFFFF, v0  }
0xd9: {  	v62 =	vshrl.u32 v0, $0x10;
	[tilespmem:$0x40A0] =	vst v1  }
0xda: {  	[tilespmem:$0x40E0] =	vst v62  }
0xdb: {  	v0 =	vld [tilespmem:s31+$0x70];
	_ =	sdelay $0x4  }
0xdc: {  	v63 =	vand.u32 $0xFFFF, v0  }
0xdd: {  	v0 =	vshrl.u32 v0, $0x10;
	[tilespmem:$0x40B0] =	vst v63  }
0xde: {  	[tilespmem:$0x40F0] =	vst v0  }
0xdf: {  	_ =	swait.ge [sflag:s26], $0x4000  }
0xe0: {  	[sflag:s26] =	ssyncset.done $0x0  }
0xe1: {  	[sflag:s26] =	ssyncadd.s32 $0xFFFFC000  }
0xe2: {  	[tilespmem:s20], [sflag:$0x2] =	stream.indirect.gather [hbm4b:s1+s16], $0x80, s19, s16, $0xb8;
	[tilespmem:$0x1FE00] =	vst v63  }
0xe3: {  	_ =	swait.ge [sflag:s21], $0x4000  }
0xe4: {  	[sflag:s21] =	ssyncset.done $0x0  }
0xe5: {  	[sflag:s21] =	ssyncadd.s32 $0xFFFFC000  }
0xe6: {  	_ =	swait.ge [sflag:s24], $0x4000  }
0xe7: {  	s28 =	sadd.s32 $0x1, s28;
	[sflag:s24] =	ssyncset.done $0x0  }
0xe8: {  	p0 =	sne.s32 s28, s11;
	[sflag:s24] =	ssyncadd.s32 $0xFFFFC000  }
.Ltmp2:
0xe9: {  	[bflag:$0x0] =	sbarrier.arrive $0xFFFF;
	(pc) =	sbr.rel @p0 .LBB2_1-.Ltmp2, $4  }
0xea: {  	[hbm:s10], [sflag:s7] =	dma.local [spmem:s13], $0x2780  }
0xeb: {  	_ =	swait.ge [sflag:s14], $0x2780  }
0xec: {  	[sflag:s14] =	ssyncset.done $0x0  }
0xed: {  	[sflag:s14] =	ssyncadd.s32 $0xFFFFD880  }
0xee: {  	_ =	sfence.sel $0x180000  }
0xef: {  	[bflag:$0x0] =	sbarrier.arrive $0xFFFF  }
0xf0: {  	_ =	strace $0x9000004A  }
0xf1: {  	[bflag:$0x2] =	sbarrier.arrive $0xFFFF  }
0xf2: {  	p0 =	sne.s32 s3, $0x0;
	s0 =	rddreg [dreg:$0x3]  }
0xf3: {  	s0 =	sadd.s32 @!p0 $0x100000, s0  }
0xf4: {  	[sflag:s0] =	ssyncadd.tile.s32 @!p0 $0x1;
	_ =	shalt  }
.Lfunc_end2:
_tile_overlayer_lowered:
.L_overlay_start_2:
0xf5: {  	(tag) =	ssettag $0x2  }
0xf6: {  	s0 =	rddreg [dreg:$0x0];
	s2 =	stileid.u32  }
0xf7: {  	s1 =	rddreg [dreg:$0x1];
	p0 =	sne.s32 s2, $0x0  }
0xf8: {  	s3 =	rddreg [dreg:$0x2];
	[bflag:$0x3] =	sbarrier.arrive $0xFFFF;
	s2 =	simm.s32 @!p0 $0x1C05  }
0xf9: {  	[timem:s3], [sflag:s2] =	dma.local @!p0 [hbm:s0], s1  }
0xfa: {  	s0 =	simm.s32 @!p0 $0x5  }
0xfb: {  	_ =	swait.ge @!p0 [sflag:s0], s1  }
0xfc: {  	s1 =	ssub.s32 @!p0 $0x0, s1;
	[sflag:s0] =	ssyncset.done @!p0 $0x0  }
0xfd: {  	[sflag:s0] =	ssyncadd.s32 @!p0 s1  }
0xfe: {  	[bflag:$0x3] =	sbarrier.arrive $0xFFFF  }
0xff: {  	_ =	shalt  }

// kernel: kernel.15.cloned.1.call-start
scs
__scs_entry_jumppad:
0x0: {  	(pc) =	sbr.rel $0x88, $3  }
0x1: {  	(tag) =	ssettag $0x0;
	lr =	simm.s32 $0x1  }
0x2: {  	[smem:$0x3F95] =	sst lr;
	_ =	strace $0xD0000000  }
0x3: {  	_ = 	snop  }
0x4: {  	_ = 	snop  }
0x5: {  	_ = 	snop  }
0x6: {  	_ = 	snop  }
0x7: {  	_ = 	snop  }
__scs_overlays_trampoline_lowered:
0x8: {  	[smem:$0x3FA4] =	sst s0  }
0x9: {  	[smem:$0x3FA5] =	sst s1  }
0xa: {  	[smem:$0x3FA6] =	sst s2  }
0xb: {  	[smem:$0x3FA7] =	sst s3  }
0xc: {  	[smem:$0x3FA8] =	sst s4  }
0xd: {  	[smem:$0x3FA9] =	sst s5  }
0xe: {  	[smem:$0x3FAA] =	sst s6  }
0xf: {  	[smem:$0x3FAB] =	sst s7  }
0x10: {  	[smem:$0x3FAC] =	sst s8  }
0x11: {  	[smem:$0x3FAD] =	sst s9;
	s0 =	simm.s32 @!p0 $0x0  }
0x12: {  	s1 =	sld [smem:$0x3F93];
	s0 =	simm.s32 @p0 $0x1  }
0x13: {  	[smem:$0x3FAE] =	sst s0;
	s0 =	simm.s32 @!p1 $0x0  }
0x14: {  	s2 =	sld [smem:$0x3F92];
	s0 =	simm.s32 @p1 $0x1  }
0x15: {  	[smem:$0x3FAF] =	sst s0;
	s0 =	simm.s32 @!p2 $0x0  }
0x16: {  	s3 =	sld [smem:$0x3FDB];
	s0 =	simm.s32 @p2 $0x1  }
0x17: {  	s4 =	simm.s32 $0x1BF5;
	[smem:$0x3FB1] =	sst s0  }
0x18: {  	s0 =	sld [smem:$0x3F94];
	_ =	swait.ge [sflag:s4], $0x0  }
0x19: {  	s7 =	sld [smem:$0x3F95]  }
0x1a: {  	s8 =	sadd.s32 $0xFFFFE003, lr  }
0x1b: {  	s9 =	sadd.s32 $0xFFFFFEF7, lr;
	s5 =	simm.s32 $0xFFFFFFFF;
	p2 =	slt.u32 s8, $0xFFFFF086  }
0x1c: {  	p1 =	slt.u32 s9, $0xF7A;
	s5 =	simm.s32 @!p2 $0x0  }
0x1d: {  	s5 =	simm.s32 @p1 $0x1;
	p0 =	seq.s32 s7, s2  }
0x1e: {  	s7 =	smul.u32 @!p0 $0xF7A, s2;
	p2 =	seq.s32 @!p0 s5, $0x0  }
0x1f: {  	s9 =	smul.u32 $0xF7A, s1;
	s8 =	simm.s32 @!p0 $0x1BF5;
	p2 =	por !p2, p0  }
0x20: {  	[sflag:s8] =	ssyncset.s32 @!p0 $0xFFFFF086;
	s6 =	sadd.s32 @!p0 s3, s7;
	s7 =	simm.s32 @!p0 $0x108  }
0x21: {  	s3 =	sadd.s32 s3, s9;
	s6 =	sadd.s32 @!p0 $0x88, s6;
	s7 =	simm.s32 @p2 $0x1082  }
0x22: {  	[simem:s7], [sflag:s8] =	dma.local @!p0 [hbm:s6], $0xF7A  }
0x23: {  	s9 =	sor.u32 $0xD0000000, s2;
	s6 =	simm.s32 $0x108;
	_ =	swait.ge @!p0 [sflag:s8], $0x0  }
0x24: {  	s3 =	sadd.s32 $0x88, s3;
	s6 =	simm.s32 @!p1 $0x1082;
	[sflag:s4] =	ssyncset.s32 $0xFFFFF086  }
0x25: {  	[simem:s6], [sflag:s4] =	dma.local [hbm:s3], $0xF7A  }
0x26: {  	[smem:$0x3F95] =	sst s1;
	(tag) =	ssettag s2;
	_ =	strace s9  }
0x27: {  	s1 =	sld [smem:$0x3FA5]  }
0x28: {  	s2 =	sld [smem:$0x3FA6]  }
0x29: {  	s4 =	sld [smem:$0x3FA8]  }
0x2a: {  	p0 =	seq.s32 s5, $0x0;
	s5 =	sld [smem:$0x3FA9]  }
0x2b: {  	s6 =	sld [smem:$0x3FAA]  }
0x2c: {  	s7 =	sld [smem:$0x3FAB]  }
0x2d: {  	s3 =	simm.s32 $0x108;
	s8 =	sld [smem:$0x3FAC]  }
0x2e: {  	s3 =	simm.s32 @!p0 $0x1082;
	s9 =	sld [smem:$0x3FAD]  }
0x2f: {  	lr =	sadd.s32 s0, s3;
	s0 =	sld [smem:$0x3FA4]  }
0x30: {  	s3 =	sld [smem:$0x3FA7]  }
0x31: {  	[smem:$0x3FB0] =	sst s10  }
0x32: {  	s10 =	sld [smem:$0x3FAE];
	_ =	sdelay $0x3  }
0x33: {  	p0 =	seq.s32 s10, $0x1;
	s10 =	sld [smem:$0x3FB0];
	_ =	sdelay $0x3  }
0x34: {  	[smem:$0x3FB0] =	sst s10  }
0x35: {  	s10 =	sld [smem:$0x3FAF];
	_ =	sdelay $0x3  }
0x36: {  	p1 =	seq.s32 s10, $0x1;
	s10 =	sld [smem:$0x3FB0];
	_ =	sdelay $0x3  }
0x37: {  	[smem:$0x3FB0] =	sst s10  }
0x38: {  	s10 =	sld [smem:$0x3FB1]  }
0x39: {  	_ = 	snop;
	(pc) =	sbr.ind lr, $3  }
0x3a: {  	_ = 	snop  }
0x3b: {  	_ = 	snop  }
0x3c: {  	p2 =	seq.s32 s10, $0x1;
	s10 =	sld [smem:$0x3FB0]  }
0x3d: {  	_ =	shalt  }
0x3e: {  	_ =	shalt  }
0x3f: {  	_ =	shalt  }
0x40: {  	_ =	shalt  }
0x41: {  	_ =	shalt  }
0x42: {  	_ =	shalt  }
0x43: {  	_ =	shalt  }
0x44: {  	_ =	shalt  }
0x45: {  	_ =	shalt  }
0x46: {  	_ =	shalt  }
0x47: {  	_ =	shalt  }
0x48: {  	_ =	shalt  }
0x49: {  	_ =	shalt  }
0x4a: {  	_ =	shalt  }
0x4b: {  	_ =	shalt  }
0x4c: {  	_ =	shalt  }
0x4d: {  	_ =	shalt  }
0x4e: {  	_ =	shalt  }
0x4f: {  	_ =	shalt  }
0x50: {  	_ =	shalt  }
0x51: {  	_ =	shalt  }
0x52: {  	_ =	shalt  }
0x53: {  	_ =	shalt  }
0x54: {  	_ =	shalt  }
0x55: {  	_ =	shalt  }
0x56: {  	_ =	shalt  }
0x57: {  	_ =	shalt  }
0x58: {  	_ =	shalt  }
0x59: {  	_ =	shalt  }
0x5a: {  	_ =	shalt  }
0x5b: {  	_ =	shalt  }
0x5c: {  	_ =	shalt  }
0x5d: {  	_ =	shalt  }
0x5e: {  	_ =	shalt  }
0x5f: {  	_ =	shalt  }
0x60: {  	_ =	shalt  }
0x61: {  	_ =	shalt  }
0x62: {  	_ =	shalt  }
0x63: {  	_ =	shalt  }
0x64: {  	_ =	shalt  }
0x65: {  	_ =	shalt  }
0x66: {  	_ =	shalt  }
0x67: {  	_ =	shalt  }
0x68: {  	_ =	shalt  }
0x69: {  	_ =	shalt  }
0x6a: {  	_ =	shalt  }
0x6b: {  	_ =	shalt  }
0x6c: {  	_ =	shalt  }
0x6d: {  	_ =	shalt  }
0x6e: {  	_ =	shalt  }
0x6f: {  	_ =	shalt  }
0x70: {  	_ =	shalt  }
0x71: {  	_ =	shalt  }
0x72: {  	_ =	shalt  }
0x73: {  	_ =	shalt  }
0x74: {  	_ =	shalt  }
0x75: {  	_ =	shalt  }
0x76: {  	_ =	shalt  }
0x77: {  	_ =	shalt  }
0x78: {  	_ =	shalt  }
0x79: {  	_ =	shalt  }
0x7a: {  	_ =	shalt  }
0x7b: {  	_ =	shalt  }
0x7c: {  	_ =	shalt  }
0x7d: {  	_ =	shalt  }
0x7e: {  	_ =	shalt  }
0x7f: {  	_ =	shalt  }
0x80: {  	_ =	shalt  }
0x81: {  	_ =	shalt  }
0x82: {  	_ =	shalt  }
0x83: {  	_ =	shalt  }
0x84: {  	_ =	shalt  }
0x85: {  	_ =	shalt  }
0x86: {  	_ =	shalt  }
0x87: {  	_ =	shalt  }
.Lfunc_end0:
.L_simem_size_0:
called_computation.2_lowered:
.L_overlay_start_0:
0x88: {  	s2 =	sld [smem:$0x3FD9]  }
0x89: {  	s3 =	sld [smem:$0x3FFE];
	_ =	sdelay $0x1  }
0x8a: {  	s1 =	srdreg.scid  }
0x8b: {  	s0 =	sand.u32 $0x1, s1  }
0x8c: {  	s17 =	sshll.u32 s0, $0xA;
	s2 =	sadd.s32 s3, s2  }
0x8d: {  	s2 =	sadd.s32 s2, s17  }
0x8e: {  	[smem:$0x3FBC] =	sst s2  }
0x8f: {  	_ = 	snop  }
0x90: {  	s2 =	sld [smem:$0x3FD0];
	(tm) =	ssettm $0x1  }
0x91: {  	s18 =	sld [smem:$0x3FFB];
	_ =	sdelay $0x3  }
0x92: {  	_ =	strace s18  }
0x93: {  	s3 =	sld [smem:$0x3FFC];
	_ =	sdelay $0x3  }
0x94: {  	_ =	strace s3  }
0x95: {  	s3 =	sld [smem:$0x3FFD];
	_ =	sdelay $0x3  }
0x96: {  	_ =	strace s3  }
0x97: {  	_ =	strace $0x8FFFFFFF  }
0x98: {  	s19 =	sld [smem:$0x3FDB];
	_ =	sdelay $0x1  }
0x99: {  	s4 =	simm.s32 $_scs_section_size  }
0x9a: {  	s5 =	simm.s32 $_size__tile_overlayer_lowered;
	s6 =	simm.s32 $_tile_overlayer_lowered  }
0x9b: {  	s22 =	simm.s32 $0x1BFF;
	s21 =	sshll.u32 s6, $0x1;
	s3 =	sadd.s32 s4, s19  }
0x9c: {  	s7 =	simm.s32 $0x0;
	s20 =	sshll.u32 s5, $0x1;
	s5 =	sadd.s32 s21, s3  }
0x9d: {  	[timem:s7], [sflag:s22] =	dma.local [hbm:s5], s20  }
0x9e: {  	_ =	swait.ge [sflag:s22], s20  }
0x9f: {  	s4 =	ssub.s32 $0x0, s20;
	[sflag:s22] =	ssyncset.done $0x0  }
0xa0: {  	[sflag:s22] =	ssyncadd.s32 s4;
	_ =	sdelay $0x1  }
0xa1: {  	s23 =	simm.s32 $0x1B8B  }
0xa2: {  	_ =	swait.ge [sflag:s23], $0x1  }
0xa3: {  	[sflag:s23] =	ssyncset.done $0x0  }
0xa4: {  	s25 =	simm.s32 $0x1B8E;
	s24 =	sld [smem:$0x3FFE];
	[sflag:s23] =	ssyncadd.s32 $0xFFFFFFFF  }
0xa5: {  	s26 =	simm.s32 $execute0_lowered;
	[smem:$0x3FD2] =	sst s25  }
0xa6: {  	s5 =	sshll.u32 s26, $0x1;
	_ =	strace $0x8000004C;
	[dreg:$0x1] =	wrdreg $0xFFFFFFFF  }
0xa7: {  	s28 =	simm.s32 $_size_execute0_lowered;
	s3 =	sadd.s32 s3, s5;
	[dreg:$0x0] =	wrdreg $0x0  }
0xa8: {  	s5 =	sshll.u32 s28, $0x1;
	[dreg:$0x2] =	wrdreg s3  }
0xa9: {  	[dreg:$0x3] =	wrdreg s5  }
0xaa: {  	[dreg:$0x4] =	wrdreg $0xC0  }
0xab: {  	_ =	task [dreg:s7], $0x5FFFF  }
0xac: {  	[dreg:$0x1] =	wrdreg $0xFFFFFFFF  }
0xad: {  	[dreg:$0x0] =	wrdreg $0x60  }
0xae: {  	[dreg:$0x2] =	wrdreg s2  }
0xaf: {  	[dreg:$0x3] =	wrdreg s24  }
0xb0: {  	[dreg:$0x4] =	wrdreg $0xC2000  }
0xb1: {  	[dreg:$0x5] =	wrdreg $0x9  }
0xb2: {  	_ =	task.clear_ibuf [dreg:s7], $0x6FFFF;
	_ =	strace $0x9000004C  }
0xb3: {  	s29 =	simm.s32 $0x9;
	_ =	strace $0x8000004E  }
0xb4: {  	_ =	swait.ge [sflag:s29], $0x1  }
0xb5: {  	[sflag:s29] =	ssyncadd.s32 $0xFFFFFFFF  }
0xb6: {  	_ =	strace $0x9000004E  }
0xb7: {  	_ =	sfence  }
0xb8: {  	s30 =	sld [smem:$0x0];
	_ =	sdelay $0x2  }
0xb9: {  	s31 =	sshll.u32 s1, $0xD;
	s1 =	sshrl.u32 s1, $0x2  }
0xba: {  	s3 =	sand.u32 $0x4000, s31;
	s1 =	sadd.s32 s1, s30  }
0xbb: {  	s0 =	sor.u32 s3, s0;
	s1 =	sshll.u32 s1, $0x11  }
0xbc: {  	s0 =	sor.u32 s1, s0  }
0xbd: {  	s0 =	sadd.s32 $0x8F2B, s0  }
0xbe: {  	[sflag:s0] =	ssyncadd.remote.s32 $0x1  }
0xbf: {  	_ =	sfence.sel $0xFFFF  }
0xc0: {  	[dreg:$0x0] =	wrdreg $0xFFFFFFFF;
	(pc) =	sbr.abs _section_cstart, $3  }
0xc1: {  	[dreg:$0x1] =	wrdreg $0xFFFFFFFF  }
0xc2: {  	_ =	task.clear_ibuf [dreg:s7], $0x2FFFF;
	_ =	strace $0x9FFFFFFF  }
0xc3: {  	(tm) =	ssettm $0x7FFFFFFF  }
tec
execute0_lowered:
.L_overlay_start_1:
0x0: {  	(tag) =	ssettag $0x1  }
0x1: {  	s1 =	rddreg [dreg:$0x0]  }
0x2: {  	s0 =	rddreg [dreg:$0x1]  }
0x3: {  	s2 =	rddreg [dreg:$0x2];
	s4 =	simm.s32 $0x0;
	s3 =	srdreg.scid  }
0x4: {  	s14 =	simm.s32 $0x5;
	s15 =	simm.s32 $0x2000;
	s16 =	simm.s32 $0x80  }
0x5: {  	s17 =	simm.s32 $0x4000;
	s18 =	simm.s32 $0x4200;
	s19 =	simm.s32 $0x4080  }
0x6: {  	s20 =	simm.s32 $0x8200;
	s21 =	simm.s32 $0x1;
	s22 =	simm.s32 $0x4100  }
0x7: {  	s23 =	simm.s32 $0x3;
	s24 =	simm.s32 $0x2;
	s28 =	simm.s32 $0x0  }
0x8: {  	[smem:$0x7FF] =	sst s4;
	s6 =	sand.u32 $0x1, s3;
	s3 =	stileid.u32  }
0x9: {  	s5 =	smul.u32 $0x13C000, s6;
	s7 =	sshll.u32 s3, $0xB;
	s8 =	sshll.u32 s6, $0xA  }
0xa: {  	s9 =	smul.u32 $0x13C00, s3;
	_ =	strace $0x8000004D;
	s25 =	ssub.s32 $0x2, s6  }
0xb: {  	s11 =	smul.u32 $0x4F000, s3;
	p0 =	seq.s32 s6, $0x0;
	s6 =	simm.s32 $0x1D00  }
0xc: {  	s31 =	sshll.u32 s3, $0x6;
	s7 =	sor.u32 s8, s7;
	s29 =	sshrl.u32 s25, $0x1  }
0xd: {  	s6 =	simm.s32 @!p0 $0xA80;
	s10 =	sadd.s32 s7, s0;
	s5 =	sadd.s32 s9, s5  }
0xe: {  	s12 =	ssub.s32 s25, s29;
	s30 =	sshrl.u32 s11, $0x2;
	s7 =	sor.u32 $0x1C05, s31  }
0xf: {  	s25 =	simm.s32 $0x4180;
	s26 =	sshrl.u32 s5, $0x3;
	s5 =	sadd.s32 $0x13000, s0  }
0x10: {  	s13 =	sadd.s32 s30, s2;
	s8 =	sadd.s32 $0x3000, s10;
	s9 =	sadd.s32 $0xB000, s10  }
0x11: {  	s11 =	smax.u32 s12, $0x1;
	s12 =	sadd.s32 $0xFFFFFF80, s6;
	s0 =	sadd.s32 s26, s0  }
0x12: {  	s13 =	sshrl.u32 s13, $0x3;
	s26 =	simm.s32 $0x4;
	s10 =	sadd.s32 $0x15800, s0  }
.LBB2_1:
0x13: {  	[spmem:s13], [sflag:s7] =	dma.local [hbm:s5], $0x2780  }
0x14: {  	_ =	swait.ge [sflag:s14], $0x2780  }
0x15: {  	[sflag:s14] =	ssyncset.done $0x0  }
0x16: {  	[sflag:s14] =	ssyncadd.s32 $0xFFFFD880  }
0x17: {  	[tilespmem:s4], [sflag:$0x5] =	stream.linear.gather [hbm4b:s8+s4], $0x2000, $0x38;
	[tilespmem:$0x1FE00] =	vst v63  }
0x18: {  	_ =	swait.ge [sflag:s14], $0x2000  }
0x19: {  	[sflag:s14] =	ssyncset.done $0x0  }
0x1a: {  	[sflag:s14] =	ssyncadd.s32 $0xFFFFE000  }
0x1b: {  	[tilespmem:s15], [sflag:$0x5] =	stream.linear.gather [hbm4b:s9+s4], $0x2000, $0x38;
	[tilespmem:$0x1FE00] =	vst v63  }
0x1c: {  	_ =	swait.ge [sflag:s14], $0x2000  }
0x1d: {  	[sflag:s14] =	ssyncset.done $0x0  }
0x1e: {  	[sflag:s14] =	ssyncadd.s32 $0xFFFFE000  }
0x1f: {  	[bflag:$0x0] =	sbarrier.arrive $0xFFFF  }
0x20: {  	v0 =	vld [tilespmem:$0x0];
	_ =	sdelay $0x1  }
0x21: {  	v1 =	vld [tilespmem:$0x10];
	_ =	sdelay $0x1  }
0x22: {  	v2 =	vld [tilespmem:$0x20]  }
0x23: {  	v3 =	vand.u32 $0xFFFF, v0  }
0x24: {  	v0 =	vshrl.u32 v0, $0x10;
	[tilespmem:$0x4000] =	vst v3;
	v3 =	vld [tilespmem:$0x30]  }
0x25: {  	[tilespmem:$0x4040] =	vst v0;
	v0 =	vand.u32 $0xFFFF, v1  }
0x26: {  	[tilespmem:$0x4010] =	vst v0;
	v0 =	vshrl.u32 v1, $0x10  }
0x27: {  	[tilespmem:$0x4050] =	vst v0;
	v0 =	vand.u32 $0xFFFF, v2  }
0x28: {  	[tilespmem:$0x4020] =	vst v0;
	v0 =	vshrl.u32 v2, $0x10  }
0x29: {  	[tilespmem:$0x4060] =	vst v0;
	v0 =	vand.u32 $0xFFFF, v3  }
0x2a: {  	[tilespmem:$0x4030] =	vst v0;
	v0 =	vshrl.u32 v3, $0x10  }
0x2b: {  	[tilespmem:$0x4070] =	vst v0  }
0x2c: {  	[tilespmem:s18], [sflag:$0x1] =	stream.indirect.gather [hbm4b:s1+s16], $0x80, s17, s16, $0xb8;
	[tilespmem:$0x1FE00] =	vst v63  }
0x2d: {  	v0 =	vld [tilespmem:$0x40];
	_ =	sdelay $0x1  }
0x2e: {  	v1 =	vld [tilespmem:$0x50];
	_ =	sdelay $0x1  }
0x2f: {  	v2 =	vld [tilespmem:$0x60]  }
0x30: {  	v3 =	vand.u32 $0xFFFF, v0  }
0x31: {  	v0 =	vshrl.u32 v0, $0x10;
	[tilespmem:$0x4080] =	vst v3;
	v3 =	vld [tilespmem:$0x70]  }
0x32: {  	[tilespmem:$0x40C0] =	vst v0;
	v0 =	vand.u32 $0xFFFF, v1  }
0x33: {  	[tilespmem:$0x4090] =	vst v0;
	v0 =	vshrl.u32 v1, $0x10  }
0x34: {  	[tilespmem:$0x40D0] =	vst v0;
	v0 =	vand.u32 $0xFFFF, v2  }
0x35: {  	[tilespmem:$0x40A0] =	vst v0;
	v0 =	vshrl.u32 v2, $0x10  }
0x36: {  	[tilespmem:$0x40E0] =	vst v0;
	v0 =	vand.u32 $0xFFFF, v3  }
0x37: {  	[tilespmem:$0x40B0] =	vst v0;
	v0 =	vshrl.u32 v3, $0x10  }
0x38: {  	[tilespmem:$0x40F0] =	vst v0  }
0x39: {  	[tilespmem:s20], [sflag:$0x2] =	stream.indirect.gather [hbm4b:s1+s16], $0x80, s19, s16, $0xb8;
	[tilespmem:$0x1FE00] =	vst v63  }
0x3a: {  	_ =	swait.ge [sflag:s21], $0x4000  }
0x3b: {  	[sflag:s21] =	ssyncset.done $0x0  }
0x3c: {  	s29 =	simm.s32 $0x2040;
	[sflag:s21] =	ssyncadd.s32 $0xFFFFC000  }
0x3d: {  	v0 =	vld [tilespmem:s29+$0xFFFFFFC0];
	_ =	sdelay $0x4  }
0x3e: {  	v1 =	vand.u32 $0xFFFF, v0  }
0x3f: {  	v0 =	vshrl.u32 v0, $0x10;
	[tilespmem:$0x4100] =	vst v1  }
0x40: {  	[tilespmem:$0x4140] =	vst v0  }
0x41: {  	v0 =	vld [tilespmem:s29+$0xFFFFFFD0];
	_ =	sdelay $0x4  }
0x42: {  	v1 =	vand.u32 $0xFFFF, v0  }
0x43: {  	v0 =	vshrl.u32 v0, $0x10;
	[tilespmem:$0x4110] =	vst v1  }
0x44: {  	[tilespmem:$0x4150] =	vst v0  }
0x45: {  	v0 =	vld [tilespmem:s29+$0xFFFFFFE0];
	_ =	sdelay $0x4  }
0x46: {  	v1 =	vand.u32 $0xFFFF, v0  }
0x47: {  	v0 =	vshrl.u32 v0, $0x10;
	[tilespmem:$0x4120] =	vst v1  }
0x48: {  	[tilespmem:$0x4160] =	vst v0  }
0x49: {  	v0 =	vld [tilespmem:s29+$0xFFFFFFF0];
	_ =	sdelay $0x4  }
0x4a: {  	v1 =	vand.u32 $0xFFFF, v0  }
0x4b: {  	p0 =	seq.s32 s12, $0x0;
	s31 =	simm.s32 $0x80;
	v0 =	vshrl.u32 v0, $0x10;
	[tilespmem:$0x4130] =	vst v1  }
0x4c: {  	s31 =	simm.s32 @p0 $0x0;
	[tilespmem:$0x4170] =	vst v0  }
0x4d: {  	[spmem:s2] =	stream.indirect.scatter.add.f32 [tilespmem:s18], [sflag:$0x3], $0x80, s22, s16, $0xb8;
	[tilespmem:$0x1FE00] =	vst v63  }
0x4e: {  	v0 =	vld [tilespmem:s31+$0x0];
	_ =	sdelay $0x4  }
0x4f: {  	v1 =	vand.u32 $0xFFFF, v0  }
0x50: {  	v0 =	vshrl.u32 v0, $0x10;
	[tilespmem:$0x4000] =	vst v1  }
0x51: {  	[tilespmem:$0x4040] =	vst v0  }
0x52: {  	v0 =	vld [tilespmem:s31+$0x10];
	_ =	sdelay $0x4  }
0x53: {  	v1 =	vand.u32 $0xFFFF, v0  }
0x54: {  	v0 =	vshrl.u32 v0, $0x10;
	[tilespmem:$0x4010] =	vst v1  }
0x55: {  	[tilespmem:$0x4050] =	vst v0  }
0x56: {  	v0 =	vld [tilespmem:s31+$0x20];
	_ =	sdelay $0x4  }
0x57: {  	v1 =	vand.u32 $0xFFFF, v0  }
0x58: {  	v0 =	vshrl.u32 v0, $0x10;
	[tilespmem:$0x4020] =	vst v1  }
0x59: {  	[tilespmem:$0x4060] =	vst v0  }
0x5a: {  	v0 =	vld [tilespmem:s31+$0x30];
	_ =	sdelay $0x4  }
0x5b: {  	v1 =	vand.u32 $0xFFFF, v0  }
0x5c: {  	v0 =	vshrl.u32 v0, $0x10;
	[tilespmem:$0x4030] =	vst v1  }
0x5d: {  	[tilespmem:$0x4070] =	vst v0  }
0x5e: {  	_ =	swait.ge [sflag:s23], $0x4000  }
0x5f: {  	[sflag:s23] =	ssyncset.done $0x0  }
0x60: {  	[sflag:s23] =	ssyncadd.s32 $0xFFFFC000  }
0x61: {  	[tilespmem:s18], [sflag:$0x1] =	stream.indirect.gather [hbm4b:s1+s16], $0x80, s17, s16, $0xb8;
	[tilespmem:$0x1FE00] =	vst v63  }
0x62: {  	_ =	swait.ge [sflag:s24], $0x4000  }
0x63: {  	[sflag:s24] =	ssyncset.done $0x0  }
0x64: {  	[sflag:s24] =	ssyncadd.s32 $0xFFFFC000  }
0x65: {  	v0 =	vld [tilespmem:s29+$0x0];
	_ =	sdelay $0x4  }
0x66: {  	v1 =	vand.u32 $0xFFFF, v0  }
0x67: {  	v0 =	vshrl.u32 v0, $0x10;
	[tilespmem:$0x4180] =	vst v1  }
0x68: {  	[tilespmem:$0x41C0] =	vst v0  }
0x69: {  	v0 =	vld [tilespmem:s29+$0x10];
	_ =	sdelay $0x4  }
0x6a: {  	v1 =	vand.u32 $0xFFFF, v0  }
0x6b: {  	v0 =	vshrl.u32 v0, $0x10;
	[tilespmem:$0x4190] =	vst v1  }
0x6c: {  	[tilespmem:$0x41D0] =	vst v0  }
0x6d: {  	v0 =	vld [tilespmem:s29+$0x20];
	_ =	sdelay $0x4  }
0x6e: {  	v1 =	vand.u32 $0xFFFF, v0  }
0x6f: {  	v0 =	vshrl.u32 v0, $0x10;
	[tilespmem:$0x41A0] =	vst v1  }
0x70: {  	[tilespmem:$0x41E0] =	vst v0  }
0x71: {  	v0 =	vld [tilespmem:s29+$0x30];
	_ =	sdelay $0x4  }
0x72: {  	v1 =	vand.u32 $0xFFFF, v0  }
0x73: {  	v0 =	vshrl.u32 v0, $0x10;
	[tilespmem:$0x41B0] =	vst v1  }
0x74: {  	[tilespmem:$0x41F0] =	vst v0  }
0x75: {  	[spmem:s2] =	stream.indirect.scatter.add.f32 [tilespmem:s20], [sflag:$0x4], $0x80, s25, s16, $0xb8;
	[tilespmem:$0x1FE00] =	vst v63  }
0x76: {  	v0 =	vld [tilespmem:s31+$0x40];
	_ =	sdelay $0x4  }
0x77: {  	v1 =	vand.u32 $0xFFFF, v0  }
0x78: {  	v0 =	vshrl.u32 v0, $0x10;
	[tilespmem:$0x4080] =	vst v1  }
0x79: {  	[tilespmem:$0x40C0] =	vst v0  }
0x7a: {  	v0 =	vld [tilespmem:s31+$0x50];
	_ =	sdelay $0x2  }
0x7b: {  	p0 =	sne.s32 s6, $0x80  }
.Ltmp0:
0x7c: {  	_ = 	snop;
	(pc) =	sbr.rel @!p0 .LBB2_3-.Ltmp0, $4  }
0x7d: {  	v1 =	vand.u32 $0xFFFF, v0  }
0x7e: {  	v0 =	vshrl.u32 v0, $0x10;
	[tilespmem:$0x4090] =	vst v1  }
0x7f: {  	[tilespmem:$0x40D0] =	vst v0  }
0x80: {  	s30 =	simm.s32 $0x80;
	v0 =	vld [tilespmem:s31+$0x60]  }
.LBB2_2:
0x81: {  	_ =	sdelay $0x1  }
0x82: {  	s29 =	sadd.s32 $0x80, s29;
	s0 =	smov.u32 s30;
	s30 =	sadd.s32 $0x80, s30  }
0x83: {  	p0 =	sne.s32 s6, s30  }
0x84: {  	v1 =	vand.u32 $0xFFFF, v0;
	v0 =	vshrl.u32 v0, $0x10  }
0x85: {  	[tilespmem:$0x40A0] =	vst v1  }
0x86: {  	[tilespmem:$0x40E0] =	vst v0  }
0x87: {  	v0 =	vld [tilespmem:s31+$0x70];
	_ =	sdelay $0x4  }
0x88: {  	v1 =	vand.u32 $0xFFFF, v0;
	v0 =	vshrl.u32 v0, $0x10  }
0x89: {  	[tilespmem:$0x40B0] =	vst v1  }
0x8a: {  	[tilespmem:$0x40F0] =	vst v0  }
0x8b: {  	_ =	swait.ge [sflag:s26], $0x4000  }
0x8c: {  	[sflag:s26] =	ssyncset.done $0x0  }
0x8d: {  	[sflag:s26] =	ssyncadd.s32 $0xFFFFC000  }
0x8e: {  	[tilespmem:s20], [sflag:$0x2] =	stream.indirect.gather [hbm4b:s1+s16], $0x80, s19, s16, $0xb8;
	[tilespmem:$0x1FE00] =	vst v63  }
0x8f: {  	_ =	swait.ge [sflag:s21], $0x4000  }
0x90: {  	[sflag:s21] =	ssyncset.done $0x0  }
0x91: {  	[sflag:s21] =	ssyncadd.s32 $0xFFFFC000  }
0x92: {  	v0 =	vld [tilespmem:s29+$0xFFFFFFC0];
	_ =	sdelay $0x4  }
0x93: {  	v1 =	vand.u32 $0xFFFF, v0;
	v0 =	vshrl.u32 v0, $0x10  }
0x94: {  	[tilespmem:$0x4100] =	vst v1  }
0x95: {  	[tilespmem:$0x4140] =	vst v0  }
0x96: {  	v0 =	vld [tilespmem:s29+$0xFFFFFFD0];
	_ =	sdelay $0x4  }
0x97: {  	v1 =	vand.u32 $0xFFFF, v0;
	v0 =	vshrl.u32 v0, $0x10  }
0x98: {  	[tilespmem:$0x4110] =	vst v1  }
0x99: {  	[tilespmem:$0x4150] =	vst v0  }
0x9a: {  	v0 =	vld [tilespmem:s29+$0xFFFFFFE0];
	_ =	sdelay $0x4  }
0x9b: {  	v1 =	vand.u32 $0xFFFF, v0;
	v0 =	vshrl.u32 v0, $0x10  }
0x9c: {  	[tilespmem:$0x4120] =	vst v1  }
0x9d: {  	[tilespmem:$0x4160] =	vst v0  }
0x9e: {  	v0 =	vld [tilespmem:s29+$0xFFFFFFF0];
	_ =	sdelay $0x2  }
0x9f: {  	p1 =	seq.s32 s12, s0;
	s31 =	smov.u32 s30  }
0xa0: {  	s31 =	simm.s32 @p1 $0x0  }
0xa1: {  	v1 =	vand.u32 $0xFFFF, v0;
	v0 =	vshrl.u32 v0, $0x10  }
0xa2: {  	[tilespmem:$0x4130] =	vst v1  }
0xa3: {  	[tilespmem:$0x4170] =	vst v0  }
0xa4: {  	[spmem:s2] =	stream.indirect.scatter.add.f32 [tilespmem:s18], [sflag:$0x3], $0x80, s22, s16, $0xb8;
	[tilespmem:$0x1FE00] =	vst v63  }
0xa5: {  	v0 =	vld [tilespmem:s31+$0x0];
	_ =	sdelay $0x4  }
0xa6: {  	v1 =	vand.u32 $0xFFFF, v0;
	v0 =	vshrl.u32 v0, $0x10  }
0xa7: {  	[tilespmem:$0x4000] =	vst v1  }
0xa8: {  	[tilespmem:$0x4040] =	vst v0  }
0xa9: {  	v0 =	vld [tilespmem:s31+$0x10];
	_ =	sdelay $0x4  }
0xaa: {  	v1 =	vand.u32 $0xFFFF, v0;
	v0 =	vshrl.u32 v0, $0x10  }
0xab: {  	[tilespmem:$0x4010] =	vst v1  }
0xac: {  	[tilespmem:$0x4050] =	vst v0  }
0xad: {  	v0 =	vld [tilespmem:s31+$0x20];
	_ =	sdelay $0x4  }
0xae: {  	v1 =	vand.u32 $0xFFFF, v0;
	v0 =	vshrl.u32 v0, $0x10  }
0xaf: {  	[tilespmem:$0x4020] =	vst v1  }
0xb0: {  	[tilespmem:$0x4060] =	vst v0  }
0xb1: {  	v0 =	vld [tilespmem:s31+$0x30];
	_ =	sdelay $0x4  }
0xb2: {  	v1 =	vand.u32 $0xFFFF, v0;
	v0 =	vshrl.u32 v0, $0x10  }
0xb3: {  	[tilespmem:$0x4030] =	vst v1  }
0xb4: {  	[tilespmem:$0x4070] =	vst v0  }
0xb5: {  	_ =	swait.ge [sflag:s23], $0x4000  }
0xb6: {  	[sflag:s23] =	ssyncset.done $0x0  }
0xb7: {  	[sflag:s23] =	ssyncadd.s32 $0xFFFFC000  }
0xb8: {  	[tilespmem:s18], [sflag:$0x1] =	stream.indirect.gather [hbm4b:s1+s16], $0x80, s17, s16, $0xb8;
	[tilespmem:$0x1FE00] =	vst v63  }
0xb9: {  	_ =	swait.ge [sflag:s24], $0x4000  }
0xba: {  	[sflag:s24] =	ssyncset.done $0x0  }
0xbb: {  	[sflag:s24] =	ssyncadd.s32 $0xFFFFC000  }
0xbc: {  	v0 =	vld [tilespmem:s29+$0x0];
	_ =	sdelay $0x4  }
0xbd: {  	v1 =	vand.u32 $0xFFFF, v0;
	v0 =	vshrl.u32 v0, $0x10  }
0xbe: {  	[tilespmem:$0x4180] =	vst v1  }
0xbf: {  	[tilespmem:$0x41C0] =	vst v0  }
0xc0: {  	v0 =	vld [tilespmem:s29+$0x10];
	_ =	sdelay $0x4  }
0xc1: {  	v1 =	vand.u32 $0xFFFF, v0;
	v0 =	vshrl.u32 v0, $0x10  }
0xc2: {  	[tilespmem:$0x4190] =	vst v1  }
0xc3: {  	[tilespmem:$0x41D0] =	vst v0  }
0xc4: {  	v0 =	vld [tilespmem:s29+$0x20];
	_ =	sdelay $0x4  }
0xc5: {  	v1 =	vand.u32 $0xFFFF, v0;
	v0 =	vshrl.u32 v0, $0x10  }
0xc6: {  	[tilespmem:$0x41A0] =	vst v1  }
0xc7: {  	[tilespmem:$0x41E0] =	vst v0  }
0xc8: {  	v0 =	vld [tilespmem:s29+$0x30];
	_ =	sdelay $0x4  }
0xc9: {  	v1 =	vand.u32 $0xFFFF, v0;
	v0 =	vshrl.u32 v0, $0x10  }
0xca: {  	[tilespmem:$0x41B0] =	vst v1  }
0xcb: {  	[tilespmem:$0x41F0] =	vst v0  }
0xcc: {  	[spmem:s2] =	stream.indirect.scatter.add.f32 [tilespmem:s20], [sflag:$0x4], $0x80, s25, s16, $0xb8;
	[tilespmem:$0x1FE00] =	vst v63  }
0xcd: {  	v0 =	vld [tilespmem:s31+$0x40];
	_ =	sdelay $0x4  }
0xce: {  	v1 =	vand.u32 $0xFFFF, v0;
	v0 =	vshrl.u32 v0, $0x10  }
0xcf: {  	[tilespmem:$0x4080] =	vst v1  }
0xd0: {  	[tilespmem:$0x40C0] =	vst v0  }
0xd1: {  	v0 =	vld [tilespmem:s31+$0x50];
	_ =	sdelay $0x3  }
.Ltmp1:
0xd2: {  	(pc) =	sbr.rel @p0 .LBB2_2-.Ltmp1, $4  }
0xd3: {  	v1 =	vand.u32 $0xFFFF, v0;
	v0 =	vshrl.u32 v0, $0x10  }
0xd4: {  	[tilespmem:$0x4090] =	vst v1  }
0xd5: {  	[tilespmem:$0x40D0] =	vst v0  }
0xd6: {  	v0 =	vld [tilespmem:s31+$0x60]  }
.LBB2_3:
0xd7: {  	_ =	sdelay $0x3  }
0xd8: {  	v1 =	vand.u32 $0xFFFF, v0  }
0xd9: {  	v62 =	vshrl.u32 v0, $0x10;
	[tilespmem:$0x40A0] =	vst v1  }
0xda: {  	[tilespmem:$0x40E0] =	vst v62  }
0xdb: {  	v0 =	vld [tilespmem:s31+$0x70];
	_ =	sdelay $0x4  }
0xdc: {  	v63 =	vand.u32 $0xFFFF, v0  }
0xdd: {  	v0 =	vshrl.u32 v0, $0x10;
	[tilespmem:$0x40B0] =	vst v63  }
0xde: {  	[tilespmem:$0x40F0] =	vst v0  }
0xdf: {  	_ =	swait.ge [sflag:s26], $0x4000  }
0xe0: {  	[sflag:s26] =	ssyncset.done $0x0  }
0xe1: {  	[sflag:s26] =	ssyncadd.s32 $0xFFFFC000  }
0xe2: {  	[tilespmem:s20], [sflag:$0x2] =	stream.indirect.gather [hbm4b:s1+s16], $0x80, s19, s16, $0xb8;
	[tilespmem:$0x1FE00] =	vst v63  }
0xe3: {  	_ =	swait.ge [sflag:s21], $0x4000  }
0xe4: {  	[sflag:s21] =	ssyncset.done $0x0  }
0xe5: {  	[sflag:s21] =	ssyncadd.s32 $0xFFFFC000  }
0xe6: {  	_ =	swait.ge [sflag:s24], $0x4000  }
0xe7: {  	s28 =	sadd.s32 $0x1, s28;
	[sflag:s24] =	ssyncset.done $0x0  }
0xe8: {  	p0 =	sne.s32 s28, s11;
	[sflag:s24] =	ssyncadd.s32 $0xFFFFC000  }
.Ltmp2:
0xe9: {  	[bflag:$0x0] =	sbarrier.arrive $0xFFFF;
	(pc) =	sbr.rel @p0 .LBB2_1-.Ltmp2, $4  }
0xea: {  	[hbm:s10], [sflag:s7] =	dma.local [spmem:s13], $0x2780  }
0xeb: {  	_ =	swait.ge [sflag:s14], $0x2780  }
0xec: {  	[sflag:s14] =	ssyncset.done $0x0  }
0xed: {  	[sflag:s14] =	ssyncadd.s32 $0xFFFFD880  }
0xee: {  	_ =	sfence.sel $0x180000  }
0xef: {  	[bflag:$0x0] =	sbarrier.arrive $0xFFFF  }
0xf0: {  	_ =	strace $0x9000004D  }
0xf1: {  	[bflag:$0x2] =	sbarrier.arrive $0xFFFF  }
0xf2: {  	p0 =	sne.s32 s3, $0x0;
	s0 =	rddreg [dreg:$0x3]  }
0xf3: {  	s0 =	sadd.s32 @!p0 $0x100000, s0  }
0xf4: {  	[sflag:s0] =	ssyncadd.tile.s32 @!p0 $0x1;
	_ =	shalt  }
.Lfunc_end2:
_tile_overlayer_lowered:
.L_overlay_start_2:
0xf5: {  	(tag) =	ssettag $0x2  }
0xf6: {  	s0 =	rddreg [dreg:$0x0];
	s2 =	stileid.u32  }
0xf7: {  	s1 =	rddreg [dreg:$0x1];
	p0 =	sne.s32 s2, $0x0  }
0xf8: {  	s3 =	rddreg [dreg:$0x2];
	[bflag:$0x3] =	sbarrier.arrive $0xFFFF;
	s2 =	simm.s32 @!p0 $0x1C05  }
0xf9: {  	[timem:s3], [sflag:s2] =	dma.local @!p0 [hbm:s0], s1  }
0xfa: {  	s0 =	simm.s32 @!p0 $0x5  }
0xfb: {  	_ =	swait.ge @!p0 [sflag:s0], s1  }
0xfc: {  	s1 =	ssub.s32 @!p0 $0x0, s1;
	[sflag:s0] =	ssyncset.done @!p0 $0x0  }
0xfd: {  	[sflag:s0] =	ssyncadd.s32 @!p0 s1  }
0xfe: {  	[bflag:$0x3] =	sbarrier.arrive $0xFFFF  }
0xff: {  	_ =	shalt  }

// kernel: kernel.9.cloned.1.call-start
scs
__scs_entry_jumppad:
0x0: {  	(pc) =	sbr.rel $0x88, $3  }
0x1: {  	(tag) =	ssettag $0x0;
	lr =	simm.s32 $0x1  }
0x2: {  	[smem:$0x3F95] =	sst lr;
	_ =	strace $0xD0000000  }
0x3: {  	_ = 	snop  }
0x4: {  	_ = 	snop  }
0x5: {  	_ = 	snop  }
0x6: {  	_ = 	snop  }
0x7: {  	_ = 	snop  }
__scs_overlays_trampoline_lowered:
0x8: {  	[smem:$0x3FA4] =	sst s0  }
0x9: {  	[smem:$0x3FA5] =	sst s1  }
0xa: {  	[smem:$0x3FA6] =	sst s2  }
0xb: {  	[smem:$0x3FA7] =	sst s3  }
0xc: {  	[smem:$0x3FA8] =	sst s4  }
0xd: {  	[smem:$0x3FA9] =	sst s5  }
0xe: {  	[smem:$0x3FAA] =	sst s6  }
0xf: {  	[smem:$0x3FAB] =	sst s7  }
0x10: {  	[smem:$0x3FAC] =	sst s8  }
0x11: {  	[smem:$0x3FAD] =	sst s9;
	s0 =	simm.s32 @!p0 $0x0  }
0x12: {  	s1 =	sld [smem:$0x3F93];
	s0 =	simm.s32 @p0 $0x1  }
0x13: {  	[smem:$0x3FAE] =	sst s0;
	s0 =	simm.s32 @!p1 $0x0  }
0x14: {  	s2 =	sld [smem:$0x3F92];
	s0 =	simm.s32 @p1 $0x1  }
0x15: {  	[smem:$0x3FAF] =	sst s0;
	s0 =	simm.s32 @!p2 $0x0  }
0x16: {  	s3 =	sld [smem:$0x3FDB];
	s0 =	simm.s32 @p2 $0x1  }
0x17: {  	s4 =	simm.s32 $0x1BF5;
	[smem:$0x3FB1] =	sst s0  }
0x18: {  	s0 =	sld [smem:$0x3F94];
	_ =	swait.ge [sflag:s4], $0x0  }
0x19: {  	s7 =	sld [smem:$0x3F95]  }
0x1a: {  	s8 =	sadd.s32 $0xFFFFE003, lr  }
0x1b: {  	s9 =	sadd.s32 $0xFFFFFEF7, lr;
	s5 =	simm.s32 $0xFFFFFFFF;
	p2 =	slt.u32 s8, $0xFFFFF086  }
0x1c: {  	p1 =	slt.u32 s9, $0xF7A;
	s5 =	simm.s32 @!p2 $0x0  }
0x1d: {  	s5 =	simm.s32 @p1 $0x1;
	p0 =	seq.s32 s7, s2  }
0x1e: {  	s7 =	smul.u32 @!p0 $0xF7A, s2;
	p2 =	seq.s32 @!p0 s5, $0x0  }
0x1f: {  	s9 =	smul.u32 $0xF7A, s1;
	s8 =	simm.s32 @!p0 $0x1BF5;
	p2 =	por !p2, p0  }
0x20: {  	[sflag:s8] =	ssyncset.s32 @!p0 $0xFFFFF086;
	s6 =	sadd.s32 @!p0 s3, s7;
	s7 =	simm.s32 @!p0 $0x108  }
0x21: {  	s3 =	sadd.s32 s3, s9;
	s6 =	sadd.s32 @!p0 $0x88, s6;
	s7 =	simm.s32 @p2 $0x1082  }
0x22: {  	[simem:s7], [sflag:s8] =	dma.local @!p0 [hbm:s6], $0xF7A  }
0x23: {  	s9 =	sor.u32 $0xD0000000, s2;
	s6 =	simm.s32 $0x108;
	_ =	swait.ge @!p0 [sflag:s8], $0x0  }
0x24: {  	s3 =	sadd.s32 $0x88, s3;
	s6 =	simm.s32 @!p1 $0x1082;
	[sflag:s4] =	ssyncset.s32 $0xFFFFF086  }
0x25: {  	[simem:s6], [sflag:s4] =	dma.local [hbm:s3], $0xF7A  }
0x26: {  	[smem:$0x3F95] =	sst s1;
	(tag) =	ssettag s2;
	_ =	strace s9  }
0x27: {  	s1 =	sld [smem:$0x3FA5]  }
0x28: {  	s2 =	sld [smem:$0x3FA6]  }
0x29: {  	s4 =	sld [smem:$0x3FA8]  }
0x2a: {  	p0 =	seq.s32 s5, $0x0;
	s5 =	sld [smem:$0x3FA9]  }
0x2b: {  	s6 =	sld [smem:$0x3FAA]  }
0x2c: {  	s7 =	sld [smem:$0x3FAB]  }
0x2d: {  	s3 =	simm.s32 $0x108;
	s8 =	sld [smem:$0x3FAC]  }
0x2e: {  	s3 =	simm.s32 @!p0 $0x1082;
	s9 =	sld [smem:$0x3FAD]  }
0x2f: {  	lr =	sadd.s32 s0, s3;
	s0 =	sld [smem:$0x3FA4]  }
0x30: {  	s3 =	sld [smem:$0x3FA7]  }
0x31: {  	[smem:$0x3FB0] =	sst s10  }
0x32: {  	s10 =	sld [smem:$0x3FAE];
	_ =	sdelay $0x3  }
0x33: {  	p0 =	seq.s32 s10, $0x1;
	s10 =	sld [smem:$0x3FB0];
	_ =	sdelay $0x3  }
0x34: {  	[smem:$0x3FB0] =	sst s10  }
0x35: {  	s10 =	sld [smem:$0x3FAF];
	_ =	sdelay $0x3  }
0x36: {  	p1 =	seq.s32 s10, $0x1;
	s10 =	sld [smem:$0x3FB0];
	_ =	sdelay $0x3  }
0x37: {  	[smem:$0x3FB0] =	sst s10  }
0x38: {  	s10 =	sld [smem:$0x3FB1]  }
0x39: {  	_ = 	snop;
	(pc) =	sbr.ind lr, $3  }
0x3a: {  	_ = 	snop  }
0x3b: {  	_ = 	snop  }
0x3c: {  	p2 =	seq.s32 s10, $0x1;
	s10 =	sld [smem:$0x3FB0]  }
0x3d: {  	_ =	shalt  }
0x3e: {  	_ =	shalt  }
0x3f: {  	_ =	shalt  }
0x40: {  	_ =	shalt  }
0x41: {  	_ =	shalt  }
0x42: {  	_ =	shalt  }
0x43: {  	_ =	shalt  }
0x44: {  	_ =	shalt  }
0x45: {  	_ =	shalt  }
0x46: {  	_ =	shalt  }
0x47: {  	_ =	shalt  }
0x48: {  	_ =	shalt  }
0x49: {  	_ =	shalt  }
0x4a: {  	_ =	shalt  }
0x4b: {  	_ =	shalt  }
0x4c: {  	_ =	shalt  }
0x4d: {  	_ =	shalt  }
0x4e: {  	_ =	shalt  }
0x4f: {  	_ =	shalt  }
0x50: {  	_ =	shalt  }
0x51: {  	_ =	shalt  }
0x52: {  	_ =	shalt  }
0x53: {  	_ =	shalt  }
0x54: {  	_ =	shalt  }
0x55: {  	_ =	shalt  }
0x56: {  	_ =	shalt  }
0x57: {  	_ =	shalt  }
0x58: {  	_ =	shalt  }
0x59: {  	_ =	shalt  }
0x5a: {  	_ =	shalt  }
0x5b: {  	_ =	shalt  }
0x5c: {  	_ =	shalt  }
0x5d: {  	_ =	shalt  }
0x5e: {  	_ =	shalt  }
0x5f: {  	_ =	shalt  }
0x60: {  	_ =	shalt  }
0x61: {  	_ =	shalt  }
0x62: {  	_ =	shalt  }
0x63: {  	_ =	shalt  }
0x64: {  	_ =	shalt  }
0x65: {  	_ =	shalt  }
0x66: {  	_ =	shalt  }
0x67: {  	_ =	shalt  }
0x68: {  	_ =	shalt  }
0x69: {  	_ =	shalt  }
0x6a: {  	_ =	shalt  }
0x6b: {  	_ =	shalt  }
0x6c: {  	_ =	shalt  }
0x6d: {  	_ =	shalt  }
0x6e: {  	_ =	shalt  }
0x6f: {  	_ =	shalt  }
0x70: {  	_ =	shalt  }
0x71: {  	_ =	shalt  }
0x72: {  	_ =	shalt  }
0x73: {  	_ =	shalt  }
0x74: {  	_ =	shalt  }
0x75: {  	_ =	shalt  }
0x76: {  	_ =	shalt  }
0x77: {  	_ =	shalt  }
0x78: {  	_ =	shalt  }
0x79: {  	_ =	shalt  }
0x7a: {  	_ =	shalt  }
0x7b: {  	_ =	shalt  }
0x7c: {  	_ =	shalt  }
0x7d: {  	_ =	shalt  }
0x7e: {  	_ =	shalt  }
0x7f: {  	_ =	shalt  }
0x80: {  	_ =	shalt  }
0x81: {  	_ =	shalt  }
0x82: {  	_ =	shalt  }
0x83: {  	_ =	shalt  }
0x84: {  	_ =	shalt  }
0x85: {  	_ =	shalt  }
0x86: {  	_ =	shalt  }
0x87: {  	_ =	shalt  }
.Lfunc_end0:
.L_simem_size_0:
called_computation_lowered:
.L_overlay_start_0:
0x88: {  	s2 =	sld [smem:$0x3FD9]  }
0x89: {  	s3 =	sld [smem:$0x3FFE];
	_ =	sdelay $0x1  }
0x8a: {  	s1 =	srdreg.scid  }
0x8b: {  	s0 =	sand.u32 $0x1, s1  }
0x8c: {  	s17 =	sshll.u32 s0, $0xA;
	s2 =	sadd.s32 s3, s2  }
0x8d: {  	s2 =	sadd.s32 s2, s17  }
0x8e: {  	[smem:$0x3FBC] =	sst s2  }
0x8f: {  	_ = 	snop  }
0x90: {  	s2 =	sld [smem:$0x3FD0];
	(tm) =	ssettm $0x1  }
0x91: {  	s18 =	sld [smem:$0x3FFB];
	_ =	sdelay $0x3  }
0x92: {  	_ =	strace s18  }
0x93: {  	s3 =	sld [smem:$0x3FFC];
	_ =	sdelay $0x3  }
0x94: {  	_ =	strace s3  }
0x95: {  	s3 =	sld [smem:$0x3FFD];
	_ =	sdelay $0x3  }
0x96: {  	_ =	strace s3  }
0x97: {  	_ =	strace $0x8FFFFFFF  }
0x98: {  	s19 =	sld [smem:$0x3FDB];
	_ =	sdelay $0x1  }
0x99: {  	s4 =	simm.s32 $_scs_section_size  }
0x9a: {  	s5 =	simm.s32 $_size__tile_overlayer_lowered;
	s6 =	simm.s32 $_tile_overlayer_lowered  }
0x9b: {  	s22 =	simm.s32 $0x1BFF;
	s21 =	sshll.u32 s6, $0x1;
	s3 =	sadd.s32 s4, s19  }
0x9c: {  	s7 =	simm.s32 $0x0;
	s20 =	sshll.u32 s5, $0x1;
	s5 =	sadd.s32 s21, s3  }
0x9d: {  	[timem:s7], [sflag:s22] =	dma.local [hbm:s5], s20  }
0x9e: {  	_ =	swait.ge [sflag:s22], s20  }
0x9f: {  	s4 =	ssub.s32 $0x0, s20;
	[sflag:s22] =	ssyncset.done $0x0  }
0xa0: {  	[sflag:s22] =	ssyncadd.s32 s4;
	_ =	sdelay $0x1  }
0xa1: {  	s23 =	simm.s32 $0x1B8B  }
0xa2: {  	_ =	swait.ge [sflag:s23], $0x1  }
0xa3: {  	[sflag:s23] =	ssyncset.done $0x0  }
0xa4: {  	s25 =	simm.s32 $0x1B8E;
	s24 =	sld [smem:$0x3FFE];
	[sflag:s23] =	ssyncadd.s32 $0xFFFFFFFF  }
0xa5: {  	s26 =	simm.s32 $execute0_lowered;
	[smem:$0x3FD2] =	sst s25  }
0xa6: {  	s5 =	sshll.u32 s26, $0x1;
	_ =	strace $0x80000046;
	[dreg:$0x1] =	wrdreg $0xFFFFFFFF  }
0xa7: {  	s28 =	simm.s32 $_size_execute0_lowered;
	s3 =	sadd.s32 s3, s5;
	[dreg:$0x0] =	wrdreg $0x0  }
0xa8: {  	s5 =	sshll.u32 s28, $0x1;
	[dreg:$0x2] =	wrdreg s3  }
0xa9: {  	[dreg:$0x3] =	wrdreg s5  }
0xaa: {  	[dreg:$0x4] =	wrdreg $0xC0  }
0xab: {  	_ =	task [dreg:s7], $0x5FFFF  }
0xac: {  	[dreg:$0x1] =	wrdreg $0xFFFFFFFF  }
0xad: {  	[dreg:$0x0] =	wrdreg $0x60  }
0xae: {  	[dreg:$0x2] =	wrdreg s2  }
0xaf: {  	[dreg:$0x3] =	wrdreg s24  }
0xb0: {  	[dreg:$0x4] =	wrdreg $0xC2000  }
0xb1: {  	[dreg:$0x5] =	wrdreg $0x9  }
0xb2: {  	_ =	task.clear_ibuf [dreg:s7], $0x6FFFF;
	_ =	strace $0x90000046  }
0xb3: {  	s29 =	simm.s32 $0x9;
	_ =	strace $0x80000048  }
0xb4: {  	_ =	swait.ge [sflag:s29], $0x1  }
0xb5: {  	[sflag:s29] =	ssyncadd.s32 $0xFFFFFFFF  }
0xb6: {  	_ =	strace $0x90000048  }
0xb7: {  	_ =	sfence  }
0xb8: {  	s30 =	sld [smem:$0x0];
	_ =	sdelay $0x2  }
0xb9: {  	s31 =	sshll.u32 s1, $0xD;
	s1 =	sshrl.u32 s1, $0x2  }
0xba: {  	s3 =	sand.u32 $0x4000, s31;
	s1 =	sadd.s32 s1, s30  }
0xbb: {  	s0 =	sor.u32 s3, s0;
	s1 =	sshll.u32 s1, $0x11  }
0xbc: {  	s0 =	sor.u32 s1, s0  }
0xbd: {  	s0 =	sadd.s32 $0x8F2B, s0  }
0xbe: {  	[sflag:s0] =	ssyncadd.remote.s32 $0x1  }
0xbf: {  	_ =	sfence.sel $0xFFFF  }
0xc0: {  	[dreg:$0x0] =	wrdreg $0xFFFFFFFF;
	(pc) =	sbr.abs _section_cstart, $3  }
0xc1: {  	[dreg:$0x1] =	wrdreg $0xFFFFFFFF  }
0xc2: {  	_ =	task.clear_ibuf [dreg:s7], $0x2FFFF;
	_ =	strace $0x9FFFFFFF  }
0xc3: {  	(tm) =	ssettm $0x7FFFFFFF  }
tec
execute0_lowered:
.L_overlay_start_1:
0x0: {  	(tag) =	ssettag $0x1  }
0x1: {  	s1 =	rddreg [dreg:$0x0]  }
0x2: {  	s0 =	rddreg [dreg:$0x1]  }
0x3: {  	s2 =	rddreg [dreg:$0x2];
	s4 =	simm.s32 $0x0;
	s3 =	srdreg.scid  }
0x4: {  	s14 =	simm.s32 $0x5;
	s15 =	simm.s32 $0x2000;
	s16 =	simm.s32 $0x80  }
0x5: {  	s17 =	simm.s32 $0x4000;
	s18 =	simm.s32 $0x4200;
	s19 =	simm.s32 $0x4080  }
0x6: {  	s20 =	simm.s32 $0x8200;
	s21 =	simm.s32 $0x1;
	s22 =	simm.s32 $0x4100  }
0x7: {  	s23 =	simm.s32 $0x3;
	s24 =	simm.s32 $0x2;
	s28 =	simm.s32 $0x0  }
0x8: {  	[smem:$0x7FF] =	sst s4;
	s6 =	sand.u32 $0x1, s3;
	s3 =	stileid.u32  }
0x9: {  	s5 =	smul.u32 $0x13C000, s6;
	s7 =	sshll.u32 s3, $0xB;
	s8 =	sshll.u32 s6, $0xA  }
0xa: {  	s9 =	smul.u32 $0x13C00, s3;
	_ =	strace $0x80000047;
	s25 =	ssub.s32 $0x2, s6  }
0xb: {  	s11 =	smul.u32 $0x4F000, s3;
	p0 =	seq.s32 s6, $0x0;
	s6 =	simm.s32 $0x1D00  }
0xc: {  	s31 =	sshll.u32 s3, $0x6;
	s7 =	sor.u32 s8, s7;
	s29 =	sshrl.u32 s25, $0x1  }
0xd: {  	s6 =	simm.s32 @!p0 $0xA80;
	s10 =	sadd.s32 s7, s0;
	s5 =	sadd.s32 s9, s5  }
0xe: {  	s12 =	ssub.s32 s25, s29;
	s30 =	sshrl.u32 s11, $0x2;
	s7 =	sor.u32 $0x1C05, s31  }
0xf: {  	s25 =	simm.s32 $0x4180;
	s26 =	sshrl.u32 s5, $0x3;
	s5 =	sadd.s32 $0x13000, s0  }
0x10: {  	s13 =	sadd.s32 s30, s2;
	s8 =	sadd.s32 $0x3000, s10;
	s9 =	sadd.s32 $0xB000, s10  }
0x11: {  	s11 =	smax.u32 s12, $0x1;
	s12 =	sadd.s32 $0xFFFFFF80, s6;
	s0 =	sadd.s32 s26, s0  }
0x12: {  	s13 =	sshrl.u32 s13, $0x3;
	s26 =	simm.s32 $0x4;
	s10 =	sadd.s32 $0x15800, s0  }
.LBB2_1:
0x13: {  	[spmem:s13], [sflag:s7] =	dma.local [hbm:s5], $0x2780  }
0x14: {  	_ =	swait.ge [sflag:s14], $0x2780  }
0x15: {  	[sflag:s14] =	ssyncset.done $0x0  }
0x16: {  	[sflag:s14] =	ssyncadd.s32 $0xFFFFD880  }
0x17: {  	[tilespmem:s4], [sflag:$0x5] =	stream.linear.gather [hbm4b:s8+s4], $0x2000, $0x38;
	[tilespmem:$0x1FE00] =	vst v63  }
0x18: {  	_ =	swait.ge [sflag:s14], $0x2000  }
0x19: {  	[sflag:s14] =	ssyncset.done $0x0  }
0x1a: {  	[sflag:s14] =	ssyncadd.s32 $0xFFFFE000  }
0x1b: {  	[tilespmem:s15], [sflag:$0x5] =	stream.linear.gather [hbm4b:s9+s4], $0x2000, $0x38;
	[tilespmem:$0x1FE00] =	vst v63  }
0x1c: {  	_ =	swait.ge [sflag:s14], $0x2000  }
0x1d: {  	[sflag:s14] =	ssyncset.done $0x0  }
0x1e: {  	[sflag:s14] =	ssyncadd.s32 $0xFFFFE000  }
0x1f: {  	[bflag:$0x0] =	sbarrier.arrive $0xFFFF  }
0x20: {  	v0 =	vld [tilespmem:$0x0];
	_ =	sdelay $0x1  }
0x21: {  	v1 =	vld [tilespmem:$0x10];
	_ =	sdelay $0x1  }
0x22: {  	v2 =	vld [tilespmem:$0x20]  }
0x23: {  	v3 =	vand.u32 $0xFFFF, v0  }
0x24: {  	v0 =	vshrl.u32 v0, $0x10;
	[tilespmem:$0x4000] =	vst v3;
	v3 =	vld [tilespmem:$0x30]  }
0x25: {  	[tilespmem:$0x4040] =	vst v0;
	v0 =	vand.u32 $0xFFFF, v1  }
0x26: {  	[tilespmem:$0x4010] =	vst v0;
	v0 =	vshrl.u32 v1, $0x10  }
0x27: {  	[tilespmem:$0x4050] =	vst v0;
	v0 =	vand.u32 $0xFFFF, v2  }
0x28: {  	[tilespmem:$0x4020] =	vst v0;
	v0 =	vshrl.u32 v2, $0x10  }
0x29: {  	[tilespmem:$0x4060] =	vst v0;
	v0 =	vand.u32 $0xFFFF, v3  }
0x2a: {  	[tilespmem:$0x4030] =	vst v0;
	v0 =	vshrl.u32 v3, $0x10  }
0x2b: {  	[tilespmem:$0x4070] =	vst v0  }
0x2c: {  	[tilespmem:s18], [sflag:$0x1] =	stream.indirect.gather [hbm4b:s1+s16], $0x80, s17, s16, $0xb8;
	[tilespmem:$0x1FE00] =	vst v63  }
0x2d: {  	v0 =	vld [tilespmem:$0x40];
	_ =	sdelay $0x1  }
0x2e: {  	v1 =	vld [tilespmem:$0x50];
	_ =	sdelay $0x1  }
0x2f: {  	v2 =	vld [tilespmem:$0x60]  }
0x30: {  	v3 =	vand.u32 $0xFFFF, v0  }
0x31: {  	v0 =	vshrl.u32 v0, $0x10;
	[tilespmem:$0x4080] =	vst v3;
	v3 =	vld [tilespmem:$0x70]  }
0x32: {  	[tilespmem:$0x40C0] =	vst v0;
	v0 =	vand.u32 $0xFFFF, v1  }
0x33: {  	[tilespmem:$0x4090] =	vst v0;
	v0 =	vshrl.u32 v1, $0x10  }
0x34: {  	[tilespmem:$0x40D0] =	vst v0;
	v0 =	vand.u32 $0xFFFF, v2  }
0x35: {  	[tilespmem:$0x40A0] =	vst v0;
	v0 =	vshrl.u32 v2, $0x10  }
0x36: {  	[tilespmem:$0x40E0] =	vst v0;
	v0 =	vand.u32 $0xFFFF, v3  }
0x37: {  	[tilespmem:$0x40B0] =	vst v0;
	v0 =	vshrl.u32 v3, $0x10  }
0x38: {  	[tilespmem:$0x40F0] =	vst v0  }
0x39: {  	[tilespmem:s20], [sflag:$0x2] =	stream.indirect.gather [hbm4b:s1+s16], $0x80, s19, s16, $0xb8;
	[tilespmem:$0x1FE00] =	vst v63  }
0x3a: {  	_ =	swait.ge [sflag:s21], $0x4000  }
0x3b: {  	[sflag:s21] =	ssyncset.done $0x0  }
0x3c: {  	s29 =	simm.s32 $0x2040;
	[sflag:s21] =	ssyncadd.s32 $0xFFFFC000  }
0x3d: {  	v0 =	vld [tilespmem:s29+$0xFFFFFFC0];
	_ =	sdelay $0x4  }
0x3e: {  	v1 =	vand.u32 $0xFFFF, v0  }
0x3f: {  	v0 =	vshrl.u32 v0, $0x10;
	[tilespmem:$0x4100] =	vst v1  }
0x40: {  	[tilespmem:$0x4140] =	vst v0  }
0x41: {  	v0 =	vld [tilespmem:s29+$0xFFFFFFD0];
	_ =	sdelay $0x4  }
0x42: {  	v1 =	vand.u32 $0xFFFF, v0  }
0x43: {  	v0 =	vshrl.u32 v0, $0x10;
	[tilespmem:$0x4110] =	vst v1  }
0x44: {  	[tilespmem:$0x4150] =	vst v0  }
0x45: {  	v0 =	vld [tilespmem:s29+$0xFFFFFFE0];
	_ =	sdelay $0x4  }
0x46: {  	v1 =	vand.u32 $0xFFFF, v0  }
0x47: {  	v0 =	vshrl.u32 v0, $0x10;
	[tilespmem:$0x4120] =	vst v1  }
0x48: {  	[tilespmem:$0x4160] =	vst v0  }
0x49: {  	v0 =	vld [tilespmem:s29+$0xFFFFFFF0];
	_ =	sdelay $0x4  }
0x4a: {  	v1 =	vand.u32 $0xFFFF, v0  }
0x4b: {  	p0 =	seq.s32 s12, $0x0;
	s31 =	simm.s32 $0x80;
	v0 =	vshrl.u32 v0, $0x10;
	[tilespmem:$0x4130] =	vst v1  }
0x4c: {  	s31 =	simm.s32 @p0 $0x0;
	[tilespmem:$0x4170] =	vst v0  }
0x4d: {  	[spmem:s2] =	stream.indirect.scatter.add.f32 [tilespmem:s18], [sflag:$0x3], $0x80, s22, s16, $0xb8;
	[tilespmem:$0x1FE00] =	vst v63  }
0x4e: {  	v0 =	vld [tilespmem:s31+$0x0];
	_ =	sdelay $0x4  }
0x4f: {  	v1 =	vand.u32 $0xFFFF, v0  }
0x50: {  	v0 =	vshrl.u32 v0, $0x10;
	[tilespmem:$0x4000] =	vst v1  }
0x51: {  	[tilespmem:$0x4040] =	vst v0  }
0x52: {  	v0 =	vld [tilespmem:s31+$0x10];
	_ =	sdelay $0x4  }
0x53: {  	v1 =	vand.u32 $0xFFFF, v0  }
0x54: {  	v0 =	vshrl.u32 v0, $0x10;
	[tilespmem:$0x4010] =	vst v1  }
0x55: {  	[tilespmem:$0x4050] =	vst v0  }
0x56: {  	v0 =	vld [tilespmem:s31+$0x20];
	_ =	sdelay $0x4  }
0x57: {  	v1 =	vand.u32 $0xFFFF, v0  }
0x58: {  	v0 =	vshrl.u32 v0, $0x10;
	[tilespmem:$0x4020] =	vst v1  }
0x59: {  	[tilespmem:$0x4060] =	vst v0  }
0x5a: {  	v0 =	vld [tilespmem:s31+$0x30];
	_ =	sdelay $0x4  }
0x5b: {  	v1 =	vand.u32 $0xFFFF, v0  }
0x5c: {  	v0 =	vshrl.u32 v0, $0x10;
	[tilespmem:$0x4030] =	vst v1  }
0x5d: {  	[tilespmem:$0x4070] =	vst v0  }
0x5e: {  	_ =	swait.ge [sflag:s23], $0x4000  }
0x5f: {  	[sflag:s23] =	ssyncset.done $0x0  }
0x60: {  	[sflag:s23] =	ssyncadd.s32 $0xFFFFC000  }
0x61: {  	[tilespmem:s18], [sflag:$0x1] =	stream.indirect.gather [hbm4b:s1+s16], $0x80, s17, s16, $0xb8;
	[tilespmem:$0x1FE00] =	vst v63  }
0x62: {  	_ =	swait.ge [sflag:s24], $0x4000  }
0x63: {  	[sflag:s24] =	ssyncset.done $0x0  }
0x64: {  	[sflag:s24] =	ssyncadd.s32 $0xFFFFC000  }
0x65: {  	v0 =	vld [tilespmem:s29+$0x0];
	_ =	sdelay $0x4  }
0x66: {  	v1 =	vand.u32 $0xFFFF, v0  }
0x67: {  	v0 =	vshrl.u32 v0, $0x10;
	[tilespmem:$0x4180] =	vst v1  }
0x68: {  	[tilespmem:$0x41C0] =	vst v0  }
0x69: {  	v0 =	vld [tilespmem:s29+$0x10];
	_ =	sdelay $0x4  }
0x6a: {  	v1 =	vand.u32 $0xFFFF, v0  }
0x6b: {  	v0 =	vshrl.u32 v0, $0x10;
	[tilespmem:$0x4190] =	vst v1  }
0x6c: {  	[tilespmem:$0x41D0] =	vst v0  }
0x6d: {  	v0 =	vld [tilespmem:s29+$0x20];
	_ =	sdelay $0x4  }
0x6e: {  	v1 =	vand.u32 $0xFFFF, v0  }
0x6f: {  	v0 =	vshrl.u32 v0, $0x10;
	[tilespmem:$0x41A0] =	vst v1  }
0x70: {  	[tilespmem:$0x41E0] =	vst v0  }
0x71: {  	v0 =	vld [tilespmem:s29+$0x30];
	_ =	sdelay $0x4  }
0x72: {  	v1 =	vand.u32 $0xFFFF, v0  }
0x73: {  	v0 =	vshrl.u32 v0, $0x10;
	[tilespmem:$0x41B0] =	vst v1  }
0x74: {  	[tilespmem:$0x41F0] =	vst v0  }
0x75: {  	[spmem:s2] =	stream.indirect.scatter.add.f32 [tilespmem:s20], [sflag:$0x4], $0x80, s25, s16, $0xb8;
	[tilespmem:$0x1FE00] =	vst v63  }
0x76: {  	v0 =	vld [tilespmem:s31+$0x40];
	_ =	sdelay $0x4  }
0x77: {  	v1 =	vand.u32 $0xFFFF, v0  }
0x78: {  	v0 =	vshrl.u32 v0, $0x10;
	[tilespmem:$0x4080] =	vst v1  }
0x79: {  	[tilespmem:$0x40C0] =	vst v0  }
0x7a: {  	v0 =	vld [tilespmem:s31+$0x50];
	_ =	sdelay $0x2  }
0x7b: {  	p0 =	sne.s32 s6, $0x80  }
.Ltmp0:
0x7c: {  	_ = 	snop;
	(pc) =	sbr.rel @!p0 .LBB2_3-.Ltmp0, $4  }
0x7d: {  	v1 =	vand.u32 $0xFFFF, v0  }
0x7e: {  	v0 =	vshrl.u32 v0, $0x10;
	[tilespmem:$0x4090] =	vst v1  }
0x7f: {  	[tilespmem:$0x40D0] =	vst v0  }
0x80: {  	s30 =	simm.s32 $0x80;
	v0 =	vld [tilespmem:s31+$0x60]  }
.LBB2_2:
0x81: {  	_ =	sdelay $0x1  }
0x82: {  	s29 =	sadd.s32 $0x80, s29;
	s0 =	smov.u32 s30;
	s30 =	sadd.s32 $0x80, s30  }
0x83: {  	p0 =	sne.s32 s6, s30  }
0x84: {  	v1 =	vand.u32 $0xFFFF, v0;
	v0 =	vshrl.u32 v0, $0x10  }
0x85: {  	[tilespmem:$0x40A0] =	vst v1  }
0x86: {  	[tilespmem:$0x40E0] =	vst v0  }
0x87: {  	v0 =	vld [tilespmem:s31+$0x70];
	_ =	sdelay $0x4  }
0x88: {  	v1 =	vand.u32 $0xFFFF, v0;
	v0 =	vshrl.u32 v0, $0x10  }
0x89: {  	[tilespmem:$0x40B0] =	vst v1  }
0x8a: {  	[tilespmem:$0x40F0] =	vst v0  }
0x8b: {  	_ =	swait.ge [sflag:s26], $0x4000  }
0x8c: {  	[sflag:s26] =	ssyncset.done $0x0  }
0x8d: {  	[sflag:s26] =	ssyncadd.s32 $0xFFFFC000  }
0x8e: {  	[tilespmem:s20], [sflag:$0x2] =	stream.indirect.gather [hbm4b:s1+s16], $0x80, s19, s16, $0xb8;
	[tilespmem:$0x1FE00] =	vst v63  }
0x8f: {  	_ =	swait.ge [sflag:s21], $0x4000  }
0x90: {  	[sflag:s21] =	ssyncset.done $0x0  }
0x91: {  	[sflag:s21] =	ssyncadd.s32 $0xFFFFC000  }
0x92: {  	v0 =	vld [tilespmem:s29+$0xFFFFFFC0];
	_ =	sdelay $0x4  }
0x93: {  	v1 =	vand.u32 $0xFFFF, v0;
	v0 =	vshrl.u32 v0, $0x10  }
0x94: {  	[tilespmem:$0x4100] =	vst v1  }
0x95: {  	[tilespmem:$0x4140] =	vst v0  }
0x96: {  	v0 =	vld [tilespmem:s29+$0xFFFFFFD0];
	_ =	sdelay $0x4  }
0x97: {  	v1 =	vand.u32 $0xFFFF, v0;
	v0 =	vshrl.u32 v0, $0x10  }
0x98: {  	[tilespmem:$0x4110] =	vst v1  }
0x99: {  	[tilespmem:$0x4150] =	vst v0  }
0x9a: {  	v0 =	vld [tilespmem:s29+$0xFFFFFFE0];
	_ =	sdelay $0x4  }
0x9b: {  	v1 =	vand.u32 $0xFFFF, v0;
	v0 =	vshrl.u32 v0, $0x10  }
0x9c: {  	[tilespmem:$0x4120] =	vst v1  }
0x9d: {  	[tilespmem:$0x4160] =	vst v0  }
0x9e: {  	v0 =	vld [tilespmem:s29+$0xFFFFFFF0];
	_ =	sdelay $0x2  }
0x9f: {  	p1 =	seq.s32 s12, s0;
	s31 =	smov.u32 s30  }
0xa0: {  	s31 =	simm.s32 @p1 $0x0  }
0xa1: {  	v1 =	vand.u32 $0xFFFF, v0;
	v0 =	vshrl.u32 v0, $0x10  }
0xa2: {  	[tilespmem:$0x4130] =	vst v1  }
0xa3: {  	[tilespmem:$0x4170] =	vst v0  }
0xa4: {  	[spmem:s2] =	stream.indirect.scatter.add.f32 [tilespmem:s18], [sflag:$0x3], $0x80, s22, s16, $0xb8;
	[tilespmem:$0x1FE00] =	vst v63  }
0xa5: {  	v0 =	vld [tilespmem:s31+$0x0];
	_ =	sdelay $0x4  }
0xa6: {  	v1 =	vand.u32 $0xFFFF, v0;
	v0 =	vshrl.u32 v0, $0x10  }
0xa7: {  	[tilespmem:$0x4000] =	vst v1  }
0xa8: {  	[tilespmem:$0x4040] =	vst v0  }
0xa9: {  	v0 =	vld [tilespmem:s31+$0x10];
	_ =	sdelay $0x4  }
0xaa: {  	v1 =	vand.u32 $0xFFFF, v0;
	v0 =	vshrl.u32 v0, $0x10  }
0xab: {  	[tilespmem:$0x4010] =	vst v1  }
0xac: {  	[tilespmem:$0x4050] =	vst v0  }
0xad: {  	v0 =	vld [tilespmem:s31+$0x20];
	_ =	sdelay $0x4  }
0xae: {  	v1 =	vand.u32 $0xFFFF, v0;
	v0 =	vshrl.u32 v0, $0x10  }
0xaf: {  	[tilespmem:$0x4020] =	vst v1  }
0xb0: {  	[tilespmem:$0x4060] =	vst v0  }
0xb1: {  	v0 =	vld [tilespmem:s31+$0x30];
	_ =	sdelay $0x4  }
0xb2: {  	v1 =	vand.u32 $0xFFFF, v0;
	v0 =	vshrl.u32 v0, $0x10  }
0xb3: {  	[tilespmem:$0x4030] =	vst v1  }
0xb4: {  	[tilespmem:$0x4070] =	vst v0  }
0xb5: {  	_ =	swait.ge [sflag:s23], $0x4000  }
0xb6: {  	[sflag:s23] =	ssyncset.done $0x0  }
0xb7: {  	[sflag:s23] =	ssyncadd.s32 $0xFFFFC000  }
0xb8: {  	[tilespmem:s18], [sflag:$0x1] =	stream.indirect.gather [hbm4b:s1+s16], $0x80, s17, s16, $0xb8;
	[tilespmem:$0x1FE00] =	vst v63  }
0xb9: {  	_ =	swait.ge [sflag:s24], $0x4000  }
0xba: {  	[sflag:s24] =	ssyncset.done $0x0  }
0xbb: {  	[sflag:s24] =	ssyncadd.s32 $0xFFFFC000  }
0xbc: {  	v0 =	vld [tilespmem:s29+$0x0];
	_ =	sdelay $0x4  }
0xbd: {  	v1 =	vand.u32 $0xFFFF, v0;
	v0 =	vshrl.u32 v0, $0x10  }
0xbe: {  	[tilespmem:$0x4180] =	vst v1  }
0xbf: {  	[tilespmem:$0x41C0] =	vst v0  }
0xc0: {  	v0 =	vld [tilespmem:s29+$0x10];
	_ =	sdelay $0x4  }
0xc1: {  	v1 =	vand.u32 $0xFFFF, v0;
	v0 =	vshrl.u32 v0, $0x10  }
0xc2: {  	[tilespmem:$0x4190] =	vst v1  }
0xc3: {  	[tilespmem:$0x41D0] =	vst v0  }
0xc4: {  	v0 =	vld [tilespmem:s29+$0x20];
	_ =	sdelay $0x4  }
0xc5: {  	v1 =	vand.u32 $0xFFFF, v0;
	v0 =	vshrl.u32 v0, $0x10  }
0xc6: {  	[tilespmem:$0x41A0] =	vst v1  }
0xc7: {  	[tilespmem:$0x41E0] =	vst v0  }
0xc8: {  	v0 =	vld [tilespmem:s29+$0x30];
	_ =	sdelay $0x4  }
0xc9: {  	v1 =	vand.u32 $0xFFFF, v0;
	v0 =	vshrl.u32 v0, $0x10  }
0xca: {  	[tilespmem:$0x41B0] =	vst v1  }
0xcb: {  	[tilespmem:$0x41F0] =	vst v0  }
0xcc: {  	[spmem:s2] =	stream.indirect.scatter.add.f32 [tilespmem:s20], [sflag:$0x4], $0x80, s25, s16, $0xb8;
	[tilespmem:$0x1FE00] =	vst v63  }
0xcd: {  	v0 =	vld [tilespmem:s31+$0x40];
	_ =	sdelay $0x4  }
0xce: {  	v1 =	vand.u32 $0xFFFF, v0;
	v0 =	vshrl.u32 v0, $0x10  }
0xcf: {  	[tilespmem:$0x4080] =	vst v1  }
0xd0: {  	[tilespmem:$0x40C0] =	vst v0  }
0xd1: {  	v0 =	vld [tilespmem:s31+$0x50];
	_ =	sdelay $0x3  }
.Ltmp1:
0xd2: {  	(pc) =	sbr.rel @p0 .LBB2_2-.Ltmp1, $4  }
0xd3: {  	v1 =	vand.u32 $0xFFFF, v0;
	v0 =	vshrl.u32 v0, $0x10  }
0xd4: {  	[tilespmem:$0x4090] =	vst v1  }
0xd5: {  	[tilespmem:$0x40D0] =	vst v0  }
0xd6: {  	v0 =	vld [tilespmem:s31+$0x60]  }
.LBB2_3:
0xd7: {  	_ =	sdelay $0x3  }
0xd8: {  	v1 =	vand.u32 $0xFFFF, v0  }
0xd9: {  	v62 =	vshrl.u32 v0, $0x10;
	[tilespmem:$0x40A0] =	vst v1  }
0xda: {  	[tilespmem:$0x40E0] =	vst v62  }
0xdb: {  	v0 =	vld [tilespmem:s31+$0x70];
	_ =	sdelay $0x4  }
0xdc: {  	v63 =	vand.u32 $0xFFFF, v0  }
0xdd: {  	v0 =	vshrl.u32 v0, $0x10;
	[tilespmem:$0x40B0] =	vst v63  }
0xde: {  	[tilespmem:$0x40F0] =	vst v0  }
0xdf: {  	_ =	swait.ge [sflag:s26], $0x4000  }
0xe0: {  	[sflag:s26] =	ssyncset.done $0x0  }
0xe1: {  	[sflag:s26] =	ssyncadd.s32 $0xFFFFC000  }
0xe2: {  	[tilespmem:s20], [sflag:$0x2] =	stream.indirect.gather [hbm4b:s1+s16], $0x80, s19, s16, $0xb8;
	[tilespmem:$0x1FE00] =	vst v63  }
0xe3: {  	_ =	swait.ge [sflag:s21], $0x4000  }
0xe4: {  	[sflag:s21] =	ssyncset.done $0x0  }
0xe5: {  	[sflag:s21] =	ssyncadd.s32 $0xFFFFC000  }
0xe6: {  	_ =	swait.ge [sflag:s24], $0x4000  }
0xe7: {  	s28 =	sadd.s32 $0x1, s28;
	[sflag:s24] =	ssyncset.done $0x0  }
0xe8: {  	p0 =	sne.s32 s28, s11;
	[sflag:s24] =	ssyncadd.s32 $0xFFFFC000  }
.Ltmp2:
0xe9: {  	[bflag:$0x0] =	sbarrier.arrive $0xFFFF;
	(pc) =	sbr.rel @p0 .LBB2_1-.Ltmp2, $4  }
0xea: {  	[hbm:s10], [sflag:s7] =	dma.local [spmem:s13], $0x2780  }
0xeb: {  	_ =	swait.ge [sflag:s14], $0x2780  }
0xec: {  	[sflag:s14] =	ssyncset.done $0x0  }
0xed: {  	[sflag:s14] =	ssyncadd.s32 $0xFFFFD880  }
0xee: {  	_ =	sfence.sel $0x180000  }
0xef: {  	[bflag:$0x0] =	sbarrier.arrive $0xFFFF  }
0xf0: {  	_ =	strace $0x90000047  }
0xf1: {  	[bflag:$0x2] =	sbarrier.arrive $0xFFFF  }
0xf2: {  	p0 =	sne.s32 s3, $0x0;
	s0 =	rddreg [dreg:$0x3]  }
0xf3: {  	s0 =	sadd.s32 @!p0 $0x100000, s0  }
0xf4: {  	[sflag:s0] =	ssyncadd.tile.s32 @!p0 $0x1;
	_ =	shalt  }
.Lfunc_end2:
_tile_overlayer_lowered:
.L_overlay_start_2:
0xf5: {  	(tag) =	ssettag $0x2  }
0xf6: {  	s0 =	rddreg [dreg:$0x0];
	s2 =	stileid.u32  }
0xf7: {  	s1 =	rddreg [dreg:$0x1];
	p0 =	sne.s32 s2, $0x0  }
0xf8: {  	s3 =	rddreg [dreg:$0x2];
	[bflag:$0x3] =	sbarrier.arrive $0xFFFF;
	s2 =	simm.s32 @!p0 $0x1C05  }
0xf9: {  	[timem:s3], [sflag:s2] =	dma.local @!p0 [hbm:s0], s1  }
0xfa: {  	s0 =	simm.s32 @!p0 $0x5  }
0xfb: {  	_ =	swait.ge @!p0 [sflag:s0], s1  }
0xfc: {  	s1 =	ssub.s32 @!p0 $0x0, s1;
	[sflag:s0] =	ssyncset.done @!p0 $0x0  }
0xfd: {  	[sflag:s0] =	ssyncadd.s32 @!p0 s1  }
0xfe: {  	[bflag:$0x3] =	sbarrier.arrive $0xFFFF  }
0xff: {  	_ =	shalt  }

</sc_bundles>
